<compile_context>
chip_gen: v7x
topology: tpu7x:2x2x1
jax: 0.10.2.dev20260603
libtpu: 0.0.44.dev20260713+nightly
codegen_flags: <defaults>
</compile_context>

<pallas_src>
import functools

import jax
import jax.numpy as jnp
from jax import lax
from jax.experimental import pallas as pl
from jax.experimental.pallas import tpu as pltpu
from jax.experimental.pallas import tpu_sc as plsc

_B, _H, _W, _CT = 16, 160, 160, 84
_C = _CT - 4
_D = 128
_K = 100
_KP = 112
_NPIX = _H * _W
_L1N = _NPIX // 16
_L2N = _L1N // 16
_NCAND = 8192
_SENT = float(-1e30)
_BIG = (1 << 30)


def _nms_body(y_ref, pk_ref, pmax_ref):
    neg = jnp.float32(float("-inf"))
    rows = 40
    for h0 in range(0, _H, rows):
        lo = max(h0 - 1, 0)
        hi = min(h0 + rows + 1, _H)
        hm = y_ref[0, lo:hi, :, 0:_C]
        if lo == h0:
            hm = jnp.concatenate(
                [jnp.full((1, _W, _C), neg, jnp.float32), hm], axis=0)
        if hi == h0 + rows:
            hm = jnp.concatenate(
                [hm, jnp.full((1, _W, _C), neg, jnp.float32)], axis=0)
        pad_w = jnp.full((rows + 2, 1, _C), neg, jnp.float32)
        left = jnp.concatenate([pad_w, hm[:, :-1, :]], axis=1)
        right = jnp.concatenate([hm[:, 1:, :], pad_w], axis=1)
        m1 = jnp.maximum(jnp.maximum(hm, left), right)
        m2 = jnp.maximum(jnp.maximum(m1[0:rows], m1[1:rows + 1]),
                         m1[2:rows + 2])
        hmc = hm[1:rows + 1]
        s = jnp.where(hmc == m2, hmc, jnp.float32(0.0))
        rb = h0 * _W
        nr = rows * _W
        pk_ref[pl.ds(rb, nr), 0:_C] = s.reshape(nr, _C)
        pk_ref[pl.ds(rb, nr), _C:_CT] = y_ref[0, h0:h0 + rows, :,
                                              _C:_CT].reshape(nr, 4)
        pk_ref[pl.ds(rb, nr), _CT:_D] = jnp.zeros((nr, _D - _CT), jnp.float32)
        pmax_ref[0, h0:h0 + rows, :] = jnp.max(s, axis=2)


_nms = pl.pallas_call(
    _nms_body,
    grid=(_B,),
    in_specs=[pl.BlockSpec((1, _H, _W, _CT), lambda b: (b, 0, 0, 0))],
    out_specs=[
        pl.BlockSpec((_NPIX, _D), lambda b: (b, 0)),
        pl.BlockSpec((1, _H, _W), lambda b: (b, 0, 0)),
    ],
    out_shape=[
        jax.ShapeDtypeStruct((_B * _H * _W, _D), jnp.float32),
        jax.ShapeDtypeStruct((_B, _H, _W), jnp.float32),
    ],
    compiler_params=pltpu.CompilerParams(vmem_limit_bytes=128 * 1024 * 1024),
)


def _sc_body(pmax_hbm, pk_hbm, os_hbm, oc_hbm, obc_hbm, owh_hbm,
             pmax_v, l1, l2, selpix, selsort, idxv, ctr,
             cand, c1, c2, res_s, res_c, res_bc, res_wh, sem):
    wid = lax.axis_index("s") * 2 + lax.axis_index("c")

    @pl.when(wid < _B)
    def _():
        b = wid
        iota = lax.iota(jnp.int32, 16)
        sent = jnp.float32(_SENT)
        big = jnp.int32(_BIG)

        def ins(ref, pos, val):
            base = (pos // 16) * 16
            v = ref[pl.ds(base, 16)]
            ref[pl.ds(base, 16)] = jnp.where(iota == pos - base, val, v)

        def geti(ref, pos):
            base = (pos // 16) * 16
            v = ref[pl.ds(base, 16)]
            return jnp.sum(jnp.where(iota == pos - base, v, 0))

        pltpu.sync_copy(pmax_hbm.at[b], pmax_v)

        def l1_step(g0, carry):
            accv = jnp.zeros((16,), jnp.float32)
            for l in range(16):
                vv = pmax_v[pl.ds((g0 * 16 + l) * 16, 16)]
                accv = jnp.where(iota == l, jnp.max(vv), accv)
            l1[pl.ds(g0 * 16, 16)] = accv
            return carry
        lax.fori_loop(0, _L1N // 16, l1_step, 0)

        for h0 in range(7):
            accv = jnp.full((16,), sent, jnp.float32)
            for l in range(16):
                h = h0 * 16 + l
                if h < _L2N:
                    vv = l1[pl.ds(h * 16, 16)]
                    accv = jnp.where(iota == l, jnp.max(vv), accv)
            l2[pl.ds(h0 * 16, 16)] = accv

        for t0 in range(7):
            selsort[pl.ds(t0 * 16, 16)] = jnp.zeros((16,), jnp.int32)
            selpix[pl.ds(t0 * 16, 16)] = jnp.full((16,), big, jnp.int32)

        def ext1(k, carry):
            m = l2[pl.ds(0, 16)]
            for h0 in range(1, 7):
                m = jnp.maximum(m, l2[pl.ds(h0 * 16, 16)])
            v = jnp.max(m)
            mp = jnp.full((16,), big, jnp.int32)
            for h0 in range(7):
                vec = l2[pl.ds(h0 * 16, 16)]
                mp = jnp.minimum(mp, jnp.where(vec == v, h0 * 16 + iota, big))
            h = jnp.min(mp)
            lv = l1[pl.ds(h * 16, 16)]
            lane_g = jnp.min(jnp.where(lv == v, iota, big))
            g = h * 16 + lane_g
            pv = pmax_v[pl.ds(g * 16, 16)]
            lane_p = jnp.min(jnp.where(pv == v, iota, big))
            pix = g * 16 + lane_p
            ins(selpix, k, pix)
            pv2 = jnp.where(iota == lane_p, sent, pv)
            pmax_v[pl.ds(g * 16, 16)] = pv2
            nl1 = jnp.max(pv2)
            lv2 = jnp.where(iota == lane_g, nl1, lv)
            l1[pl.ds(h * 16, 16)] = lv2
            ins(l2, h, jnp.max(lv2))
            return carry
        lax.fori_loop(0, _K, ext1, 0)

        def sstep(k, carry):
            m = selpix[pl.ds(0, 16)]
            for t0 in range(1, 7):
                m = jnp.minimum(m, selpix[pl.ds(t0 * 16, 16)])
            v = jnp.min(m)
            mp = jnp.full((16,), big, jnp.int32)
            for t0 in range(7):
                vec = selpix[pl.ds(t0 * 16, 16)]
                mp = jnp.minimum(mp, jnp.where(vec == v, t0 * 16 + iota, big))
            p = jnp.min(mp)
            ins(selsort, k, v)
            ins(selpix, p, big)
            return carry
        lax.fori_loop(0, _K, sstep, 0)

        rowbase = b * _NPIX
        for t0 in range(7):
            idxv[pl.ds(t0 * 16, 16)] = rowbase + selsort[pl.ds(t0 * 16, 16)]
        pltpu.async_copy(pk_hbm.at[idxv], ctr, sem).wait()

        for o in range(_K * _C, _NCAND, 16):
            cand[pl.ds(o, 16)] = jnp.full((16,), sent, jnp.float32)

        def cstep(t, carry):
            for cc in range(5):
                cand[pl.ds(t * _C + cc * 16, 16)] = ctr[t, pl.ds(cc * 16, 16)]
            return carry
        lax.fori_loop(0, _K, cstep, 0)

        def c1_step(u0, carry):
            accv = jnp.zeros((16,), jnp.float32)
            for l in range(16):
                vv = cand[pl.ds((u0 * 16 + l) * 16, 16)]
                accv = jnp.where(iota == l, jnp.max(vv), accv)
            c1[pl.ds(u0 * 16, 16)] = accv
            return carry
        lax.fori_loop(0, 32, c1_step, 0)
        for w0 in range(2):
            accv = jnp.zeros((16,), jnp.float32)
            for l in range(16):
                vv = c1[pl.ds((w0 * 16 + l) * 16, 16)]
                accv = jnp.where(iota == l, jnp.max(vv), accv)
            c2[pl.ds(w0 * 16, 16)] = accv

        def ext2(k, carry):
            v = jnp.max(jnp.maximum(c2[pl.ds(0, 16)], c2[pl.ds(16, 16)]))
            mp = jnp.full((16,), big, jnp.int32)
            for w0 in range(2):
                vec = c2[pl.ds(w0 * 16, 16)]
                mp = jnp.minimum(mp, jnp.where(vec == v, w0 * 16 + iota, big))
            w = jnp.min(mp)
            cv = c1[pl.ds(w * 16, 16)]
            lane_u = jnp.min(jnp.where(cv == v, iota, big))
            u = w * 16 + lane_u
            qv = cand[pl.ds(u * 16, 16)]
            lane_q = jnp.min(jnp.where(qv == v, iota, big))
            q = u * 16 + lane_q
            t = q // _C
            c = q % _C
            pix = geti(selsort, t)
            fi = (pix // _W).astype(jnp.float32)
            fj = (pix % _W).astype(jnp.float32)
            row = ctr[t, pl.ds(_C, 16)]
            def pick(ch):
                return jnp.sum(jnp.where(iota == ch - _C, row, 0.0))
            ins(res_s, k, v)
            ins(res_c, k, c)
            ins(res_bc, 2 * k, 4.0 * fj + pick(_C + 2))
            ins(res_bc, 2 * k + 1, 4.0 * fi + pick(_C + 3))
            ins(res_wh, 2 * k, pick(_C))
            ins(res_wh, 2 * k + 1, pick(_C + 1))
            qv2 = jnp.where(iota == lane_q, sent, qv)
            cand[pl.ds(u * 16, 16)] = qv2
            nc1 = jnp.max(qv2)
            cv2 = jnp.where(iota == lane_u, nc1, cv)
            c1[pl.ds(w * 16, 16)] = cv2
            ins(c2, w, jnp.max(cv2))
            return carry
        lax.fori_loop(0, _K, ext2, 0)

        def wexp(o, carry):
            vv = res_wh[pl.ds(o * 16, 16)]
            res_wh[pl.ds(o * 16, 16)] = 4.0 * (jnp.exp(vv) - 1.0)
            return carry
        lax.fori_loop(0, 16, wexp, 0)

        pltpu.sync_copy(res_s, os_hbm.at[b])
        pltpu.sync_copy(res_c, oc_hbm.at[b])
        pltpu.sync_copy(res_bc, obc_hbm.at[b])
        pltpu.sync_copy(res_wh, owh_hbm.at[b])


@functools.lru_cache(maxsize=1)
def _sc_topk():
    return pl.kernel(
        _sc_body,
        out_type=[
            jax.ShapeDtypeStruct((_B, 128), jnp.float32),
            jax.ShapeDtypeStruct((_B, 128), jnp.int32),
            jax.ShapeDtypeStruct((_B, 256), jnp.float32),
            jax.ShapeDtypeStruct((_B, 256), jnp.float32),
        ],
        mesh=plsc.VectorSubcoreMesh(core_axis_name="c", subcore_axis_name="s"),
        compiler_params=pltpu.CompilerParams(needs_layout_passes=False),
        scratch_types=[
            pltpu.VMEM((_NPIX,), jnp.float32),
            pltpu.VMEM((_L1N,), jnp.float32),
            pltpu.VMEM((_KP,), jnp.float32),
            pltpu.VMEM((_KP,), jnp.int32),
            pltpu.VMEM((_KP,), jnp.int32),
            pltpu.VMEM((_KP,), jnp.int32),
            pltpu.VMEM((_KP, _D), jnp.float32),
            pltpu.VMEM((_NCAND,), jnp.float32),
            pltpu.VMEM((512,), jnp.float32),
            pltpu.VMEM((32,), jnp.float32),
            pltpu.VMEM((128,), jnp.float32),
            pltpu.VMEM((128,), jnp.int32),
            pltpu.VMEM((256,), jnp.float32),
            pltpu.VMEM((256,), jnp.float32),
            pltpu.SemaphoreType.DMA,
        ],
    )


def kernel(y):
    pk, pmax = _nms(y)
    s, c, bc, wh = _sc_topk()(pmax.reshape(_B, _NPIX), pk)
    return (s[:, :_K], c[:, :_K],
            bc.reshape(_B, 128, 2)[:, :_K, :],
            wh.reshape(_B, 128, 2)[:, :_K, :])

# --- scband reference (transcript-rebuilt; emitter-appended) ---
"""Pipeline reference for scband-postprocessing-layer-17927193494104 (READ-ONLY COPY).

The authoritative reference and input builder live on the scoring server;
editing this copy changes nothing except your own understanding.
"""

import jax, jax.numpy as jnp
import numpy as np

IW = 640
IH = 640
NDET = 100

def setup_inputs(seed: int = 0):
    key = jax.random.key(seed)
    y = jax.random.uniform(key, (16, 160, 160, 84), dtype=jnp.float32)
    return {"y": y}

def reference(y):
    B, H, W, Ct = y.shape
    C = Ct - 4
    K = NDET
    scale = jnp.array([[[float(IW) / W, float(IH) / H]]], dtype=jnp.float32)
    hm = y[..., :C]
    wh = jnp.exp(y[..., C:C + 2]) - 1.0
    bc = y[..., C + 2:C + 4]
    wh = wh.reshape(B, H * W, 2)
    bc = bc.reshape(B, H * W, 2)
    hmax = jax.lax.reduce_window(hm, -jnp.inf, jax.lax.max,
                                 window_dimensions=(1, 3, 3, 1),
                                 window_strides=(1, 1, 1, 1),
                                 padding='SAME')
    mask = (hm == hmax).astype(jnp.float32)
    keep = hmax * mask
    score = keep.reshape(B, H * W * C)
    idx = jnp.argsort(-score, axis=-1)
    k = jnp.mod(idx, C)
    j = jnp.mod(idx // C, W)
    i = idx // (C * W)
    i = i[:, :K]
    j = j[:, :K]
    k = k[:, :K]
    idx2d = j + i * W
    idx = idx[:, :K]
    classes = k
    score_k = jnp.take_along_axis(score, idx, axis=1)
    idx2d_e = jnp.broadcast_to(idx2d[:, :, None], (B, K, 2))
    bc_k = scale * jnp.stack((j, i), axis=-1).astype(jnp.float32) + jnp.take_along_axis(bc, idx2d_e, axis=1)
    wh_k = scale * jnp.take_along_axis(wh, idx2d_e, axis=1)
    return (score_k, classes, bc_k, wh_k)

if __name__ == "__main__":
    import jax
    _d = setup_inputs()
    print(jax.jit(kernel)(*tuple(_d.values())))

</pallas_src>

<mosaic_0001>
#map = affine_map<(d0, d1) -> (0, 0)>
module attributes {stable_mosaic.version = 14 : i64} {
  func.func @_sc_body(%arg0: i32, %arg1: i32, %arg2: memref<16x25600xf32, #tpu.memory_space<hbm>>, %arg3: memref<409600x128xf32, #tpu.memory_space<hbm>>, %arg4: memref<16x128xf32, #tpu.memory_space<hbm>>, %arg5: memref<16x128xi32, #tpu.memory_space<hbm>>, %arg6: memref<16x256xf32, #tpu.memory_space<hbm>>, %arg7: memref<16x256xf32, #tpu.memory_space<hbm>>, %arg8: memref<25600xf32, #tpu.memory_space<vmem>>, %arg9: memref<1600xf32, #tpu.memory_space<vmem>>, %arg10: memref<112xf32, #tpu.memory_space<vmem>>, %arg11: memref<112xi32, #tpu.memory_space<vmem>>, %arg12: memref<112xi32, #tpu.memory_space<vmem>>, %arg13: memref<112xi32, #tpu.memory_space<vmem>>, %arg14: memref<112x128xf32, #tpu.memory_space<vmem>>, %arg15: memref<8192xf32, #tpu.memory_space<vmem>>, %arg16: memref<512xf32, #tpu.memory_space<vmem>>, %arg17: memref<32xf32, #tpu.memory_space<vmem>>, %arg18: memref<128xf32, #tpu.memory_space<vmem>>, %arg19: memref<128xi32, #tpu.memory_space<vmem>>, %arg20: memref<256xf32, #tpu.memory_space<vmem>>, %arg21: memref<256xf32, #tpu.memory_space<vmem>>, %arg22: memref<!tpu.dma_semaphore, #tpu.memory_space<semaphore_mem>>) attributes {dimension_semantics = [#tpu.dimension_semantics<core_parallel>, #tpu.dimension_semantics<subcore_parallel>], iteration_bounds = array<i64: 2, 16>, scalar_prefetch = 0 : i64, scratch_operands = 15 : i64, tpu.core_type = #tpu.core_type<sc_vector_subcore>, window_params = [{transform_indices = #map}, {transform_indices = #map}, {transform_indices = #map}, {transform_indices = #map}, {transform_indices = #map}, {transform_indices = #map}]} {
    %mul3A = arith.constant 2 : i32
    %mul3A_0 = arith.muli %arg1, %mul3A : i32
    %add3A = arith.addi %mul3A_0, %arg0 : i32
    %lt3A = arith.constant 16 : i32
    %lt3A_1 = arith.cmpi slt, %add3A, %lt3A : i32
    %convert_element_type3A = arith.extui %lt3A_1 : i1 to i32
    %cond3A = arith.constant 0 : i32
    %cond3A_2 = arith.cmpi ne, %convert_element_type3A, %cond3A : i32
    scf.if %cond3A_2 {
      %iota3A = tpu.iota {dimensions = array<i32: 0>} : vector<16xi32>
      "tpu.region"() ({
        %run_scoped3A = tpu.sem_alloc : memref<!tpu.dma_semaphore, #tpu.memory_space<semaphore_mem>>
        %dma_start3A_1683 = arith.constant 0 : i32
        %dma_start3A_1684 = tpu.memref_slice %arg2[%add3A, %dma_start3A_1683] : memref<16x25600xf32, #tpu.memory_space<hbm>> -> memref<1x25600xf32, #tpu.memory_space<hbm>>
        %dma_start3A_1685 = tpu.memref_squeeze %dma_start3A_1684 : memref<1x25600xf32, #tpu.memory_space<hbm>> -> memref<25600xf32, #tpu.memory_space<hbm>>
        %dma_start3A_1686 = arith.constant 0 : i32
        %dma_start3A_1687 = tpu.memref_slice %arg2[%add3A, %dma_start3A_1686] : memref<16x25600xf32, #tpu.memory_space<hbm>> -> memref<1x25600xf32, #tpu.memory_space<hbm>>
        %dma_start3A_1688 = tpu.memref_squeeze %dma_start3A_1687 : memref<1x25600xf32, #tpu.memory_space<hbm>> -> memref<25600xf32, #tpu.memory_space<hbm>>
        tpu.enqueue_dma source(%dma_start3A_1688 : memref<25600xf32, #tpu.memory_space<hbm>>) target(%arg8 : memref<25600xf32, #tpu.memory_space<vmem>>) target_semaphore(%run_scoped3A : memref<!tpu.dma_semaphore, #tpu.memory_space<semaphore_mem>>)
        %dma_wait3A_1689 = arith.constant 0 : i32
        %dma_wait3A_1690 = tpu.memref_slice %arg2[%add3A, %dma_wait3A_1689] : memref<16x25600xf32, #tpu.memory_space<hbm>> -> memref<1x25600xf32, #tpu.memory_space<hbm>>
        %dma_wait3A_1691 = tpu.memref_squeeze %dma_wait3A_1690 : memref<1x25600xf32, #tpu.memory_space<hbm>> -> memref<25600xf32, #tpu.memory_space<hbm>>
        %dma_wait3A_1692 = arith.constant 0 : i32
        %dma_wait3A_1693 = tpu.memref_slice %arg2[%add3A, %dma_wait3A_1692] : memref<16x25600xf32, #tpu.memory_space<hbm>> -> memref<1x25600xf32, #tpu.memory_space<hbm>>
        %dma_wait3A_1694 = tpu.memref_squeeze %dma_wait3A_1693 : memref<1x25600xf32, #tpu.memory_space<hbm>> -> memref<25600xf32, #tpu.memory_space<hbm>>
        tpu.wait_dma2 semaphore(%run_scoped3A : memref<!tpu.dma_semaphore, #tpu.memory_space<semaphore_mem>>) src(%dma_wait3A_1694 : memref<25600xf32, #tpu.memory_space<hbm>>) dst(%arg8 : memref<25600xf32, #tpu.memory_space<vmem>>)
        tpu.yield
      }) : () -> ()
      %scan3A = arith.constant 0 : i32
      %scan3A_3 = arith.constant 0 : i32
      %scan3A_4 = arith.constant 100 : i32
      %scan3A_5 = arith.addi %scan3A_3, %scan3A_4 : i32
      %scan3A_6 = arith.constant 1 : i32
      scf.for %scan3A_1683 = %scan3A_3 to %scan3A_5 step %scan3A_6  : i32 {
        %broadcast_in_dim3A_1684 = arith.constant 0.000000e+00 : f32
        %broadcast_in_dim3A_1685 = vector.broadcast %broadcast_in_dim3A_1684 : f32 to vector<16xf32>
        %mul3A_1686 = arith.constant 16 : i32
        %mul3A_1687 = arith.muli %scan3A_1683, %mul3A_1686 : i32
        %add3A_1688 = arith.constant 0 : i32
        %add3A_1689 = arith.addi %mul3A_1687, %add3A_1688 : i32
        %mul3A_1690 = arith.constant 16 : i32
        %mul3A_1691 = arith.muli %add3A_1689, %mul3A_1690 : i32
        %get3A_1692 = arith.index_cast %mul3A_1691 : i32 to index
        %get3A_1693 = tpu.vector_load %arg8[%get3A_1692] {strides = array<i32>} : memref<25600xf32, #tpu.memory_space<vmem>>, vector<16xf32>,
        %eq3A_1694 = arith.constant 0 : i32
        %eq3A_1695 = vector.broadcast %eq3A_1694 : i32 to vector<16xi32>
        %eq3A_1696 = arith.cmpi eq, %iota3A, %eq3A_1695 : vector<16xi32>
        %reduce_max3A_1697 = arith.constant true
        %reduce_max3A_1698 = vector.broadcast %reduce_max3A_1697 : i1 to vector<16xi1>
        %reduce_max3A_1699 = tpu.scan <max>, %get3A_1693 masked %reduce_max3A_1698 : vector<16xf32>, vector<16xi1> -> vector<16xf32>
        %reduce_max3A_1700 = vector.extract %reduce_max3A_1699[15] : f32 from vector<16xf32>
        %broadcast_in_dim3A_1701 = vector.broadcast %reduce_max3A_1700 : f32 to vector<16xf32>
        %select_n3A_1702 = arith.select %eq3A_1696, %broadcast_in_dim3A_1701, %broadcast_in_dim3A_1685 : vector<16xi1>, vector<16xf32>
        %mul3A_1703 = arith.constant 16 : i32
        %mul3A_1704 = arith.muli %scan3A_1683, %mul3A_1703 : i32
        %add3A_1705 = arith.constant 1 : i32
        %add3A_1706 = arith.addi %mul3A_1704, %add3A_1705 : i32
        %mul3A_1707 = arith.constant 16 : i32
        %mul3A_1708 = arith.muli %add3A_1706, %mul3A_1707 : i32
        %get3A_1709 = arith.index_cast %mul3A_1708 : i32 to index
        %get3A_1710 = tpu.vector_load %arg8[%get3A_1709] {strides = array<i32>} : memref<25600xf32, #tpu.memory_space<vmem>>, vector<16xf32>,
        %eq3A_1711 = arith.constant 1 : i32
        %eq3A_1712 = vector.broadcast %eq3A_1711 : i32 to vector<16xi32>
        %eq3A_1713 = arith.cmpi eq, %iota3A, %eq3A_1712 : vector<16xi32>
        %reduce_max3A_1714 = arith.constant true
        %reduce_max3A_1715 = vector.broadcast %reduce_max3A_1714 : i1 to vector<16xi1>
        %reduce_max3A_1716 = tpu.scan <max>, %get3A_1710 masked %reduce_max3A_1715 : vector<16xf32>, vector<16xi1> -> vector<16xf32>
        %reduce_max3A_1717 = vector.extract %reduce_max3A_1716[15] : f32 from vector<16xf32>
        %broadcast_in_dim3A_1718 = vector.broadcast %reduce_max3A_1717 : f32 to vector<16xf32>
        %select_n3A_1719 = arith.select %eq3A_1713, %broadcast_in_dim3A_1718, %select_n3A_1702 : vector<16xi1>, vector<16xf32>
        %mul3A_1720 = arith.constant 16 : i32
        %mul3A_1721 = arith.muli %scan3A_1683, %mul3A_1720 : i32
        %add3A_1722 = arith.constant 2 : i32
        %add3A_1723 = arith.addi %mul3A_1721, %add3A_1722 : i32
        %mul3A_1724 = arith.constant 16 : i32
        %mul3A_1725 = arith.muli %add3A_1723, %mul3A_1724 : i32
        %get3A_1726 = arith.index_cast %mul3A_1725 : i32 to index
        %get3A_1727 = tpu.vector_load %arg8[%get3A_1726] {strides = array<i32>} : memref<25600xf32, #tpu.memory_space<vmem>>, vector<16xf32>,
        %eq3A_1728 = arith.constant 2 : i32
        %eq3A_1729 = vector.broadcast %eq3A_1728 : i32 to vector<16xi32>
        %eq3A_1730 = arith.cmpi eq, %iota3A, %eq3A_1729 : vector<16xi32>
        %reduce_max3A_1731 = arith.constant true
        %reduce_max3A_1732 = vector.broadcast %reduce_max3A_1731 : i1 to vector<16xi1>
        %reduce_max3A_1733 = tpu.scan <max>, %get3A_1727 masked %reduce_max3A_1732 : vector<16xf32>, vector<16xi1> -> vector<16xf32>
        %reduce_max3A_1734 = vector.extract %reduce_max3A_1733[15] : f32 from vector<16xf32>
        %broadcast_in_dim3A_1735 = vector.broadcast %reduce_max3A_1734 : f32 to vector<16xf32>
        %select_n3A_1736 = arith.select %eq3A_1730, %broadcast_in_dim3A_1735, %select_n3A_1719 : vector<16xi1>, vector<16xf32>
        %mul3A_1737 = arith.constant 16 : i32
        %mul3A_1738 = arith.muli %scan3A_1683, %mul3A_1737 : i32
        %add3A_1739 = arith.constant 3 : i32
        %add3A_1740 = arith.addi %mul3A_1738, %add3A_1739 : i32
        %mul3A_1741 = arith.constant 16 : i32
        %mul3A_1742 = arith.muli %add3A_1740, %mul3A_1741 : i32
        %get3A_1743 = arith.index_cast %mul3A_1742 : i32 to index
        %get3A_1744 = tpu.vector_load %arg8[%get3A_1743] {strides = array<i32>} : memref<25600xf32, #tpu.memory_space<vmem>>, vector<16xf32>,
        %eq3A_1745 = arith.constant 3 : i32
        %eq3A_1746 = vector.broadcast %eq3A_1745 : i32 to vector<16xi32>
        %eq3A_1747 = arith.cmpi eq, %iota3A, %eq3A_1746 : vector<16xi32>
        %reduce_max3A_1748 = arith.constant true
        %reduce_max3A_1749 = vector.broadcast %reduce_max3A_1748 : i1 to vector<16xi1>
        %reduce_max3A_1750 = tpu.scan <max>, %get3A_1744 masked %reduce_max3A_1749 : vector<16xf32>, vector<16xi1> -> vector<16xf32>
        %reduce_max3A_1751 = vector.extract %reduce_max3A_1750[15] : f32 from vector<16xf32>
        %broadcast_in_dim3A_1752 = vector.broadcast %reduce_max3A_1751 : f32 to vector<16xf32>
        %select_n3A_1753 = arith.select %eq3A_1747, %broadcast_in_dim3A_1752, %select_n3A_1736 : vector<16xi1>, vector<16xf32>
        %mul3A_1754 = arith.constant 16 : i32
        %mul3A_1755 = arith.muli %scan3A_1683, %mul3A_1754 : i32
        %add3A_1756 = arith.constant 4 : i32
        %add3A_1757 = arith.addi %mul3A_1755, %add3A_1756 : i32
        %mul3A_1758 = arith.constant 16 : i32
        %mul3A_1759 = arith.muli %add3A_1757, %mul3A_1758 : i32
        %get3A_1760 = arith.index_cast %mul3A_1759 : i32 to index
        %get3A_1761 = tpu.vector_load %arg8[%get3A_1760] {strides = array<i32>} : memref<25600xf32, #tpu.memory_space<vmem>>, vector<16xf32>,
        %eq3A_1762 = arith.constant 4 : i32
        %eq3A_1763 = vector.broadcast %eq3A_1762 : i32 to vector<16xi32>
        %eq3A_1764 = arith.cmpi eq, %iota3A, %eq3A_1763 : vector<16xi32>
        %reduce_max3A_1765 = arith.constant true
        %reduce_max3A_1766 = vector.broadcast %reduce_max3A_1765 : i1 to vector<16xi1>
        %reduce_max3A_1767 = tpu.scan <max>, %get3A_1761 masked %reduce_max3A_1766 : vector<16xf32>, vector<16xi1> -> vector<16xf32>
        %reduce_max3A_1768 = vector.extract %reduce_max3A_1767[15] : f32 from vector<16xf32>
        %broadcast_in_dim3A_1769 = vector.broadcast %reduce_max3A_1768 : f32 to vector<16xf32>
        %select_n3A_1770 = arith.select %eq3A_1764, %broadcast_in_dim3A_1769, %select_n3A_1753 : vector<16xi1>, vector<16xf32>
        %mul3A_1771 = arith.constant 16 : i32
        %mul3A_1772 = arith.muli %scan3A_1683, %mul3A_1771 : i32
        %add3A_1773 = arith.constant 5 : i32
        %add3A_1774 = arith.addi %mul3A_1772, %add3A_1773 : i32
        %mul3A_1775 = arith.constant 16 : i32
        %mul3A_1776 = arith.muli %add3A_1774, %mul3A_1775 : i32
        %get3A_1777 = arith.index_cast %mul3A_1776 : i32 to index
        %get3A_1778 = tpu.vector_load %arg8[%get3A_1777] {strides = array<i32>} : memref<25600xf32, #tpu.memory_space<vmem>>, vector<16xf32>,
        %eq3A_1779 = arith.constant 5 : i32
        %eq3A_1780 = vector.broadcast %eq3A_1779 : i32 to vector<16xi32>
        %eq3A_1781 = arith.cmpi eq, %iota3A, %eq3A_1780 : vector<16xi32>
        %reduce_max3A_1782 = arith.constant true
        %reduce_max3A_1783 = vector.broadcast %reduce_max3A_1782 : i1 to vector<16xi1>
        %reduce_max3A_1784 = tpu.scan <max>, %get3A_1778 masked %reduce_max3A_1783 : vector<16xf32>, vector<16xi1> -> vector<16xf32>
        %reduce_max3A_1785 = vector.extract %reduce_max3A_1784[15] : f32 from vector<16xf32>
        %broadcast_in_dim3A_1786 = vector.broadcast %reduce_max3A_1785 : f32 to vector<16xf32>
        %select_n3A_1787 = arith.select %eq3A_1781, %broadcast_in_dim3A_1786, %select_n3A_1770 : vector<16xi1>, vector<16xf32>
        %mul3A_1788 = arith.constant 16 : i32
        %mul3A_1789 = arith.muli %scan3A_1683, %mul3A_1788 : i32
        %add3A_1790 = arith.constant 6 : i32
        %add3A_1791 = arith.addi %mul3A_1789, %add3A_1790 : i32
        %mul3A_1792 = arith.constant 16 : i32
        %mul3A_1793 = arith.muli %add3A_1791, %mul3A_1792 : i32
        %get3A_1794 = arith.index_cast %mul3A_1793 : i32 to index
        %get3A_1795 = tpu.vector_load %arg8[%get3A_1794] {strides = array<i32>} : memref<25600xf32, #tpu.memory_space<vmem>>, vector<16xf32>,
        %eq3A_1796 = arith.constant 6 : i32
        %eq3A_1797 = vector.broadcast %eq3A_1796 : i32 to vector<16xi32>
        %eq3A_1798 = arith.cmpi eq, %iota3A, %eq3A_1797 : vector<16xi32>
        %reduce_max3A_1799 = arith.constant true
        %reduce_max3A_1800 = vector.broadcast %reduce_max3A_1799 : i1 to vector<16xi1>
        %reduce_max3A_1801 = tpu.scan <max>, %get3A_1795 masked %reduce_max3A_1800 : vector<16xf32>, vector<16xi1> -> vector<16xf32>
        %reduce_max3A_1802 = vector.extract %reduce_max3A_1801[15] : f32 from vector<16xf32>
        %broadcast_in_dim3A_1803 = vector.broadcast %reduce_max3A_1802 : f32 to vector<16xf32>
        %select_n3A_1804 = arith.select %eq3A_1798, %broadcast_in_dim3A_1803, %select_n3A_1787 : vector<16xi1>, vector<16xf32>
        %mul3A_1805 = arith.constant 16 : i32
        %mul3A_1806 = arith.muli %scan3A_1683, %mul3A_1805 : i32
        %add3A_1807 = arith.constant 7 : i32
        %add3A_1808 = arith.addi %mul3A_1806, %add3A_1807 : i32
        %mul3A_1809 = arith.constant 16 : i32
        %mul3A_1810 = arith.muli %add3A_1808, %mul3A_1809 : i32
        %get3A_1811 = arith.index_cast %mul3A_1810 : i32 to index
        %get3A_1812 = tpu.vector_load %arg8[%get3A_1811] {strides = array<i32>} : memref<25600xf32, #tpu.memory_space<vmem>>, vector<16xf32>,
        %eq3A_1813 = arith.constant 7 : i32
        %eq3A_1814 = vector.broadcast %eq3A_1813 : i32 to vector<16xi32>
        %eq3A_1815 = arith.cmpi eq, %iota3A, %eq3A_1814 : vector<16xi32>
        %reduce_max3A_1816 = arith.constant true
        %reduce_max3A_1817 = vector.broadcast %reduce_max3A_1816 : i1 to vector<16xi1>
        %reduce_max3A_1818 = tpu.scan <max>, %get3A_1812 masked %reduce_max3A_1817 : vector<16xf32>, vector<16xi1> -> vector<16xf32>
        %reduce_max3A_1819 = vector.extract %reduce_max3A_1818[15] : f32 from vector<16xf32>
        %broadcast_in_dim3A_1820 = vector.broadcast %reduce_max3A_1819 : f32 to vector<16xf32>
        %select_n3A_1821 = arith.select %eq3A_1815, %broadcast_in_dim3A_1820, %select_n3A_1804 : vector<16xi1>, vector<16xf32>
        %mul3A_1822 = arith.constant 16 : i32
        %mul3A_1823 = arith.muli %scan3A_1683, %mul3A_1822 : i32
        %add3A_1824 = arith.constant 8 : i32
        %add3A_1825 = arith.addi %mul3A_1823, %add3A_1824 : i32
        %mul3A_1826 = arith.constant 16 : i32
        %mul3A_1827 = arith.muli %add3A_1825, %mul3A_1826 : i32
        %get3A_1828 = arith.index_cast %mul3A_1827 : i32 to index
        %get3A_1829 = tpu.vector_load %arg8[%get3A_1828] {strides = array<i32>} : memref<25600xf32, #tpu.memory_space<vmem>>, vector<16xf32>,
        %eq3A_1830 = arith.constant 8 : i32
        %eq3A_1831 = vector.broadcast %eq3A_1830 : i32 to vector<16xi32>
        %eq3A_1832 = arith.cmpi eq, %iota3A, %eq3A_1831 : vector<16xi32>
        %reduce_max3A_1833 = arith.constant true
        %reduce_max3A_1834 = vector.broadcast %reduce_max3A_1833 : i1 to vector<16xi1>
        %reduce_max3A_1835 = tpu.scan <max>, %get3A_1829 masked %reduce_max3A_1834 : vector<16xf32>, vector<16xi1> -> vector<16xf32>
        %reduce_max3A_1836 = vector.extract %reduce_max3A_1835[15] : f32 from vector<16xf32>
        %broadcast_in_dim3A_1837 = vector.broadcast %reduce_max3A_1836 : f32 to vector<16xf32>
        %select_n3A_1838 = arith.select %eq3A_1832, %broadcast_in_dim3A_1837, %select_n3A_1821 : vector<16xi1>, vector<16xf32>
        %mul3A_1839 = arith.constant 16 : i32
        %mul3A_1840 = arith.muli %scan3A_1683, %mul3A_1839 : i32
        %add3A_1841 = arith.constant 9 : i32
        %add3A_1842 = arith.addi %mul3A_1840, %add3A_1841 : i32
        %mul3A_1843 = arith.constant 16 : i32
        %mul3A_1844 = arith.muli %add3A_1842, %mul3A_1843 : i32
        %get3A_1845 = arith.index_cast %mul3A_1844 : i32 to index
        %get3A_1846 = tpu.vector_load %arg8[%get3A_1845] {strides = array<i32>} : memref<25600xf32, #tpu.memory_space<vmem>>, vector<16xf32>,
        %eq3A_1847 = arith.constant 9 : i32
        %eq3A_1848 = vector.broadcast %eq3A_1847 : i32 to vector<16xi32>
        %eq3A_1849 = arith.cmpi eq, %iota3A, %eq3A_1848 : vector<16xi32>
        %reduce_max3A_1850 = arith.constant true
        %reduce_max3A_1851 = vector.broadcast %reduce_max3A_1850 : i1 to vector<16xi1>
        %reduce_max3A_1852 = tpu.scan <max>, %get3A_1846 masked %reduce_max3A_1851 : vector<16xf32>, vector<16xi1> -> vector<16xf32>
        %reduce_max3A_1853 = vector.extract %reduce_max3A_1852[15] : f32 from vector<16xf32>
        %broadcast_in_dim3A_1854 = vector.broadcast %reduce_max3A_1853 : f32 to vector<16xf32>
        %select_n3A_1855 = arith.select %eq3A_1849, %broadcast_in_dim3A_1854, %select_n3A_1838 : vector<16xi1>, vector<16xf32>
        %mul3A_1856 = arith.constant 16 : i32
        %mul3A_1857 = arith.muli %scan3A_1683, %mul3A_1856 : i32
        %add3A_1858 = arith.constant 10 : i32
        %add3A_1859 = arith.addi %mul3A_1857, %add3A_1858 : i32
        %mul3A_1860 = arith.constant 16 : i32
        %mul3A_1861 = arith.muli %add3A_1859, %mul3A_1860 : i32
        %get3A_1862 = arith.index_cast %mul3A_1861 : i32 to index
        %get3A_1863 = tpu.vector_load %arg8[%get3A_1862] {strides = array<i32>} : memref<25600xf32, #tpu.memory_space<vmem>>, vector<16xf32>,
        %eq3A_1864 = arith.constant 10 : i32
        %eq3A_1865 = vector.broadcast %eq3A_1864 : i32 to vector<16xi32>
        %eq3A_1866 = arith.cmpi eq, %iota3A, %eq3A_1865 : vector<16xi32>
        %reduce_max3A_1867 = arith.constant true
        %reduce_max3A_1868 = vector.broadcast %reduce_max3A_1867 : i1 to vector<16xi1>
        %reduce_max3A_1869 = tpu.scan <max>, %get3A_1863 masked %reduce_max3A_1868 : vector<16xf32>, vector<16xi1> -> vector<16xf32>
        %reduce_max3A_1870 = vector.extract %reduce_max3A_1869[15] : f32 from vector<16xf32>
        %broadcast_in_dim3A_1871 = vector.broadcast %reduce_max3A_1870 : f32 to vector<16xf32>
        %select_n3A_1872 = arith.select %eq3A_1866, %broadcast_in_dim3A_1871, %select_n3A_1855 : vector<16xi1>, vector<16xf32>
        %mul3A_1873 = arith.constant 16 : i32
        %mul3A_1874 = arith.muli %scan3A_1683, %mul3A_1873 : i32
        %add3A_1875 = arith.constant 11 : i32
        %add3A_1876 = arith.addi %mul3A_1874, %add3A_1875 : i32
        %mul3A_1877 = arith.constant 16 : i32
        %mul3A_1878 = arith.muli %add3A_1876, %mul3A_1877 : i32
        %get3A_1879 = arith.index_cast %mul3A_1878 : i32 to index
        %get3A_1880 = tpu.vector_load %arg8[%get3A_1879] {strides = array<i32>} : memref<25600xf32, #tpu.memory_space<vmem>>, vector<16xf32>,
        %eq3A_1881 = arith.constant 11 : i32
        %eq3A_1882 = vector.broadcast %eq3A_1881 : i32 to vector<16xi32>
        %eq3A_1883 = arith.cmpi eq, %iota3A, %eq3A_1882 : vector<16xi32>
        %reduce_max3A_1884 = arith.constant true
        %reduce_max3A_1885 = vector.broadcast %reduce_max3A_1884 : i1 to vector<16xi1>
        %reduce_max3A_1886 = tpu.scan <max>, %get3A_1880 masked %reduce_max3A_1885 : vector<16xf32>, vector<16xi1> -> vector<16xf32>
        %reduce_max3A_1887 = vector.extract %reduce_max3A_1886[15] : f32 from vector<16xf32>
        %broadcast_in_dim3A_1888 = vector.broadcast %reduce_max3A_1887 : f32 to vector<16xf32>
        %select_n3A_1889 = arith.select %eq3A_1883, %broadcast_in_dim3A_1888, %select_n3A_1872 : vector<16xi1>, vector<16xf32>
        %mul3A_1890 = arith.constant 16 : i32
        %mul3A_1891 = arith.muli %scan3A_1683, %mul3A_1890 : i32
        %add3A_1892 = arith.constant 12 : i32
        %add3A_1893 = arith.addi %mul3A_1891, %add3A_1892 : i32
        %mul3A_1894 = arith.constant 16 : i32
        %mul3A_1895 = arith.muli %add3A_1893, %mul3A_1894 : i32
        %get3A_1896 = arith.index_cast %mul3A_1895 : i32 to index
        %get3A_1897 = tpu.vector_load %arg8[%get3A_1896] {strides = array<i32>} : memref<25600xf32, #tpu.memory_space<vmem>>, vector<16xf32>,
        %eq3A_1898 = arith.constant 12 : i32
        %eq3A_1899 = vector.broadcast %eq3A_1898 : i32 to vector<16xi32>
        %eq3A_1900 = arith.cmpi eq, %iota3A, %eq3A_1899 : vector<16xi32>
        %reduce_max3A_1901 = arith.constant true
        %reduce_max3A_1902 = vector.broadcast %reduce_max3A_1901 : i1 to vector<16xi1>
        %reduce_max3A_1903 = tpu.scan <max>, %get3A_1897 masked %reduce_max3A_1902 : vector<16xf32>, vector<16xi1> -> vector<16xf32>
        %reduce_max3A_1904 = vector.extract %reduce_max3A_1903[15] : f32 from vector<16xf32>
        %broadcast_in_dim3A_1905 = vector.broadcast %reduce_max3A_1904 : f32 to vector<16xf32>
        %select_n3A_1906 = arith.select %eq3A_1900, %broadcast_in_dim3A_1905, %select_n3A_1889 : vector<16xi1>, vector<16xf32>
        %mul3A_1907 = arith.constant 16 : i32
        %mul3A_1908 = arith.muli %scan3A_1683, %mul3A_1907 : i32
        %add3A_1909 = arith.constant 13 : i32
        %add3A_1910 = arith.addi %mul3A_1908, %add3A_1909 : i32
        %mul3A_1911 = arith.constant 16 : i32
        %mul3A_1912 = arith.muli %add3A_1910, %mul3A_1911 : i32
        %get3A_1913 = arith.index_cast %mul3A_1912 : i32 to index
        %get3A_1914 = tpu.vector_load %arg8[%get3A_1913] {strides = array<i32>} : memref<25600xf32, #tpu.memory_space<vmem>>, vector<16xf32>,
        %eq3A_1915 = arith.constant 13 : i32
        %eq3A_1916 = vector.broadcast %eq3A_1915 : i32 to vector<16xi32>
        %eq3A_1917 = arith.cmpi eq, %iota3A, %eq3A_1916 : vector<16xi32>
        %reduce_max3A_1918 = arith.constant true
        %reduce_max3A_1919 = vector.broadcast %reduce_max3A_1918 : i1 to vector<16xi1>
        %reduce_max3A_1920 = tpu.scan <max>, %get3A_1914 masked %reduce_max3A_1919 : vector<16xf32>, vector<16xi1> -> vector<16xf32>
        %reduce_max3A_1921 = vector.extract %reduce_max3A_1920[15] : f32 from vector<16xf32>
        %broadcast_in_dim3A_1922 = vector.broadcast %reduce_max3A_1921 : f32 to vector<16xf32>
        %select_n3A_1923 = arith.select %eq3A_1917, %broadcast_in_dim3A_1922, %select_n3A_1906 : vector<16xi1>, vector<16xf32>
        %mul3A_1924 = arith.constant 16 : i32
        %mul3A_1925 = arith.muli %scan3A_1683, %mul3A_1924 : i32
        %add3A_1926 = arith.constant 14 : i32
        %add3A_1927 = arith.addi %mul3A_1925, %add3A_1926 : i32
        %mul3A_1928 = arith.constant 16 : i32
        %mul3A_1929 = arith.muli %add3A_1927, %mul3A_1928 : i32
        %get3A_1930 = arith.index_cast %mul3A_1929 : i32 to index
        %get3A_1931 = tpu.vector_load %arg8[%get3A_1930] {strides = array<i32>} : memref<25600xf32, #tpu.memory_space<vmem>>, vector<16xf32>,
        %eq3A_1932 = arith.constant 14 : i32
        %eq3A_1933 = vector.broadcast %eq3A_1932 : i32 to vector<16xi32>
        %eq3A_1934 = arith.cmpi eq, %iota3A, %eq3A_1933 : vector<16xi32>
        %reduce_max3A_1935 = arith.constant true
        %reduce_max3A_1936 = vector.broadcast %reduce_max3A_1935 : i1 to vector<16xi1>
        %reduce_max3A_1937 = tpu.scan <max>, %get3A_1931 masked %reduce_max3A_1936 : vector<16xf32>, vector<16xi1> -> vector<16xf32>
        %reduce_max3A_1938 = vector.extract %reduce_max3A_1937[15] : f32 from vector<16xf32>
        %broadcast_in_dim3A_1939 = vector.broadcast %reduce_max3A_1938 : f32 to vector<16xf32>
        %select_n3A_1940 = arith.select %eq3A_1934, %broadcast_in_dim3A_1939, %select_n3A_1923 : vector<16xi1>, vector<16xf32>
        %mul3A_1941 = arith.constant 16 : i32
        %mul3A_1942 = arith.muli %scan3A_1683, %mul3A_1941 : i32
        %add3A_1943 = arith.constant 15 : i32
        %add3A_1944 = arith.addi %mul3A_1942, %add3A_1943 : i32
        %mul3A_1945 = arith.constant 16 : i32
        %mul3A_1946 = arith.muli %add3A_1944, %mul3A_1945 : i32
        %get3A_1947 = arith.index_cast %mul3A_1946 : i32 to index
        %get3A_1948 = tpu.vector_load %arg8[%get3A_1947] {strides = array<i32>} : memref<25600xf32, #tpu.memory_space<vmem>>, vector<16xf32>,
        %eq3A_1949 = arith.constant 15 : i32
        %eq3A_1950 = vector.broadcast %eq3A_1949 : i32 to vector<16xi32>
        %eq3A_1951 = arith.cmpi eq, %iota3A, %eq3A_1950 : vector<16xi32>
        %reduce_max3A_1952 = arith.constant true
        %reduce_max3A_1953 = vector.broadcast %reduce_max3A_1952 : i1 to vector<16xi1>
        %reduce_max3A_1954 = tpu.scan <max>, %get3A_1948 masked %reduce_max3A_1953 : vector<16xf32>, vector<16xi1> -> vector<16xf32>
        %reduce_max3A_1955 = vector.extract %reduce_max3A_1954[15] : f32 from vector<16xf32>
        %broadcast_in_dim3A_1956 = vector.broadcast %reduce_max3A_1955 : f32 to vector<16xf32>
        %select_n3A_1957 = arith.select %eq3A_1951, %broadcast_in_dim3A_1956, %select_n3A_1940 : vector<16xi1>, vector<16xf32>
        %mul3A_1958 = arith.constant 16 : i32
        %mul3A_1959 = arith.muli %scan3A_1683, %mul3A_1958 : i32
        %swap3A_1960 = arith.index_cast %mul3A_1959 : i32 to index
        %swap3A_1961 = tpu.vector_load %arg9[%swap3A_1960] {strides = array<i32>} : memref<1600xf32, #tpu.memory_space<vmem>>, vector<16xf32>,
        tpu.vector_store %arg9[%swap3A_1960], %select_n3A_1957 {strides = array<i32>} : memref<1600xf32, #tpu.memory_space<vmem>>, vector<16xf32>,
      }
      %scan3A_7 = arith.constant 100 : i32
      %broadcast_in_dim3A = arith.constant -1.000000e+30 : f32
      %broadcast_in_dim3A_8 = vector.broadcast %broadcast_in_dim3A : f32 to vector<16xf32>
      %get3A = arith.constant 0 : index
      %get3A_9 = tpu.vector_load %arg9[%get3A] {strides = array<i32>} : memref<1600xf32, #tpu.memory_space<vmem>>, vector<16xf32>,
      %eq3A = arith.constant 0 : i32
      %eq3A_10 = vector.broadcast %eq3A : i32 to vector<16xi32>
      %eq3A_11 = arith.cmpi eq, %iota3A, %eq3A_10 : vector<16xi32>
      %reduce_max3A = arith.constant true
      %reduce_max3A_12 = vector.broadcast %reduce_max3A : i1 to vector<16xi1>
      %reduce_max3A_13 = tpu.scan <max>, %get3A_9 masked %reduce_max3A_12 : vector<16xf32>, vector<16xi1> -> vector<16xf32>
      %reduce_max3A_14 = vector.extract %reduce_max3A_13[15] : f32 from vector<16xf32>
      %broadcast_in_dim3A_15 = vector.broadcast %reduce_max3A_14 : f32 to vector<16xf32>
      %select_n3A = arith.select %eq3A_11, %broadcast_in_dim3A_15, %broadcast_in_dim3A_8 : vector<16xi1>, vector<16xf32>
      %get3A_16 = arith.constant 16 : index
      %get3A_17 = tpu.vector_load %arg9[%get3A_16] {strides = array<i32>} : memref<1600xf32, #tpu.memory_space<vmem>>, vector<16xf32>,
      %eq3A_18 = arith.constant 1 : i32
      %eq3A_19 = vector.broadcast %eq3A_18 : i32 to vector<16xi32>
      %eq3A_20 = arith.cmpi eq, %iota3A, %eq3A_19 : vector<16xi32>
      %reduce_max3A_21 = arith.constant true
      %reduce_max3A_22 = vector.broadcast %reduce_max3A_21 : i1 to vector<16xi1>
      %reduce_max3A_23 = tpu.scan <max>, %get3A_17 masked %reduce_max3A_22 : vector<16xf32>, vector<16xi1> -> vector<16xf32>
      %reduce_max3A_24 = vector.extract %reduce_max3A_23[15] : f32 from vector<16xf32>
      %broadcast_in_dim3A_25 = vector.broadcast %reduce_max3A_24 : f32 to vector<16xf32>
      %select_n3A_26 = arith.select %eq3A_20, %broadcast_in_dim3A_25, %select_n3A : vector<16xi1>, vector<16xf32>
      %get3A_27 = arith.constant 32 : index
      %get3A_28 = tpu.vector_load %arg9[%get3A_27] {strides = array<i32>} : memref<1600xf32, #tpu.memory_space<vmem>>, vector<16xf32>,
      %eq3A_29 = arith.constant 2 : i32
      %eq3A_30 = vector.broadcast %eq3A_29 : i32 to vector<16xi32>
      %eq3A_31 = arith.cmpi eq, %iota3A, %eq3A_30 : vector<16xi32>
      %reduce_max3A_32 = arith.constant true
      %reduce_max3A_33 = vector.broadcast %reduce_max3A_32 : i1 to vector<16xi1>
      %reduce_max3A_34 = tpu.scan <max>, %get3A_28 masked %reduce_max3A_33 : vector<16xf32>, vector<16xi1> -> vector<16xf32>
      %reduce_max3A_35 = vector.extract %reduce_max3A_34[15] : f32 from vector<16xf32>
      %broadcast_in_dim3A_36 = vector.broadcast %reduce_max3A_35 : f32 to vector<16xf32>
      %select_n3A_37 = arith.select %eq3A_31, %broadcast_in_dim3A_36, %select_n3A_26 : vector<16xi1>, vector<16xf32>
      %get3A_38 = arith.constant 48 : index
      %get3A_39 = tpu.vector_load %arg9[%get3A_38] {strides = array<i32>} : memref<1600xf32, #tpu.memory_space<vmem>>, vector<16xf32>,
      %eq3A_40 = arith.constant 3 : i32
      %eq3A_41 = vector.broadcast %eq3A_40 : i32 to vector<16xi32>
      %eq3A_42 = arith.cmpi eq, %iota3A, %eq3A_41 : vector<16xi32>
      %reduce_max3A_43 = arith.constant true
      %reduce_max3A_44 = vector.broadcast %reduce_max3A_43 : i1 to vector<16xi1>
      %reduce_max3A_45 = tpu.scan <max>, %get3A_39 masked %reduce_max3A_44 : vector<16xf32>, vector<16xi1> -> vector<16xf32>
      %reduce_max3A_46 = vector.extract %reduce_max3A_45[15] : f32 from vector<16xf32>
      %broadcast_in_dim3A_47 = vector.broadcast %reduce_max3A_46 : f32 to vector<16xf32>
      %select_n3A_48 = arith.select %eq3A_42, %broadcast_in_dim3A_47, %select_n3A_37 : vector<16xi1>, vector<16xf32>
      %get3A_49 = arith.constant 64 : index
      %get3A_50 = tpu.vector_load %arg9[%get3A_49] {strides = array<i32>} : memref<1600xf32, #tpu.memory_space<vmem>>, vector<16xf32>,
      %eq3A_51 = arith.constant 4 : i32
      %eq3A_52 = vector.broadcast %eq3A_51 : i32 to vector<16xi32>
      %eq3A_53 = arith.cmpi eq, %iota3A, %eq3A_52 : vector<16xi32>
      %reduce_max3A_54 = arith.constant true
      %reduce_max3A_55 = vector.broadcast %reduce_max3A_54 : i1 to vector<16xi1>
      %reduce_max3A_56 = tpu.scan <max>, %get3A_50 masked %reduce_max3A_55 : vector<16xf32>, vector<16xi1> -> vector<16xf32>
      %reduce_max3A_57 = vector.extract %reduce_max3A_56[15] : f32 from vector<16xf32>
      %broadcast_in_dim3A_58 = vector.broadcast %reduce_max3A_57 : f32 to vector<16xf32>
      %select_n3A_59 = arith.select %eq3A_53, %broadcast_in_dim3A_58, %select_n3A_48 : vector<16xi1>, vector<16xf32>
      %get3A_60 = arith.constant 80 : index
      %get3A_61 = tpu.vector_load %arg9[%get3A_60] {strides = array<i32>} : memref<1600xf32, #tpu.memory_space<vmem>>, vector<16xf32>,
      %eq3A_62 = arith.constant 5 : i32
      %eq3A_63 = vector.broadcast %eq3A_62 : i32 to vector<16xi32>
      %eq3A_64 = arith.cmpi eq, %iota3A, %eq3A_63 : vector<16xi32>
      %reduce_max3A_65 = arith.constant true
      %reduce_max3A_66 = vector.broadcast %reduce_max3A_65 : i1 to vector<16xi1>
      %reduce_max3A_67 = tpu.scan <max>, %get3A_61 masked %reduce_max3A_66 : vector<16xf32>, vector<16xi1> -> vector<16xf32>
      %reduce_max3A_68 = vector.extract %reduce_max3A_67[15] : f32 from vector<16xf32>
      %broadcast_in_dim3A_69 = vector.broadcast %reduce_max3A_68 : f32 to vector<16xf32>
      %select_n3A_70 = arith.select %eq3A_64, %broadcast_in_dim3A_69, %select_n3A_59 : vector<16xi1>, vector<16xf32>
      %get3A_71 = arith.constant 96 : index
      %get3A_72 = tpu.vector_load %arg9[%get3A_71] {strides = array<i32>} : memref<1600xf32, #tpu.memory_space<vmem>>, vector<16xf32>,
      %eq3A_73 = arith.constant 6 : i32
      %eq3A_74 = vector.broadcast %eq3A_73 : i32 to vector<16xi32>
      %eq3A_75 = arith.cmpi eq, %iota3A, %eq3A_74 : vector<16xi32>
      %reduce_max3A_76 = arith.constant true
      %reduce_max3A_77 = vector.broadcast %reduce_max3A_76 : i1 to vector<16xi1>
      %reduce_max3A_78 = tpu.scan <max>, %get3A_72 masked %reduce_max3A_77 : vector<16xf32>, vector<16xi1> -> vector<16xf32>
      %reduce_max3A_79 = vector.extract %reduce_max3A_78[15] : f32 from vector<16xf32>
      %broadcast_in_dim3A_80 = vector.broadcast %reduce_max3A_79 : f32 to vector<16xf32>
      %select_n3A_81 = arith.select %eq3A_75, %broadcast_in_dim3A_80, %select_n3A_70 : vector<16xi1>, vector<16xf32>
      %get3A_82 = arith.constant 112 : index
      %get3A_83 = tpu.vector_load %arg9[%get3A_82] {strides = array<i32>} : memref<1600xf32, #tpu.memory_space<vmem>>, vector<16xf32>,
      %eq3A_84 = arith.constant 7 : i32
      %eq3A_85 = vector.broadcast %eq3A_84 : i32 to vector<16xi32>
      %eq3A_86 = arith.cmpi eq, %iota3A, %eq3A_85 : vector<16xi32>
      %reduce_max3A_87 = arith.constant true
      %reduce_max3A_88 = vector.broadcast %reduce_max3A_87 : i1 to vector<16xi1>
      %reduce_max3A_89 = tpu.scan <max>, %get3A_83 masked %reduce_max3A_88 : vector<16xf32>, vector<16xi1> -> vector<16xf32>
      %reduce_max3A_90 = vector.extract %reduce_max3A_89[15] : f32 from vector<16xf32>
      %broadcast_in_dim3A_91 = vector.broadcast %reduce_max3A_90 : f32 to vector<16xf32>
      %select_n3A_92 = arith.select %eq3A_86, %broadcast_in_dim3A_91, %select_n3A_81 : vector<16xi1>, vector<16xf32>
      %get3A_93 = arith.constant 128 : index
      %get3A_94 = tpu.vector_load %arg9[%get3A_93] {strides = array<i32>} : memref<1600xf32, #tpu.memory_space<vmem>>, vector<16xf32>,
      %eq3A_95 = arith.constant 8 : i32
      %eq3A_96 = vector.broadcast %eq3A_95 : i32 to vector<16xi32>
      %eq3A_97 = arith.cmpi eq, %iota3A, %eq3A_96 : vector<16xi32>
      %reduce_max3A_98 = arith.constant true
      %reduce_max3A_99 = vector.broadcast %reduce_max3A_98 : i1 to vector<16xi1>
      %reduce_max3A_100 = tpu.scan <max>, %get3A_94 masked %reduce_max3A_99 : vector<16xf32>, vector<16xi1> -> vector<16xf32>
      %reduce_max3A_101 = vector.extract %reduce_max3A_100[15] : f32 from vector<16xf32>
      %broadcast_in_dim3A_102 = vector.broadcast %reduce_max3A_101 : f32 to vector<16xf32>
      %select_n3A_103 = arith.select %eq3A_97, %broadcast_in_dim3A_102, %select_n3A_92 : vector<16xi1>, vector<16xf32>
      %get3A_104 = arith.constant 144 : index
      %get3A_105 = tpu.vector_load %arg9[%get3A_104] {strides = array<i32>} : memref<1600xf32, #tpu.memory_space<vmem>>, vector<16xf32>,
      %eq3A_106 = arith.constant 9 : i32
      %eq3A_107 = vector.broadcast %eq3A_106 : i32 to vector<16xi32>
      %eq3A_108 = arith.cmpi eq, %iota3A, %eq3A_107 : vector<16xi32>
      %reduce_max3A_109 = arith.constant true
      %reduce_max3A_110 = vector.broadcast %reduce_max3A_109 : i1 to vector<16xi1>
      %reduce_max3A_111 = tpu.scan <max>, %get3A_105 masked %reduce_max3A_110 : vector<16xf32>, vector<16xi1> -> vector<16xf32>
      %reduce_max3A_112 = vector.extract %reduce_max3A_111[15] : f32 from vector<16xf32>
      %broadcast_in_dim3A_113 = vector.broadcast %reduce_max3A_112 : f32 to vector<16xf32>
      %select_n3A_114 = arith.select %eq3A_108, %broadcast_in_dim3A_113, %select_n3A_103 : vector<16xi1>, vector<16xf32>
      %get3A_115 = arith.constant 160 : index
      %get3A_116 = tpu.vector_load %arg9[%get3A_115] {strides = array<i32>} : memref<1600xf32, #tpu.memory_space<vmem>>, vector<16xf32>,
      %eq3A_117 = arith.constant 10 : i32
      %eq3A_118 = vector.broadcast %eq3A_117 : i32 to vector<16xi32>
      %eq3A_119 = arith.cmpi eq, %iota3A, %eq3A_118 : vector<16xi32>
      %reduce_max3A_120 = arith.constant true
      %reduce_max3A_121 = vector.broadcast %reduce_max3A_120 : i1 to vector<16xi1>
      %reduce_max3A_122 = tpu.scan <max>, %get3A_116 masked %reduce_max3A_121 : vector<16xf32>, vector<16xi1> -> vector<16xf32>
      %reduce_max3A_123 = vector.extract %reduce_max3A_122[15] : f32 from vector<16xf32>
      %broadcast_in_dim3A_124 = vector.broadcast %reduce_max3A_123 : f32 to vector<16xf32>
      %select_n3A_125 = arith.select %eq3A_119, %broadcast_in_dim3A_124, %select_n3A_114 : vector<16xi1>, vector<16xf32>
      %get3A_126 = arith.constant 176 : index
      %get3A_127 = tpu.vector_load %arg9[%get3A_126] {strides = array<i32>} : memref<1600xf32, #tpu.memory_space<vmem>>, vector<16xf32>,
      %eq3A_128 = arith.constant 11 : i32
      %eq3A_129 = vector.broadcast %eq3A_128 : i32 to vector<16xi32>
      %eq3A_130 = arith.cmpi eq, %iota3A, %eq3A_129 : vector<16xi32>
      %reduce_max3A_131 = arith.constant true
      %reduce_max3A_132 = vector.broadcast %reduce_max3A_131 : i1 to vector<16xi1>
      %reduce_max3A_133 = tpu.scan <max>, %get3A_127 masked %reduce_max3A_132 : vector<16xf32>, vector<16xi1> -> vector<16xf32>
      %reduce_max3A_134 = vector.extract %reduce_max3A_133[15] : f32 from vector<16xf32>
      %broadcast_in_dim3A_135 = vector.broadcast %reduce_max3A_134 : f32 to vector<16xf32>
      %select_n3A_136 = arith.select %eq3A_130, %broadcast_in_dim3A_135, %select_n3A_125 : vector<16xi1>, vector<16xf32>
      %get3A_137 = arith.constant 192 : index
      %get3A_138 = tpu.vector_load %arg9[%get3A_137] {strides = array<i32>} : memref<1600xf32, #tpu.memory_space<vmem>>, vector<16xf32>,
      %eq3A_139 = arith.constant 12 : i32
      %eq3A_140 = vector.broadcast %eq3A_139 : i32 to vector<16xi32>
      %eq3A_141 = arith.cmpi eq, %iota3A, %eq3A_140 : vector<16xi32>
      %reduce_max3A_142 = arith.constant true
      %reduce_max3A_143 = vector.broadcast %reduce_max3A_142 : i1 to vector<16xi1>
      %reduce_max3A_144 = tpu.scan <max>, %get3A_138 masked %reduce_max3A_143 : vector<16xf32>, vector<16xi1> -> vector<16xf32>
      %reduce_max3A_145 = vector.extract %reduce_max3A_144[15] : f32 from vector<16xf32>
      %broadcast_in_dim3A_146 = vector.broadcast %reduce_max3A_145 : f32 to vector<16xf32>
      %select_n3A_147 = arith.select %eq3A_141, %broadcast_in_dim3A_146, %select_n3A_136 : vector<16xi1>, vector<16xf32>
      %get3A_148 = arith.constant 208 : index
      %get3A_149 = tpu.vector_load %arg9[%get3A_148] {strides = array<i32>} : memref<1600xf32, #tpu.memory_space<vmem>>, vector<16xf32>,
      %eq3A_150 = arith.constant 13 : i32
      %eq3A_151 = vector.broadcast %eq3A_150 : i32 to vector<16xi32>
      %eq3A_152 = arith.cmpi eq, %iota3A, %eq3A_151 : vector<16xi32>
      %reduce_max3A_153 = arith.constant true
      %reduce_max3A_154 = vector.broadcast %reduce_max3A_153 : i1 to vector<16xi1>
      %reduce_max3A_155 = tpu.scan <max>, %get3A_149 masked %reduce_max3A_154 : vector<16xf32>, vector<16xi1> -> vector<16xf32>
      %reduce_max3A_156 = vector.extract %reduce_max3A_155[15] : f32 from vector<16xf32>
      %broadcast_in_dim3A_157 = vector.broadcast %reduce_max3A_156 : f32 to vector<16xf32>
      %select_n3A_158 = arith.select %eq3A_152, %broadcast_in_dim3A_157, %select_n3A_147 : vector<16xi1>, vector<16xf32>
      %get3A_159 = arith.constant 224 : index
      %get3A_160 = tpu.vector_load %arg9[%get3A_159] {strides = array<i32>} : memref<1600xf32, #tpu.memory_space<vmem>>, vector<16xf32>,
      %eq3A_161 = arith.constant 14 : i32
      %eq3A_162 = vector.broadcast %eq3A_161 : i32 to vector<16xi32>
      %eq3A_163 = arith.cmpi eq, %iota3A, %eq3A_162 : vector<16xi32>
      %reduce_max3A_164 = arith.constant true
      %reduce_max3A_165 = vector.broadcast %reduce_max3A_164 : i1 to vector<16xi1>
      %reduce_max3A_166 = tpu.scan <max>, %get3A_160 masked %reduce_max3A_165 : vector<16xf32>, vector<16xi1> -> vector<16xf32>
      %reduce_max3A_167 = vector.extract %reduce_max3A_166[15] : f32 from vector<16xf32>
      %broadcast_in_dim3A_168 = vector.broadcast %reduce_max3A_167 : f32 to vector<16xf32>
      %select_n3A_169 = arith.select %eq3A_163, %broadcast_in_dim3A_168, %select_n3A_158 : vector<16xi1>, vector<16xf32>
      %get3A_170 = arith.constant 240 : index
      %get3A_171 = tpu.vector_load %arg9[%get3A_170] {strides = array<i32>} : memref<1600xf32, #tpu.memory_space<vmem>>, vector<16xf32>,
      %eq3A_172 = arith.constant 15 : i32
      %eq3A_173 = vector.broadcast %eq3A_172 : i32 to vector<16xi32>
      %eq3A_174 = arith.cmpi eq, %iota3A, %eq3A_173 : vector<16xi32>
      %reduce_max3A_175 = arith.constant true
      %reduce_max3A_176 = vector.broadcast %reduce_max3A_175 : i1 to vector<16xi1>
      %reduce_max3A_177 = tpu.scan <max>, %get3A_171 masked %reduce_max3A_176 : vector<16xf32>, vector<16xi1> -> vector<16xf32>
      %reduce_max3A_178 = vector.extract %reduce_max3A_177[15] : f32 from vector<16xf32>
      %broadcast_in_dim3A_179 = vector.broadcast %reduce_max3A_178 : f32 to vector<16xf32>
      %select_n3A_180 = arith.select %eq3A_174, %broadcast_in_dim3A_179, %select_n3A_169 : vector<16xi1>, vector<16xf32>
      %swap3A = arith.constant 0 : index
      %swap3A_181 = tpu.vector_load %arg10[%swap3A] {strides = array<i32>} : memref<112xf32, #tpu.memory_space<vmem>>, vector<16xf32>,
      tpu.vector_store %arg10[%swap3A], %select_n3A_180 {strides = array<i32>} : memref<112xf32, #tpu.memory_space<vmem>>, vector<16xf32>,
      %broadcast_in_dim3A_182 = arith.constant -1.000000e+30 : f32
      %broadcast_in_dim3A_183 = vector.broadcast %broadcast_in_dim3A_182 : f32 to vector<16xf32>
      %get3A_184 = arith.constant 256 : index
      %get3A_185 = tpu.vector_load %arg9[%get3A_184] {strides = array<i32>} : memref<1600xf32, #tpu.memory_space<vmem>>, vector<16xf32>,
      %eq3A_186 = arith.constant 0 : i32
      %eq3A_187 = vector.broadcast %eq3A_186 : i32 to vector<16xi32>
      %eq3A_188 = arith.cmpi eq, %iota3A, %eq3A_187 : vector<16xi32>
      %reduce_max3A_189 = arith.constant true
      %reduce_max3A_190 = vector.broadcast %reduce_max3A_189 : i1 to vector<16xi1>
      %reduce_max3A_191 = tpu.scan <max>, %get3A_185 masked %reduce_max3A_190 : vector<16xf32>, vector<16xi1> -> vector<16xf32>
      %reduce_max3A_192 = vector.extract %reduce_max3A_191[15] : f32 from vector<16xf32>
      %broadcast_in_dim3A_193 = vector.broadcast %reduce_max3A_192 : f32 to vector<16xf32>
      %select_n3A_194 = arith.select %eq3A_188, %broadcast_in_dim3A_193, %broadcast_in_dim3A_183 : vector<16xi1>, vector<16xf32>
      %get3A_195 = arith.constant 272 : index
      %get3A_196 = tpu.vector_load %arg9[%get3A_195] {strides = array<i32>} : memref<1600xf32, #tpu.memory_space<vmem>>, vector<16xf32>,
      %eq3A_197 = arith.constant 1 : i32
      %eq3A_198 = vector.broadcast %eq3A_197 : i32 to vector<16xi32>
      %eq3A_199 = arith.cmpi eq, %iota3A, %eq3A_198 : vector<16xi32>
      %reduce_max3A_200 = arith.constant true
      %reduce_max3A_201 = vector.broadcast %reduce_max3A_200 : i1 to vector<16xi1>
      %reduce_max3A_202 = tpu.scan <max>, %get3A_196 masked %reduce_max3A_201 : vector<16xf32>, vector<16xi1> -> vector<16xf32>
      %reduce_max3A_203 = vector.extract %reduce_max3A_202[15] : f32 from vector<16xf32>
      %broadcast_in_dim3A_204 = vector.broadcast %reduce_max3A_203 : f32 to vector<16xf32>
      %select_n3A_205 = arith.select %eq3A_199, %broadcast_in_dim3A_204, %select_n3A_194 : vector<16xi1>, vector<16xf32>
      %get3A_206 = arith.constant 288 : index
      %get3A_207 = tpu.vector_load %arg9[%get3A_206] {strides = array<i32>} : memref<1600xf32, #tpu.memory_space<vmem>>, vector<16xf32>,
      %eq3A_208 = arith.constant 2 : i32
      %eq3A_209 = vector.broadcast %eq3A_208 : i32 to vector<16xi32>
      %eq3A_210 = arith.cmpi eq, %iota3A, %eq3A_209 : vector<16xi32>
      %reduce_max3A_211 = arith.constant true
      %reduce_max3A_212 = vector.broadcast %reduce_max3A_211 : i1 to vector<16xi1>
      %reduce_max3A_213 = tpu.scan <max>, %get3A_207 masked %reduce_max3A_212 : vector<16xf32>, vector<16xi1> -> vector<16xf32>
      %reduce_max3A_214 = vector.extract %reduce_max3A_213[15] : f32 from vector<16xf32>
      %broadcast_in_dim3A_215 = vector.broadcast %reduce_max3A_214 : f32 to vector<16xf32>
      %select_n3A_216 = arith.select %eq3A_210, %broadcast_in_dim3A_215, %select_n3A_205 : vector<16xi1>, vector<16xf32>
      %get3A_217 = arith.constant 304 : index
      %get3A_218 = tpu.vector_load %arg9[%get3A_217] {strides = array<i32>} : memref<1600xf32, #tpu.memory_space<vmem>>, vector<16xf32>,
      %eq3A_219 = arith.constant 3 : i32
      %eq3A_220 = vector.broadcast %eq3A_219 : i32 to vector<16xi32>
      %eq3A_221 = arith.cmpi eq, %iota3A, %eq3A_220 : vector<16xi32>
      %reduce_max3A_222 = arith.constant true
      %reduce_max3A_223 = vector.broadcast %reduce_max3A_222 : i1 to vector<16xi1>
      %reduce_max3A_224 = tpu.scan <max>, %get3A_218 masked %reduce_max3A_223 : vector<16xf32>, vector<16xi1> -> vector<16xf32>
      %reduce_max3A_225 = vector.extract %reduce_max3A_224[15] : f32 from vector<16xf32>
      %broadcast_in_dim3A_226 = vector.broadcast %reduce_max3A_225 : f32 to vector<16xf32>
      %select_n3A_227 = arith.select %eq3A_221, %broadcast_in_dim3A_226, %select_n3A_216 : vector<16xi1>, vector<16xf32>
      %get3A_228 = arith.constant 320 : index
      %get3A_229 = tpu.vector_load %arg9[%get3A_228] {strides = array<i32>} : memref<1600xf32, #tpu.memory_space<vmem>>, vector<16xf32>,
      %eq3A_230 = arith.constant 4 : i32
      %eq3A_231 = vector.broadcast %eq3A_230 : i32 to vector<16xi32>
      %eq3A_232 = arith.cmpi eq, %iota3A, %eq3A_231 : vector<16xi32>
      %reduce_max3A_233 = arith.constant true
      %reduce_max3A_234 = vector.broadcast %reduce_max3A_233 : i1 to vector<16xi1>
      %reduce_max3A_235 = tpu.scan <max>, %get3A_229 masked %reduce_max3A_234 : vector<16xf32>, vector<16xi1> -> vector<16xf32>
      %reduce_max3A_236 = vector.extract %reduce_max3A_235[15] : f32 from vector<16xf32>
      %broadcast_in_dim3A_237 = vector.broadcast %reduce_max3A_236 : f32 to vector<16xf32>
      %select_n3A_238 = arith.select %eq3A_232, %broadcast_in_dim3A_237, %select_n3A_227 : vector<16xi1>, vector<16xf32>
      %get3A_239 = arith.constant 336 : index
      %get3A_240 = tpu.vector_load %arg9[%get3A_239] {strides = array<i32>} : memref<1600xf32, #tpu.memory_space<vmem>>, vector<16xf32>,
      %eq3A_241 = arith.constant 5 : i32
      %eq3A_242 = vector.broadcast %eq3A_241 : i32 to vector<16xi32>
      %eq3A_243 = arith.cmpi eq, %iota3A, %eq3A_242 : vector<16xi32>
      %reduce_max3A_244 = arith.constant true
      %reduce_max3A_245 = vector.broadcast %reduce_max3A_244 : i1 to vector<16xi1>
      %reduce_max3A_246 = tpu.scan <max>, %get3A_240 masked %reduce_max3A_245 : vector<16xf32>, vector<16xi1> -> vector<16xf32>
      %reduce_max3A_247 = vector.extract %reduce_max3A_246[15] : f32 from vector<16xf32>
      %broadcast_in_dim3A_248 = vector.broadcast %reduce_max3A_247 : f32 to vector<16xf32>
      %select_n3A_249 = arith.select %eq3A_243, %broadcast_in_dim3A_248, %select_n3A_238 : vector<16xi1>, vector<16xf32>
      %get3A_250 = arith.constant 352 : index
      %get3A_251 = tpu.vector_load %arg9[%get3A_250] {strides = array<i32>} : memref<1600xf32, #tpu.memory_space<vmem>>, vector<16xf32>,
      %eq3A_252 = arith.constant 6 : i32
      %eq3A_253 = vector.broadcast %eq3A_252 : i32 to vector<16xi32>
      %eq3A_254 = arith.cmpi eq, %iota3A, %eq3A_253 : vector<16xi32>
      %reduce_max3A_255 = arith.constant true
      %reduce_max3A_256 = vector.broadcast %reduce_max3A_255 : i1 to vector<16xi1>
      %reduce_max3A_257 = tpu.scan <max>, %get3A_251 masked %reduce_max3A_256 : vector<16xf32>, vector<16xi1> -> vector<16xf32>
      %reduce_max3A_258 = vector.extract %reduce_max3A_257[15] : f32 from vector<16xf32>
      %broadcast_in_dim3A_259 = vector.broadcast %reduce_max3A_258 : f32 to vector<16xf32>
      %select_n3A_260 = arith.select %eq3A_254, %broadcast_in_dim3A_259, %select_n3A_249 : vector<16xi1>, vector<16xf32>
      %get3A_261 = arith.constant 368 : index
      %get3A_262 = tpu.vector_load %arg9[%get3A_261] {strides = array<i32>} : memref<1600xf32, #tpu.memory_space<vmem>>, vector<16xf32>,
      %eq3A_263 = arith.constant 7 : i32
      %eq3A_264 = vector.broadcast %eq3A_263 : i32 to vector<16xi32>
      %eq3A_265 = arith.cmpi eq, %iota3A, %eq3A_264 : vector<16xi32>
      %reduce_max3A_266 = arith.constant true
      %reduce_max3A_267 = vector.broadcast %reduce_max3A_266 : i1 to vector<16xi1>
      %reduce_max3A_268 = tpu.scan <max>, %get3A_262 masked %reduce_max3A_267 : vector<16xf32>, vector<16xi1> -> vector<16xf32>
      %reduce_max3A_269 = vector.extract %reduce_max3A_268[15] : f32 from vector<16xf32>
      %broadcast_in_dim3A_270 = vector.broadcast %reduce_max3A_269 : f32 to vector<16xf32>
      %select_n3A_271 = arith.select %eq3A_265, %broadcast_in_dim3A_270, %select_n3A_260 : vector<16xi1>, vector<16xf32>
      %get3A_272 = arith.constant 384 : index
      %get3A_273 = tpu.vector_load %arg9[%get3A_272] {strides = array<i32>} : memref<1600xf32, #tpu.memory_space<vmem>>, vector<16xf32>,
      %eq3A_274 = arith.constant 8 : i32
      %eq3A_275 = vector.broadcast %eq3A_274 : i32 to vector<16xi32>
      %eq3A_276 = arith.cmpi eq, %iota3A, %eq3A_275 : vector<16xi32>
      %reduce_max3A_277 = arith.constant true
      %reduce_max3A_278 = vector.broadcast %reduce_max3A_277 : i1 to vector<16xi1>
      %reduce_max3A_279 = tpu.scan <max>, %get3A_273 masked %reduce_max3A_278 : vector<16xf32>, vector<16xi1> -> vector<16xf32>
      %reduce_max3A_280 = vector.extract %reduce_max3A_279[15] : f32 from vector<16xf32>
      %broadcast_in_dim3A_281 = vector.broadcast %reduce_max3A_280 : f32 to vector<16xf32>
      %select_n3A_282 = arith.select %eq3A_276, %broadcast_in_dim3A_281, %select_n3A_271 : vector<16xi1>, vector<16xf32>
      %get3A_283 = arith.constant 400 : index
      %get3A_284 = tpu.vector_load %arg9[%get3A_283] {strides = array<i32>} : memref<1600xf32, #tpu.memory_space<vmem>>, vector<16xf32>,
      %eq3A_285 = arith.constant 9 : i32
      %eq3A_286 = vector.broadcast %eq3A_285 : i32 to vector<16xi32>
      %eq3A_287 = arith.cmpi eq, %iota3A, %eq3A_286 : vector<16xi32>
      %reduce_max3A_288 = arith.constant true
      %reduce_max3A_289 = vector.broadcast %reduce_max3A_288 : i1 to vector<16xi1>
      %reduce_max3A_290 = tpu.scan <max>, %get3A_284 masked %reduce_max3A_289 : vector<16xf32>, vector<16xi1> -> vector<16xf32>
      %reduce_max3A_291 = vector.extract %reduce_max3A_290[15] : f32 from vector<16xf32>
      %broadcast_in_dim3A_292 = vector.broadcast %reduce_max3A_291 : f32 to vector<16xf32>
      %select_n3A_293 = arith.select %eq3A_287, %broadcast_in_dim3A_292, %select_n3A_282 : vector<16xi1>, vector<16xf32>
      %get3A_294 = arith.constant 416 : index
      %get3A_295 = tpu.vector_load %arg9[%get3A_294] {strides = array<i32>} : memref<1600xf32, #tpu.memory_space<vmem>>, vector<16xf32>,
      %eq3A_296 = arith.constant 10 : i32
      %eq3A_297 = vector.broadcast %eq3A_296 : i32 to vector<16xi32>
      %eq3A_298 = arith.cmpi eq, %iota3A, %eq3A_297 : vector<16xi32>
      %reduce_max3A_299 = arith.constant true
      %reduce_max3A_300 = vector.broadcast %reduce_max3A_299 : i1 to vector<16xi1>
      %reduce_max3A_301 = tpu.scan <max>, %get3A_295 masked %reduce_max3A_300 : vector<16xf32>, vector<16xi1> -> vector<16xf32>
      %reduce_max3A_302 = vector.extract %reduce_max3A_301[15] : f32 from vector<16xf32>
      %broadcast_in_dim3A_303 = vector.broadcast %reduce_max3A_302 : f32 to vector<16xf32>
      %select_n3A_304 = arith.select %eq3A_298, %broadcast_in_dim3A_303, %select_n3A_293 : vector<16xi1>, vector<16xf32>
      %get3A_305 = arith.constant 432 : index
      %get3A_306 = tpu.vector_load %arg9[%get3A_305] {strides = array<i32>} : memref<1600xf32, #tpu.memory_space<vmem>>, vector<16xf32>,
      %eq3A_307 = arith.constant 11 : i32
      %eq3A_308 = vector.broadcast %eq3A_307 : i32 to vector<16xi32>
      %eq3A_309 = arith.cmpi eq, %iota3A, %eq3A_308 : vector<16xi32>
      %reduce_max3A_310 = arith.constant true
      %reduce_max3A_311 = vector.broadcast %reduce_max3A_310 : i1 to vector<16xi1>
      %reduce_max3A_312 = tpu.scan <max>, %get3A_306 masked %reduce_max3A_311 : vector<16xf32>, vector<16xi1> -> vector<16xf32>
      %reduce_max3A_313 = vector.extract %reduce_max3A_312[15] : f32 from vector<16xf32>
      %broadcast_in_dim3A_314 = vector.broadcast %reduce_max3A_313 : f32 to vector<16xf32>
      %select_n3A_315 = arith.select %eq3A_309, %broadcast_in_dim3A_314, %select_n3A_304 : vector<16xi1>, vector<16xf32>
      %get3A_316 = arith.constant 448 : index
      %get3A_317 = tpu.vector_load %arg9[%get3A_316] {strides = array<i32>} : memref<1600xf32, #tpu.memory_space<vmem>>, vector<16xf32>,
      %eq3A_318 = arith.constant 12 : i32
      %eq3A_319 = vector.broadcast %eq3A_318 : i32 to vector<16xi32>
      %eq3A_320 = arith.cmpi eq, %iota3A, %eq3A_319 : vector<16xi32>
      %reduce_max3A_321 = arith.constant true
      %reduce_max3A_322 = vector.broadcast %reduce_max3A_321 : i1 to vector<16xi1>
      %reduce_max3A_323 = tpu.scan <max>, %get3A_317 masked %reduce_max3A_322 : vector<16xf32>, vector<16xi1> -> vector<16xf32>
      %reduce_max3A_324 = vector.extract %reduce_max3A_323[15] : f32 from vector<16xf32>
      %broadcast_in_dim3A_325 = vector.broadcast %reduce_max3A_324 : f32 to vector<16xf32>
      %select_n3A_326 = arith.select %eq3A_320, %broadcast_in_dim3A_325, %select_n3A_315 : vector<16xi1>, vector<16xf32>
      %get3A_327 = arith.constant 464 : index
      %get3A_328 = tpu.vector_load %arg9[%get3A_327] {strides = array<i32>} : memref<1600xf32, #tpu.memory_space<vmem>>, vector<16xf32>,
      %eq3A_329 = arith.constant 13 : i32
      %eq3A_330 = vector.broadcast %eq3A_329 : i32 to vector<16xi32>
      %eq3A_331 = arith.cmpi eq, %iota3A, %eq3A_330 : vector<16xi32>
      %reduce_max3A_332 = arith.constant true
      %reduce_max3A_333 = vector.broadcast %reduce_max3A_332 : i1 to vector<16xi1>
      %reduce_max3A_334 = tpu.scan <max>, %get3A_328 masked %reduce_max3A_333 : vector<16xf32>, vector<16xi1> -> vector<16xf32>
      %reduce_max3A_335 = vector.extract %reduce_max3A_334[15] : f32 from vector<16xf32>
      %broadcast_in_dim3A_336 = vector.broadcast %reduce_max3A_335 : f32 to vector<16xf32>
      %select_n3A_337 = arith.select %eq3A_331, %broadcast_in_dim3A_336, %select_n3A_326 : vector<16xi1>, vector<16xf32>
      %get3A_338 = arith.constant 480 : index
      %get3A_339 = tpu.vector_load %arg9[%get3A_338] {strides = array<i32>} : memref<1600xf32, #tpu.memory_space<vmem>>, vector<16xf32>,
      %eq3A_340 = arith.constant 14 : i32
      %eq3A_341 = vector.broadcast %eq3A_340 : i32 to vector<16xi32>
      %eq3A_342 = arith.cmpi eq, %iota3A, %eq3A_341 : vector<16xi32>
      %reduce_max3A_343 = arith.constant true
      %reduce_max3A_344 = vector.broadcast %reduce_max3A_343 : i1 to vector<16xi1>
      %reduce_max3A_345 = tpu.scan <max>, %get3A_339 masked %reduce_max3A_344 : vector<16xf32>, vector<16xi1> -> vector<16xf32>
      %reduce_max3A_346 = vector.extract %reduce_max3A_345[15] : f32 from vector<16xf32>
      %broadcast_in_dim3A_347 = vector.broadcast %reduce_max3A_346 : f32 to vector<16xf32>
      %select_n3A_348 = arith.select %eq3A_342, %broadcast_in_dim3A_347, %select_n3A_337 : vector<16xi1>, vector<16xf32>
      %get3A_349 = arith.constant 496 : index
      %get3A_350 = tpu.vector_load %arg9[%get3A_349] {strides = array<i32>} : memref<1600xf32, #tpu.memory_space<vmem>>, vector<16xf32>,
      %eq3A_351 = arith.constant 15 : i32
      %eq3A_352 = vector.broadcast %eq3A_351 : i32 to vector<16xi32>
      %eq3A_353 = arith.cmpi eq, %iota3A, %eq3A_352 : vector<16xi32>
      %reduce_max3A_354 = arith.constant true
      %reduce_max3A_355 = vector.broadcast %reduce_max3A_354 : i1 to vector<16xi1>
      %reduce_max3A_356 = tpu.scan <max>, %get3A_350 masked %reduce_max3A_355 : vector<16xf32>, vector<16xi1> -> vector<16xf32>
      %reduce_max3A_357 = vector.extract %reduce_max3A_356[15] : f32 from vector<16xf32>
      %broadcast_in_dim3A_358 = vector.broadcast %reduce_max3A_357 : f32 to vector<16xf32>
      %select_n3A_359 = arith.select %eq3A_353, %broadcast_in_dim3A_358, %select_n3A_348 : vector<16xi1>, vector<16xf32>
      %swap3A_360 = arith.constant 16 : index
      %swap3A_361 = tpu.vector_load %arg10[%swap3A_360] {strides = array<i32>} : memref<112xf32, #tpu.memory_space<vmem>>, vector<16xf32>,
      tpu.vector_store %arg10[%swap3A_360], %select_n3A_359 {strides = array<i32>} : memref<112xf32, #tpu.memory_space<vmem>>, vector<16xf32>,
      %broadcast_in_dim3A_362 = arith.constant -1.000000e+30 : f32
      %broadcast_in_dim3A_363 = vector.broadcast %broadcast_in_dim3A_362 : f32 to vector<16xf32>
      %get3A_364 = arith.constant 512 : index
      %get3A_365 = tpu.vector_load %arg9[%get3A_364] {strides = array<i32>} : memref<1600xf32, #tpu.memory_space<vmem>>, vector<16xf32>,
      %eq3A_366 = arith.constant 0 : i32
      %eq3A_367 = vector.broadcast %eq3A_366 : i32 to vector<16xi32>
      %eq3A_368 = arith.cmpi eq, %iota3A, %eq3A_367 : vector<16xi32>
      %reduce_max3A_369 = arith.constant true
      %reduce_max3A_370 = vector.broadcast %reduce_max3A_369 : i1 to vector<16xi1>
      %reduce_max3A_371 = tpu.scan <max>, %get3A_365 masked %reduce_max3A_370 : vector<16xf32>, vector<16xi1> -> vector<16xf32>
      %reduce_max3A_372 = vector.extract %reduce_max3A_371[15] : f32 from vector<16xf32>
      %broadcast_in_dim3A_373 = vector.broadcast %reduce_max3A_372 : f32 to vector<16xf32>
      %select_n3A_374 = arith.select %eq3A_368, %broadcast_in_dim3A_373, %broadcast_in_dim3A_363 : vector<16xi1>, vector<16xf32>
      %get3A_375 = arith.constant 528 : index
      %get3A_376 = tpu.vector_load %arg9[%get3A_375] {strides = array<i32>} : memref<1600xf32, #tpu.memory_space<vmem>>, vector<16xf32>,
      %eq3A_377 = arith.constant 1 : i32
      %eq3A_378 = vector.broadcast %eq3A_377 : i32 to vector<16xi32>
      %eq3A_379 = arith.cmpi eq, %iota3A, %eq3A_378 : vector<16xi32>
      %reduce_max3A_380 = arith.constant true
      %reduce_max3A_381 = vector.broadcast %reduce_max3A_380 : i1 to vector<16xi1>
      %reduce_max3A_382 = tpu.scan <max>, %get3A_376 masked %reduce_max3A_381 : vector<16xf32>, vector<16xi1> -> vector<16xf32>
      %reduce_max3A_383 = vector.extract %reduce_max3A_382[15] : f32 from vector<16xf32>
      %broadcast_in_dim3A_384 = vector.broadcast %reduce_max3A_383 : f32 to vector<16xf32>
      %select_n3A_385 = arith.select %eq3A_379, %broadcast_in_dim3A_384, %select_n3A_374 : vector<16xi1>, vector<16xf32>
      %get3A_386 = arith.constant 544 : index
      %get3A_387 = tpu.vector_load %arg9[%get3A_386] {strides = array<i32>} : memref<1600xf32, #tpu.memory_space<vmem>>, vector<16xf32>,
      %eq3A_388 = arith.constant 2 : i32
      %eq3A_389 = vector.broadcast %eq3A_388 : i32 to vector<16xi32>
      %eq3A_390 = arith.cmpi eq, %iota3A, %eq3A_389 : vector<16xi32>
      %reduce_max3A_391 = arith.constant true
      %reduce_max3A_392 = vector.broadcast %reduce_max3A_391 : i1 to vector<16xi1>
      %reduce_max3A_393 = tpu.scan <max>, %get3A_387 masked %reduce_max3A_392 : vector<16xf32>, vector<16xi1> -> vector<16xf32>
      %reduce_max3A_394 = vector.extract %reduce_max3A_393[15] : f32 from vector<16xf32>
      %broadcast_in_dim3A_395 = vector.broadcast %reduce_max3A_394 : f32 to vector<16xf32>
      %select_n3A_396 = arith.select %eq3A_390, %broadcast_in_dim3A_395, %select_n3A_385 : vector<16xi1>, vector<16xf32>
      %get3A_397 = arith.constant 560 : index
      %get3A_398 = tpu.vector_load %arg9[%get3A_397] {strides = array<i32>} : memref<1600xf32, #tpu.memory_space<vmem>>, vector<16xf32>,
      %eq3A_399 = arith.constant 3 : i32
      %eq3A_400 = vector.broadcast %eq3A_399 : i32 to vector<16xi32>
      %eq3A_401 = arith.cmpi eq, %iota3A, %eq3A_400 : vector<16xi32>
      %reduce_max3A_402 = arith.constant true
      %reduce_max3A_403 = vector.broadcast %reduce_max3A_402 : i1 to vector<16xi1>
      %reduce_max3A_404 = tpu.scan <max>, %get3A_398 masked %reduce_max3A_403 : vector<16xf32>, vector<16xi1> -> vector<16xf32>
      %reduce_max3A_405 = vector.extract %reduce_max3A_404[15] : f32 from vector<16xf32>
      %broadcast_in_dim3A_406 = vector.broadcast %reduce_max3A_405 : f32 to vector<16xf32>
      %select_n3A_407 = arith.select %eq3A_401, %broadcast_in_dim3A_406, %select_n3A_396 : vector<16xi1>, vector<16xf32>
      %get3A_408 = arith.constant 576 : index
      %get3A_409 = tpu.vector_load %arg9[%get3A_408] {strides = array<i32>} : memref<1600xf32, #tpu.memory_space<vmem>>, vector<16xf32>,
      %eq3A_410 = arith.constant 4 : i32
      %eq3A_411 = vector.broadcast %eq3A_410 : i32 to vector<16xi32>
      %eq3A_412 = arith.cmpi eq, %iota3A, %eq3A_411 : vector<16xi32>
      %reduce_max3A_413 = arith.constant true
      %reduce_max3A_414 = vector.broadcast %reduce_max3A_413 : i1 to vector<16xi1>
      %reduce_max3A_415 = tpu.scan <max>, %get3A_409 masked %reduce_max3A_414 : vector<16xf32>, vector<16xi1> -> vector<16xf32>
      %reduce_max3A_416 = vector.extract %reduce_max3A_415[15] : f32 from vector<16xf32>
      %broadcast_in_dim3A_417 = vector.broadcast %reduce_max3A_416 : f32 to vector<16xf32>
      %select_n3A_418 = arith.select %eq3A_412, %broadcast_in_dim3A_417, %select_n3A_407 : vector<16xi1>, vector<16xf32>
      %get3A_419 = arith.constant 592 : index
      %get3A_420 = tpu.vector_load %arg9[%get3A_419] {strides = array<i32>} : memref<1600xf32, #tpu.memory_space<vmem>>, vector<16xf32>,
      %eq3A_421 = arith.constant 5 : i32
      %eq3A_422 = vector.broadcast %eq3A_421 : i32 to vector<16xi32>
      %eq3A_423 = arith.cmpi eq, %iota3A, %eq3A_422 : vector<16xi32>
      %reduce_max3A_424 = arith.constant true
      %reduce_max3A_425 = vector.broadcast %reduce_max3A_424 : i1 to vector<16xi1>
      %reduce_max3A_426 = tpu.scan <max>, %get3A_420 masked %reduce_max3A_425 : vector<16xf32>, vector<16xi1> -> vector<16xf32>
      %reduce_max3A_427 = vector.extract %reduce_max3A_426[15] : f32 from vector<16xf32>
      %broadcast_in_dim3A_428 = vector.broadcast %reduce_max3A_427 : f32 to vector<16xf32>
      %select_n3A_429 = arith.select %eq3A_423, %broadcast_in_dim3A_428, %select_n3A_418 : vector<16xi1>, vector<16xf32>
      %get3A_430 = arith.constant 608 : index
      %get3A_431 = tpu.vector_load %arg9[%get3A_430] {strides = array<i32>} : memref<1600xf32, #tpu.memory_space<vmem>>, vector<16xf32>,
      %eq3A_432 = arith.constant 6 : i32
      %eq3A_433 = vector.broadcast %eq3A_432 : i32 to vector<16xi32>
      %eq3A_434 = arith.cmpi eq, %iota3A, %eq3A_433 : vector<16xi32>
      %reduce_max3A_435 = arith.constant true
      %reduce_max3A_436 = vector.broadcast %reduce_max3A_435 : i1 to vector<16xi1>
      %reduce_max3A_437 = tpu.scan <max>, %get3A_431 masked %reduce_max3A_436 : vector<16xf32>, vector<16xi1> -> vector<16xf32>
      %reduce_max3A_438 = vector.extract %reduce_max3A_437[15] : f32 from vector<16xf32>
      %broadcast_in_dim3A_439 = vector.broadcast %reduce_max3A_438 : f32 to vector<16xf32>
      %select_n3A_440 = arith.select %eq3A_434, %broadcast_in_dim3A_439, %select_n3A_429 : vector<16xi1>, vector<16xf32>
      %get3A_441 = arith.constant 624 : index
      %get3A_442 = tpu.vector_load %arg9[%get3A_441] {strides = array<i32>} : memref<1600xf32, #tpu.memory_space<vmem>>, vector<16xf32>,
      %eq3A_443 = arith.constant 7 : i32
      %eq3A_444 = vector.broadcast %eq3A_443 : i32 to vector<16xi32>
      %eq3A_445 = arith.cmpi eq, %iota3A, %eq3A_444 : vector<16xi32>
      %reduce_max3A_446 = arith.constant true
      %reduce_max3A_447 = vector.broadcast %reduce_max3A_446 : i1 to vector<16xi1>
      %reduce_max3A_448 = tpu.scan <max>, %get3A_442 masked %reduce_max3A_447 : vector<16xf32>, vector<16xi1> -> vector<16xf32>
      %reduce_max3A_449 = vector.extract %reduce_max3A_448[15] : f32 from vector<16xf32>
      %broadcast_in_dim3A_450 = vector.broadcast %reduce_max3A_449 : f32 to vector<16xf32>
      %select_n3A_451 = arith.select %eq3A_445, %broadcast_in_dim3A_450, %select_n3A_440 : vector<16xi1>, vector<16xf32>
      %get3A_452 = arith.constant 640 : index
      %get3A_453 = tpu.vector_load %arg9[%get3A_452] {strides = array<i32>} : memref<1600xf32, #tpu.memory_space<vmem>>, vector<16xf32>,
      %eq3A_454 = arith.constant 8 : i32
      %eq3A_455 = vector.broadcast %eq3A_454 : i32 to vector<16xi32>
      %eq3A_456 = arith.cmpi eq, %iota3A, %eq3A_455 : vector<16xi32>
      %reduce_max3A_457 = arith.constant true
      %reduce_max3A_458 = vector.broadcast %reduce_max3A_457 : i1 to vector<16xi1>
      %reduce_max3A_459 = tpu.scan <max>, %get3A_453 masked %reduce_max3A_458 : vector<16xf32>, vector<16xi1> -> vector<16xf32>
      %reduce_max3A_460 = vector.extract %reduce_max3A_459[15] : f32 from vector<16xf32>
      %broadcast_in_dim3A_461 = vector.broadcast %reduce_max3A_460 : f32 to vector<16xf32>
      %select_n3A_462 = arith.select %eq3A_456, %broadcast_in_dim3A_461, %select_n3A_451 : vector<16xi1>, vector<16xf32>
      %get3A_463 = arith.constant 656 : index
      %get3A_464 = tpu.vector_load %arg9[%get3A_463] {strides = array<i32>} : memref<1600xf32, #tpu.memory_space<vmem>>, vector<16xf32>,
      %eq3A_465 = arith.constant 9 : i32
      %eq3A_466 = vector.broadcast %eq3A_465 : i32 to vector<16xi32>
      %eq3A_467 = arith.cmpi eq, %iota3A, %eq3A_466 : vector<16xi32>
      %reduce_max3A_468 = arith.constant true
      %reduce_max3A_469 = vector.broadcast %reduce_max3A_468 : i1 to vector<16xi1>
      %reduce_max3A_470 = tpu.scan <max>, %get3A_464 masked %reduce_max3A_469 : vector<16xf32>, vector<16xi1> -> vector<16xf32>
      %reduce_max3A_471 = vector.extract %reduce_max3A_470[15] : f32 from vector<16xf32>
      %broadcast_in_dim3A_472 = vector.broadcast %reduce_max3A_471 : f32 to vector<16xf32>
      %select_n3A_473 = arith.select %eq3A_467, %broadcast_in_dim3A_472, %select_n3A_462 : vector<16xi1>, vector<16xf32>
      %get3A_474 = arith.constant 672 : index
      %get3A_475 = tpu.vector_load %arg9[%get3A_474] {strides = array<i32>} : memref<1600xf32, #tpu.memory_space<vmem>>, vector<16xf32>,
      %eq3A_476 = arith.constant 10 : i32
      %eq3A_477 = vector.broadcast %eq3A_476 : i32 to vector<16xi32>
      %eq3A_478 = arith.cmpi eq, %iota3A, %eq3A_477 : vector<16xi32>
      %reduce_max3A_479 = arith.constant true
      %reduce_max3A_480 = vector.broadcast %reduce_max3A_479 : i1 to vector<16xi1>
      %reduce_max3A_481 = tpu.scan <max>, %get3A_475 masked %reduce_max3A_480 : vector<16xf32>, vector<16xi1> -> vector<16xf32>
      %reduce_max3A_482 = vector.extract %reduce_max3A_481[15] : f32 from vector<16xf32>
      %broadcast_in_dim3A_483 = vector.broadcast %reduce_max3A_482 : f32 to vector<16xf32>
      %select_n3A_484 = arith.select %eq3A_478, %broadcast_in_dim3A_483, %select_n3A_473 : vector<16xi1>, vector<16xf32>
      %get3A_485 = arith.constant 688 : index
      %get3A_486 = tpu.vector_load %arg9[%get3A_485] {strides = array<i32>} : memref<1600xf32, #tpu.memory_space<vmem>>, vector<16xf32>,
      %eq3A_487 = arith.constant 11 : i32
      %eq3A_488 = vector.broadcast %eq3A_487 : i32 to vector<16xi32>
      %eq3A_489 = arith.cmpi eq, %iota3A, %eq3A_488 : vector<16xi32>
      %reduce_max3A_490 = arith.constant true
      %reduce_max3A_491 = vector.broadcast %reduce_max3A_490 : i1 to vector<16xi1>
      %reduce_max3A_492 = tpu.scan <max>, %get3A_486 masked %reduce_max3A_491 : vector<16xf32>, vector<16xi1> -> vector<16xf32>
      %reduce_max3A_493 = vector.extract %reduce_max3A_492[15] : f32 from vector<16xf32>
      %broadcast_in_dim3A_494 = vector.broadcast %reduce_max3A_493 : f32 to vector<16xf32>
      %select_n3A_495 = arith.select %eq3A_489, %broadcast_in_dim3A_494, %select_n3A_484 : vector<16xi1>, vector<16xf32>
      %get3A_496 = arith.constant 704 : index
      %get3A_497 = tpu.vector_load %arg9[%get3A_496] {strides = array<i32>} : memref<1600xf32, #tpu.memory_space<vmem>>, vector<16xf32>,
      %eq3A_498 = arith.constant 12 : i32
      %eq3A_499 = vector.broadcast %eq3A_498 : i32 to vector<16xi32>
      %eq3A_500 = arith.cmpi eq, %iota3A, %eq3A_499 : vector<16xi32>
      %reduce_max3A_501 = arith.constant true
      %reduce_max3A_502 = vector.broadcast %reduce_max3A_501 : i1 to vector<16xi1>
      %reduce_max3A_503 = tpu.scan <max>, %get3A_497 masked %reduce_max3A_502 : vector<16xf32>, vector<16xi1> -> vector<16xf32>
      %reduce_max3A_504 = vector.extract %reduce_max3A_503[15] : f32 from vector<16xf32>
      %broadcast_in_dim3A_505 = vector.broadcast %reduce_max3A_504 : f32 to vector<16xf32>
      %select_n3A_506 = arith.select %eq3A_500, %broadcast_in_dim3A_505, %select_n3A_495 : vector<16xi1>, vector<16xf32>
      %get3A_507 = arith.constant 720 : index
      %get3A_508 = tpu.vector_load %arg9[%get3A_507] {strides = array<i32>} : memref<1600xf32, #tpu.memory_space<vmem>>, vector<16xf32>,
      %eq3A_509 = arith.constant 13 : i32
      %eq3A_510 = vector.broadcast %eq3A_509 : i32 to vector<16xi32>
      %eq3A_511 = arith.cmpi eq, %iota3A, %eq3A_510 : vector<16xi32>
      %reduce_max3A_512 = arith.constant true
      %reduce_max3A_513 = vector.broadcast %reduce_max3A_512 : i1 to vector<16xi1>
      %reduce_max3A_514 = tpu.scan <max>, %get3A_508 masked %reduce_max3A_513 : vector<16xf32>, vector<16xi1> -> vector<16xf32>
      %reduce_max3A_515 = vector.extract %reduce_max3A_514[15] : f32 from vector<16xf32>
      %broadcast_in_dim3A_516 = vector.broadcast %reduce_max3A_515 : f32 to vector<16xf32>
      %select_n3A_517 = arith.select %eq3A_511, %broadcast_in_dim3A_516, %select_n3A_506 : vector<16xi1>, vector<16xf32>
      %get3A_518 = arith.constant 736 : index
      %get3A_519 = tpu.vector_load %arg9[%get3A_518] {strides = array<i32>} : memref<1600xf32, #tpu.memory_space<vmem>>, vector<16xf32>,
      %eq3A_520 = arith.constant 14 : i32
      %eq3A_521 = vector.broadcast %eq3A_520 : i32 to vector<16xi32>
      %eq3A_522 = arith.cmpi eq, %iota3A, %eq3A_521 : vector<16xi32>
      %reduce_max3A_523 = arith.constant true
      %reduce_max3A_524 = vector.broadcast %reduce_max3A_523 : i1 to vector<16xi1>
      %reduce_max3A_525 = tpu.scan <max>, %get3A_519 masked %reduce_max3A_524 : vector<16xf32>, vector<16xi1> -> vector<16xf32>
      %reduce_max3A_526 = vector.extract %reduce_max3A_525[15] : f32 from vector<16xf32>
      %broadcast_in_dim3A_527 = vector.broadcast %reduce_max3A_526 : f32 to vector<16xf32>
      %select_n3A_528 = arith.select %eq3A_522, %broadcast_in_dim3A_527, %select_n3A_517 : vector<16xi1>, vector<16xf32>
      %get3A_529 = arith.constant 752 : index
      %get3A_530 = tpu.vector_load %arg9[%get3A_529] {strides = array<i32>} : memref<1600xf32, #tpu.memory_space<vmem>>, vector<16xf32>,
      %eq3A_531 = arith.constant 15 : i32
      %eq3A_532 = vector.broadcast %eq3A_531 : i32 to vector<16xi32>
      %eq3A_533 = arith.cmpi eq, %iota3A, %eq3A_532 : vector<16xi32>
      %reduce_max3A_534 = arith.constant true
      %reduce_max3A_535 = vector.broadcast %reduce_max3A_534 : i1 to vector<16xi1>
      %reduce_max3A_536 = tpu.scan <max>, %get3A_530 masked %reduce_max3A_535 : vector<16xf32>, vector<16xi1> -> vector<16xf32>
      %reduce_max3A_537 = vector.extract %reduce_max3A_536[15] : f32 from vector<16xf32>
      %broadcast_in_dim3A_538 = vector.broadcast %reduce_max3A_537 : f32 to vector<16xf32>
      %select_n3A_539 = arith.select %eq3A_533, %broadcast_in_dim3A_538, %select_n3A_528 : vector<16xi1>, vector<16xf32>
      %swap3A_540 = arith.constant 32 : index
      %swap3A_541 = tpu.vector_load %arg10[%swap3A_540] {strides = array<i32>} : memref<112xf32, #tpu.memory_space<vmem>>, vector<16xf32>,
      tpu.vector_store %arg10[%swap3A_540], %select_n3A_539 {strides = array<i32>} : memref<112xf32, #tpu.memory_space<vmem>>, vector<16xf32>,
      %broadcast_in_dim3A_542 = arith.constant -1.000000e+30 : f32
      %broadcast_in_dim3A_543 = vector.broadcast %broadcast_in_dim3A_542 : f32 to vector<16xf32>
      %get3A_544 = arith.constant 768 : index
      %get3A_545 = tpu.vector_load %arg9[%get3A_544] {strides = array<i32>} : memref<1600xf32, #tpu.memory_space<vmem>>, vector<16xf32>,
      %eq3A_546 = arith.constant 0 : i32
      %eq3A_547 = vector.broadcast %eq3A_546 : i32 to vector<16xi32>
      %eq3A_548 = arith.cmpi eq, %iota3A, %eq3A_547 : vector<16xi32>
      %reduce_max3A_549 = arith.constant true
      %reduce_max3A_550 = vector.broadcast %reduce_max3A_549 : i1 to vector<16xi1>
      %reduce_max3A_551 = tpu.scan <max>, %get3A_545 masked %reduce_max3A_550 : vector<16xf32>, vector<16xi1> -> vector<16xf32>
      %reduce_max3A_552 = vector.extract %reduce_max3A_551[15] : f32 from vector<16xf32>
      %broadcast_in_dim3A_553 = vector.broadcast %reduce_max3A_552 : f32 to vector<16xf32>
      %select_n3A_554 = arith.select %eq3A_548, %broadcast_in_dim3A_553, %broadcast_in_dim3A_543 : vector<16xi1>, vector<16xf32>
      %get3A_555 = arith.constant 784 : index
      %get3A_556 = tpu.vector_load %arg9[%get3A_555] {strides = array<i32>} : memref<1600xf32, #tpu.memory_space<vmem>>, vector<16xf32>,
      %eq3A_557 = arith.constant 1 : i32
      %eq3A_558 = vector.broadcast %eq3A_557 : i32 to vector<16xi32>
      %eq3A_559 = arith.cmpi eq, %iota3A, %eq3A_558 : vector<16xi32>
      %reduce_max3A_560 = arith.constant true
      %reduce_max3A_561 = vector.broadcast %reduce_max3A_560 : i1 to vector<16xi1>
      %reduce_max3A_562 = tpu.scan <max>, %get3A_556 masked %reduce_max3A_561 : vector<16xf32>, vector<16xi1> -> vector<16xf32>
      %reduce_max3A_563 = vector.extract %reduce_max3A_562[15] : f32 from vector<16xf32>
      %broadcast_in_dim3A_564 = vector.broadcast %reduce_max3A_563 : f32 to vector<16xf32>
      %select_n3A_565 = arith.select %eq3A_559, %broadcast_in_dim3A_564, %select_n3A_554 : vector<16xi1>, vector<16xf32>
      %get3A_566 = arith.constant 800 : index
      %get3A_567 = tpu.vector_load %arg9[%get3A_566] {strides = array<i32>} : memref<1600xf32, #tpu.memory_space<vmem>>, vector<16xf32>,
      %eq3A_568 = arith.constant 2 : i32
      %eq3A_569 = vector.broadcast %eq3A_568 : i32 to vector<16xi32>
      %eq3A_570 = arith.cmpi eq, %iota3A, %eq3A_569 : vector<16xi32>
      %reduce_max3A_571 = arith.constant true
      %reduce_max3A_572 = vector.broadcast %reduce_max3A_571 : i1 to vector<16xi1>
      %reduce_max3A_573 = tpu.scan <max>, %get3A_567 masked %reduce_max3A_572 : vector<16xf32>, vector<16xi1> -> vector<16xf32>
      %reduce_max3A_574 = vector.extract %reduce_max3A_573[15] : f32 from vector<16xf32>
      %broadcast_in_dim3A_575 = vector.broadcast %reduce_max3A_574 : f32 to vector<16xf32>
      %select_n3A_576 = arith.select %eq3A_570, %broadcast_in_dim3A_575, %select_n3A_565 : vector<16xi1>, vector<16xf32>
      %get3A_577 = arith.constant 816 : index
      %get3A_578 = tpu.vector_load %arg9[%get3A_577] {strides = array<i32>} : memref<1600xf32, #tpu.memory_space<vmem>>, vector<16xf32>,
      %eq3A_579 = arith.constant 3 : i32
      %eq3A_580 = vector.broadcast %eq3A_579 : i32 to vector<16xi32>
      %eq3A_581 = arith.cmpi eq, %iota3A, %eq3A_580 : vector<16xi32>
      %reduce_max3A_582 = arith.constant true
      %reduce_max3A_583 = vector.broadcast %reduce_max3A_582 : i1 to vector<16xi1>
      %reduce_max3A_584 = tpu.scan <max>, %get3A_578 masked %reduce_max3A_583 : vector<16xf32>, vector<16xi1> -> vector<16xf32>
      %reduce_max3A_585 = vector.extract %reduce_max3A_584[15] : f32 from vector<16xf32>
      %broadcast_in_dim3A_586 = vector.broadcast %reduce_max3A_585 : f32 to vector<16xf32>
      %select_n3A_587 = arith.select %eq3A_581, %broadcast_in_dim3A_586, %select_n3A_576 : vector<16xi1>, vector<16xf32>
      %get3A_588 = arith.constant 832 : index
      %get3A_589 = tpu.vector_load %arg9[%get3A_588] {strides = array<i32>} : memref<1600xf32, #tpu.memory_space<vmem>>, vector<16xf32>,
      %eq3A_590 = arith.constant 4 : i32
      %eq3A_591 = vector.broadcast %eq3A_590 : i32 to vector<16xi32>
      %eq3A_592 = arith.cmpi eq, %iota3A, %eq3A_591 : vector<16xi32>
      %reduce_max3A_593 = arith.constant true
      %reduce_max3A_594 = vector.broadcast %reduce_max3A_593 : i1 to vector<16xi1>
      %reduce_max3A_595 = tpu.scan <max>, %get3A_589 masked %reduce_max3A_594 : vector<16xf32>, vector<16xi1> -> vector<16xf32>
      %reduce_max3A_596 = vector.extract %reduce_max3A_595[15] : f32 from vector<16xf32>
      %broadcast_in_dim3A_597 = vector.broadcast %reduce_max3A_596 : f32 to vector<16xf32>
      %select_n3A_598 = arith.select %eq3A_592, %broadcast_in_dim3A_597, %select_n3A_587 : vector<16xi1>, vector<16xf32>
      %get3A_599 = arith.constant 848 : index
      %get3A_600 = tpu.vector_load %arg9[%get3A_599] {strides = array<i32>} : memref<1600xf32, #tpu.memory_space<vmem>>, vector<16xf32>,
      %eq3A_601 = arith.constant 5 : i32
      %eq3A_602 = vector.broadcast %eq3A_601 : i32 to vector<16xi32>
      %eq3A_603 = arith.cmpi eq, %iota3A, %eq3A_602 : vector<16xi32>
      %reduce_max3A_604 = arith.constant true
      %reduce_max3A_605 = vector.broadcast %reduce_max3A_604 : i1 to vector<16xi1>
      %reduce_max3A_606 = tpu.scan <max>, %get3A_600 masked %reduce_max3A_605 : vector<16xf32>, vector<16xi1> -> vector<16xf32>
      %reduce_max3A_607 = vector.extract %reduce_max3A_606[15] : f32 from vector<16xf32>
      %broadcast_in_dim3A_608 = vector.broadcast %reduce_max3A_607 : f32 to vector<16xf32>
      %select_n3A_609 = arith.select %eq3A_603, %broadcast_in_dim3A_608, %select_n3A_598 : vector<16xi1>, vector<16xf32>
      %get3A_610 = arith.constant 864 : index
      %get3A_611 = tpu.vector_load %arg9[%get3A_610] {strides = array<i32>} : memref<1600xf32, #tpu.memory_space<vmem>>, vector<16xf32>,
      %eq3A_612 = arith.constant 6 : i32
      %eq3A_613 = vector.broadcast %eq3A_612 : i32 to vector<16xi32>
      %eq3A_614 = arith.cmpi eq, %iota3A, %eq3A_613 : vector<16xi32>
      %reduce_max3A_615 = arith.constant true
      %reduce_max3A_616 = vector.broadcast %reduce_max3A_615 : i1 to vector<16xi1>
      %reduce_max3A_617 = tpu.scan <max>, %get3A_611 masked %reduce_max3A_616 : vector<16xf32>, vector<16xi1> -> vector<16xf32>
      %reduce_max3A_618 = vector.extract %reduce_max3A_617[15] : f32 from vector<16xf32>
      %broadcast_in_dim3A_619 = vector.broadcast %reduce_max3A_618 : f32 to vector<16xf32>
      %select_n3A_620 = arith.select %eq3A_614, %broadcast_in_dim3A_619, %select_n3A_609 : vector<16xi1>, vector<16xf32>
      %get3A_621 = arith.constant 880 : index
      %get3A_622 = tpu.vector_load %arg9[%get3A_621] {strides = array<i32>} : memref<1600xf32, #tpu.memory_space<vmem>>, vector<16xf32>,
      %eq3A_623 = arith.constant 7 : i32
      %eq3A_624 = vector.broadcast %eq3A_623 : i32 to vector<16xi32>
      %eq3A_625 = arith.cmpi eq, %iota3A, %eq3A_624 : vector<16xi32>
      %reduce_max3A_626 = arith.constant true
      %reduce_max3A_627 = vector.broadcast %reduce_max3A_626 : i1 to vector<16xi1>
      %reduce_max3A_628 = tpu.scan <max>, %get3A_622 masked %reduce_max3A_627 : vector<16xf32>, vector<16xi1> -> vector<16xf32>
      %reduce_max3A_629 = vector.extract %reduce_max3A_628[15] : f32 from vector<16xf32>
      %broadcast_in_dim3A_630 = vector.broadcast %reduce_max3A_629 : f32 to vector<16xf32>
      %select_n3A_631 = arith.select %eq3A_625, %broadcast_in_dim3A_630, %select_n3A_620 : vector<16xi1>, vector<16xf32>
      %get3A_632 = arith.constant 896 : index
      %get3A_633 = tpu.vector_load %arg9[%get3A_632] {strides = array<i32>} : memref<1600xf32, #tpu.memory_space<vmem>>, vector<16xf32>,
      %eq3A_634 = arith.constant 8 : i32
      %eq3A_635 = vector.broadcast %eq3A_634 : i32 to vector<16xi32>
      %eq3A_636 = arith.cmpi eq, %iota3A, %eq3A_635 : vector<16xi32>
      %reduce_max3A_637 = arith.constant true
      %reduce_max3A_638 = vector.broadcast %reduce_max3A_637 : i1 to vector<16xi1>
      %reduce_max3A_639 = tpu.scan <max>, %get3A_633 masked %reduce_max3A_638 : vector<16xf32>, vector<16xi1> -> vector<16xf32>
      %reduce_max3A_640 = vector.extract %reduce_max3A_639[15] : f32 from vector<16xf32>
      %broadcast_in_dim3A_641 = vector.broadcast %reduce_max3A_640 : f32 to vector<16xf32>
      %select_n3A_642 = arith.select %eq3A_636, %broadcast_in_dim3A_641, %select_n3A_631 : vector<16xi1>, vector<16xf32>
      %get3A_643 = arith.constant 912 : index
      %get3A_644 = tpu.vector_load %arg9[%get3A_643] {strides = array<i32>} : memref<1600xf32, #tpu.memory_space<vmem>>, vector<16xf32>,
      %eq3A_645 = arith.constant 9 : i32
      %eq3A_646 = vector.broadcast %eq3A_645 : i32 to vector<16xi32>
      %eq3A_647 = arith.cmpi eq, %iota3A, %eq3A_646 : vector<16xi32>
      %reduce_max3A_648 = arith.constant true
      %reduce_max3A_649 = vector.broadcast %reduce_max3A_648 : i1 to vector<16xi1>
      %reduce_max3A_650 = tpu.scan <max>, %get3A_644 masked %reduce_max3A_649 : vector<16xf32>, vector<16xi1> -> vector<16xf32>
      %reduce_max3A_651 = vector.extract %reduce_max3A_650[15] : f32 from vector<16xf32>
      %broadcast_in_dim3A_652 = vector.broadcast %reduce_max3A_651 : f32 to vector<16xf32>
      %select_n3A_653 = arith.select %eq3A_647, %broadcast_in_dim3A_652, %select_n3A_642 : vector<16xi1>, vector<16xf32>
      %get3A_654 = arith.constant 928 : index
      %get3A_655 = tpu.vector_load %arg9[%get3A_654] {strides = array<i32>} : memref<1600xf32, #tpu.memory_space<vmem>>, vector<16xf32>,
      %eq3A_656 = arith.constant 10 : i32
      %eq3A_657 = vector.broadcast %eq3A_656 : i32 to vector<16xi32>
      %eq3A_658 = arith.cmpi eq, %iota3A, %eq3A_657 : vector<16xi32>
      %reduce_max3A_659 = arith.constant true
      %reduce_max3A_660 = vector.broadcast %reduce_max3A_659 : i1 to vector<16xi1>
      %reduce_max3A_661 = tpu.scan <max>, %get3A_655 masked %reduce_max3A_660 : vector<16xf32>, vector<16xi1> -> vector<16xf32>
      %reduce_max3A_662 = vector.extract %reduce_max3A_661[15] : f32 from vector<16xf32>
      %broadcast_in_dim3A_663 = vector.broadcast %reduce_max3A_662 : f32 to vector<16xf32>
      %select_n3A_664 = arith.select %eq3A_658, %broadcast_in_dim3A_663, %select_n3A_653 : vector<16xi1>, vector<16xf32>
      %get3A_665 = arith.constant 944 : index
      %get3A_666 = tpu.vector_load %arg9[%get3A_665] {strides = array<i32>} : memref<1600xf32, #tpu.memory_space<vmem>>, vector<16xf32>,
      %eq3A_667 = arith.constant 11 : i32
      %eq3A_668 = vector.broadcast %eq3A_667 : i32 to vector<16xi32>
      %eq3A_669 = arith.cmpi eq, %iota3A, %eq3A_668 : vector<16xi32>
      %reduce_max3A_670 = arith.constant true
      %reduce_max3A_671 = vector.broadcast %reduce_max3A_670 : i1 to vector<16xi1>
      %reduce_max3A_672 = tpu.scan <max>, %get3A_666 masked %reduce_max3A_671 : vector<16xf32>, vector<16xi1> -> vector<16xf32>
      %reduce_max3A_673 = vector.extract %reduce_max3A_672[15] : f32 from vector<16xf32>
      %broadcast_in_dim3A_674 = vector.broadcast %reduce_max3A_673 : f32 to vector<16xf32>
      %select_n3A_675 = arith.select %eq3A_669, %broadcast_in_dim3A_674, %select_n3A_664 : vector<16xi1>, vector<16xf32>
      %get3A_676 = arith.constant 960 : index
      %get3A_677 = tpu.vector_load %arg9[%get3A_676] {strides = array<i32>} : memref<1600xf32, #tpu.memory_space<vmem>>, vector<16xf32>,
      %eq3A_678 = arith.constant 12 : i32
      %eq3A_679 = vector.broadcast %eq3A_678 : i32 to vector<16xi32>
      %eq3A_680 = arith.cmpi eq, %iota3A, %eq3A_679 : vector<16xi32>
      %reduce_max3A_681 = arith.constant true
      %reduce_max3A_682 = vector.broadcast %reduce_max3A_681 : i1 to vector<16xi1>
      %reduce_max3A_683 = tpu.scan <max>, %get3A_677 masked %reduce_max3A_682 : vector<16xf32>, vector<16xi1> -> vector<16xf32>
      %reduce_max3A_684 = vector.extract %reduce_max3A_683[15] : f32 from vector<16xf32>
      %broadcast_in_dim3A_685 = vector.broadcast %reduce_max3A_684 : f32 to vector<16xf32>
      %select_n3A_686 = arith.select %eq3A_680, %broadcast_in_dim3A_685, %select_n3A_675 : vector<16xi1>, vector<16xf32>
      %get3A_687 = arith.constant 976 : index
      %get3A_688 = tpu.vector_load %arg9[%get3A_687] {strides = array<i32>} : memref<1600xf32, #tpu.memory_space<vmem>>, vector<16xf32>,
      %eq3A_689 = arith.constant 13 : i32
      %eq3A_690 = vector.broadcast %eq3A_689 : i32 to vector<16xi32>
      %eq3A_691 = arith.cmpi eq, %iota3A, %eq3A_690 : vector<16xi32>
      %reduce_max3A_692 = arith.constant true
      %reduce_max3A_693 = vector.broadcast %reduce_max3A_692 : i1 to vector<16xi1>
      %reduce_max3A_694 = tpu.scan <max>, %get3A_688 masked %reduce_max3A_693 : vector<16xf32>, vector<16xi1> -> vector<16xf32>
      %reduce_max3A_695 = vector.extract %reduce_max3A_694[15] : f32 from vector<16xf32>
      %broadcast_in_dim3A_696 = vector.broadcast %reduce_max3A_695 : f32 to vector<16xf32>
      %select_n3A_697 = arith.select %eq3A_691, %broadcast_in_dim3A_696, %select_n3A_686 : vector<16xi1>, vector<16xf32>
      %get3A_698 = arith.constant 992 : index
      %get3A_699 = tpu.vector_load %arg9[%get3A_698] {strides = array<i32>} : memref<1600xf32, #tpu.memory_space<vmem>>, vector<16xf32>,
      %eq3A_700 = arith.constant 14 : i32
      %eq3A_701 = vector.broadcast %eq3A_700 : i32 to vector<16xi32>
      %eq3A_702 = arith.cmpi eq, %iota3A, %eq3A_701 : vector<16xi32>
      %reduce_max3A_703 = arith.constant true
      %reduce_max3A_704 = vector.broadcast %reduce_max3A_703 : i1 to vector<16xi1>
      %reduce_max3A_705 = tpu.scan <max>, %get3A_699 masked %reduce_max3A_704 : vector<16xf32>, vector<16xi1> -> vector<16xf32>
      %reduce_max3A_706 = vector.extract %reduce_max3A_705[15] : f32 from vector<16xf32>
      %broadcast_in_dim3A_707 = vector.broadcast %reduce_max3A_706 : f32 to vector<16xf32>
      %select_n3A_708 = arith.select %eq3A_702, %broadcast_in_dim3A_707, %select_n3A_697 : vector<16xi1>, vector<16xf32>
      %get3A_709 = arith.constant 1008 : index
      %get3A_710 = tpu.vector_load %arg9[%get3A_709] {strides = array<i32>} : memref<1600xf32, #tpu.memory_space<vmem>>, vector<16xf32>,
      %eq3A_711 = arith.constant 15 : i32
      %eq3A_712 = vector.broadcast %eq3A_711 : i32 to vector<16xi32>
      %eq3A_713 = arith.cmpi eq, %iota3A, %eq3A_712 : vector<16xi32>
      %reduce_max3A_714 = arith.constant true
      %reduce_max3A_715 = vector.broadcast %reduce_max3A_714 : i1 to vector<16xi1>
      %reduce_max3A_716 = tpu.scan <max>, %get3A_710 masked %reduce_max3A_715 : vector<16xf32>, vector<16xi1> -> vector<16xf32>
      %reduce_max3A_717 = vector.extract %reduce_max3A_716[15] : f32 from vector<16xf32>
      %broadcast_in_dim3A_718 = vector.broadcast %reduce_max3A_717 : f32 to vector<16xf32>
      %select_n3A_719 = arith.select %eq3A_713, %broadcast_in_dim3A_718, %select_n3A_708 : vector<16xi1>, vector<16xf32>
      %swap3A_720 = arith.constant 48 : index
      %swap3A_721 = tpu.vector_load %arg10[%swap3A_720] {strides = array<i32>} : memref<112xf32, #tpu.memory_space<vmem>>, vector<16xf32>,
      tpu.vector_store %arg10[%swap3A_720], %select_n3A_719 {strides = array<i32>} : memref<112xf32, #tpu.memory_space<vmem>>, vector<16xf32>,
      %broadcast_in_dim3A_722 = arith.constant -1.000000e+30 : f32
      %broadcast_in_dim3A_723 = vector.broadcast %broadcast_in_dim3A_722 : f32 to vector<16xf32>
      %get3A_724 = arith.constant 1024 : index
      %get3A_725 = tpu.vector_load %arg9[%get3A_724] {strides = array<i32>} : memref<1600xf32, #tpu.memory_space<vmem>>, vector<16xf32>,
      %eq3A_726 = arith.constant 0 : i32
      %eq3A_727 = vector.broadcast %eq3A_726 : i32 to vector<16xi32>
      %eq3A_728 = arith.cmpi eq, %iota3A, %eq3A_727 : vector<16xi32>
      %reduce_max3A_729 = arith.constant true
      %reduce_max3A_730 = vector.broadcast %reduce_max3A_729 : i1 to vector<16xi1>
      %reduce_max3A_731 = tpu.scan <max>, %get3A_725 masked %reduce_max3A_730 : vector<16xf32>, vector<16xi1> -> vector<16xf32>
      %reduce_max3A_732 = vector.extract %reduce_max3A_731[15] : f32 from vector<16xf32>
      %broadcast_in_dim3A_733 = vector.broadcast %reduce_max3A_732 : f32 to vector<16xf32>
      %select_n3A_734 = arith.select %eq3A_728, %broadcast_in_dim3A_733, %broadcast_in_dim3A_723 : vector<16xi1>, vector<16xf32>
      %get3A_735 = arith.constant 1040 : index
      %get3A_736 = tpu.vector_load %arg9[%get3A_735] {strides = array<i32>} : memref<1600xf32, #tpu.memory_space<vmem>>, vector<16xf32>,
      %eq3A_737 = arith.constant 1 : i32
      %eq3A_738 = vector.broadcast %eq3A_737 : i32 to vector<16xi32>
      %eq3A_739 = arith.cmpi eq, %iota3A, %eq3A_738 : vector<16xi32>
      %reduce_max3A_740 = arith.constant true
      %reduce_max3A_741 = vector.broadcast %reduce_max3A_740 : i1 to vector<16xi1>
      %reduce_max3A_742 = tpu.scan <max>, %get3A_736 masked %reduce_max3A_741 : vector<16xf32>, vector<16xi1> -> vector<16xf32>
      %reduce_max3A_743 = vector.extract %reduce_max3A_742[15] : f32 from vector<16xf32>
      %broadcast_in_dim3A_744 = vector.broadcast %reduce_max3A_743 : f32 to vector<16xf32>
      %select_n3A_745 = arith.select %eq3A_739, %broadcast_in_dim3A_744, %select_n3A_734 : vector<16xi1>, vector<16xf32>
      %get3A_746 = arith.constant 1056 : index
      %get3A_747 = tpu.vector_load %arg9[%get3A_746] {strides = array<i32>} : memref<1600xf32, #tpu.memory_space<vmem>>, vector<16xf32>,
      %eq3A_748 = arith.constant 2 : i32
      %eq3A_749 = vector.broadcast %eq3A_748 : i32 to vector<16xi32>
      %eq3A_750 = arith.cmpi eq, %iota3A, %eq3A_749 : vector<16xi32>
      %reduce_max3A_751 = arith.constant true
      %reduce_max3A_752 = vector.broadcast %reduce_max3A_751 : i1 to vector<16xi1>
      %reduce_max3A_753 = tpu.scan <max>, %get3A_747 masked %reduce_max3A_752 : vector<16xf32>, vector<16xi1> -> vector<16xf32>
      %reduce_max3A_754 = vector.extract %reduce_max3A_753[15] : f32 from vector<16xf32>
      %broadcast_in_dim3A_755 = vector.broadcast %reduce_max3A_754 : f32 to vector<16xf32>
      %select_n3A_756 = arith.select %eq3A_750, %broadcast_in_dim3A_755, %select_n3A_745 : vector<16xi1>, vector<16xf32>
      %get3A_757 = arith.constant 1072 : index
      %get3A_758 = tpu.vector_load %arg9[%get3A_757] {strides = array<i32>} : memref<1600xf32, #tpu.memory_space<vmem>>, vector<16xf32>,
      %eq3A_759 = arith.constant 3 : i32
      %eq3A_760 = vector.broadcast %eq3A_759 : i32 to vector<16xi32>
      %eq3A_761 = arith.cmpi eq, %iota3A, %eq3A_760 : vector<16xi32>
      %reduce_max3A_762 = arith.constant true
      %reduce_max3A_763 = vector.broadcast %reduce_max3A_762 : i1 to vector<16xi1>
      %reduce_max3A_764 = tpu.scan <max>, %get3A_758 masked %reduce_max3A_763 : vector<16xf32>, vector<16xi1> -> vector<16xf32>
      %reduce_max3A_765 = vector.extract %reduce_max3A_764[15] : f32 from vector<16xf32>
      %broadcast_in_dim3A_766 = vector.broadcast %reduce_max3A_765 : f32 to vector<16xf32>
      %select_n3A_767 = arith.select %eq3A_761, %broadcast_in_dim3A_766, %select_n3A_756 : vector<16xi1>, vector<16xf32>
      %get3A_768 = arith.constant 1088 : index
      %get3A_769 = tpu.vector_load %arg9[%get3A_768] {strides = array<i32>} : memref<1600xf32, #tpu.memory_space<vmem>>, vector<16xf32>,
      %eq3A_770 = arith.constant 4 : i32
      %eq3A_771 = vector.broadcast %eq3A_770 : i32 to vector<16xi32>
      %eq3A_772 = arith.cmpi eq, %iota3A, %eq3A_771 : vector<16xi32>
      %reduce_max3A_773 = arith.constant true
      %reduce_max3A_774 = vector.broadcast %reduce_max3A_773 : i1 to vector<16xi1>
      %reduce_max3A_775 = tpu.scan <max>, %get3A_769 masked %reduce_max3A_774 : vector<16xf32>, vector<16xi1> -> vector<16xf32>
      %reduce_max3A_776 = vector.extract %reduce_max3A_775[15] : f32 from vector<16xf32>
      %broadcast_in_dim3A_777 = vector.broadcast %reduce_max3A_776 : f32 to vector<16xf32>
      %select_n3A_778 = arith.select %eq3A_772, %broadcast_in_dim3A_777, %select_n3A_767 : vector<16xi1>, vector<16xf32>
      %get3A_779 = arith.constant 1104 : index
      %get3A_780 = tpu.vector_load %arg9[%get3A_779] {strides = array<i32>} : memref<1600xf32, #tpu.memory_space<vmem>>, vector<16xf32>,
      %eq3A_781 = arith.constant 5 : i32
      %eq3A_782 = vector.broadcast %eq3A_781 : i32 to vector<16xi32>
      %eq3A_783 = arith.cmpi eq, %iota3A, %eq3A_782 : vector<16xi32>
      %reduce_max3A_784 = arith.constant true
      %reduce_max3A_785 = vector.broadcast %reduce_max3A_784 : i1 to vector<16xi1>
      %reduce_max3A_786 = tpu.scan <max>, %get3A_780 masked %reduce_max3A_785 : vector<16xf32>, vector<16xi1> -> vector<16xf32>
      %reduce_max3A_787 = vector.extract %reduce_max3A_786[15] : f32 from vector<16xf32>
      %broadcast_in_dim3A_788 = vector.broadcast %reduce_max3A_787 : f32 to vector<16xf32>
      %select_n3A_789 = arith.select %eq3A_783, %broadcast_in_dim3A_788, %select_n3A_778 : vector<16xi1>, vector<16xf32>
      %get3A_790 = arith.constant 1120 : index
      %get3A_791 = tpu.vector_load %arg9[%get3A_790] {strides = array<i32>} : memref<1600xf32, #tpu.memory_space<vmem>>, vector<16xf32>,
      %eq3A_792 = arith.constant 6 : i32
      %eq3A_793 = vector.broadcast %eq3A_792 : i32 to vector<16xi32>
      %eq3A_794 = arith.cmpi eq, %iota3A, %eq3A_793 : vector<16xi32>
      %reduce_max3A_795 = arith.constant true
      %reduce_max3A_796 = vector.broadcast %reduce_max3A_795 : i1 to vector<16xi1>
      %reduce_max3A_797 = tpu.scan <max>, %get3A_791 masked %reduce_max3A_796 : vector<16xf32>, vector<16xi1> -> vector<16xf32>
      %reduce_max3A_798 = vector.extract %reduce_max3A_797[15] : f32 from vector<16xf32>
      %broadcast_in_dim3A_799 = vector.broadcast %reduce_max3A_798 : f32 to vector<16xf32>
      %select_n3A_800 = arith.select %eq3A_794, %broadcast_in_dim3A_799, %select_n3A_789 : vector<16xi1>, vector<16xf32>
      %get3A_801 = arith.constant 1136 : index
      %get3A_802 = tpu.vector_load %arg9[%get3A_801] {strides = array<i32>} : memref<1600xf32, #tpu.memory_space<vmem>>, vector<16xf32>,
      %eq3A_803 = arith.constant 7 : i32
      %eq3A_804 = vector.broadcast %eq3A_803 : i32 to vector<16xi32>
      %eq3A_805 = arith.cmpi eq, %iota3A, %eq3A_804 : vector<16xi32>
      %reduce_max3A_806 = arith.constant true
      %reduce_max3A_807 = vector.broadcast %reduce_max3A_806 : i1 to vector<16xi1>
      %reduce_max3A_808 = tpu.scan <max>, %get3A_802 masked %reduce_max3A_807 : vector<16xf32>, vector<16xi1> -> vector<16xf32>
      %reduce_max3A_809 = vector.extract %reduce_max3A_808[15] : f32 from vector<16xf32>
      %broadcast_in_dim3A_810 = vector.broadcast %reduce_max3A_809 : f32 to vector<16xf32>
      %select_n3A_811 = arith.select %eq3A_805, %broadcast_in_dim3A_810, %select_n3A_800 : vector<16xi1>, vector<16xf32>
      %get3A_812 = arith.constant 1152 : index
      %get3A_813 = tpu.vector_load %arg9[%get3A_812] {strides = array<i32>} : memref<1600xf32, #tpu.memory_space<vmem>>, vector<16xf32>,
      %eq3A_814 = arith.constant 8 : i32
      %eq3A_815 = vector.broadcast %eq3A_814 : i32 to vector<16xi32>
      %eq3A_816 = arith.cmpi eq, %iota3A, %eq3A_815 : vector<16xi32>
      %reduce_max3A_817 = arith.constant true
      %reduce_max3A_818 = vector.broadcast %reduce_max3A_817 : i1 to vector<16xi1>
      %reduce_max3A_819 = tpu.scan <max>, %get3A_813 masked %reduce_max3A_818 : vector<16xf32>, vector<16xi1> -> vector<16xf32>
      %reduce_max3A_820 = vector.extract %reduce_max3A_819[15] : f32 from vector<16xf32>
      %broadcast_in_dim3A_821 = vector.broadcast %reduce_max3A_820 : f32 to vector<16xf32>
      %select_n3A_822 = arith.select %eq3A_816, %broadcast_in_dim3A_821, %select_n3A_811 : vector<16xi1>, vector<16xf32>
      %get3A_823 = arith.constant 1168 : index
      %get3A_824 = tpu.vector_load %arg9[%get3A_823] {strides = array<i32>} : memref<1600xf32, #tpu.memory_space<vmem>>, vector<16xf32>,
      %eq3A_825 = arith.constant 9 : i32
      %eq3A_826 = vector.broadcast %eq3A_825 : i32 to vector<16xi32>
      %eq3A_827 = arith.cmpi eq, %iota3A, %eq3A_826 : vector<16xi32>
      %reduce_max3A_828 = arith.constant true
      %reduce_max3A_829 = vector.broadcast %reduce_max3A_828 : i1 to vector<16xi1>
      %reduce_max3A_830 = tpu.scan <max>, %get3A_824 masked %reduce_max3A_829 : vector<16xf32>, vector<16xi1> -> vector<16xf32>
      %reduce_max3A_831 = vector.extract %reduce_max3A_830[15] : f32 from vector<16xf32>
      %broadcast_in_dim3A_832 = vector.broadcast %reduce_max3A_831 : f32 to vector<16xf32>
      %select_n3A_833 = arith.select %eq3A_827, %broadcast_in_dim3A_832, %select_n3A_822 : vector<16xi1>, vector<16xf32>
      %get3A_834 = arith.constant 1184 : index
      %get3A_835 = tpu.vector_load %arg9[%get3A_834] {strides = array<i32>} : memref<1600xf32, #tpu.memory_space<vmem>>, vector<16xf32>,
      %eq3A_836 = arith.constant 10 : i32
      %eq3A_837 = vector.broadcast %eq3A_836 : i32 to vector<16xi32>
      %eq3A_838 = arith.cmpi eq, %iota3A, %eq3A_837 : vector<16xi32>
      %reduce_max3A_839 = arith.constant true
      %reduce_max3A_840 = vector.broadcast %reduce_max3A_839 : i1 to vector<16xi1>
      %reduce_max3A_841 = tpu.scan <max>, %get3A_835 masked %reduce_max3A_840 : vector<16xf32>, vector<16xi1> -> vector<16xf32>
      %reduce_max3A_842 = vector.extract %reduce_max3A_841[15] : f32 from vector<16xf32>
      %broadcast_in_dim3A_843 = vector.broadcast %reduce_max3A_842 : f32 to vector<16xf32>
      %select_n3A_844 = arith.select %eq3A_838, %broadcast_in_dim3A_843, %select_n3A_833 : vector<16xi1>, vector<16xf32>
      %get3A_845 = arith.constant 1200 : index
      %get3A_846 = tpu.vector_load %arg9[%get3A_845] {strides = array<i32>} : memref<1600xf32, #tpu.memory_space<vmem>>, vector<16xf32>,
      %eq3A_847 = arith.constant 11 : i32
      %eq3A_848 = vector.broadcast %eq3A_847 : i32 to vector<16xi32>
      %eq3A_849 = arith.cmpi eq, %iota3A, %eq3A_848 : vector<16xi32>
      %reduce_max3A_850 = arith.constant true
      %reduce_max3A_851 = vector.broadcast %reduce_max3A_850 : i1 to vector<16xi1>
      %reduce_max3A_852 = tpu.scan <max>, %get3A_846 masked %reduce_max3A_851 : vector<16xf32>, vector<16xi1> -> vector<16xf32>
      %reduce_max3A_853 = vector.extract %reduce_max3A_852[15] : f32 from vector<16xf32>
      %broadcast_in_dim3A_854 = vector.broadcast %reduce_max3A_853 : f32 to vector<16xf32>
      %select_n3A_855 = arith.select %eq3A_849, %broadcast_in_dim3A_854, %select_n3A_844 : vector<16xi1>, vector<16xf32>
      %get3A_856 = arith.constant 1216 : index
      %get3A_857 = tpu.vector_load %arg9[%get3A_856] {strides = array<i32>} : memref<1600xf32, #tpu.memory_space<vmem>>, vector<16xf32>,
      %eq3A_858 = arith.constant 12 : i32
      %eq3A_859 = vector.broadcast %eq3A_858 : i32 to vector<16xi32>
      %eq3A_860 = arith.cmpi eq, %iota3A, %eq3A_859 : vector<16xi32>
      %reduce_max3A_861 = arith.constant true
      %reduce_max3A_862 = vector.broadcast %reduce_max3A_861 : i1 to vector<16xi1>
      %reduce_max3A_863 = tpu.scan <max>, %get3A_857 masked %reduce_max3A_862 : vector<16xf32>, vector<16xi1> -> vector<16xf32>
      %reduce_max3A_864 = vector.extract %reduce_max3A_863[15] : f32 from vector<16xf32>
      %broadcast_in_dim3A_865 = vector.broadcast %reduce_max3A_864 : f32 to vector<16xf32>
      %select_n3A_866 = arith.select %eq3A_860, %broadcast_in_dim3A_865, %select_n3A_855 : vector<16xi1>, vector<16xf32>
      %get3A_867 = arith.constant 1232 : index
      %get3A_868 = tpu.vector_load %arg9[%get3A_867] {strides = array<i32>} : memref<1600xf32, #tpu.memory_space<vmem>>, vector<16xf32>,
      %eq3A_869 = arith.constant 13 : i32
      %eq3A_870 = vector.broadcast %eq3A_869 : i32 to vector<16xi32>
      %eq3A_871 = arith.cmpi eq, %iota3A, %eq3A_870 : vector<16xi32>
      %reduce_max3A_872 = arith.constant true
      %reduce_max3A_873 = vector.broadcast %reduce_max3A_872 : i1 to vector<16xi1>
      %reduce_max3A_874 = tpu.scan <max>, %get3A_868 masked %reduce_max3A_873 : vector<16xf32>, vector<16xi1> -> vector<16xf32>
      %reduce_max3A_875 = vector.extract %reduce_max3A_874[15] : f32 from vector<16xf32>
      %broadcast_in_dim3A_876 = vector.broadcast %reduce_max3A_875 : f32 to vector<16xf32>
      %select_n3A_877 = arith.select %eq3A_871, %broadcast_in_dim3A_876, %select_n3A_866 : vector<16xi1>, vector<16xf32>
      %get3A_878 = arith.constant 1248 : index
      %get3A_879 = tpu.vector_load %arg9[%get3A_878] {strides = array<i32>} : memref<1600xf32, #tpu.memory_space<vmem>>, vector<16xf32>,
      %eq3A_880 = arith.constant 14 : i32
      %eq3A_881 = vector.broadcast %eq3A_880 : i32 to vector<16xi32>
      %eq3A_882 = arith.cmpi eq, %iota3A, %eq3A_881 : vector<16xi32>
      %reduce_max3A_883 = arith.constant true
      %reduce_max3A_884 = vector.broadcast %reduce_max3A_883 : i1 to vector<16xi1>
      %reduce_max3A_885 = tpu.scan <max>, %get3A_879 masked %reduce_max3A_884 : vector<16xf32>, vector<16xi1> -> vector<16xf32>
      %reduce_max3A_886 = vector.extract %reduce_max3A_885[15] : f32 from vector<16xf32>
      %broadcast_in_dim3A_887 = vector.broadcast %reduce_max3A_886 : f32 to vector<16xf32>
      %select_n3A_888 = arith.select %eq3A_882, %broadcast_in_dim3A_887, %select_n3A_877 : vector<16xi1>, vector<16xf32>
      %get3A_889 = arith.constant 1264 : index
      %get3A_890 = tpu.vector_load %arg9[%get3A_889] {strides = array<i32>} : memref<1600xf32, #tpu.memory_space<vmem>>, vector<16xf32>,
      %eq3A_891 = arith.constant 15 : i32
      %eq3A_892 = vector.broadcast %eq3A_891 : i32 to vector<16xi32>
      %eq3A_893 = arith.cmpi eq, %iota3A, %eq3A_892 : vector<16xi32>
      %reduce_max3A_894 = arith.constant true
      %reduce_max3A_895 = vector.broadcast %reduce_max3A_894 : i1 to vector<16xi1>
      %reduce_max3A_896 = tpu.scan <max>, %get3A_890 masked %reduce_max3A_895 : vector<16xf32>, vector<16xi1> -> vector<16xf32>
      %reduce_max3A_897 = vector.extract %reduce_max3A_896[15] : f32 from vector<16xf32>
      %broadcast_in_dim3A_898 = vector.broadcast %reduce_max3A_897 : f32 to vector<16xf32>
      %select_n3A_899 = arith.select %eq3A_893, %broadcast_in_dim3A_898, %select_n3A_888 : vector<16xi1>, vector<16xf32>
      %swap3A_900 = arith.constant 64 : index
      %swap3A_901 = tpu.vector_load %arg10[%swap3A_900] {strides = array<i32>} : memref<112xf32, #tpu.memory_space<vmem>>, vector<16xf32>,
      tpu.vector_store %arg10[%swap3A_900], %select_n3A_899 {strides = array<i32>} : memref<112xf32, #tpu.memory_space<vmem>>, vector<16xf32>,
      %broadcast_in_dim3A_902 = arith.constant -1.000000e+30 : f32
      %broadcast_in_dim3A_903 = vector.broadcast %broadcast_in_dim3A_902 : f32 to vector<16xf32>
      %get3A_904 = arith.constant 1280 : index
      %get3A_905 = tpu.vector_load %arg9[%get3A_904] {strides = array<i32>} : memref<1600xf32, #tpu.memory_space<vmem>>, vector<16xf32>,
      %eq3A_906 = arith.constant 0 : i32
      %eq3A_907 = vector.broadcast %eq3A_906 : i32 to vector<16xi32>
      %eq3A_908 = arith.cmpi eq, %iota3A, %eq3A_907 : vector<16xi32>
      %reduce_max3A_909 = arith.constant true
      %reduce_max3A_910 = vector.broadcast %reduce_max3A_909 : i1 to vector<16xi1>
      %reduce_max3A_911 = tpu.scan <max>, %get3A_905 masked %reduce_max3A_910 : vector<16xf32>, vector<16xi1> -> vector<16xf32>
      %reduce_max3A_912 = vector.extract %reduce_max3A_911[15] : f32 from vector<16xf32>
      %broadcast_in_dim3A_913 = vector.broadcast %reduce_max3A_912 : f32 to vector<16xf32>
      %select_n3A_914 = arith.select %eq3A_908, %broadcast_in_dim3A_913, %broadcast_in_dim3A_903 : vector<16xi1>, vector<16xf32>
      %get3A_915 = arith.constant 1296 : index
      %get3A_916 = tpu.vector_load %arg9[%get3A_915] {strides = array<i32>} : memref<1600xf32, #tpu.memory_space<vmem>>, vector<16xf32>,
      %eq3A_917 = arith.constant 1 : i32
      %eq3A_918 = vector.broadcast %eq3A_917 : i32 to vector<16xi32>
      %eq3A_919 = arith.cmpi eq, %iota3A, %eq3A_918 : vector<16xi32>
      %reduce_max3A_920 = arith.constant true
      %reduce_max3A_921 = vector.broadcast %reduce_max3A_920 : i1 to vector<16xi1>
      %reduce_max3A_922 = tpu.scan <max>, %get3A_916 masked %reduce_max3A_921 : vector<16xf32>, vector<16xi1> -> vector<16xf32>
      %reduce_max3A_923 = vector.extract %reduce_max3A_922[15] : f32 from vector<16xf32>
      %broadcast_in_dim3A_924 = vector.broadcast %reduce_max3A_923 : f32 to vector<16xf32>
      %select_n3A_925 = arith.select %eq3A_919, %broadcast_in_dim3A_924, %select_n3A_914 : vector<16xi1>, vector<16xf32>
      %get3A_926 = arith.constant 1312 : index
      %get3A_927 = tpu.vector_load %arg9[%get3A_926] {strides = array<i32>} : memref<1600xf32, #tpu.memory_space<vmem>>, vector<16xf32>,
      %eq3A_928 = arith.constant 2 : i32
      %eq3A_929 = vector.broadcast %eq3A_928 : i32 to vector<16xi32>
      %eq3A_930 = arith.cmpi eq, %iota3A, %eq3A_929 : vector<16xi32>
      %reduce_max3A_931 = arith.constant true
      %reduce_max3A_932 = vector.broadcast %reduce_max3A_931 : i1 to vector<16xi1>
      %reduce_max3A_933 = tpu.scan <max>, %get3A_927 masked %reduce_max3A_932 : vector<16xf32>, vector<16xi1> -> vector<16xf32>
      %reduce_max3A_934 = vector.extract %reduce_max3A_933[15] : f32 from vector<16xf32>
      %broadcast_in_dim3A_935 = vector.broadcast %reduce_max3A_934 : f32 to vector<16xf32>
      %select_n3A_936 = arith.select %eq3A_930, %broadcast_in_dim3A_935, %select_n3A_925 : vector<16xi1>, vector<16xf32>
      %get3A_937 = arith.constant 1328 : index
      %get3A_938 = tpu.vector_load %arg9[%get3A_937] {strides = array<i32>} : memref<1600xf32, #tpu.memory_space<vmem>>, vector<16xf32>,
      %eq3A_939 = arith.constant 3 : i32
      %eq3A_940 = vector.broadcast %eq3A_939 : i32 to vector<16xi32>
      %eq3A_941 = arith.cmpi eq, %iota3A, %eq3A_940 : vector<16xi32>
      %reduce_max3A_942 = arith.constant true
      %reduce_max3A_943 = vector.broadcast %reduce_max3A_942 : i1 to vector<16xi1>
      %reduce_max3A_944 = tpu.scan <max>, %get3A_938 masked %reduce_max3A_943 : vector<16xf32>, vector<16xi1> -> vector<16xf32>
      %reduce_max3A_945 = vector.extract %reduce_max3A_944[15] : f32 from vector<16xf32>
      %broadcast_in_dim3A_946 = vector.broadcast %reduce_max3A_945 : f32 to vector<16xf32>
      %select_n3A_947 = arith.select %eq3A_941, %broadcast_in_dim3A_946, %select_n3A_936 : vector<16xi1>, vector<16xf32>
      %get3A_948 = arith.constant 1344 : index
      %get3A_949 = tpu.vector_load %arg9[%get3A_948] {strides = array<i32>} : memref<1600xf32, #tpu.memory_space<vmem>>, vector<16xf32>,
      %eq3A_950 = arith.constant 4 : i32
      %eq3A_951 = vector.broadcast %eq3A_950 : i32 to vector<16xi32>
      %eq3A_952 = arith.cmpi eq, %iota3A, %eq3A_951 : vector<16xi32>
      %reduce_max3A_953 = arith.constant true
      %reduce_max3A_954 = vector.broadcast %reduce_max3A_953 : i1 to vector<16xi1>
      %reduce_max3A_955 = tpu.scan <max>, %get3A_949 masked %reduce_max3A_954 : vector<16xf32>, vector<16xi1> -> vector<16xf32>
      %reduce_max3A_956 = vector.extract %reduce_max3A_955[15] : f32 from vector<16xf32>
      %broadcast_in_dim3A_957 = vector.broadcast %reduce_max3A_956 : f32 to vector<16xf32>
      %select_n3A_958 = arith.select %eq3A_952, %broadcast_in_dim3A_957, %select_n3A_947 : vector<16xi1>, vector<16xf32>
      %get3A_959 = arith.constant 1360 : index
      %get3A_960 = tpu.vector_load %arg9[%get3A_959] {strides = array<i32>} : memref<1600xf32, #tpu.memory_space<vmem>>, vector<16xf32>,
      %eq3A_961 = arith.constant 5 : i32
      %eq3A_962 = vector.broadcast %eq3A_961 : i32 to vector<16xi32>
      %eq3A_963 = arith.cmpi eq, %iota3A, %eq3A_962 : vector<16xi32>
      %reduce_max3A_964 = arith.constant true
      %reduce_max3A_965 = vector.broadcast %reduce_max3A_964 : i1 to vector<16xi1>
      %reduce_max3A_966 = tpu.scan <max>, %get3A_960 masked %reduce_max3A_965 : vector<16xf32>, vector<16xi1> -> vector<16xf32>
      %reduce_max3A_967 = vector.extract %reduce_max3A_966[15] : f32 from vector<16xf32>
      %broadcast_in_dim3A_968 = vector.broadcast %reduce_max3A_967 : f32 to vector<16xf32>
      %select_n3A_969 = arith.select %eq3A_963, %broadcast_in_dim3A_968, %select_n3A_958 : vector<16xi1>, vector<16xf32>
      %get3A_970 = arith.constant 1376 : index
      %get3A_971 = tpu.vector_load %arg9[%get3A_970] {strides = array<i32>} : memref<1600xf32, #tpu.memory_space<vmem>>, vector<16xf32>,
      %eq3A_972 = arith.constant 6 : i32
      %eq3A_973 = vector.broadcast %eq3A_972 : i32 to vector<16xi32>
      %eq3A_974 = arith.cmpi eq, %iota3A, %eq3A_973 : vector<16xi32>
      %reduce_max3A_975 = arith.constant true
      %reduce_max3A_976 = vector.broadcast %reduce_max3A_975 : i1 to vector<16xi1>
      %reduce_max3A_977 = tpu.scan <max>, %get3A_971 masked %reduce_max3A_976 : vector<16xf32>, vector<16xi1> -> vector<16xf32>
      %reduce_max3A_978 = vector.extract %reduce_max3A_977[15] : f32 from vector<16xf32>
      %broadcast_in_dim3A_979 = vector.broadcast %reduce_max3A_978 : f32 to vector<16xf32>
      %select_n3A_980 = arith.select %eq3A_974, %broadcast_in_dim3A_979, %select_n3A_969 : vector<16xi1>, vector<16xf32>
      %get3A_981 = arith.constant 1392 : index
      %get3A_982 = tpu.vector_load %arg9[%get3A_981] {strides = array<i32>} : memref<1600xf32, #tpu.memory_space<vmem>>, vector<16xf32>,
      %eq3A_983 = arith.constant 7 : i32
      %eq3A_984 = vector.broadcast %eq3A_983 : i32 to vector<16xi32>
      %eq3A_985 = arith.cmpi eq, %iota3A, %eq3A_984 : vector<16xi32>
      %reduce_max3A_986 = arith.constant true
      %reduce_max3A_987 = vector.broadcast %reduce_max3A_986 : i1 to vector<16xi1>
      %reduce_max3A_988 = tpu.scan <max>, %get3A_982 masked %reduce_max3A_987 : vector<16xf32>, vector<16xi1> -> vector<16xf32>
      %reduce_max3A_989 = vector.extract %reduce_max3A_988[15] : f32 from vector<16xf32>
      %broadcast_in_dim3A_990 = vector.broadcast %reduce_max3A_989 : f32 to vector<16xf32>
      %select_n3A_991 = arith.select %eq3A_985, %broadcast_in_dim3A_990, %select_n3A_980 : vector<16xi1>, vector<16xf32>
      %get3A_992 = arith.constant 1408 : index
      %get3A_993 = tpu.vector_load %arg9[%get3A_992] {strides = array<i32>} : memref<1600xf32, #tpu.memory_space<vmem>>, vector<16xf32>,
      %eq3A_994 = arith.constant 8 : i32
      %eq3A_995 = vector.broadcast %eq3A_994 : i32 to vector<16xi32>
      %eq3A_996 = arith.cmpi eq, %iota3A, %eq3A_995 : vector<16xi32>
      %reduce_max3A_997 = arith.constant true
      %reduce_max3A_998 = vector.broadcast %reduce_max3A_997 : i1 to vector<16xi1>
      %reduce_max3A_999 = tpu.scan <max>, %get3A_993 masked %reduce_max3A_998 : vector<16xf32>, vector<16xi1> -> vector<16xf32>
      %reduce_max3A_1000 = vector.extract %reduce_max3A_999[15] : f32 from vector<16xf32>
      %broadcast_in_dim3A_1001 = vector.broadcast %reduce_max3A_1000 : f32 to vector<16xf32>
      %select_n3A_1002 = arith.select %eq3A_996, %broadcast_in_dim3A_1001, %select_n3A_991 : vector<16xi1>, vector<16xf32>
      %get3A_1003 = arith.constant 1424 : index
      %get3A_1004 = tpu.vector_load %arg9[%get3A_1003] {strides = array<i32>} : memref<1600xf32, #tpu.memory_space<vmem>>, vector<16xf32>,
      %eq3A_1005 = arith.constant 9 : i32
      %eq3A_1006 = vector.broadcast %eq3A_1005 : i32 to vector<16xi32>
      %eq3A_1007 = arith.cmpi eq, %iota3A, %eq3A_1006 : vector<16xi32>
      %reduce_max3A_1008 = arith.constant true
      %reduce_max3A_1009 = vector.broadcast %reduce_max3A_1008 : i1 to vector<16xi1>
      %reduce_max3A_1010 = tpu.scan <max>, %get3A_1004 masked %reduce_max3A_1009 : vector<16xf32>, vector<16xi1> -> vector<16xf32>
      %reduce_max3A_1011 = vector.extract %reduce_max3A_1010[15] : f32 from vector<16xf32>
      %broadcast_in_dim3A_1012 = vector.broadcast %reduce_max3A_1011 : f32 to vector<16xf32>
      %select_n3A_1013 = arith.select %eq3A_1007, %broadcast_in_dim3A_1012, %select_n3A_1002 : vector<16xi1>, vector<16xf32>
      %get3A_1014 = arith.constant 1440 : index
      %get3A_1015 = tpu.vector_load %arg9[%get3A_1014] {strides = array<i32>} : memref<1600xf32, #tpu.memory_space<vmem>>, vector<16xf32>,
      %eq3A_1016 = arith.constant 10 : i32
      %eq3A_1017 = vector.broadcast %eq3A_1016 : i32 to vector<16xi32>
      %eq3A_1018 = arith.cmpi eq, %iota3A, %eq3A_1017 : vector<16xi32>
      %reduce_max3A_1019 = arith.constant true
      %reduce_max3A_1020 = vector.broadcast %reduce_max3A_1019 : i1 to vector<16xi1>
      %reduce_max3A_1021 = tpu.scan <max>, %get3A_1015 masked %reduce_max3A_1020 : vector<16xf32>, vector<16xi1> -> vector<16xf32>
      %reduce_max3A_1022 = vector.extract %reduce_max3A_1021[15] : f32 from vector<16xf32>
      %broadcast_in_dim3A_1023 = vector.broadcast %reduce_max3A_1022 : f32 to vector<16xf32>
      %select_n3A_1024 = arith.select %eq3A_1018, %broadcast_in_dim3A_1023, %select_n3A_1013 : vector<16xi1>, vector<16xf32>
      %get3A_1025 = arith.constant 1456 : index
      %get3A_1026 = tpu.vector_load %arg9[%get3A_1025] {strides = array<i32>} : memref<1600xf32, #tpu.memory_space<vmem>>, vector<16xf32>,
      %eq3A_1027 = arith.constant 11 : i32
      %eq3A_1028 = vector.broadcast %eq3A_1027 : i32 to vector<16xi32>
      %eq3A_1029 = arith.cmpi eq, %iota3A, %eq3A_1028 : vector<16xi32>
      %reduce_max3A_1030 = arith.constant true
      %reduce_max3A_1031 = vector.broadcast %reduce_max3A_1030 : i1 to vector<16xi1>
      %reduce_max3A_1032 = tpu.scan <max>, %get3A_1026 masked %reduce_max3A_1031 : vector<16xf32>, vector<16xi1> -> vector<16xf32>
      %reduce_max3A_1033 = vector.extract %reduce_max3A_1032[15] : f32 from vector<16xf32>
      %broadcast_in_dim3A_1034 = vector.broadcast %reduce_max3A_1033 : f32 to vector<16xf32>
      %select_n3A_1035 = arith.select %eq3A_1029, %broadcast_in_dim3A_1034, %select_n3A_1024 : vector<16xi1>, vector<16xf32>
      %get3A_1036 = arith.constant 1472 : index
      %get3A_1037 = tpu.vector_load %arg9[%get3A_1036] {strides = array<i32>} : memref<1600xf32, #tpu.memory_space<vmem>>, vector<16xf32>,
      %eq3A_1038 = arith.constant 12 : i32
      %eq3A_1039 = vector.broadcast %eq3A_1038 : i32 to vector<16xi32>
      %eq3A_1040 = arith.cmpi eq, %iota3A, %eq3A_1039 : vector<16xi32>
      %reduce_max3A_1041 = arith.constant true
      %reduce_max3A_1042 = vector.broadcast %reduce_max3A_1041 : i1 to vector<16xi1>
      %reduce_max3A_1043 = tpu.scan <max>, %get3A_1037 masked %reduce_max3A_1042 : vector<16xf32>, vector<16xi1> -> vector<16xf32>
      %reduce_max3A_1044 = vector.extract %reduce_max3A_1043[15] : f32 from vector<16xf32>
      %broadcast_in_dim3A_1045 = vector.broadcast %reduce_max3A_1044 : f32 to vector<16xf32>
      %select_n3A_1046 = arith.select %eq3A_1040, %broadcast_in_dim3A_1045, %select_n3A_1035 : vector<16xi1>, vector<16xf32>
      %get3A_1047 = arith.constant 1488 : index
      %get3A_1048 = tpu.vector_load %arg9[%get3A_1047] {strides = array<i32>} : memref<1600xf32, #tpu.memory_space<vmem>>, vector<16xf32>,
      %eq3A_1049 = arith.constant 13 : i32
      %eq3A_1050 = vector.broadcast %eq3A_1049 : i32 to vector<16xi32>
      %eq3A_1051 = arith.cmpi eq, %iota3A, %eq3A_1050 : vector<16xi32>
      %reduce_max3A_1052 = arith.constant true
      %reduce_max3A_1053 = vector.broadcast %reduce_max3A_1052 : i1 to vector<16xi1>
      %reduce_max3A_1054 = tpu.scan <max>, %get3A_1048 masked %reduce_max3A_1053 : vector<16xf32>, vector<16xi1> -> vector<16xf32>
      %reduce_max3A_1055 = vector.extract %reduce_max3A_1054[15] : f32 from vector<16xf32>
      %broadcast_in_dim3A_1056 = vector.broadcast %reduce_max3A_1055 : f32 to vector<16xf32>
      %select_n3A_1057 = arith.select %eq3A_1051, %broadcast_in_dim3A_1056, %select_n3A_1046 : vector<16xi1>, vector<16xf32>
      %get3A_1058 = arith.constant 1504 : index
      %get3A_1059 = tpu.vector_load %arg9[%get3A_1058] {strides = array<i32>} : memref<1600xf32, #tpu.memory_space<vmem>>, vector<16xf32>,
      %eq3A_1060 = arith.constant 14 : i32
      %eq3A_1061 = vector.broadcast %eq3A_1060 : i32 to vector<16xi32>
      %eq3A_1062 = arith.cmpi eq, %iota3A, %eq3A_1061 : vector<16xi32>
      %reduce_max3A_1063 = arith.constant true
      %reduce_max3A_1064 = vector.broadcast %reduce_max3A_1063 : i1 to vector<16xi1>
      %reduce_max3A_1065 = tpu.scan <max>, %get3A_1059 masked %reduce_max3A_1064 : vector<16xf32>, vector<16xi1> -> vector<16xf32>
      %reduce_max3A_1066 = vector.extract %reduce_max3A_1065[15] : f32 from vector<16xf32>
      %broadcast_in_dim3A_1067 = vector.broadcast %reduce_max3A_1066 : f32 to vector<16xf32>
      %select_n3A_1068 = arith.select %eq3A_1062, %broadcast_in_dim3A_1067, %select_n3A_1057 : vector<16xi1>, vector<16xf32>
      %get3A_1069 = arith.constant 1520 : index
      %get3A_1070 = tpu.vector_load %arg9[%get3A_1069] {strides = array<i32>} : memref<1600xf32, #tpu.memory_space<vmem>>, vector<16xf32>,
      %eq3A_1071 = arith.constant 15 : i32
      %eq3A_1072 = vector.broadcast %eq3A_1071 : i32 to vector<16xi32>
      %eq3A_1073 = arith.cmpi eq, %iota3A, %eq3A_1072 : vector<16xi32>
      %reduce_max3A_1074 = arith.constant true
      %reduce_max3A_1075 = vector.broadcast %reduce_max3A_1074 : i1 to vector<16xi1>
      %reduce_max3A_1076 = tpu.scan <max>, %get3A_1070 masked %reduce_max3A_1075 : vector<16xf32>, vector<16xi1> -> vector<16xf32>
      %reduce_max3A_1077 = vector.extract %reduce_max3A_1076[15] : f32 from vector<16xf32>
      %broadcast_in_dim3A_1078 = vector.broadcast %reduce_max3A_1077 : f32 to vector<16xf32>
      %select_n3A_1079 = arith.select %eq3A_1073, %broadcast_in_dim3A_1078, %select_n3A_1068 : vector<16xi1>, vector<16xf32>
      %swap3A_1080 = arith.constant 80 : index
      %swap3A_1081 = tpu.vector_load %arg10[%swap3A_1080] {strides = array<i32>} : memref<112xf32, #tpu.memory_space<vmem>>, vector<16xf32>,
      tpu.vector_store %arg10[%swap3A_1080], %select_n3A_1079 {strides = array<i32>} : memref<112xf32, #tpu.memory_space<vmem>>, vector<16xf32>,
      %broadcast_in_dim3A_1082 = arith.constant -1.000000e+30 : f32
      %broadcast_in_dim3A_1083 = vector.broadcast %broadcast_in_dim3A_1082 : f32 to vector<16xf32>
      %get3A_1084 = arith.constant 1536 : index
      %get3A_1085 = tpu.vector_load %arg9[%get3A_1084] {strides = array<i32>} : memref<1600xf32, #tpu.memory_space<vmem>>, vector<16xf32>,
      %eq3A_1086 = arith.constant 0 : i32
      %eq3A_1087 = vector.broadcast %eq3A_1086 : i32 to vector<16xi32>
      %eq3A_1088 = arith.cmpi eq, %iota3A, %eq3A_1087 : vector<16xi32>
      %reduce_max3A_1089 = arith.constant true
      %reduce_max3A_1090 = vector.broadcast %reduce_max3A_1089 : i1 to vector<16xi1>
      %reduce_max3A_1091 = tpu.scan <max>, %get3A_1085 masked %reduce_max3A_1090 : vector<16xf32>, vector<16xi1> -> vector<16xf32>
      %reduce_max3A_1092 = vector.extract %reduce_max3A_1091[15] : f32 from vector<16xf32>
      %broadcast_in_dim3A_1093 = vector.broadcast %reduce_max3A_1092 : f32 to vector<16xf32>
      %select_n3A_1094 = arith.select %eq3A_1088, %broadcast_in_dim3A_1093, %broadcast_in_dim3A_1083 : vector<16xi1>, vector<16xf32>
      %get3A_1095 = arith.constant 1552 : index
      %get3A_1096 = tpu.vector_load %arg9[%get3A_1095] {strides = array<i32>} : memref<1600xf32, #tpu.memory_space<vmem>>, vector<16xf32>,
      %eq3A_1097 = arith.constant 1 : i32
      %eq3A_1098 = vector.broadcast %eq3A_1097 : i32 to vector<16xi32>
      %eq3A_1099 = arith.cmpi eq, %iota3A, %eq3A_1098 : vector<16xi32>
      %reduce_max3A_1100 = arith.constant true
      %reduce_max3A_1101 = vector.broadcast %reduce_max3A_1100 : i1 to vector<16xi1>
      %reduce_max3A_1102 = tpu.scan <max>, %get3A_1096 masked %reduce_max3A_1101 : vector<16xf32>, vector<16xi1> -> vector<16xf32>
      %reduce_max3A_1103 = vector.extract %reduce_max3A_1102[15] : f32 from vector<16xf32>
      %broadcast_in_dim3A_1104 = vector.broadcast %reduce_max3A_1103 : f32 to vector<16xf32>
      %select_n3A_1105 = arith.select %eq3A_1099, %broadcast_in_dim3A_1104, %select_n3A_1094 : vector<16xi1>, vector<16xf32>
      %get3A_1106 = arith.constant 1568 : index
      %get3A_1107 = tpu.vector_load %arg9[%get3A_1106] {strides = array<i32>} : memref<1600xf32, #tpu.memory_space<vmem>>, vector<16xf32>,
      %eq3A_1108 = arith.constant 2 : i32
      %eq3A_1109 = vector.broadcast %eq3A_1108 : i32 to vector<16xi32>
      %eq3A_1110 = arith.cmpi eq, %iota3A, %eq3A_1109 : vector<16xi32>
      %reduce_max3A_1111 = arith.constant true
      %reduce_max3A_1112 = vector.broadcast %reduce_max3A_1111 : i1 to vector<16xi1>
      %reduce_max3A_1113 = tpu.scan <max>, %get3A_1107 masked %reduce_max3A_1112 : vector<16xf32>, vector<16xi1> -> vector<16xf32>
      %reduce_max3A_1114 = vector.extract %reduce_max3A_1113[15] : f32 from vector<16xf32>
      %broadcast_in_dim3A_1115 = vector.broadcast %reduce_max3A_1114 : f32 to vector<16xf32>
      %select_n3A_1116 = arith.select %eq3A_1110, %broadcast_in_dim3A_1115, %select_n3A_1105 : vector<16xi1>, vector<16xf32>
      %get3A_1117 = arith.constant 1584 : index
      %get3A_1118 = tpu.vector_load %arg9[%get3A_1117] {strides = array<i32>} : memref<1600xf32, #tpu.memory_space<vmem>>, vector<16xf32>,
      %eq3A_1119 = arith.constant 3 : i32
      %eq3A_1120 = vector.broadcast %eq3A_1119 : i32 to vector<16xi32>
      %eq3A_1121 = arith.cmpi eq, %iota3A, %eq3A_1120 : vector<16xi32>
      %reduce_max3A_1122 = arith.constant true
      %reduce_max3A_1123 = vector.broadcast %reduce_max3A_1122 : i1 to vector<16xi1>
      %reduce_max3A_1124 = tpu.scan <max>, %get3A_1118 masked %reduce_max3A_1123 : vector<16xf32>, vector<16xi1> -> vector<16xf32>
      %reduce_max3A_1125 = vector.extract %reduce_max3A_1124[15] : f32 from vector<16xf32>
      %broadcast_in_dim3A_1126 = vector.broadcast %reduce_max3A_1125 : f32 to vector<16xf32>
      %select_n3A_1127 = arith.select %eq3A_1121, %broadcast_in_dim3A_1126, %select_n3A_1116 : vector<16xi1>, vector<16xf32>
      %swap3A_1128 = arith.constant 96 : index
      %swap3A_1129 = tpu.vector_load %arg10[%swap3A_1128] {strides = array<i32>} : memref<112xf32, #tpu.memory_space<vmem>>, vector<16xf32>,
      tpu.vector_store %arg10[%swap3A_1128], %select_n3A_1127 {strides = array<i32>} : memref<112xf32, #tpu.memory_space<vmem>>, vector<16xf32>,
      %broadcast_in_dim3A_1130 = arith.constant 0 : i32
      %broadcast_in_dim3A_1131 = vector.broadcast %broadcast_in_dim3A_1130 : i32 to vector<16xi32>
      %swap3A_1132 = arith.constant 0 : index
      %swap3A_1133 = tpu.vector_load %arg12[%swap3A_1132] {strides = array<i32>} : memref<112xi32, #tpu.memory_space<vmem>>, vector<16xi32>,
      tpu.vector_store %arg12[%swap3A_1132], %broadcast_in_dim3A_1131 {strides = array<i32>} : memref<112xi32, #tpu.memory_space<vmem>>, vector<16xi32>,
      %broadcast_in_dim3A_1134 = arith.constant 1073741824 : i32
      %broadcast_in_dim3A_1135 = vector.broadcast %broadcast_in_dim3A_1134 : i32 to vector<16xi32>
      %swap3A_1136 = arith.constant 0 : index
      %swap3A_1137 = tpu.vector_load %arg11[%swap3A_1136] {strides = array<i32>} : memref<112xi32, #tpu.memory_space<vmem>>, vector<16xi32>,
      tpu.vector_store %arg11[%swap3A_1136], %broadcast_in_dim3A_1135 {strides = array<i32>} : memref<112xi32, #tpu.memory_space<vmem>>, vector<16xi32>,
      %broadcast_in_dim3A_1138 = arith.constant 0 : i32
      %broadcast_in_dim3A_1139 = vector.broadcast %broadcast_in_dim3A_1138 : i32 to vector<16xi32>
      %swap3A_1140 = arith.constant 16 : index
      %swap3A_1141 = tpu.vector_load %arg12[%swap3A_1140] {strides = array<i32>} : memref<112xi32, #tpu.memory_space<vmem>>, vector<16xi32>,
      tpu.vector_store %arg12[%swap3A_1140], %broadcast_in_dim3A_1139 {strides = array<i32>} : memref<112xi32, #tpu.memory_space<vmem>>, vector<16xi32>,
      %broadcast_in_dim3A_1142 = arith.constant 1073741824 : i32
      %broadcast_in_dim3A_1143 = vector.broadcast %broadcast_in_dim3A_1142 : i32 to vector<16xi32>
      %swap3A_1144 = arith.constant 16 : index
      %swap3A_1145 = tpu.vector_load %arg11[%swap3A_1144] {strides = array<i32>} : memref<112xi32, #tpu.memory_space<vmem>>, vector<16xi32>,
      tpu.vector_store %arg11[%swap3A_1144], %broadcast_in_dim3A_1143 {strides = array<i32>} : memref<112xi32, #tpu.memory_space<vmem>>, vector<16xi32>,
      %broadcast_in_dim3A_1146 = arith.constant 0 : i32
      %broadcast_in_dim3A_1147 = vector.broadcast %broadcast_in_dim3A_1146 : i32 to vector<16xi32>
      %swap3A_1148 = arith.constant 32 : index
      %swap3A_1149 = tpu.vector_load %arg12[%swap3A_1148] {strides = array<i32>} : memref<112xi32, #tpu.memory_space<vmem>>, vector<16xi32>,
      tpu.vector_store %arg12[%swap3A_1148], %broadcast_in_dim3A_1147 {strides = array<i32>} : memref<112xi32, #tpu.memory_space<vmem>>, vector<16xi32>,
      %broadcast_in_dim3A_1150 = arith.constant 1073741824 : i32
      %broadcast_in_dim3A_1151 = vector.broadcast %broadcast_in_dim3A_1150 : i32 to vector<16xi32>
      %swap3A_1152 = arith.constant 32 : index
      %swap3A_1153 = tpu.vector_load %arg11[%swap3A_1152] {strides = array<i32>} : memref<112xi32, #tpu.memory_space<vmem>>, vector<16xi32>,
      tpu.vector_store %arg11[%swap3A_1152], %broadcast_in_dim3A_1151 {strides = array<i32>} : memref<112xi32, #tpu.memory_space<vmem>>, vector<16xi32>,
      %broadcast_in_dim3A_1154 = arith.constant 0 : i32
      %broadcast_in_dim3A_1155 = vector.broadcast %broadcast_in_dim3A_1154 : i32 to vector<16xi32>
      %swap3A_1156 = arith.constant 48 : index
      %swap3A_1157 = tpu.vector_load %arg12[%swap3A_1156] {strides = array<i32>} : memref<112xi32, #tpu.memory_space<vmem>>, vector<16xi32>,
      tpu.vector_store %arg12[%swap3A_1156], %broadcast_in_dim3A_1155 {strides = array<i32>} : memref<112xi32, #tpu.memory_space<vmem>>, vector<16xi32>,
      %broadcast_in_dim3A_1158 = arith.constant 1073741824 : i32
      %broadcast_in_dim3A_1159 = vector.broadcast %broadcast_in_dim3A_1158 : i32 to vector<16xi32>
      %swap3A_1160 = arith.constant 48 : index
      %swap3A_1161 = tpu.vector_load %arg11[%swap3A_1160] {strides = array<i32>} : memref<112xi32, #tpu.memory_space<vmem>>, vector<16xi32>,
      tpu.vector_store %arg11[%swap3A_1160], %broadcast_in_dim3A_1159 {strides = array<i32>} : memref<112xi32, #tpu.memory_space<vmem>>, vector<16xi32>,
      %broadcast_in_dim3A_1162 = arith.constant 0 : i32
      %broadcast_in_dim3A_1163 = vector.broadcast %broadcast_in_dim3A_1162 : i32 to vector<16xi32>
      %swap3A_1164 = arith.constant 64 : index
      %swap3A_1165 = tpu.vector_load %arg12[%swap3A_1164] {strides = array<i32>} : memref<112xi32, #tpu.memory_space<vmem>>, vector<16xi32>,
      tpu.vector_store %arg12[%swap3A_1164], %broadcast_in_dim3A_1163 {strides = array<i32>} : memref<112xi32, #tpu.memory_space<vmem>>, vector<16xi32>,
      %broadcast_in_dim3A_1166 = arith.constant 1073741824 : i32
      %broadcast_in_dim3A_1167 = vector.broadcast %broadcast_in_dim3A_1166 : i32 to vector<16xi32>
      %swap3A_1168 = arith.constant 64 : index
      %swap3A_1169 = tpu.vector_load %arg11[%swap3A_1168] {strides = array<i32>} : memref<112xi32, #tpu.memory_space<vmem>>, vector<16xi32>,
      tpu.vector_store %arg11[%swap3A_1168], %broadcast_in_dim3A_1167 {strides = array<i32>} : memref<112xi32, #tpu.memory_space<vmem>>, vector<16xi32>,
      %broadcast_in_dim3A_1170 = arith.constant 0 : i32
      %broadcast_in_dim3A_1171 = vector.broadcast %broadcast_in_dim3A_1170 : i32 to vector<16xi32>
      %swap3A_1172 = arith.constant 80 : index
      %swap3A_1173 = tpu.vector_load %arg12[%swap3A_1172] {strides = array<i32>} : memref<112xi32, #tpu.memory_space<vmem>>, vector<16xi32>,
      tpu.vector_store %arg12[%swap3A_1172], %broadcast_in_dim3A_1171 {strides = array<i32>} : memref<112xi32, #tpu.memory_space<vmem>>, vector<16xi32>,
      %broadcast_in_dim3A_1174 = arith.constant 1073741824 : i32
      %broadcast_in_dim3A_1175 = vector.broadcast %broadcast_in_dim3A_1174 : i32 to vector<16xi32>
      %swap3A_1176 = arith.constant 80 : index
      %swap3A_1177 = tpu.vector_load %arg11[%swap3A_1176] {strides = array<i32>} : memref<112xi32, #tpu.memory_space<vmem>>, vector<16xi32>,
      tpu.vector_store %arg11[%swap3A_1176], %broadcast_in_dim3A_1175 {strides = array<i32>} : memref<112xi32, #tpu.memory_space<vmem>>, vector<16xi32>,
      %broadcast_in_dim3A_1178 = arith.constant 0 : i32
      %broadcast_in_dim3A_1179 = vector.broadcast %broadcast_in_dim3A_1178 : i32 to vector<16xi32>
      %swap3A_1180 = arith.constant 96 : index
      %swap3A_1181 = tpu.vector_load %arg12[%swap3A_1180] {strides = array<i32>} : memref<112xi32, #tpu.memory_space<vmem>>, vector<16xi32>,
      tpu.vector_store %arg12[%swap3A_1180], %broadcast_in_dim3A_1179 {strides = array<i32>} : memref<112xi32, #tpu.memory_space<vmem>>, vector<16xi32>,
      %broadcast_in_dim3A_1182 = arith.constant 1073741824 : i32
      %broadcast_in_dim3A_1183 = vector.broadcast %broadcast_in_dim3A_1182 : i32 to vector<16xi32>
      %swap3A_1184 = arith.constant 96 : index
      %swap3A_1185 = tpu.vector_load %arg11[%swap3A_1184] {strides = array<i32>} : memref<112xi32, #tpu.memory_space<vmem>>, vector<16xi32>,
      tpu.vector_store %arg11[%swap3A_1184], %broadcast_in_dim3A_1183 {strides = array<i32>} : memref<112xi32, #tpu.memory_space<vmem>>, vector<16xi32>,
      %scan3A_1186 = arith.constant 0 : i32
      %scan3A_1187 = arith.constant 1073741824 : i32
      %scan3A_1188 = arith.constant -1.000000e+30 : f32
      %scan3A_1189 = arith.constant 0 : i32
      %scan3A_1190 = arith.constant 100 : i32
      %scan3A_1191 = arith.addi %scan3A_1189, %scan3A_1190 : i32
      %scan3A_1192 = arith.constant 1 : i32
      scf.for %scan3A_1683 = %scan3A_1189 to %scan3A_1191 step %scan3A_1192  : i32 {
        %get3A_1684 = arith.constant 0 : index
        %get3A_1685 = tpu.vector_load %arg10[%get3A_1684] {strides = array<i32>} : memref<112xf32, #tpu.memory_space<vmem>>, vector<16xf32>,
        %get3A_1686 = arith.constant 16 : index
        %get3A_1687 = tpu.vector_load %arg10[%get3A_1686] {strides = array<i32>} : memref<112xf32, #tpu.memory_space<vmem>>, vector<16xf32>,
        %max3A = arith.maximumf %get3A_1685, %get3A_1687 : vector<16xf32>
        %get3A_1688 = arith.constant 32 : index
        %get3A_1689 = tpu.vector_load %arg10[%get3A_1688] {strides = array<i32>} : memref<112xf32, #tpu.memory_space<vmem>>, vector<16xf32>,
        %max3A_1690 = arith.maximumf %max3A, %get3A_1689 : vector<16xf32>
        %get3A_1691 = arith.constant 48 : index
        %get3A_1692 = tpu.vector_load %arg10[%get3A_1691] {strides = array<i32>} : memref<112xf32, #tpu.memory_space<vmem>>, vector<16xf32>,
        %max3A_1693 = arith.maximumf %max3A_1690, %get3A_1692 : vector<16xf32>
        %get3A_1694 = arith.constant 64 : index
        %get3A_1695 = tpu.vector_load %arg10[%get3A_1694] {strides = array<i32>} : memref<112xf32, #tpu.memory_space<vmem>>, vector<16xf32>,
        %max3A_1696 = arith.maximumf %max3A_1693, %get3A_1695 : vector<16xf32>
        %get3A_1697 = arith.constant 80 : index
        %get3A_1698 = tpu.vector_load %arg10[%get3A_1697] {strides = array<i32>} : memref<112xf32, #tpu.memory_space<vmem>>, vector<16xf32>,
        %max3A_1699 = arith.maximumf %max3A_1696, %get3A_1698 : vector<16xf32>
        %get3A_1700 = arith.constant 96 : index
        %get3A_1701 = tpu.vector_load %arg10[%get3A_1700] {strides = array<i32>} : memref<112xf32, #tpu.memory_space<vmem>>, vector<16xf32>,
        %max3A_1702 = arith.maximumf %max3A_1699, %get3A_1701 : vector<16xf32>
        %reduce_max3A_1703 = arith.constant true
        %reduce_max3A_1704 = vector.broadcast %reduce_max3A_1703 : i1 to vector<16xi1>
        %reduce_max3A_1705 = tpu.scan <max>, %max3A_1702 masked %reduce_max3A_1704 : vector<16xf32>, vector<16xi1> -> vector<16xf32>
        %reduce_max3A_1706 = vector.extract %reduce_max3A_1705[15] : f32 from vector<16xf32>
        %broadcast_in_dim3A_1707 = vector.broadcast %scan3A_1187 : i32 to vector<16xi32>
        %get3A_1708 = arith.constant 0 : index
        %get3A_1709 = tpu.vector_load %arg10[%get3A_1708] {strides = array<i32>} : memref<112xf32, #tpu.memory_space<vmem>>, vector<16xf32>,
        %eq3A_1710 = vector.broadcast %reduce_max3A_1706 : f32 to vector<16xf32>
        %eq3A_1711 = arith.cmpf oeq, %get3A_1709, %eq3A_1710 : vector<16xf32>
        %add3A_1712 = arith.constant 0 : i32
        %add3A_1713 = vector.broadcast %add3A_1712 : i32 to vector<16xi32>
        %add3A_1714 = arith.addi %add3A_1713, %iota3A : vector<16xi32>
        %broadcast_in_dim3A_1715 = vector.broadcast %scan3A_1187 : i32 to vector<16xi32>
        %select_n3A_1716 = arith.select %eq3A_1711, %add3A_1714, %broadcast_in_dim3A_1715 : vector<16xi1>, vector<16xi32>
        %min3A = arith.minsi %broadcast_in_dim3A_1707, %select_n3A_1716 : vector<16xi32>
        %get3A_1717 = arith.constant 16 : index
        %get3A_1718 = tpu.vector_load %arg10[%get3A_1717] {strides = array<i32>} : memref<112xf32, #tpu.memory_space<vmem>>, vector<16xf32>,
        %eq3A_1719 = vector.broadcast %reduce_max3A_1706 : f32 to vector<16xf32>
        %eq3A_1720 = arith.cmpf oeq, %get3A_1718, %eq3A_1719 : vector<16xf32>
        %add3A_1721 = arith.constant 16 : i32
        %add3A_1722 = vector.broadcast %add3A_1721 : i32 to vector<16xi32>
        %add3A_1723 = arith.addi %add3A_1722, %iota3A : vector<16xi32>
        %broadcast_in_dim3A_1724 = vector.broadcast %scan3A_1187 : i32 to vector<16xi32>
        %select_n3A_1725 = arith.select %eq3A_1720, %add3A_1723, %broadcast_in_dim3A_1724 : vector<16xi1>, vector<16xi32>
        %min3A_1726 = arith.minsi %min3A, %select_n3A_1725 : vector<16xi32>
        %get3A_1727 = arith.constant 32 : index
        %get3A_1728 = tpu.vector_load %arg10[%get3A_1727] {strides = array<i32>} : memref<112xf32, #tpu.memory_space<vmem>>, vector<16xf32>,
        %eq3A_1729 = vector.broadcast %reduce_max3A_1706 : f32 to vector<16xf32>
        %eq3A_1730 = arith.cmpf oeq, %get3A_1728, %eq3A_1729 : vector<16xf32>
        %add3A_1731 = arith.constant 32 : i32
        %add3A_1732 = vector.broadcast %add3A_1731 : i32 to vector<16xi32>
        %add3A_1733 = arith.addi %add3A_1732, %iota3A : vector<16xi32>
        %broadcast_in_dim3A_1734 = vector.broadcast %scan3A_1187 : i32 to vector<16xi32>
        %select_n3A_1735 = arith.select %eq3A_1730, %add3A_1733, %broadcast_in_dim3A_1734 : vector<16xi1>, vector<16xi32>
        %min3A_1736 = arith.minsi %min3A_1726, %select_n3A_1735 : vector<16xi32>
        %get3A_1737 = arith.constant 48 : index
        %get3A_1738 = tpu.vector_load %arg10[%get3A_1737] {strides = array<i32>} : memref<112xf32, #tpu.memory_space<vmem>>, vector<16xf32>,
        %eq3A_1739 = vector.broadcast %reduce_max3A_1706 : f32 to vector<16xf32>
        %eq3A_1740 = arith.cmpf oeq, %get3A_1738, %eq3A_1739 : vector<16xf32>
        %add3A_1741 = arith.constant 48 : i32
        %add3A_1742 = vector.broadcast %add3A_1741 : i32 to vector<16xi32>
        %add3A_1743 = arith.addi %add3A_1742, %iota3A : vector<16xi32>
        %broadcast_in_dim3A_1744 = vector.broadcast %scan3A_1187 : i32 to vector<16xi32>
        %select_n3A_1745 = arith.select %eq3A_1740, %add3A_1743, %broadcast_in_dim3A_1744 : vector<16xi1>, vector<16xi32>
        %min3A_1746 = arith.minsi %min3A_1736, %select_n3A_1745 : vector<16xi32>
        %get3A_1747 = arith.constant 64 : index
        %get3A_1748 = tpu.vector_load %arg10[%get3A_1747] {strides = array<i32>} : memref<112xf32, #tpu.memory_space<vmem>>, vector<16xf32>,
        %eq3A_1749 = vector.broadcast %reduce_max3A_1706 : f32 to vector<16xf32>
        %eq3A_1750 = arith.cmpf oeq, %get3A_1748, %eq3A_1749 : vector<16xf32>
        %add3A_1751 = arith.constant 64 : i32
        %add3A_1752 = vector.broadcast %add3A_1751 : i32 to vector<16xi32>
        %add3A_1753 = arith.addi %add3A_1752, %iota3A : vector<16xi32>
        %broadcast_in_dim3A_1754 = vector.broadcast %scan3A_1187 : i32 to vector<16xi32>
        %select_n3A_1755 = arith.select %eq3A_1750, %add3A_1753, %broadcast_in_dim3A_1754 : vector<16xi1>, vector<16xi32>
        %min3A_1756 = arith.minsi %min3A_1746, %select_n3A_1755 : vector<16xi32>
        %get3A_1757 = arith.constant 80 : index
        %get3A_1758 = tpu.vector_load %arg10[%get3A_1757] {strides = array<i32>} : memref<112xf32, #tpu.memory_space<vmem>>, vector<16xf32>,
        %eq3A_1759 = vector.broadcast %reduce_max3A_1706 : f32 to vector<16xf32>
        %eq3A_1760 = arith.cmpf oeq, %get3A_1758, %eq3A_1759 : vector<16xf32>
        %add3A_1761 = arith.constant 80 : i32
        %add3A_1762 = vector.broadcast %add3A_1761 : i32 to vector<16xi32>
        %add3A_1763 = arith.addi %add3A_1762, %iota3A : vector<16xi32>
        %broadcast_in_dim3A_1764 = vector.broadcast %scan3A_1187 : i32 to vector<16xi32>
        %select_n3A_1765 = arith.select %eq3A_1760, %add3A_1763, %broadcast_in_dim3A_1764 : vector<16xi1>, vector<16xi32>
        %min3A_1766 = arith.minsi %min3A_1756, %select_n3A_1765 : vector<16xi32>
        %get3A_1767 = arith.constant 96 : index
        %get3A_1768 = tpu.vector_load %arg10[%get3A_1767] {strides = array<i32>} : memref<112xf32, #tpu.memory_space<vmem>>, vector<16xf32>,
        %eq3A_1769 = vector.broadcast %reduce_max3A_1706 : f32 to vector<16xf32>
        %eq3A_1770 = arith.cmpf oeq, %get3A_1768, %eq3A_1769 : vector<16xf32>
        %add3A_1771 = arith.constant 96 : i32
        %add3A_1772 = vector.broadcast %add3A_1771 : i32 to vector<16xi32>
        %add3A_1773 = arith.addi %add3A_1772, %iota3A : vector<16xi32>
        %broadcast_in_dim3A_1774 = vector.broadcast %scan3A_1187 : i32 to vector<16xi32>
        %select_n3A_1775 = arith.select %eq3A_1770, %add3A_1773, %broadcast_in_dim3A_1774 : vector<16xi1>, vector<16xi32>
        %min3A_1776 = arith.minsi %min3A_1766, %select_n3A_1775 : vector<16xi32>
        %reduce_min3A = arith.constant true
        %reduce_min3A_1777 = vector.broadcast %reduce_min3A : i1 to vector<16xi1>
        %reduce_min3A_1778 = arith.constant -2147483648 : i32
        %reduce_min3A_1779 = vector.broadcast %reduce_min3A_1778 : i32 to vector<16xi32>
        %reduce_min3A_1780 = arith.xori %min3A_1776, %reduce_min3A_1779 : vector<16xi32>
        %reduce_min3A_1781 = tpu.scan <min>, %reduce_min3A_1780 masked %reduce_min3A_1777 : vector<16xi32>, vector<16xi1> -> vector<16xi32>
        %reduce_min3A_1782 = arith.xori %reduce_min3A_1781, %reduce_min3A_1779 : vector<16xi32>
        %reduce_min3A_1783 = vector.extract %reduce_min3A_1782[15] : i32 from vector<16xi32>
        %mul3A_1784 = arith.constant 16 : i32
        %mul3A_1785 = arith.muli %reduce_min3A_1783, %mul3A_1784 : i32
        %get3A_1786 = arith.index_cast %mul3A_1785 : i32 to index
        %get3A_1787 = tpu.vector_load %arg9[%get3A_1786] {strides = array<i32>} : memref<1600xf32, #tpu.memory_space<vmem>>, vector<16xf32>,
        %eq3A_1788 = vector.broadcast %reduce_max3A_1706 : f32 to vector<16xf32>
        %eq3A_1789 = arith.cmpf oeq, %get3A_1787, %eq3A_1788 : vector<16xf32>
        %broadcast_in_dim3A_1790 = vector.broadcast %scan3A_1187 : i32 to vector<16xi32>
        %select_n3A_1791 = arith.select %eq3A_1789, %iota3A, %broadcast_in_dim3A_1790 : vector<16xi1>, vector<16xi32>
        %reduce_min3A_1792 = arith.constant true
        %reduce_min3A_1793 = vector.broadcast %reduce_min3A_1792 : i1 to vector<16xi1>
        %reduce_min3A_1794 = arith.constant -2147483648 : i32
        %reduce_min3A_1795 = vector.broadcast %reduce_min3A_1794 : i32 to vector<16xi32>
        %reduce_min3A_1796 = arith.xori %select_n3A_1791, %reduce_min3A_1795 : vector<16xi32>
        %reduce_min3A_1797 = tpu.scan <min>, %reduce_min3A_1796 masked %reduce_min3A_1793 : vector<16xi32>, vector<16xi1> -> vector<16xi32>
        %reduce_min3A_1798 = arith.xori %reduce_min3A_1797, %reduce_min3A_1795 : vector<16xi32>
        %reduce_min3A_1799 = vector.extract %reduce_min3A_1798[15] : i32 from vector<16xi32>
        %mul3A_1800 = arith.constant 16 : i32
        %mul3A_1801 = arith.muli %reduce_min3A_1783, %mul3A_1800 : i32
        %add3A_1802 = arith.addi %mul3A_1801, %reduce_min3A_1799 : i32
        %mul3A_1803 = arith.constant 16 : i32
        %mul3A_1804 = arith.muli %add3A_1802, %mul3A_1803 : i32
        %get3A_1805 = arith.index_cast %mul3A_1804 : i32 to index
        %get3A_1806 = tpu.vector_load %arg8[%get3A_1805] {strides = array<i32>} : memref<25600xf32, #tpu.memory_space<vmem>>, vector<16xf32>,
        %eq3A_1807 = vector.broadcast %reduce_max3A_1706 : f32 to vector<16xf32>
        %eq3A_1808 = arith.cmpf oeq, %get3A_1806, %eq3A_1807 : vector<16xf32>
        %broadcast_in_dim3A_1809 = vector.broadcast %scan3A_1187 : i32 to vector<16xi32>
        %select_n3A_1810 = arith.select %eq3A_1808, %iota3A, %broadcast_in_dim3A_1809 : vector<16xi1>, vector<16xi32>
        %reduce_min3A_1811 = arith.constant true
        %reduce_min3A_1812 = vector.broadcast %reduce_min3A_1811 : i1 to vector<16xi1>
        %reduce_min3A_1813 = arith.constant -2147483648 : i32
        %reduce_min3A_1814 = vector.broadcast %reduce_min3A_1813 : i32 to vector<16xi32>
        %reduce_min3A_1815 = arith.xori %select_n3A_1810, %reduce_min3A_1814 : vector<16xi32>
        %reduce_min3A_1816 = tpu.scan <min>, %reduce_min3A_1815 masked %reduce_min3A_1812 : vector<16xi32>, vector<16xi1> -> vector<16xi32>
        %reduce_min3A_1817 = arith.xori %reduce_min3A_1816, %reduce_min3A_1814 : vector<16xi32>
        %reduce_min3A_1818 = vector.extract %reduce_min3A_1817[15] : i32 from vector<16xi32>
        %mul3A_1819 = arith.constant 16 : i32
        %mul3A_1820 = arith.muli %add3A_1802, %mul3A_1819 : i32
        %add3A_1821 = arith.addi %mul3A_1820, %reduce_min3A_1818 : i32
        %jit3A = arith.constant 16 : i32
        %div3A = arith.divsi %scan3A_1683, %jit3A : i32
        %sign3A = arith.constant 0 : i32
        %sign3A_1822 = arith.cmpi sgt, %scan3A_1683, %sign3A : i32
        %sign3A_1823 = arith.extui %sign3A_1822 : i1 to i32
        %sign3A_1824 = arith.constant 0 : i32
        %sign3A_1825 = arith.cmpi slt, %scan3A_1683, %sign3A_1824 : i32
        %sign3A_1826 = arith.extui %sign3A_1825 : i1 to i32
        %sign3A_1827 = arith.subi %sign3A_1823, %sign3A_1826 : i32
        %sign3A_1828 = arith.constant 0 : i32
        %sign3A_1829 = arith.cmpi sgt, %jit3A, %sign3A_1828 : i32
        %sign3A_1830 = arith.extui %sign3A_1829 : i1 to i32
        %sign3A_1831 = arith.constant 0 : i32
        %sign3A_1832 = arith.cmpi slt, %jit3A, %sign3A_1831 : i32
        %sign3A_1833 = arith.extui %sign3A_1832 : i1 to i32
        %sign3A_1834 = arith.subi %sign3A_1830, %sign3A_1833 : i32
        %ne3A = arith.cmpi ne, %sign3A_1827, %sign3A_1834 : i32
        %rem3A = arith.remsi %scan3A_1683, %jit3A : i32
        %ne3A_1835 = arith.constant 0 : i32
        %ne3A_1836 = arith.cmpi ne, %rem3A, %ne3A_1835 : i32
        %and3A = arith.andi %ne3A, %ne3A_1836 : i1
        %sub3A = arith.constant 1 : i32
        %sub3A_1837 = arith.subi %div3A, %sub3A : i32
        %select_n3A_1838 = arith.select %and3A, %sub3A_1837, %div3A : i32
        %mul3A_1839 = arith.constant 16 : i32
        %mul3A_1840 = arith.muli %select_n3A_1838, %mul3A_1839 : i32
        %get3A_1841 = arith.index_cast %mul3A_1840 : i32 to index
        %get3A_1842 = tpu.vector_load %arg11[%get3A_1841] {strides = array<i32>} : memref<112xi32, #tpu.memory_space<vmem>>, vector<16xi32>,
        %sub3A_1843 = arith.subi %scan3A_1683, %mul3A_1840 : i32
        %eq3A_1844 = vector.broadcast %sub3A_1843 : i32 to vector<16xi32>
        %eq3A_1845 = arith.cmpi eq, %iota3A, %eq3A_1844 : vector<16xi32>
        %broadcast_in_dim3A_1846 = vector.broadcast %add3A_1821 : i32 to vector<16xi32>
        %select_n3A_1847 = arith.select %eq3A_1845, %broadcast_in_dim3A_1846, %get3A_1842 : vector<16xi1>, vector<16xi32>
        %swap3A_1848 = arith.index_cast %mul3A_1840 : i32 to index
        %swap3A_1849 = tpu.vector_load %arg11[%swap3A_1848] {strides = array<i32>} : memref<112xi32, #tpu.memory_space<vmem>>, vector<16xi32>,
        tpu.vector_store %arg11[%swap3A_1848], %select_n3A_1847 {strides = array<i32>} : memref<112xi32, #tpu.memory_space<vmem>>, vector<16xi32>,
        %eq3A_1850 = vector.broadcast %reduce_min3A_1818 : i32 to vector<16xi32>
        %eq3A_1851 = arith.cmpi eq, %iota3A, %eq3A_1850 : vector<16xi32>
        %broadcast_in_dim3A_1852 = vector.broadcast %scan3A_1188 : f32 to vector<16xf32>
        %select_n3A_1853 = arith.select %eq3A_1851, %broadcast_in_dim3A_1852, %get3A_1806 : vector<16xi1>, vector<16xf32>
        %mul3A_1854 = arith.constant 16 : i32
        %mul3A_1855 = arith.muli %add3A_1802, %mul3A_1854 : i32
        %swap3A_1856 = arith.index_cast %mul3A_1855 : i32 to index
        %swap3A_1857 = tpu.vector_load %arg8[%swap3A_1856] {strides = array<i32>} : memref<25600xf32, #tpu.memory_space<vmem>>, vector<16xf32>,
        tpu.vector_store %arg8[%swap3A_1856], %select_n3A_1853 {strides = array<i32>} : memref<25600xf32, #tpu.memory_space<vmem>>, vector<16xf32>,
        %reduce_max3A_1858 = arith.constant true
        %reduce_max3A_1859 = vector.broadcast %reduce_max3A_1858 : i1 to vector<16xi1>
        %reduce_max3A_1860 = tpu.scan <max>, %select_n3A_1853 masked %reduce_max3A_1859 : vector<16xf32>, vector<16xi1> -> vector<16xf32>
        %reduce_max3A_1861 = vector.extract %reduce_max3A_1860[15] : f32 from vector<16xf32>
        %eq3A_1862 = vector.broadcast %reduce_min3A_1799 : i32 to vector<16xi32>
        %eq3A_1863 = arith.cmpi eq, %iota3A, %eq3A_1862 : vector<16xi32>
        %broadcast_in_dim3A_1864 = vector.broadcast %reduce_max3A_1861 : f32 to vector<16xf32>
        %select_n3A_1865 = arith.select %eq3A_1863, %broadcast_in_dim3A_1864, %get3A_1787 : vector<16xi1>, vector<16xf32>
        %mul3A_1866 = arith.constant 16 : i32
        %mul3A_1867 = arith.muli %reduce_min3A_1783, %mul3A_1866 : i32
        %swap3A_1868 = arith.index_cast %mul3A_1867 : i32 to index
        %swap3A_1869 = tpu.vector_load %arg9[%swap3A_1868] {strides = array<i32>} : memref<1600xf32, #tpu.memory_space<vmem>>, vector<16xf32>,
        tpu.vector_store %arg9[%swap3A_1868], %select_n3A_1865 {strides = array<i32>} : memref<1600xf32, #tpu.memory_space<vmem>>, vector<16xf32>,
        %reduce_max3A_1870 = arith.constant true
        %reduce_max3A_1871 = vector.broadcast %reduce_max3A_1870 : i1 to vector<16xi1>
        %reduce_max3A_1872 = tpu.scan <max>, %select_n3A_1865 masked %reduce_max3A_1871 : vector<16xf32>, vector<16xi1> -> vector<16xf32>
        %reduce_max3A_1873 = vector.extract %reduce_max3A_1872[15] : f32 from vector<16xf32>
        %jit3A_1874 = arith.constant 16 : i32
        %div3A_1875 = arith.divsi %reduce_min3A_1783, %jit3A_1874 : i32
        %sign3A_1876 = arith.constant 0 : i32
        %sign3A_1877 = arith.cmpi sgt, %reduce_min3A_1783, %sign3A_1876 : i32
        %sign3A_1878 = arith.extui %sign3A_1877 : i1 to i32
        %sign3A_1879 = arith.constant 0 : i32
        %sign3A_1880 = arith.cmpi slt, %reduce_min3A_1783, %sign3A_1879 : i32
        %sign3A_1881 = arith.extui %sign3A_1880 : i1 to i32
        %sign3A_1882 = arith.subi %sign3A_1878, %sign3A_1881 : i32
        %sign3A_1883 = arith.constant 0 : i32
        %sign3A_1884 = arith.cmpi sgt, %jit3A_1874, %sign3A_1883 : i32
        %sign3A_1885 = arith.extui %sign3A_1884 : i1 to i32
        %sign3A_1886 = arith.constant 0 : i32
        %sign3A_1887 = arith.cmpi slt, %jit3A_1874, %sign3A_1886 : i32
        %sign3A_1888 = arith.extui %sign3A_1887 : i1 to i32
        %sign3A_1889 = arith.subi %sign3A_1885, %sign3A_1888 : i32
        %ne3A_1890 = arith.cmpi ne, %sign3A_1882, %sign3A_1889 : i32
        %rem3A_1891 = arith.remsi %reduce_min3A_1783, %jit3A_1874 : i32
        %ne3A_1892 = arith.constant 0 : i32
        %ne3A_1893 = arith.cmpi ne, %rem3A_1891, %ne3A_1892 : i32
        %and3A_1894 = arith.andi %ne3A_1890, %ne3A_1893 : i1
        %sub3A_1895 = arith.constant 1 : i32
        %sub3A_1896 = arith.subi %div3A_1875, %sub3A_1895 : i32
        %select_n3A_1897 = arith.select %and3A_1894, %sub3A_1896, %div3A_1875 : i32
        %mul3A_1898 = arith.constant 16 : i32
        %mul3A_1899 = arith.muli %select_n3A_1897, %mul3A_1898 : i32
        %get3A_1900 = arith.index_cast %mul3A_1899 : i32 to index
        %get3A_1901 = tpu.vector_load %arg10[%get3A_1900] {strides = array<i32>} : memref<112xf32, #tpu.memory_space<vmem>>, vector<16xf32>,
        %sub3A_1902 = arith.subi %reduce_min3A_1783, %mul3A_1899 : i32
        %eq3A_1903 = vector.broadcast %sub3A_1902 : i32 to vector<16xi32>
        %eq3A_1904 = arith.cmpi eq, %iota3A, %eq3A_1903 : vector<16xi32>
        %broadcast_in_dim3A_1905 = vector.broadcast %reduce_max3A_1873 : f32 to vector<16xf32>
        %select_n3A_1906 = arith.select %eq3A_1904, %broadcast_in_dim3A_1905, %get3A_1901 : vector<16xi1>, vector<16xf32>
        %swap3A_1907 = arith.index_cast %mul3A_1899 : i32 to index
        %swap3A_1908 = tpu.vector_load %arg10[%swap3A_1907] {strides = array<i32>} : memref<112xf32, #tpu.memory_space<vmem>>, vector<16xf32>,
        tpu.vector_store %arg10[%swap3A_1907], %select_n3A_1906 {strides = array<i32>} : memref<112xf32, #tpu.memory_space<vmem>>, vector<16xf32>,
      }
      %scan3A_1193 = arith.constant 100 : i32
      %scan3A_1194 = arith.constant 0 : i32
      %scan3A_1195 = arith.constant 1073741824 : i32
      %scan3A_1196 = arith.constant 0 : i32
      %scan3A_1197 = arith.constant 100 : i32
      %scan3A_1198 = arith.addi %scan3A_1196, %scan3A_1197 : i32
      %scan3A_1199 = arith.constant 1 : i32
      scf.for %scan3A_1683 = %scan3A_1196 to %scan3A_1198 step %scan3A_1199  : i32 {
        %get3A_1684 = arith.constant 0 : index
        %get3A_1685 = tpu.vector_load %arg11[%get3A_1684] {strides = array<i32>} : memref<112xi32, #tpu.memory_space<vmem>>, vector<16xi32>,
        %get3A_1686 = arith.constant 16 : index
        %get3A_1687 = tpu.vector_load %arg11[%get3A_1686] {strides = array<i32>} : memref<112xi32, #tpu.memory_space<vmem>>, vector<16xi32>,
        %min3A = arith.minsi %get3A_1685, %get3A_1687 : vector<16xi32>
        %get3A_1688 = arith.constant 32 : index
        %get3A_1689 = tpu.vector_load %arg11[%get3A_1688] {strides = array<i32>} : memref<112xi32, #tpu.memory_space<vmem>>, vector<16xi32>,
        %min3A_1690 = arith.minsi %min3A, %get3A_1689 : vector<16xi32>
        %get3A_1691 = arith.constant 48 : index
        %get3A_1692 = tpu.vector_load %arg11[%get3A_1691] {strides = array<i32>} : memref<112xi32, #tpu.memory_space<vmem>>, vector<16xi32>,
        %min3A_1693 = arith.minsi %min3A_1690, %get3A_1692 : vector<16xi32>
        %get3A_1694 = arith.constant 64 : index
        %get3A_1695 = tpu.vector_load %arg11[%get3A_1694] {strides = array<i32>} : memref<112xi32, #tpu.memory_space<vmem>>, vector<16xi32>,
        %min3A_1696 = arith.minsi %min3A_1693, %get3A_1695 : vector<16xi32>
        %get3A_1697 = arith.constant 80 : index
        %get3A_1698 = tpu.vector_load %arg11[%get3A_1697] {strides = array<i32>} : memref<112xi32, #tpu.memory_space<vmem>>, vector<16xi32>,
        %min3A_1699 = arith.minsi %min3A_1696, %get3A_1698 : vector<16xi32>
        %get3A_1700 = arith.constant 96 : index
        %get3A_1701 = tpu.vector_load %arg11[%get3A_1700] {strides = array<i32>} : memref<112xi32, #tpu.memory_space<vmem>>, vector<16xi32>,
        %min3A_1702 = arith.minsi %min3A_1699, %get3A_1701 : vector<16xi32>
        %reduce_min3A = arith.constant true
        %reduce_min3A_1703 = vector.broadcast %reduce_min3A : i1 to vector<16xi1>
        %reduce_min3A_1704 = arith.constant -2147483648 : i32
        %reduce_min3A_1705 = vector.broadcast %reduce_min3A_1704 : i32 to vector<16xi32>
        %reduce_min3A_1706 = arith.xori %min3A_1702, %reduce_min3A_1705 : vector<16xi32>
        %reduce_min3A_1707 = tpu.scan <min>, %reduce_min3A_1706 masked %reduce_min3A_1703 : vector<16xi32>, vector<16xi1> -> vector<16xi32>
        %reduce_min3A_1708 = arith.xori %reduce_min3A_1707, %reduce_min3A_1705 : vector<16xi32>
        %reduce_min3A_1709 = vector.extract %reduce_min3A_1708[15] : i32 from vector<16xi32>
        %broadcast_in_dim3A_1710 = vector.broadcast %scan3A_1195 : i32 to vector<16xi32>
        %get3A_1711 = arith.constant 0 : index
        %get3A_1712 = tpu.vector_load %arg11[%get3A_1711] {strides = array<i32>} : memref<112xi32, #tpu.memory_space<vmem>>, vector<16xi32>,
        %eq3A_1713 = vector.broadcast %reduce_min3A_1709 : i32 to vector<16xi32>
        %eq3A_1714 = arith.cmpi eq, %get3A_1712, %eq3A_1713 : vector<16xi32>
        %add3A_1715 = arith.constant 0 : i32
        %add3A_1716 = vector.broadcast %add3A_1715 : i32 to vector<16xi32>
        %add3A_1717 = arith.addi %add3A_1716, %iota3A : vector<16xi32>
        %broadcast_in_dim3A_1718 = vector.broadcast %scan3A_1195 : i32 to vector<16xi32>
        %select_n3A_1719 = arith.select %eq3A_1714, %add3A_1717, %broadcast_in_dim3A_1718 : vector<16xi1>, vector<16xi32>
        %min3A_1720 = arith.minsi %broadcast_in_dim3A_1710, %select_n3A_1719 : vector<16xi32>
        %get3A_1721 = arith.constant 16 : index
        %get3A_1722 = tpu.vector_load %arg11[%get3A_1721] {strides = array<i32>} : memref<112xi32, #tpu.memory_space<vmem>>, vector<16xi32>,
        %eq3A_1723 = vector.broadcast %reduce_min3A_1709 : i32 to vector<16xi32>
        %eq3A_1724 = arith.cmpi eq, %get3A_1722, %eq3A_1723 : vector<16xi32>
        %add3A_1725 = arith.constant 16 : i32
        %add3A_1726 = vector.broadcast %add3A_1725 : i32 to vector<16xi32>
        %add3A_1727 = arith.addi %add3A_1726, %iota3A : vector<16xi32>
        %broadcast_in_dim3A_1728 = vector.broadcast %scan3A_1195 : i32 to vector<16xi32>
        %select_n3A_1729 = arith.select %eq3A_1724, %add3A_1727, %broadcast_in_dim3A_1728 : vector<16xi1>, vector<16xi32>
        %min3A_1730 = arith.minsi %min3A_1720, %select_n3A_1729 : vector<16xi32>
        %get3A_1731 = arith.constant 32 : index
        %get3A_1732 = tpu.vector_load %arg11[%get3A_1731] {strides = array<i32>} : memref<112xi32, #tpu.memory_space<vmem>>, vector<16xi32>,
        %eq3A_1733 = vector.broadcast %reduce_min3A_1709 : i32 to vector<16xi32>
        %eq3A_1734 = arith.cmpi eq, %get3A_1732, %eq3A_1733 : vector<16xi32>
        %add3A_1735 = arith.constant 32 : i32
        %add3A_1736 = vector.broadcast %add3A_1735 : i32 to vector<16xi32>
        %add3A_1737 = arith.addi %add3A_1736, %iota3A : vector<16xi32>
        %broadcast_in_dim3A_1738 = vector.broadcast %scan3A_1195 : i32 to vector<16xi32>
        %select_n3A_1739 = arith.select %eq3A_1734, %add3A_1737, %broadcast_in_dim3A_1738 : vector<16xi1>, vector<16xi32>
        %min3A_1740 = arith.minsi %min3A_1730, %select_n3A_1739 : vector<16xi32>
        %get3A_1741 = arith.constant 48 : index
        %get3A_1742 = tpu.vector_load %arg11[%get3A_1741] {strides = array<i32>} : memref<112xi32, #tpu.memory_space<vmem>>, vector<16xi32>,
        %eq3A_1743 = vector.broadcast %reduce_min3A_1709 : i32 to vector<16xi32>
        %eq3A_1744 = arith.cmpi eq, %get3A_1742, %eq3A_1743 : vector<16xi32>
        %add3A_1745 = arith.constant 48 : i32
        %add3A_1746 = vector.broadcast %add3A_1745 : i32 to vector<16xi32>
        %add3A_1747 = arith.addi %add3A_1746, %iota3A : vector<16xi32>
        %broadcast_in_dim3A_1748 = vector.broadcast %scan3A_1195 : i32 to vector<16xi32>
        %select_n3A_1749 = arith.select %eq3A_1744, %add3A_1747, %broadcast_in_dim3A_1748 : vector<16xi1>, vector<16xi32>
        %min3A_1750 = arith.minsi %min3A_1740, %select_n3A_1749 : vector<16xi32>
        %get3A_1751 = arith.constant 64 : index
        %get3A_1752 = tpu.vector_load %arg11[%get3A_1751] {strides = array<i32>} : memref<112xi32, #tpu.memory_space<vmem>>, vector<16xi32>,
        %eq3A_1753 = vector.broadcast %reduce_min3A_1709 : i32 to vector<16xi32>
        %eq3A_1754 = arith.cmpi eq, %get3A_1752, %eq3A_1753 : vector<16xi32>
        %add3A_1755 = arith.constant 64 : i32
        %add3A_1756 = vector.broadcast %add3A_1755 : i32 to vector<16xi32>
        %add3A_1757 = arith.addi %add3A_1756, %iota3A : vector<16xi32>
        %broadcast_in_dim3A_1758 = vector.broadcast %scan3A_1195 : i32 to vector<16xi32>
        %select_n3A_1759 = arith.select %eq3A_1754, %add3A_1757, %broadcast_in_dim3A_1758 : vector<16xi1>, vector<16xi32>
        %min3A_1760 = arith.minsi %min3A_1750, %select_n3A_1759 : vector<16xi32>
        %get3A_1761 = arith.constant 80 : index
        %get3A_1762 = tpu.vector_load %arg11[%get3A_1761] {strides = array<i32>} : memref<112xi32, #tpu.memory_space<vmem>>, vector<16xi32>,
        %eq3A_1763 = vector.broadcast %reduce_min3A_1709 : i32 to vector<16xi32>
        %eq3A_1764 = arith.cmpi eq, %get3A_1762, %eq3A_1763 : vector<16xi32>
        %add3A_1765 = arith.constant 80 : i32
        %add3A_1766 = vector.broadcast %add3A_1765 : i32 to vector<16xi32>
        %add3A_1767 = arith.addi %add3A_1766, %iota3A : vector<16xi32>
        %broadcast_in_dim3A_1768 = vector.broadcast %scan3A_1195 : i32 to vector<16xi32>
        %select_n3A_1769 = arith.select %eq3A_1764, %add3A_1767, %broadcast_in_dim3A_1768 : vector<16xi1>, vector<16xi32>
        %min3A_1770 = arith.minsi %min3A_1760, %select_n3A_1769 : vector<16xi32>
        %get3A_1771 = arith.constant 96 : index
        %get3A_1772 = tpu.vector_load %arg11[%get3A_1771] {strides = array<i32>} : memref<112xi32, #tpu.memory_space<vmem>>, vector<16xi32>,
        %eq3A_1773 = vector.broadcast %reduce_min3A_1709 : i32 to vector<16xi32>
        %eq3A_1774 = arith.cmpi eq, %get3A_1772, %eq3A_1773 : vector<16xi32>
        %add3A_1775 = arith.constant 96 : i32
        %add3A_1776 = vector.broadcast %add3A_1775 : i32 to vector<16xi32>
        %add3A_1777 = arith.addi %add3A_1776, %iota3A : vector<16xi32>
        %broadcast_in_dim3A_1778 = vector.broadcast %scan3A_1195 : i32 to vector<16xi32>
        %select_n3A_1779 = arith.select %eq3A_1774, %add3A_1777, %broadcast_in_dim3A_1778 : vector<16xi1>, vector<16xi32>
        %min3A_1780 = arith.minsi %min3A_1770, %select_n3A_1779 : vector<16xi32>
        %reduce_min3A_1781 = arith.constant true
        %reduce_min3A_1782 = vector.broadcast %reduce_min3A_1781 : i1 to vector<16xi1>
        %reduce_min3A_1783 = arith.constant -2147483648 : i32
        %reduce_min3A_1784 = vector.broadcast %reduce_min3A_1783 : i32 to vector<16xi32>
        %reduce_min3A_1785 = arith.xori %min3A_1780, %reduce_min3A_1784 : vector<16xi32>
        %reduce_min3A_1786 = tpu.scan <min>, %reduce_min3A_1785 masked %reduce_min3A_1782 : vector<16xi32>, vector<16xi1> -> vector<16xi32>
        %reduce_min3A_1787 = arith.xori %reduce_min3A_1786, %reduce_min3A_1784 : vector<16xi32>
        %reduce_min3A_1788 = vector.extract %reduce_min3A_1787[15] : i32 from vector<16xi32>
        %jit3A = arith.constant 16 : i32
        %div3A = arith.divsi %scan3A_1683, %jit3A : i32
        %sign3A = arith.constant 0 : i32
        %sign3A_1789 = arith.cmpi sgt, %scan3A_1683, %sign3A : i32
        %sign3A_1790 = arith.extui %sign3A_1789 : i1 to i32
        %sign3A_1791 = arith.constant 0 : i32
        %sign3A_1792 = arith.cmpi slt, %scan3A_1683, %sign3A_1791 : i32
        %sign3A_1793 = arith.extui %sign3A_1792 : i1 to i32
        %sign3A_1794 = arith.subi %sign3A_1790, %sign3A_1793 : i32
        %sign3A_1795 = arith.constant 0 : i32
        %sign3A_1796 = arith.cmpi sgt, %jit3A, %sign3A_1795 : i32
        %sign3A_1797 = arith.extui %sign3A_1796 : i1 to i32
        %sign3A_1798 = arith.constant 0 : i32
        %sign3A_1799 = arith.cmpi slt, %jit3A, %sign3A_1798 : i32
        %sign3A_1800 = arith.extui %sign3A_1799 : i1 to i32
        %sign3A_1801 = arith.subi %sign3A_1797, %sign3A_1800 : i32
        %ne3A = arith.cmpi ne, %sign3A_1794, %sign3A_1801 : i32
        %rem3A = arith.remsi %scan3A_1683, %jit3A : i32
        %ne3A_1802 = arith.constant 0 : i32
        %ne3A_1803 = arith.cmpi ne, %rem3A, %ne3A_1802 : i32
        %and3A = arith.andi %ne3A, %ne3A_1803 : i1
        %sub3A = arith.constant 1 : i32
        %sub3A_1804 = arith.subi %div3A, %sub3A : i32
        %select_n3A_1805 = arith.select %and3A, %sub3A_1804, %div3A : i32
        %mul3A_1806 = arith.constant 16 : i32
        %mul3A_1807 = arith.muli %select_n3A_1805, %mul3A_1806 : i32
        %get3A_1808 = arith.index_cast %mul3A_1807 : i32 to index
        %get3A_1809 = tpu.vector_load %arg12[%get3A_1808] {strides = array<i32>} : memref<112xi32, #tpu.memory_space<vmem>>, vector<16xi32>,
        %sub3A_1810 = arith.subi %scan3A_1683, %mul3A_1807 : i32
        %eq3A_1811 = vector.broadcast %sub3A_1810 : i32 to vector<16xi32>
        %eq3A_1812 = arith.cmpi eq, %iota3A, %eq3A_1811 : vector<16xi32>
        %broadcast_in_dim3A_1813 = vector.broadcast %reduce_min3A_1709 : i32 to vector<16xi32>
        %select_n3A_1814 = arith.select %eq3A_1812, %broadcast_in_dim3A_1813, %get3A_1809 : vector<16xi1>, vector<16xi32>
        %swap3A_1815 = arith.index_cast %mul3A_1807 : i32 to index
        %swap3A_1816 = tpu.vector_load %arg12[%swap3A_1815] {strides = array<i32>} : memref<112xi32, #tpu.memory_space<vmem>>, vector<16xi32>,
        tpu.vector_store %arg12[%swap3A_1815], %select_n3A_1814 {strides = array<i32>} : memref<112xi32, #tpu.memory_space<vmem>>, vector<16xi32>,
        %jit3A_1817 = arith.constant 16 : i32
        %div3A_1818 = arith.divsi %reduce_min3A_1788, %jit3A_1817 : i32
        %sign3A_1819 = arith.constant 0 : i32
        %sign3A_1820 = arith.cmpi sgt, %reduce_min3A_1788, %sign3A_1819 : i32
        %sign3A_1821 = arith.extui %sign3A_1820 : i1 to i32
        %sign3A_1822 = arith.constant 0 : i32
        %sign3A_1823 = arith.cmpi slt, %reduce_min3A_1788, %sign3A_1822 : i32
        %sign3A_1824 = arith.extui %sign3A_1823 : i1 to i32
        %sign3A_1825 = arith.subi %sign3A_1821, %sign3A_1824 : i32
        %sign3A_1826 = arith.constant 0 : i32
        %sign3A_1827 = arith.cmpi sgt, %jit3A_1817, %sign3A_1826 : i32
        %sign3A_1828 = arith.extui %sign3A_1827 : i1 to i32
        %sign3A_1829 = arith.constant 0 : i32
        %sign3A_1830 = arith.cmpi slt, %jit3A_1817, %sign3A_1829 : i32
        %sign3A_1831 = arith.extui %sign3A_1830 : i1 to i32
        %sign3A_1832 = arith.subi %sign3A_1828, %sign3A_1831 : i32
        %ne3A_1833 = arith.cmpi ne, %sign3A_1825, %sign3A_1832 : i32
        %rem3A_1834 = arith.remsi %reduce_min3A_1788, %jit3A_1817 : i32
        %ne3A_1835 = arith.constant 0 : i32
        %ne3A_1836 = arith.cmpi ne, %rem3A_1834, %ne3A_1835 : i32
        %and3A_1837 = arith.andi %ne3A_1833, %ne3A_1836 : i1
        %sub3A_1838 = arith.constant 1 : i32
        %sub3A_1839 = arith.subi %div3A_1818, %sub3A_1838 : i32
        %select_n3A_1840 = arith.select %and3A_1837, %sub3A_1839, %div3A_1818 : i32
        %mul3A_1841 = arith.constant 16 : i32
        %mul3A_1842 = arith.muli %select_n3A_1840, %mul3A_1841 : i32
        %get3A_1843 = arith.index_cast %mul3A_1842 : i32 to index
        %get3A_1844 = tpu.vector_load %arg11[%get3A_1843] {strides = array<i32>} : memref<112xi32, #tpu.memory_space<vmem>>, vector<16xi32>,
        %sub3A_1845 = arith.subi %reduce_min3A_1788, %mul3A_1842 : i32
        %eq3A_1846 = vector.broadcast %sub3A_1845 : i32 to vector<16xi32>
        %eq3A_1847 = arith.cmpi eq, %iota3A, %eq3A_1846 : vector<16xi32>
        %broadcast_in_dim3A_1848 = vector.broadcast %scan3A_1195 : i32 to vector<16xi32>
        %select_n3A_1849 = arith.select %eq3A_1847, %broadcast_in_dim3A_1848, %get3A_1844 : vector<16xi1>, vector<16xi32>
        %swap3A_1850 = arith.index_cast %mul3A_1842 : i32 to index
        %swap3A_1851 = tpu.vector_load %arg11[%swap3A_1850] {strides = array<i32>} : memref<112xi32, #tpu.memory_space<vmem>>, vector<16xi32>,
        tpu.vector_store %arg11[%swap3A_1850], %select_n3A_1849 {strides = array<i32>} : memref<112xi32, #tpu.memory_space<vmem>>, vector<16xi32>,
      }
      %scan3A_1200 = arith.constant 100 : i32
      %mul3A_1201 = arith.constant 25600 : i32
      %mul3A_1202 = arith.muli %add3A, %mul3A_1201 : i32
      %get3A_1203 = arith.constant 0 : index
      %get3A_1204 = tpu.vector_load %arg12[%get3A_1203] {strides = array<i32>} : memref<112xi32, #tpu.memory_space<vmem>>, vector<16xi32>,
      %add3A_1205 = vector.broadcast %mul3A_1202 : i32 to vector<16xi32>
      %add3A_1206 = arith.addi %add3A_1205, %get3A_1204 : vector<16xi32>
      %swap3A_1207 = arith.constant 0 : index
      %swap3A_1208 = tpu.vector_load %arg13[%swap3A_1207] {strides = array<i32>} : memref<112xi32, #tpu.memory_space<vmem>>, vector<16xi32>,
      tpu.vector_store %arg13[%swap3A_1207], %add3A_1206 {strides = array<i32>} : memref<112xi32, #tpu.memory_space<vmem>>, vector<16xi32>,
      %get3A_1209 = arith.constant 16 : index
      %get3A_1210 = tpu.vector_load %arg12[%get3A_1209] {strides = array<i32>} : memref<112xi32, #tpu.memory_space<vmem>>, vector<16xi32>,
      %add3A_1211 = vector.broadcast %mul3A_1202 : i32 to vector<16xi32>
      %add3A_1212 = arith.addi %add3A_1211, %get3A_1210 : vector<16xi32>
      %swap3A_1213 = arith.constant 16 : index
      %swap3A_1214 = tpu.vector_load %arg13[%swap3A_1213] {strides = array<i32>} : memref<112xi32, #tpu.memory_space<vmem>>, vector<16xi32>,
      tpu.vector_store %arg13[%swap3A_1213], %add3A_1212 {strides = array<i32>} : memref<112xi32, #tpu.memory_space<vmem>>, vector<16xi32>,
      %get3A_1215 = arith.constant 32 : index
      %get3A_1216 = tpu.vector_load %arg12[%get3A_1215] {strides = array<i32>} : memref<112xi32, #tpu.memory_space<vmem>>, vector<16xi32>,
      %add3A_1217 = vector.broadcast %mul3A_1202 : i32 to vector<16xi32>
      %add3A_1218 = arith.addi %add3A_1217, %get3A_1216 : vector<16xi32>
      %swap3A_1219 = arith.constant 32 : index
      %swap3A_1220 = tpu.vector_load %arg13[%swap3A_1219] {strides = array<i32>} : memref<112xi32, #tpu.memory_space<vmem>>, vector<16xi32>,
      tpu.vector_store %arg13[%swap3A_1219], %add3A_1218 {strides = array<i32>} : memref<112xi32, #tpu.memory_space<vmem>>, vector<16xi32>,
      %get3A_1221 = arith.constant 48 : index
      %get3A_1222 = tpu.vector_load %arg12[%get3A_1221] {strides = array<i32>} : memref<112xi32, #tpu.memory_space<vmem>>, vector<16xi32>,
      %add3A_1223 = vector.broadcast %mul3A_1202 : i32 to vector<16xi32>
      %add3A_1224 = arith.addi %add3A_1223, %get3A_1222 : vector<16xi32>
      %swap3A_1225 = arith.constant 48 : index
      %swap3A_1226 = tpu.vector_load %arg13[%swap3A_1225] {strides = array<i32>} : memref<112xi32, #tpu.memory_space<vmem>>, vector<16xi32>,
      tpu.vector_store %arg13[%swap3A_1225], %add3A_1224 {strides = array<i32>} : memref<112xi32, #tpu.memory_space<vmem>>, vector<16xi32>,
      %get3A_1227 = arith.constant 64 : index
      %get3A_1228 = tpu.vector_load %arg12[%get3A_1227] {strides = array<i32>} : memref<112xi32, #tpu.memory_space<vmem>>, vector<16xi32>,
      %add3A_1229 = vector.broadcast %mul3A_1202 : i32 to vector<16xi32>
      %add3A_1230 = arith.addi %add3A_1229, %get3A_1228 : vector<16xi32>
      %swap3A_1231 = arith.constant 64 : index
      %swap3A_1232 = tpu.vector_load %arg13[%swap3A_1231] {strides = array<i32>} : memref<112xi32, #tpu.memory_space<vmem>>, vector<16xi32>,
      tpu.vector_store %arg13[%swap3A_1231], %add3A_1230 {strides = array<i32>} : memref<112xi32, #tpu.memory_space<vmem>>, vector<16xi32>,
      %get3A_1233 = arith.constant 80 : index
      %get3A_1234 = tpu.vector_load %arg12[%get3A_1233] {strides = array<i32>} : memref<112xi32, #tpu.memory_space<vmem>>, vector<16xi32>,
      %add3A_1235 = vector.broadcast %mul3A_1202 : i32 to vector<16xi32>
      %add3A_1236 = arith.addi %add3A_1235, %get3A_1234 : vector<16xi32>
      %swap3A_1237 = arith.constant 80 : index
      %swap3A_1238 = tpu.vector_load %arg13[%swap3A_1237] {strides = array<i32>} : memref<112xi32, #tpu.memory_space<vmem>>, vector<16xi32>,
      tpu.vector_store %arg13[%swap3A_1237], %add3A_1236 {strides = array<i32>} : memref<112xi32, #tpu.memory_space<vmem>>, vector<16xi32>,
      %get3A_1239 = arith.constant 96 : index
      %get3A_1240 = tpu.vector_load %arg12[%get3A_1239] {strides = array<i32>} : memref<112xi32, #tpu.memory_space<vmem>>, vector<16xi32>,
      %add3A_1241 = vector.broadcast %mul3A_1202 : i32 to vector<16xi32>
      %add3A_1242 = arith.addi %add3A_1241, %get3A_1240 : vector<16xi32>
      %swap3A_1243 = arith.constant 96 : index
      %swap3A_1244 = tpu.vector_load %arg13[%swap3A_1243] {strides = array<i32>} : memref<112xi32, #tpu.memory_space<vmem>>, vector<16xi32>,
      tpu.vector_store %arg13[%swap3A_1243], %add3A_1242 {strides = array<i32>} : memref<112xi32, #tpu.memory_space<vmem>>, vector<16xi32>,
      %dma_start3A = arith.constant 0 : i32
      %dma_start3A_1245 = arith.constant 0 : i32
      %dma_start3A_1246 = tpu.memref_slice %arg3[%dma_start3A, %dma_start3A_1245] : memref<409600x128xf32, #tpu.memory_space<hbm>> -> memref<409600x128xf32, #tpu.memory_space<hbm>>
      tpu.enqueue_indirect_dma source(%dma_start3A_1246 : memref<409600x128xf32, #tpu.memory_space<hbm>>) target(%arg14 : memref<112x128xf32, #tpu.memory_space<vmem>>) offsets(%arg13 : memref<112xi32, #tpu.memory_space<vmem>>) semaphore(%arg22 : memref<!tpu.dma_semaphore, #tpu.memory_space<semaphore_mem>>)
      %dma_wait3A = arith.constant 0 : i32
      %dma_wait3A_1247 = arith.constant 0 : i32
      %dma_wait3A_1248 = tpu.memref_slice %arg3[%dma_wait3A, %dma_wait3A_1247] : memref<409600x128xf32, #tpu.memory_space<hbm>> -> memref<409600x128xf32, #tpu.memory_space<hbm>>
      tpu.wait_indirect_dma semaphore(%arg22 : memref<!tpu.dma_semaphore, #tpu.memory_space<semaphore_mem>>) src(%dma_wait3A_1248 : memref<409600x128xf32, #tpu.memory_space<hbm>>) dst(%arg14 : memref<112x128xf32, #tpu.memory_space<vmem>>)
      %broadcast_in_dim3A_1249 = arith.constant -1.000000e+30 : f32
      %broadcast_in_dim3A_1250 = vector.broadcast %broadcast_in_dim3A_1249 : f32 to vector<16xf32>
      %swap3A_1251 = arith.constant 8000 : index
      %swap3A_1252 = tpu.vector_load %arg15[%swap3A_1251] {strides = array<i32>} : memref<8192xf32, #tpu.memory_space<vmem>>, vector<16xf32>,
      tpu.vector_store %arg15[%swap3A_1251], %broadcast_in_dim3A_1250 {strides = array<i32>} : memref<8192xf32, #tpu.memory_space<vmem>>, vector<16xf32>,
      %broadcast_in_dim3A_1253 = arith.constant -1.000000e+30 : f32
      %broadcast_in_dim3A_1254 = vector.broadcast %broadcast_in_dim3A_1253 : f32 to vector<16xf32>
      %swap3A_1255 = arith.constant 8016 : index
      %swap3A_1256 = tpu.vector_load %arg15[%swap3A_1255] {strides = array<i32>} : memref<8192xf32, #tpu.memory_space<vmem>>, vector<16xf32>,
      tpu.vector_store %arg15[%swap3A_1255], %broadcast_in_dim3A_1254 {strides = array<i32>} : memref<8192xf32, #tpu.memory_space<vmem>>, vector<16xf32>,
      %broadcast_in_dim3A_1257 = arith.constant -1.000000e+30 : f32
      %broadcast_in_dim3A_1258 = vector.broadcast %broadcast_in_dim3A_1257 : f32 to vector<16xf32>
      %swap3A_1259 = arith.constant 8032 : index
      %swap3A_1260 = tpu.vector_load %arg15[%swap3A_1259] {strides = array<i32>} : memref<8192xf32, #tpu.memory_space<vmem>>, vector<16xf32>,
      tpu.vector_store %arg15[%swap3A_1259], %broadcast_in_dim3A_1258 {strides = array<i32>} : memref<8192xf32, #tpu.memory_space<vmem>>, vector<16xf32>,
      %broadcast_in_dim3A_1261 = arith.constant -1.000000e+30 : f32
      %broadcast_in_dim3A_1262 = vector.broadcast %broadcast_in_dim3A_1261 : f32 to vector<16xf32>
      %swap3A_1263 = arith.constant 8048 : index
      %swap3A_1264 = tpu.vector_load %arg15[%swap3A_1263] {strides = array<i32>} : memref<8192xf32, #tpu.memory_space<vmem>>, vector<16xf32>,
      tpu.vector_store %arg15[%swap3A_1263], %broadcast_in_dim3A_1262 {strides = array<i32>} : memref<8192xf32, #tpu.memory_space<vmem>>, vector<16xf32>,
      %broadcast_in_dim3A_1265 = arith.constant -1.000000e+30 : f32
      %broadcast_in_dim3A_1266 = vector.broadcast %broadcast_in_dim3A_1265 : f32 to vector<16xf32>
      %swap3A_1267 = arith.constant 8064 : index
      %swap3A_1268 = tpu.vector_load %arg15[%swap3A_1267] {strides = array<i32>} : memref<8192xf32, #tpu.memory_space<vmem>>, vector<16xf32>,
      tpu.vector_store %arg15[%swap3A_1267], %broadcast_in_dim3A_1266 {strides = array<i32>} : memref<8192xf32, #tpu.memory_space<vmem>>, vector<16xf32>,
      %broadcast_in_dim3A_1269 = arith.constant -1.000000e+30 : f32
      %broadcast_in_dim3A_1270 = vector.broadcast %broadcast_in_dim3A_1269 : f32 to vector<16xf32>
      %swap3A_1271 = arith.constant 8080 : index
      %swap3A_1272 = tpu.vector_load %arg15[%swap3A_1271] {strides = array<i32>} : memref<8192xf32, #tpu.memory_space<vmem>>, vector<16xf32>,
      tpu.vector_store %arg15[%swap3A_1271], %broadcast_in_dim3A_1270 {strides = array<i32>} : memref<8192xf32, #tpu.memory_space<vmem>>, vector<16xf32>,
      %broadcast_in_dim3A_1273 = arith.constant -1.000000e+30 : f32
      %broadcast_in_dim3A_1274 = vector.broadcast %broadcast_in_dim3A_1273 : f32 to vector<16xf32>
      %swap3A_1275 = arith.constant 8096 : index
      %swap3A_1276 = tpu.vector_load %arg15[%swap3A_1275] {strides = array<i32>} : memref<8192xf32, #tpu.memory_space<vmem>>, vector<16xf32>,
      tpu.vector_store %arg15[%swap3A_1275], %broadcast_in_dim3A_1274 {strides = array<i32>} : memref<8192xf32, #tpu.memory_space<vmem>>, vector<16xf32>,
      %broadcast_in_dim3A_1277 = arith.constant -1.000000e+30 : f32
      %broadcast_in_dim3A_1278 = vector.broadcast %broadcast_in_dim3A_1277 : f32 to vector<16xf32>
      %swap3A_1279 = arith.constant 8112 : index
      %swap3A_1280 = tpu.vector_load %arg15[%swap3A_1279] {strides = array<i32>} : memref<8192xf32, #tpu.memory_space<vmem>>, vector<16xf32>,
      tpu.vector_store %arg15[%swap3A_1279], %broadcast_in_dim3A_1278 {strides = array<i32>} : memref<8192xf32, #tpu.memory_space<vmem>>, vector<16xf32>,
      %broadcast_in_dim3A_1281 = arith.constant -1.000000e+30 : f32
      %broadcast_in_dim3A_1282 = vector.broadcast %broadcast_in_dim3A_1281 : f32 to vector<16xf32>
      %swap3A_1283 = arith.constant 8128 : index
      %swap3A_1284 = tpu.vector_load %arg15[%swap3A_1283] {strides = array<i32>} : memref<8192xf32, #tpu.memory_space<vmem>>, vector<16xf32>,
      tpu.vector_store %arg15[%swap3A_1283], %broadcast_in_dim3A_1282 {strides = array<i32>} : memref<8192xf32, #tpu.memory_space<vmem>>, vector<16xf32>,
      %broadcast_in_dim3A_1285 = arith.constant -1.000000e+30 : f32
      %broadcast_in_dim3A_1286 = vector.broadcast %broadcast_in_dim3A_1285 : f32 to vector<16xf32>
      %swap3A_1287 = arith.constant 8144 : index
      %swap3A_1288 = tpu.vector_load %arg15[%swap3A_1287] {strides = array<i32>} : memref<8192xf32, #tpu.memory_space<vmem>>, vector<16xf32>,
      tpu.vector_store %arg15[%swap3A_1287], %broadcast_in_dim3A_1286 {strides = array<i32>} : memref<8192xf32, #tpu.memory_space<vmem>>, vector<16xf32>,
      %broadcast_in_dim3A_1289 = arith.constant -1.000000e+30 : f32
      %broadcast_in_dim3A_1290 = vector.broadcast %broadcast_in_dim3A_1289 : f32 to vector<16xf32>
      %swap3A_1291 = arith.constant 8160 : index
      %swap3A_1292 = tpu.vector_load %arg15[%swap3A_1291] {strides = array<i32>} : memref<8192xf32, #tpu.memory_space<vmem>>, vector<16xf32>,
      tpu.vector_store %arg15[%swap3A_1291], %broadcast_in_dim3A_1290 {strides = array<i32>} : memref<8192xf32, #tpu.memory_space<vmem>>, vector<16xf32>,
      %broadcast_in_dim3A_1293 = arith.constant -1.000000e+30 : f32
      %broadcast_in_dim3A_1294 = vector.broadcast %broadcast_in_dim3A_1293 : f32 to vector<16xf32>
      %swap3A_1295 = arith.constant 8176 : index
      %swap3A_1296 = tpu.vector_load %arg15[%swap3A_1295] {strides = array<i32>} : memref<8192xf32, #tpu.memory_space<vmem>>, vector<16xf32>,
      tpu.vector_store %arg15[%swap3A_1295], %broadcast_in_dim3A_1294 {strides = array<i32>} : memref<8192xf32, #tpu.memory_space<vmem>>, vector<16xf32>,
      %scan3A_1297 = arith.constant 0 : i32
      %scan3A_1298 = arith.constant 0 : i32
      %scan3A_1299 = arith.constant 100 : i32
      %scan3A_1300 = arith.addi %scan3A_1298, %scan3A_1299 : i32
      %scan3A_1301 = arith.constant 1 : i32
      scf.for %scan3A_1683 = %scan3A_1298 to %scan3A_1300 step %scan3A_1301  : i32 {
        %get3A_1684 = arith.index_cast %scan3A_1683 : i32 to index
        %get3A_1685 = arith.constant 0 : index
        %get3A_1686 = tpu.vector_load %arg14[%get3A_1684, %get3A_1685] {strides = array<i32>} : memref<112x128xf32, #tpu.memory_space<vmem>>, vector<16xf32>,
        %mul3A_1687 = arith.constant 80 : i32
        %mul3A_1688 = arith.muli %scan3A_1683, %mul3A_1687 : i32
        %add3A_1689 = arith.constant 0 : i32
        %add3A_1690 = arith.addi %mul3A_1688, %add3A_1689 : i32
        %swap3A_1691 = arith.index_cast %add3A_1690 : i32 to index
        %swap3A_1692 = tpu.vector_load %arg15[%swap3A_1691] {strides = array<i32>} : memref<8192xf32, #tpu.memory_space<vmem>>, vector<16xf32>,
        tpu.vector_store %arg15[%swap3A_1691], %get3A_1686 {strides = array<i32>} : memref<8192xf32, #tpu.memory_space<vmem>>, vector<16xf32>,
        %get3A_1693 = arith.index_cast %scan3A_1683 : i32 to index
        %get3A_1694 = arith.constant 16 : index
        %get3A_1695 = tpu.vector_load %arg14[%get3A_1693, %get3A_1694] {strides = array<i32>} : memref<112x128xf32, #tpu.memory_space<vmem>>, vector<16xf32>,
        %mul3A_1696 = arith.constant 80 : i32
        %mul3A_1697 = arith.muli %scan3A_1683, %mul3A_1696 : i32
        %add3A_1698 = arith.constant 16 : i32
        %add3A_1699 = arith.addi %mul3A_1697, %add3A_1698 : i32
        %swap3A_1700 = arith.index_cast %add3A_1699 : i32 to index
        %swap3A_1701 = tpu.vector_load %arg15[%swap3A_1700] {strides = array<i32>} : memref<8192xf32, #tpu.memory_space<vmem>>, vector<16xf32>,
        tpu.vector_store %arg15[%swap3A_1700], %get3A_1695 {strides = array<i32>} : memref<8192xf32, #tpu.memory_space<vmem>>, vector<16xf32>,
        %get3A_1702 = arith.index_cast %scan3A_1683 : i32 to index
        %get3A_1703 = arith.constant 32 : index
        %get3A_1704 = tpu.vector_load %arg14[%get3A_1702, %get3A_1703] {strides = array<i32>} : memref<112x128xf32, #tpu.memory_space<vmem>>, vector<16xf32>,
        %mul3A_1705 = arith.constant 80 : i32
        %mul3A_1706 = arith.muli %scan3A_1683, %mul3A_1705 : i32
        %add3A_1707 = arith.constant 32 : i32
        %add3A_1708 = arith.addi %mul3A_1706, %add3A_1707 : i32
        %swap3A_1709 = arith.index_cast %add3A_1708 : i32 to index
        %swap3A_1710 = tpu.vector_load %arg15[%swap3A_1709] {strides = array<i32>} : memref<8192xf32, #tpu.memory_space<vmem>>, vector<16xf32>,
        tpu.vector_store %arg15[%swap3A_1709], %get3A_1704 {strides = array<i32>} : memref<8192xf32, #tpu.memory_space<vmem>>, vector<16xf32>,
        %get3A_1711 = arith.index_cast %scan3A_1683 : i32 to index
        %get3A_1712 = arith.constant 48 : index
        %get3A_1713 = tpu.vector_load %arg14[%get3A_1711, %get3A_1712] {strides = array<i32>} : memref<112x128xf32, #tpu.memory_space<vmem>>, vector<16xf32>,
        %mul3A_1714 = arith.constant 80 : i32
        %mul3A_1715 = arith.muli %scan3A_1683, %mul3A_1714 : i32
        %add3A_1716 = arith.constant 48 : i32
        %add3A_1717 = arith.addi %mul3A_1715, %add3A_1716 : i32
        %swap3A_1718 = arith.index_cast %add3A_1717 : i32 to index
        %swap3A_1719 = tpu.vector_load %arg15[%swap3A_1718] {strides = array<i32>} : memref<8192xf32, #tpu.memory_space<vmem>>, vector<16xf32>,
        tpu.vector_store %arg15[%swap3A_1718], %get3A_1713 {strides = array<i32>} : memref<8192xf32, #tpu.memory_space<vmem>>, vector<16xf32>,
        %get3A_1720 = arith.index_cast %scan3A_1683 : i32 to index
        %get3A_1721 = arith.constant 64 : index
        %get3A_1722 = tpu.vector_load %arg14[%get3A_1720, %get3A_1721] {strides = array<i32>} : memref<112x128xf32, #tpu.memory_space<vmem>>, vector<16xf32>,
        %mul3A_1723 = arith.constant 80 : i32
        %mul3A_1724 = arith.muli %scan3A_1683, %mul3A_1723 : i32
        %add3A_1725 = arith.constant 64 : i32
        %add3A_1726 = arith.addi %mul3A_1724, %add3A_1725 : i32
        %swap3A_1727 = arith.index_cast %add3A_1726 : i32 to index
        %swap3A_1728 = tpu.vector_load %arg15[%swap3A_1727] {strides = array<i32>} : memref<8192xf32, #tpu.memory_space<vmem>>, vector<16xf32>,
        tpu.vector_store %arg15[%swap3A_1727], %get3A_1722 {strides = array<i32>} : memref<8192xf32, #tpu.memory_space<vmem>>, vector<16xf32>,
      }
      %scan3A_1302 = arith.constant 100 : i32
      %scan3A_1303 = arith.constant 0 : i32
      %scan3A_1304 = arith.constant 0 : i32
      %scan3A_1305 = arith.constant 32 : i32
      %scan3A_1306 = arith.addi %scan3A_1304, %scan3A_1305 : i32
      %scan3A_1307 = arith.constant 1 : i32
      scf.for %scan3A_1683 = %scan3A_1304 to %scan3A_1306 step %scan3A_1307  : i32 {
        %broadcast_in_dim3A_1684 = arith.constant 0.000000e+00 : f32
        %broadcast_in_dim3A_1685 = vector.broadcast %broadcast_in_dim3A_1684 : f32 to vector<16xf32>
        %mul3A_1686 = arith.constant 16 : i32
        %mul3A_1687 = arith.muli %scan3A_1683, %mul3A_1686 : i32
        %add3A_1688 = arith.constant 0 : i32
        %add3A_1689 = arith.addi %mul3A_1687, %add3A_1688 : i32
        %mul3A_1690 = arith.constant 16 : i32
        %mul3A_1691 = arith.muli %add3A_1689, %mul3A_1690 : i32
        %get3A_1692 = arith.index_cast %mul3A_1691 : i32 to index
        %get3A_1693 = tpu.vector_load %arg15[%get3A_1692] {strides = array<i32>} : memref<8192xf32, #tpu.memory_space<vmem>>, vector<16xf32>,
        %eq3A_1694 = arith.constant 0 : i32
        %eq3A_1695 = vector.broadcast %eq3A_1694 : i32 to vector<16xi32>
        %eq3A_1696 = arith.cmpi eq, %iota3A, %eq3A_1695 : vector<16xi32>
        %reduce_max3A_1697 = arith.constant true
        %reduce_max3A_1698 = vector.broadcast %reduce_max3A_1697 : i1 to vector<16xi1>
        %reduce_max3A_1699 = tpu.scan <max>, %get3A_1693 masked %reduce_max3A_1698 : vector<16xf32>, vector<16xi1> -> vector<16xf32>
        %reduce_max3A_1700 = vector.extract %reduce_max3A_1699[15] : f32 from vector<16xf32>
        %broadcast_in_dim3A_1701 = vector.broadcast %reduce_max3A_1700 : f32 to vector<16xf32>
        %select_n3A_1702 = arith.select %eq3A_1696, %broadcast_in_dim3A_1701, %broadcast_in_dim3A_1685 : vector<16xi1>, vector<16xf32>
        %mul3A_1703 = arith.constant 16 : i32
        %mul3A_1704 = arith.muli %scan3A_1683, %mul3A_1703 : i32
        %add3A_1705 = arith.constant 1 : i32
        %add3A_1706 = arith.addi %mul3A_1704, %add3A_1705 : i32
        %mul3A_1707 = arith.constant 16 : i32
        %mul3A_1708 = arith.muli %add3A_1706, %mul3A_1707 : i32
        %get3A_1709 = arith.index_cast %mul3A_1708 : i32 to index
        %get3A_1710 = tpu.vector_load %arg15[%get3A_1709] {strides = array<i32>} : memref<8192xf32, #tpu.memory_space<vmem>>, vector<16xf32>,
        %eq3A_1711 = arith.constant 1 : i32
        %eq3A_1712 = vector.broadcast %eq3A_1711 : i32 to vector<16xi32>
        %eq3A_1713 = arith.cmpi eq, %iota3A, %eq3A_1712 : vector<16xi32>
        %reduce_max3A_1714 = arith.constant true
        %reduce_max3A_1715 = vector.broadcast %reduce_max3A_1714 : i1 to vector<16xi1>
        %reduce_max3A_1716 = tpu.scan <max>, %get3A_1710 masked %reduce_max3A_1715 : vector<16xf32>, vector<16xi1> -> vector<16xf32>
        %reduce_max3A_1717 = vector.extract %reduce_max3A_1716[15] : f32 from vector<16xf32>
        %broadcast_in_dim3A_1718 = vector.broadcast %reduce_max3A_1717 : f32 to vector<16xf32>
        %select_n3A_1719 = arith.select %eq3A_1713, %broadcast_in_dim3A_1718, %select_n3A_1702 : vector<16xi1>, vector<16xf32>
        %mul3A_1720 = arith.constant 16 : i32
        %mul3A_1721 = arith.muli %scan3A_1683, %mul3A_1720 : i32
        %add3A_1722 = arith.constant 2 : i32
        %add3A_1723 = arith.addi %mul3A_1721, %add3A_1722 : i32
        %mul3A_1724 = arith.constant 16 : i32
        %mul3A_1725 = arith.muli %add3A_1723, %mul3A_1724 : i32
        %get3A_1726 = arith.index_cast %mul3A_1725 : i32 to index
        %get3A_1727 = tpu.vector_load %arg15[%get3A_1726] {strides = array<i32>} : memref<8192xf32, #tpu.memory_space<vmem>>, vector<16xf32>,
        %eq3A_1728 = arith.constant 2 : i32
        %eq3A_1729 = vector.broadcast %eq3A_1728 : i32 to vector<16xi32>
        %eq3A_1730 = arith.cmpi eq, %iota3A, %eq3A_1729 : vector<16xi32>
        %reduce_max3A_1731 = arith.constant true
        %reduce_max3A_1732 = vector.broadcast %reduce_max3A_1731 : i1 to vector<16xi1>
        %reduce_max3A_1733 = tpu.scan <max>, %get3A_1727 masked %reduce_max3A_1732 : vector<16xf32>, vector<16xi1> -> vector<16xf32>
        %reduce_max3A_1734 = vector.extract %reduce_max3A_1733[15] : f32 from vector<16xf32>
        %broadcast_in_dim3A_1735 = vector.broadcast %reduce_max3A_1734 : f32 to vector<16xf32>
        %select_n3A_1736 = arith.select %eq3A_1730, %broadcast_in_dim3A_1735, %select_n3A_1719 : vector<16xi1>, vector<16xf32>
        %mul3A_1737 = arith.constant 16 : i32
        %mul3A_1738 = arith.muli %scan3A_1683, %mul3A_1737 : i32
        %add3A_1739 = arith.constant 3 : i32
        %add3A_1740 = arith.addi %mul3A_1738, %add3A_1739 : i32
        %mul3A_1741 = arith.constant 16 : i32
        %mul3A_1742 = arith.muli %add3A_1740, %mul3A_1741 : i32
        %get3A_1743 = arith.index_cast %mul3A_1742 : i32 to index
        %get3A_1744 = tpu.vector_load %arg15[%get3A_1743] {strides = array<i32>} : memref<8192xf32, #tpu.memory_space<vmem>>, vector<16xf32>,
        %eq3A_1745 = arith.constant 3 : i32
        %eq3A_1746 = vector.broadcast %eq3A_1745 : i32 to vector<16xi32>
        %eq3A_1747 = arith.cmpi eq, %iota3A, %eq3A_1746 : vector<16xi32>
        %reduce_max3A_1748 = arith.constant true
        %reduce_max3A_1749 = vector.broadcast %reduce_max3A_1748 : i1 to vector<16xi1>
        %reduce_max3A_1750 = tpu.scan <max>, %get3A_1744 masked %reduce_max3A_1749 : vector<16xf32>, vector<16xi1> -> vector<16xf32>
        %reduce_max3A_1751 = vector.extract %reduce_max3A_1750[15] : f32 from vector<16xf32>
        %broadcast_in_dim3A_1752 = vector.broadcast %reduce_max3A_1751 : f32 to vector<16xf32>
        %select_n3A_1753 = arith.select %eq3A_1747, %broadcast_in_dim3A_1752, %select_n3A_1736 : vector<16xi1>, vector<16xf32>
        %mul3A_1754 = arith.constant 16 : i32
        %mul3A_1755 = arith.muli %scan3A_1683, %mul3A_1754 : i32
        %add3A_1756 = arith.constant 4 : i32
        %add3A_1757 = arith.addi %mul3A_1755, %add3A_1756 : i32
        %mul3A_1758 = arith.constant 16 : i32
        %mul3A_1759 = arith.muli %add3A_1757, %mul3A_1758 : i32
        %get3A_1760 = arith.index_cast %mul3A_1759 : i32 to index
        %get3A_1761 = tpu.vector_load %arg15[%get3A_1760] {strides = array<i32>} : memref<8192xf32, #tpu.memory_space<vmem>>, vector<16xf32>,
        %eq3A_1762 = arith.constant 4 : i32
        %eq3A_1763 = vector.broadcast %eq3A_1762 : i32 to vector<16xi32>
        %eq3A_1764 = arith.cmpi eq, %iota3A, %eq3A_1763 : vector<16xi32>
        %reduce_max3A_1765 = arith.constant true
        %reduce_max3A_1766 = vector.broadcast %reduce_max3A_1765 : i1 to vector<16xi1>
        %reduce_max3A_1767 = tpu.scan <max>, %get3A_1761 masked %reduce_max3A_1766 : vector<16xf32>, vector<16xi1> -> vector<16xf32>
        %reduce_max3A_1768 = vector.extract %reduce_max3A_1767[15] : f32 from vector<16xf32>
        %broadcast_in_dim3A_1769 = vector.broadcast %reduce_max3A_1768 : f32 to vector<16xf32>
        %select_n3A_1770 = arith.select %eq3A_1764, %broadcast_in_dim3A_1769, %select_n3A_1753 : vector<16xi1>, vector<16xf32>
        %mul3A_1771 = arith.constant 16 : i32
        %mul3A_1772 = arith.muli %scan3A_1683, %mul3A_1771 : i32
        %add3A_1773 = arith.constant 5 : i32
        %add3A_1774 = arith.addi %mul3A_1772, %add3A_1773 : i32
        %mul3A_1775 = arith.constant 16 : i32
        %mul3A_1776 = arith.muli %add3A_1774, %mul3A_1775 : i32
        %get3A_1777 = arith.index_cast %mul3A_1776 : i32 to index
        %get3A_1778 = tpu.vector_load %arg15[%get3A_1777] {strides = array<i32>} : memref<8192xf32, #tpu.memory_space<vmem>>, vector<16xf32>,
        %eq3A_1779 = arith.constant 5 : i32
        %eq3A_1780 = vector.broadcast %eq3A_1779 : i32 to vector<16xi32>
        %eq3A_1781 = arith.cmpi eq, %iota3A, %eq3A_1780 : vector<16xi32>
        %reduce_max3A_1782 = arith.constant true
        %reduce_max3A_1783 = vector.broadcast %reduce_max3A_1782 : i1 to vector<16xi1>
        %reduce_max3A_1784 = tpu.scan <max>, %get3A_1778 masked %reduce_max3A_1783 : vector<16xf32>, vector<16xi1> -> vector<16xf32>
        %reduce_max3A_1785 = vector.extract %reduce_max3A_1784[15] : f32 from vector<16xf32>
        %broadcast_in_dim3A_1786 = vector.broadcast %reduce_max3A_1785 : f32 to vector<16xf32>
        %select_n3A_1787 = arith.select %eq3A_1781, %broadcast_in_dim3A_1786, %select_n3A_1770 : vector<16xi1>, vector<16xf32>
        %mul3A_1788 = arith.constant 16 : i32
        %mul3A_1789 = arith.muli %scan3A_1683, %mul3A_1788 : i32
        %add3A_1790 = arith.constant 6 : i32
        %add3A_1791 = arith.addi %mul3A_1789, %add3A_1790 : i32
        %mul3A_1792 = arith.constant 16 : i32
        %mul3A_1793 = arith.muli %add3A_1791, %mul3A_1792 : i32
        %get3A_1794 = arith.index_cast %mul3A_1793 : i32 to index
        %get3A_1795 = tpu.vector_load %arg15[%get3A_1794] {strides = array<i32>} : memref<8192xf32, #tpu.memory_space<vmem>>, vector<16xf32>,
        %eq3A_1796 = arith.constant 6 : i32
        %eq3A_1797 = vector.broadcast %eq3A_1796 : i32 to vector<16xi32>
        %eq3A_1798 = arith.cmpi eq, %iota3A, %eq3A_1797 : vector<16xi32>
        %reduce_max3A_1799 = arith.constant true
        %reduce_max3A_1800 = vector.broadcast %reduce_max3A_1799 : i1 to vector<16xi1>
        %reduce_max3A_1801 = tpu.scan <max>, %get3A_1795 masked %reduce_max3A_1800 : vector<16xf32>, vector<16xi1> -> vector<16xf32>
        %reduce_max3A_1802 = vector.extract %reduce_max3A_1801[15] : f32 from vector<16xf32>
        %broadcast_in_dim3A_1803 = vector.broadcast %reduce_max3A_1802 : f32 to vector<16xf32>
        %select_n3A_1804 = arith.select %eq3A_1798, %broadcast_in_dim3A_1803, %select_n3A_1787 : vector<16xi1>, vector<16xf32>
        %mul3A_1805 = arith.constant 16 : i32
        %mul3A_1806 = arith.muli %scan3A_1683, %mul3A_1805 : i32
        %add3A_1807 = arith.constant 7 : i32
        %add3A_1808 = arith.addi %mul3A_1806, %add3A_1807 : i32
        %mul3A_1809 = arith.constant 16 : i32
        %mul3A_1810 = arith.muli %add3A_1808, %mul3A_1809 : i32
        %get3A_1811 = arith.index_cast %mul3A_1810 : i32 to index
        %get3A_1812 = tpu.vector_load %arg15[%get3A_1811] {strides = array<i32>} : memref<8192xf32, #tpu.memory_space<vmem>>, vector<16xf32>,
        %eq3A_1813 = arith.constant 7 : i32
        %eq3A_1814 = vector.broadcast %eq3A_1813 : i32 to vector<16xi32>
        %eq3A_1815 = arith.cmpi eq, %iota3A, %eq3A_1814 : vector<16xi32>
        %reduce_max3A_1816 = arith.constant true
        %reduce_max3A_1817 = vector.broadcast %reduce_max3A_1816 : i1 to vector<16xi1>
        %reduce_max3A_1818 = tpu.scan <max>, %get3A_1812 masked %reduce_max3A_1817 : vector<16xf32>, vector<16xi1> -> vector<16xf32>
        %reduce_max3A_1819 = vector.extract %reduce_max3A_1818[15] : f32 from vector<16xf32>
        %broadcast_in_dim3A_1820 = vector.broadcast %reduce_max3A_1819 : f32 to vector<16xf32>
        %select_n3A_1821 = arith.select %eq3A_1815, %broadcast_in_dim3A_1820, %select_n3A_1804 : vector<16xi1>, vector<16xf32>
        %mul3A_1822 = arith.constant 16 : i32
        %mul3A_1823 = arith.muli %scan3A_1683, %mul3A_1822 : i32
        %add3A_1824 = arith.constant 8 : i32
        %add3A_1825 = arith.addi %mul3A_1823, %add3A_1824 : i32
        %mul3A_1826 = arith.constant 16 : i32
        %mul3A_1827 = arith.muli %add3A_1825, %mul3A_1826 : i32
        %get3A_1828 = arith.index_cast %mul3A_1827 : i32 to index
        %get3A_1829 = tpu.vector_load %arg15[%get3A_1828] {strides = array<i32>} : memref<8192xf32, #tpu.memory_space<vmem>>, vector<16xf32>,
        %eq3A_1830 = arith.constant 8 : i32
        %eq3A_1831 = vector.broadcast %eq3A_1830 : i32 to vector<16xi32>
        %eq3A_1832 = arith.cmpi eq, %iota3A, %eq3A_1831 : vector<16xi32>
        %reduce_max3A_1833 = arith.constant true
        %reduce_max3A_1834 = vector.broadcast %reduce_max3A_1833 : i1 to vector<16xi1>
        %reduce_max3A_1835 = tpu.scan <max>, %get3A_1829 masked %reduce_max3A_1834 : vector<16xf32>, vector<16xi1> -> vector<16xf32>
        %reduce_max3A_1836 = vector.extract %reduce_max3A_1835[15] : f32 from vector<16xf32>
        %broadcast_in_dim3A_1837 = vector.broadcast %reduce_max3A_1836 : f32 to vector<16xf32>
        %select_n3A_1838 = arith.select %eq3A_1832, %broadcast_in_dim3A_1837, %select_n3A_1821 : vector<16xi1>, vector<16xf32>
        %mul3A_1839 = arith.constant 16 : i32
        %mul3A_1840 = arith.muli %scan3A_1683, %mul3A_1839 : i32
        %add3A_1841 = arith.constant 9 : i32
        %add3A_1842 = arith.addi %mul3A_1840, %add3A_1841 : i32
        %mul3A_1843 = arith.constant 16 : i32
        %mul3A_1844 = arith.muli %add3A_1842, %mul3A_1843 : i32
        %get3A_1845 = arith.index_cast %mul3A_1844 : i32 to index
        %get3A_1846 = tpu.vector_load %arg15[%get3A_1845] {strides = array<i32>} : memref<8192xf32, #tpu.memory_space<vmem>>, vector<16xf32>,
        %eq3A_1847 = arith.constant 9 : i32
        %eq3A_1848 = vector.broadcast %eq3A_1847 : i32 to vector<16xi32>
        %eq3A_1849 = arith.cmpi eq, %iota3A, %eq3A_1848 : vector<16xi32>
        %reduce_max3A_1850 = arith.constant true
        %reduce_max3A_1851 = vector.broadcast %reduce_max3A_1850 : i1 to vector<16xi1>
        %reduce_max3A_1852 = tpu.scan <max>, %get3A_1846 masked %reduce_max3A_1851 : vector<16xf32>, vector<16xi1> -> vector<16xf32>
        %reduce_max3A_1853 = vector.extract %reduce_max3A_1852[15] : f32 from vector<16xf32>
        %broadcast_in_dim3A_1854 = vector.broadcast %reduce_max3A_1853 : f32 to vector<16xf32>
        %select_n3A_1855 = arith.select %eq3A_1849, %broadcast_in_dim3A_1854, %select_n3A_1838 : vector<16xi1>, vector<16xf32>
        %mul3A_1856 = arith.constant 16 : i32
        %mul3A_1857 = arith.muli %scan3A_1683, %mul3A_1856 : i32
        %add3A_1858 = arith.constant 10 : i32
        %add3A_1859 = arith.addi %mul3A_1857, %add3A_1858 : i32
        %mul3A_1860 = arith.constant 16 : i32
        %mul3A_1861 = arith.muli %add3A_1859, %mul3A_1860 : i32
        %get3A_1862 = arith.index_cast %mul3A_1861 : i32 to index
        %get3A_1863 = tpu.vector_load %arg15[%get3A_1862] {strides = array<i32>} : memref<8192xf32, #tpu.memory_space<vmem>>, vector<16xf32>,
        %eq3A_1864 = arith.constant 10 : i32
        %eq3A_1865 = vector.broadcast %eq3A_1864 : i32 to vector<16xi32>
        %eq3A_1866 = arith.cmpi eq, %iota3A, %eq3A_1865 : vector<16xi32>
        %reduce_max3A_1867 = arith.constant true
        %reduce_max3A_1868 = vector.broadcast %reduce_max3A_1867 : i1 to vector<16xi1>
        %reduce_max3A_1869 = tpu.scan <max>, %get3A_1863 masked %reduce_max3A_1868 : vector<16xf32>, vector<16xi1> -> vector<16xf32>
        %reduce_max3A_1870 = vector.extract %reduce_max3A_1869[15] : f32 from vector<16xf32>
        %broadcast_in_dim3A_1871 = vector.broadcast %reduce_max3A_1870 : f32 to vector<16xf32>
        %select_n3A_1872 = arith.select %eq3A_1866, %broadcast_in_dim3A_1871, %select_n3A_1855 : vector<16xi1>, vector<16xf32>
        %mul3A_1873 = arith.constant 16 : i32
        %mul3A_1874 = arith.muli %scan3A_1683, %mul3A_1873 : i32
        %add3A_1875 = arith.constant 11 : i32
        %add3A_1876 = arith.addi %mul3A_1874, %add3A_1875 : i32
        %mul3A_1877 = arith.constant 16 : i32
        %mul3A_1878 = arith.muli %add3A_1876, %mul3A_1877 : i32
        %get3A_1879 = arith.index_cast %mul3A_1878 : i32 to index
        %get3A_1880 = tpu.vector_load %arg15[%get3A_1879] {strides = array<i32>} : memref<8192xf32, #tpu.memory_space<vmem>>, vector<16xf32>,
        %eq3A_1881 = arith.constant 11 : i32
        %eq3A_1882 = vector.broadcast %eq3A_1881 : i32 to vector<16xi32>
        %eq3A_1883 = arith.cmpi eq, %iota3A, %eq3A_1882 : vector<16xi32>
        %reduce_max3A_1884 = arith.constant true
        %reduce_max3A_1885 = vector.broadcast %reduce_max3A_1884 : i1 to vector<16xi1>
        %reduce_max3A_1886 = tpu.scan <max>, %get3A_1880 masked %reduce_max3A_1885 : vector<16xf32>, vector<16xi1> -> vector<16xf32>
        %reduce_max3A_1887 = vector.extract %reduce_max3A_1886[15] : f32 from vector<16xf32>
        %broadcast_in_dim3A_1888 = vector.broadcast %reduce_max3A_1887 : f32 to vector<16xf32>
        %select_n3A_1889 = arith.select %eq3A_1883, %broadcast_in_dim3A_1888, %select_n3A_1872 : vector<16xi1>, vector<16xf32>
        %mul3A_1890 = arith.constant 16 : i32
        %mul3A_1891 = arith.muli %scan3A_1683, %mul3A_1890 : i32
        %add3A_1892 = arith.constant 12 : i32
        %add3A_1893 = arith.addi %mul3A_1891, %add3A_1892 : i32
        %mul3A_1894 = arith.constant 16 : i32
        %mul3A_1895 = arith.muli %add3A_1893, %mul3A_1894 : i32
        %get3A_1896 = arith.index_cast %mul3A_1895 : i32 to index
        %get3A_1897 = tpu.vector_load %arg15[%get3A_1896] {strides = array<i32>} : memref<8192xf32, #tpu.memory_space<vmem>>, vector<16xf32>,
        %eq3A_1898 = arith.constant 12 : i32
        %eq3A_1899 = vector.broadcast %eq3A_1898 : i32 to vector<16xi32>
        %eq3A_1900 = arith.cmpi eq, %iota3A, %eq3A_1899 : vector<16xi32>
        %reduce_max3A_1901 = arith.constant true
        %reduce_max3A_1902 = vector.broadcast %reduce_max3A_1901 : i1 to vector<16xi1>
        %reduce_max3A_1903 = tpu.scan <max>, %get3A_1897 masked %reduce_max3A_1902 : vector<16xf32>, vector<16xi1> -> vector<16xf32>
        %reduce_max3A_1904 = vector.extract %reduce_max3A_1903[15] : f32 from vector<16xf32>
        %broadcast_in_dim3A_1905 = vector.broadcast %reduce_max3A_1904 : f32 to vector<16xf32>
        %select_n3A_1906 = arith.select %eq3A_1900, %broadcast_in_dim3A_1905, %select_n3A_1889 : vector<16xi1>, vector<16xf32>
        %mul3A_1907 = arith.constant 16 : i32
        %mul3A_1908 = arith.muli %scan3A_1683, %mul3A_1907 : i32
        %add3A_1909 = arith.constant 13 : i32
        %add3A_1910 = arith.addi %mul3A_1908, %add3A_1909 : i32
        %mul3A_1911 = arith.constant 16 : i32
        %mul3A_1912 = arith.muli %add3A_1910, %mul3A_1911 : i32
        %get3A_1913 = arith.index_cast %mul3A_1912 : i32 to index
        %get3A_1914 = tpu.vector_load %arg15[%get3A_1913] {strides = array<i32>} : memref<8192xf32, #tpu.memory_space<vmem>>, vector<16xf32>,
        %eq3A_1915 = arith.constant 13 : i32
        %eq3A_1916 = vector.broadcast %eq3A_1915 : i32 to vector<16xi32>
        %eq3A_1917 = arith.cmpi eq, %iota3A, %eq3A_1916 : vector<16xi32>
        %reduce_max3A_1918 = arith.constant true
        %reduce_max3A_1919 = vector.broadcast %reduce_max3A_1918 : i1 to vector<16xi1>
        %reduce_max3A_1920 = tpu.scan <max>, %get3A_1914 masked %reduce_max3A_1919 : vector<16xf32>, vector<16xi1> -> vector<16xf32>
        %reduce_max3A_1921 = vector.extract %reduce_max3A_1920[15] : f32 from vector<16xf32>
        %broadcast_in_dim3A_1922 = vector.broadcast %reduce_max3A_1921 : f32 to vector<16xf32>
        %select_n3A_1923 = arith.select %eq3A_1917, %broadcast_in_dim3A_1922, %select_n3A_1906 : vector<16xi1>, vector<16xf32>
        %mul3A_1924 = arith.constant 16 : i32
        %mul3A_1925 = arith.muli %scan3A_1683, %mul3A_1924 : i32
        %add3A_1926 = arith.constant 14 : i32
        %add3A_1927 = arith.addi %mul3A_1925, %add3A_1926 : i32
        %mul3A_1928 = arith.constant 16 : i32
        %mul3A_1929 = arith.muli %add3A_1927, %mul3A_1928 : i32
        %get3A_1930 = arith.index_cast %mul3A_1929 : i32 to index
        %get3A_1931 = tpu.vector_load %arg15[%get3A_1930] {strides = array<i32>} : memref<8192xf32, #tpu.memory_space<vmem>>, vector<16xf32>,
        %eq3A_1932 = arith.constant 14 : i32
        %eq3A_1933 = vector.broadcast %eq3A_1932 : i32 to vector<16xi32>
        %eq3A_1934 = arith.cmpi eq, %iota3A, %eq3A_1933 : vector<16xi32>
        %reduce_max3A_1935 = arith.constant true
        %reduce_max3A_1936 = vector.broadcast %reduce_max3A_1935 : i1 to vector<16xi1>
        %reduce_max3A_1937 = tpu.scan <max>, %get3A_1931 masked %reduce_max3A_1936 : vector<16xf32>, vector<16xi1> -> vector<16xf32>
        %reduce_max3A_1938 = vector.extract %reduce_max3A_1937[15] : f32 from vector<16xf32>
        %broadcast_in_dim3A_1939 = vector.broadcast %reduce_max3A_1938 : f32 to vector<16xf32>
        %select_n3A_1940 = arith.select %eq3A_1934, %broadcast_in_dim3A_1939, %select_n3A_1923 : vector<16xi1>, vector<16xf32>
        %mul3A_1941 = arith.constant 16 : i32
        %mul3A_1942 = arith.muli %scan3A_1683, %mul3A_1941 : i32
        %add3A_1943 = arith.constant 15 : i32
        %add3A_1944 = arith.addi %mul3A_1942, %add3A_1943 : i32
        %mul3A_1945 = arith.constant 16 : i32
        %mul3A_1946 = arith.muli %add3A_1944, %mul3A_1945 : i32
        %get3A_1947 = arith.index_cast %mul3A_1946 : i32 to index
        %get3A_1948 = tpu.vector_load %arg15[%get3A_1947] {strides = array<i32>} : memref<8192xf32, #tpu.memory_space<vmem>>, vector<16xf32>,
        %eq3A_1949 = arith.constant 15 : i32
        %eq3A_1950 = vector.broadcast %eq3A_1949 : i32 to vector<16xi32>
        %eq3A_1951 = arith.cmpi eq, %iota3A, %eq3A_1950 : vector<16xi32>
        %reduce_max3A_1952 = arith.constant true
        %reduce_max3A_1953 = vector.broadcast %reduce_max3A_1952 : i1 to vector<16xi1>
        %reduce_max3A_1954 = tpu.scan <max>, %get3A_1948 masked %reduce_max3A_1953 : vector<16xf32>, vector<16xi1> -> vector<16xf32>
        %reduce_max3A_1955 = vector.extract %reduce_max3A_1954[15] : f32 from vector<16xf32>
        %broadcast_in_dim3A_1956 = vector.broadcast %reduce_max3A_1955 : f32 to vector<16xf32>
        %select_n3A_1957 = arith.select %eq3A_1951, %broadcast_in_dim3A_1956, %select_n3A_1940 : vector<16xi1>, vector<16xf32>
        %mul3A_1958 = arith.constant 16 : i32
        %mul3A_1959 = arith.muli %scan3A_1683, %mul3A_1958 : i32
        %swap3A_1960 = arith.index_cast %mul3A_1959 : i32 to index
        %swap3A_1961 = tpu.vector_load %arg16[%swap3A_1960] {strides = array<i32>} : memref<512xf32, #tpu.memory_space<vmem>>, vector<16xf32>,
        tpu.vector_store %arg16[%swap3A_1960], %select_n3A_1957 {strides = array<i32>} : memref<512xf32, #tpu.memory_space<vmem>>, vector<16xf32>,
      }
      %scan3A_1308 = arith.constant 32 : i32
      %broadcast_in_dim3A_1309 = arith.constant 0.000000e+00 : f32
      %broadcast_in_dim3A_1310 = vector.broadcast %broadcast_in_dim3A_1309 : f32 to vector<16xf32>
      %get3A_1311 = arith.constant 0 : index
      %get3A_1312 = tpu.vector_load %arg16[%get3A_1311] {strides = array<i32>} : memref<512xf32, #tpu.memory_space<vmem>>, vector<16xf32>,
      %eq3A_1313 = arith.constant 0 : i32
      %eq3A_1314 = vector.broadcast %eq3A_1313 : i32 to vector<16xi32>
      %eq3A_1315 = arith.cmpi eq, %iota3A, %eq3A_1314 : vector<16xi32>
      %reduce_max3A_1316 = arith.constant true
      %reduce_max3A_1317 = vector.broadcast %reduce_max3A_1316 : i1 to vector<16xi1>
      %reduce_max3A_1318 = tpu.scan <max>, %get3A_1312 masked %reduce_max3A_1317 : vector<16xf32>, vector<16xi1> -> vector<16xf32>
      %reduce_max3A_1319 = vector.extract %reduce_max3A_1318[15] : f32 from vector<16xf32>
      %broadcast_in_dim3A_1320 = vector.broadcast %reduce_max3A_1319 : f32 to vector<16xf32>
      %select_n3A_1321 = arith.select %eq3A_1315, %broadcast_in_dim3A_1320, %broadcast_in_dim3A_1310 : vector<16xi1>, vector<16xf32>
      %get3A_1322 = arith.constant 16 : index
      %get3A_1323 = tpu.vector_load %arg16[%get3A_1322] {strides = array<i32>} : memref<512xf32, #tpu.memory_space<vmem>>, vector<16xf32>,
      %eq3A_1324 = arith.constant 1 : i32
      %eq3A_1325 = vector.broadcast %eq3A_1324 : i32 to vector<16xi32>
      %eq3A_1326 = arith.cmpi eq, %iota3A, %eq3A_1325 : vector<16xi32>
      %reduce_max3A_1327 = arith.constant true
      %reduce_max3A_1328 = vector.broadcast %reduce_max3A_1327 : i1 to vector<16xi1>
      %reduce_max3A_1329 = tpu.scan <max>, %get3A_1323 masked %reduce_max3A_1328 : vector<16xf32>, vector<16xi1> -> vector<16xf32>
      %reduce_max3A_1330 = vector.extract %reduce_max3A_1329[15] : f32 from vector<16xf32>
      %broadcast_in_dim3A_1331 = vector.broadcast %reduce_max3A_1330 : f32 to vector<16xf32>
      %select_n3A_1332 = arith.select %eq3A_1326, %broadcast_in_dim3A_1331, %select_n3A_1321 : vector<16xi1>, vector<16xf32>
      %get3A_1333 = arith.constant 32 : index
      %get3A_1334 = tpu.vector_load %arg16[%get3A_1333] {strides = array<i32>} : memref<512xf32, #tpu.memory_space<vmem>>, vector<16xf32>,
      %eq3A_1335 = arith.constant 2 : i32
      %eq3A_1336 = vector.broadcast %eq3A_1335 : i32 to vector<16xi32>
      %eq3A_1337 = arith.cmpi eq, %iota3A, %eq3A_1336 : vector<16xi32>
      %reduce_max3A_1338 = arith.constant true
      %reduce_max3A_1339 = vector.broadcast %reduce_max3A_1338 : i1 to vector<16xi1>
      %reduce_max3A_1340 = tpu.scan <max>, %get3A_1334 masked %reduce_max3A_1339 : vector<16xf32>, vector<16xi1> -> vector<16xf32>
      %reduce_max3A_1341 = vector.extract %reduce_max3A_1340[15] : f32 from vector<16xf32>
      %broadcast_in_dim3A_1342 = vector.broadcast %reduce_max3A_1341 : f32 to vector<16xf32>
      %select_n3A_1343 = arith.select %eq3A_1337, %broadcast_in_dim3A_1342, %select_n3A_1332 : vector<16xi1>, vector<16xf32>
      %get3A_1344 = arith.constant 48 : index
      %get3A_1345 = tpu.vector_load %arg16[%get3A_1344] {strides = array<i32>} : memref<512xf32, #tpu.memory_space<vmem>>, vector<16xf32>,
      %eq3A_1346 = arith.constant 3 : i32
      %eq3A_1347 = vector.broadcast %eq3A_1346 : i32 to vector<16xi32>
      %eq3A_1348 = arith.cmpi eq, %iota3A, %eq3A_1347 : vector<16xi32>
      %reduce_max3A_1349 = arith.constant true
      %reduce_max3A_1350 = vector.broadcast %reduce_max3A_1349 : i1 to vector<16xi1>
      %reduce_max3A_1351 = tpu.scan <max>, %get3A_1345 masked %reduce_max3A_1350 : vector<16xf32>, vector<16xi1> -> vector<16xf32>
      %reduce_max3A_1352 = vector.extract %reduce_max3A_1351[15] : f32 from vector<16xf32>
      %broadcast_in_dim3A_1353 = vector.broadcast %reduce_max3A_1352 : f32 to vector<16xf32>
      %select_n3A_1354 = arith.select %eq3A_1348, %broadcast_in_dim3A_1353, %select_n3A_1343 : vector<16xi1>, vector<16xf32>
      %get3A_1355 = arith.constant 64 : index
      %get3A_1356 = tpu.vector_load %arg16[%get3A_1355] {strides = array<i32>} : memref<512xf32, #tpu.memory_space<vmem>>, vector<16xf32>,
      %eq3A_1357 = arith.constant 4 : i32
      %eq3A_1358 = vector.broadcast %eq3A_1357 : i32 to vector<16xi32>
      %eq3A_1359 = arith.cmpi eq, %iota3A, %eq3A_1358 : vector<16xi32>
      %reduce_max3A_1360 = arith.constant true
      %reduce_max3A_1361 = vector.broadcast %reduce_max3A_1360 : i1 to vector<16xi1>
      %reduce_max3A_1362 = tpu.scan <max>, %get3A_1356 masked %reduce_max3A_1361 : vector<16xf32>, vector<16xi1> -> vector<16xf32>
      %reduce_max3A_1363 = vector.extract %reduce_max3A_1362[15] : f32 from vector<16xf32>
      %broadcast_in_dim3A_1364 = vector.broadcast %reduce_max3A_1363 : f32 to vector<16xf32>
      %select_n3A_1365 = arith.select %eq3A_1359, %broadcast_in_dim3A_1364, %select_n3A_1354 : vector<16xi1>, vector<16xf32>
      %get3A_1366 = arith.constant 80 : index
      %get3A_1367 = tpu.vector_load %arg16[%get3A_1366] {strides = array<i32>} : memref<512xf32, #tpu.memory_space<vmem>>, vector<16xf32>,
      %eq3A_1368 = arith.constant 5 : i32
      %eq3A_1369 = vector.broadcast %eq3A_1368 : i32 to vector<16xi32>
      %eq3A_1370 = arith.cmpi eq, %iota3A, %eq3A_1369 : vector<16xi32>
      %reduce_max3A_1371 = arith.constant true
      %reduce_max3A_1372 = vector.broadcast %reduce_max3A_1371 : i1 to vector<16xi1>
      %reduce_max3A_1373 = tpu.scan <max>, %get3A_1367 masked %reduce_max3A_1372 : vector<16xf32>, vector<16xi1> -> vector<16xf32>
      %reduce_max3A_1374 = vector.extract %reduce_max3A_1373[15] : f32 from vector<16xf32>
      %broadcast_in_dim3A_1375 = vector.broadcast %reduce_max3A_1374 : f32 to vector<16xf32>
      %select_n3A_1376 = arith.select %eq3A_1370, %broadcast_in_dim3A_1375, %select_n3A_1365 : vector<16xi1>, vector<16xf32>
      %get3A_1377 = arith.constant 96 : index
      %get3A_1378 = tpu.vector_load %arg16[%get3A_1377] {strides = array<i32>} : memref<512xf32, #tpu.memory_space<vmem>>, vector<16xf32>,
      %eq3A_1379 = arith.constant 6 : i32
      %eq3A_1380 = vector.broadcast %eq3A_1379 : i32 to vector<16xi32>
      %eq3A_1381 = arith.cmpi eq, %iota3A, %eq3A_1380 : vector<16xi32>
      %reduce_max3A_1382 = arith.constant true
      %reduce_max3A_1383 = vector.broadcast %reduce_max3A_1382 : i1 to vector<16xi1>
      %reduce_max3A_1384 = tpu.scan <max>, %get3A_1378 masked %reduce_max3A_1383 : vector<16xf32>, vector<16xi1> -> vector<16xf32>
      %reduce_max3A_1385 = vector.extract %reduce_max3A_1384[15] : f32 from vector<16xf32>
      %broadcast_in_dim3A_1386 = vector.broadcast %reduce_max3A_1385 : f32 to vector<16xf32>
      %select_n3A_1387 = arith.select %eq3A_1381, %broadcast_in_dim3A_1386, %select_n3A_1376 : vector<16xi1>, vector<16xf32>
      %get3A_1388 = arith.constant 112 : index
      %get3A_1389 = tpu.vector_load %arg16[%get3A_1388] {strides = array<i32>} : memref<512xf32, #tpu.memory_space<vmem>>, vector<16xf32>,
      %eq3A_1390 = arith.constant 7 : i32
      %eq3A_1391 = vector.broadcast %eq3A_1390 : i32 to vector<16xi32>
      %eq3A_1392 = arith.cmpi eq, %iota3A, %eq3A_1391 : vector<16xi32>
      %reduce_max3A_1393 = arith.constant true
      %reduce_max3A_1394 = vector.broadcast %reduce_max3A_1393 : i1 to vector<16xi1>
      %reduce_max3A_1395 = tpu.scan <max>, %get3A_1389 masked %reduce_max3A_1394 : vector<16xf32>, vector<16xi1> -> vector<16xf32>
      %reduce_max3A_1396 = vector.extract %reduce_max3A_1395[15] : f32 from vector<16xf32>
      %broadcast_in_dim3A_1397 = vector.broadcast %reduce_max3A_1396 : f32 to vector<16xf32>
      %select_n3A_1398 = arith.select %eq3A_1392, %broadcast_in_dim3A_1397, %select_n3A_1387 : vector<16xi1>, vector<16xf32>
      %get3A_1399 = arith.constant 128 : index
      %get3A_1400 = tpu.vector_load %arg16[%get3A_1399] {strides = array<i32>} : memref<512xf32, #tpu.memory_space<vmem>>, vector<16xf32>,
      %eq3A_1401 = arith.constant 8 : i32
      %eq3A_1402 = vector.broadcast %eq3A_1401 : i32 to vector<16xi32>
      %eq3A_1403 = arith.cmpi eq, %iota3A, %eq3A_1402 : vector<16xi32>
      %reduce_max3A_1404 = arith.constant true
      %reduce_max3A_1405 = vector.broadcast %reduce_max3A_1404 : i1 to vector<16xi1>
      %reduce_max3A_1406 = tpu.scan <max>, %get3A_1400 masked %reduce_max3A_1405 : vector<16xf32>, vector<16xi1> -> vector<16xf32>
      %reduce_max3A_1407 = vector.extract %reduce_max3A_1406[15] : f32 from vector<16xf32>
      %broadcast_in_dim3A_1408 = vector.broadcast %reduce_max3A_1407 : f32 to vector<16xf32>
      %select_n3A_1409 = arith.select %eq3A_1403, %broadcast_in_dim3A_1408, %select_n3A_1398 : vector<16xi1>, vector<16xf32>
      %get3A_1410 = arith.constant 144 : index
      %get3A_1411 = tpu.vector_load %arg16[%get3A_1410] {strides = array<i32>} : memref<512xf32, #tpu.memory_space<vmem>>, vector<16xf32>,
      %eq3A_1412 = arith.constant 9 : i32
      %eq3A_1413 = vector.broadcast %eq3A_1412 : i32 to vector<16xi32>
      %eq3A_1414 = arith.cmpi eq, %iota3A, %eq3A_1413 : vector<16xi32>
      %reduce_max3A_1415 = arith.constant true
      %reduce_max3A_1416 = vector.broadcast %reduce_max3A_1415 : i1 to vector<16xi1>
      %reduce_max3A_1417 = tpu.scan <max>, %get3A_1411 masked %reduce_max3A_1416 : vector<16xf32>, vector<16xi1> -> vector<16xf32>
      %reduce_max3A_1418 = vector.extract %reduce_max3A_1417[15] : f32 from vector<16xf32>
      %broadcast_in_dim3A_1419 = vector.broadcast %reduce_max3A_1418 : f32 to vector<16xf32>
      %select_n3A_1420 = arith.select %eq3A_1414, %broadcast_in_dim3A_1419, %select_n3A_1409 : vector<16xi1>, vector<16xf32>
      %get3A_1421 = arith.constant 160 : index
      %get3A_1422 = tpu.vector_load %arg16[%get3A_1421] {strides = array<i32>} : memref<512xf32, #tpu.memory_space<vmem>>, vector<16xf32>,
      %eq3A_1423 = arith.constant 10 : i32
      %eq3A_1424 = vector.broadcast %eq3A_1423 : i32 to vector<16xi32>
      %eq3A_1425 = arith.cmpi eq, %iota3A, %eq3A_1424 : vector<16xi32>
      %reduce_max3A_1426 = arith.constant true
      %reduce_max3A_1427 = vector.broadcast %reduce_max3A_1426 : i1 to vector<16xi1>
      %reduce_max3A_1428 = tpu.scan <max>, %get3A_1422 masked %reduce_max3A_1427 : vector<16xf32>, vector<16xi1> -> vector<16xf32>
      %reduce_max3A_1429 = vector.extract %reduce_max3A_1428[15] : f32 from vector<16xf32>
      %broadcast_in_dim3A_1430 = vector.broadcast %reduce_max3A_1429 : f32 to vector<16xf32>
      %select_n3A_1431 = arith.select %eq3A_1425, %broadcast_in_dim3A_1430, %select_n3A_1420 : vector<16xi1>, vector<16xf32>
      %get3A_1432 = arith.constant 176 : index
      %get3A_1433 = tpu.vector_load %arg16[%get3A_1432] {strides = array<i32>} : memref<512xf32, #tpu.memory_space<vmem>>, vector<16xf32>,
      %eq3A_1434 = arith.constant 11 : i32
      %eq3A_1435 = vector.broadcast %eq3A_1434 : i32 to vector<16xi32>
      %eq3A_1436 = arith.cmpi eq, %iota3A, %eq3A_1435 : vector<16xi32>
      %reduce_max3A_1437 = arith.constant true
      %reduce_max3A_1438 = vector.broadcast %reduce_max3A_1437 : i1 to vector<16xi1>
      %reduce_max3A_1439 = tpu.scan <max>, %get3A_1433 masked %reduce_max3A_1438 : vector<16xf32>, vector<16xi1> -> vector<16xf32>
      %reduce_max3A_1440 = vector.extract %reduce_max3A_1439[15] : f32 from vector<16xf32>
      %broadcast_in_dim3A_1441 = vector.broadcast %reduce_max3A_1440 : f32 to vector<16xf32>
      %select_n3A_1442 = arith.select %eq3A_1436, %broadcast_in_dim3A_1441, %select_n3A_1431 : vector<16xi1>, vector<16xf32>
      %get3A_1443 = arith.constant 192 : index
      %get3A_1444 = tpu.vector_load %arg16[%get3A_1443] {strides = array<i32>} : memref<512xf32, #tpu.memory_space<vmem>>, vector<16xf32>,
      %eq3A_1445 = arith.constant 12 : i32
      %eq3A_1446 = vector.broadcast %eq3A_1445 : i32 to vector<16xi32>
      %eq3A_1447 = arith.cmpi eq, %iota3A, %eq3A_1446 : vector<16xi32>
      %reduce_max3A_1448 = arith.constant true
      %reduce_max3A_1449 = vector.broadcast %reduce_max3A_1448 : i1 to vector<16xi1>
      %reduce_max3A_1450 = tpu.scan <max>, %get3A_1444 masked %reduce_max3A_1449 : vector<16xf32>, vector<16xi1> -> vector<16xf32>
      %reduce_max3A_1451 = vector.extract %reduce_max3A_1450[15] : f32 from vector<16xf32>
      %broadcast_in_dim3A_1452 = vector.broadcast %reduce_max3A_1451 : f32 to vector<16xf32>
      %select_n3A_1453 = arith.select %eq3A_1447, %broadcast_in_dim3A_1452, %select_n3A_1442 : vector<16xi1>, vector<16xf32>
      %get3A_1454 = arith.constant 208 : index
      %get3A_1455 = tpu.vector_load %arg16[%get3A_1454] {strides = array<i32>} : memref<512xf32, #tpu.memory_space<vmem>>, vector<16xf32>,
      %eq3A_1456 = arith.constant 13 : i32
      %eq3A_1457 = vector.broadcast %eq3A_1456 : i32 to vector<16xi32>
      %eq3A_1458 = arith.cmpi eq, %iota3A, %eq3A_1457 : vector<16xi32>
      %reduce_max3A_1459 = arith.constant true
      %reduce_max3A_1460 = vector.broadcast %reduce_max3A_1459 : i1 to vector<16xi1>
      %reduce_max3A_1461 = tpu.scan <max>, %get3A_1455 masked %reduce_max3A_1460 : vector<16xf32>, vector<16xi1> -> vector<16xf32>
      %reduce_max3A_1462 = vector.extract %reduce_max3A_1461[15] : f32 from vector<16xf32>
      %broadcast_in_dim3A_1463 = vector.broadcast %reduce_max3A_1462 : f32 to vector<16xf32>
      %select_n3A_1464 = arith.select %eq3A_1458, %broadcast_in_dim3A_1463, %select_n3A_1453 : vector<16xi1>, vector<16xf32>
      %get3A_1465 = arith.constant 224 : index
      %get3A_1466 = tpu.vector_load %arg16[%get3A_1465] {strides = array<i32>} : memref<512xf32, #tpu.memory_space<vmem>>, vector<16xf32>,
      %eq3A_1467 = arith.constant 14 : i32
      %eq3A_1468 = vector.broadcast %eq3A_1467 : i32 to vector<16xi32>
      %eq3A_1469 = arith.cmpi eq, %iota3A, %eq3A_1468 : vector<16xi32>
      %reduce_max3A_1470 = arith.constant true
      %reduce_max3A_1471 = vector.broadcast %reduce_max3A_1470 : i1 to vector<16xi1>
      %reduce_max3A_1472 = tpu.scan <max>, %get3A_1466 masked %reduce_max3A_1471 : vector<16xf32>, vector<16xi1> -> vector<16xf32>
      %reduce_max3A_1473 = vector.extract %reduce_max3A_1472[15] : f32 from vector<16xf32>
      %broadcast_in_dim3A_1474 = vector.broadcast %reduce_max3A_1473 : f32 to vector<16xf32>
      %select_n3A_1475 = arith.select %eq3A_1469, %broadcast_in_dim3A_1474, %select_n3A_1464 : vector<16xi1>, vector<16xf32>
      %get3A_1476 = arith.constant 240 : index
      %get3A_1477 = tpu.vector_load %arg16[%get3A_1476] {strides = array<i32>} : memref<512xf32, #tpu.memory_space<vmem>>, vector<16xf32>,
      %eq3A_1478 = arith.constant 15 : i32
      %eq3A_1479 = vector.broadcast %eq3A_1478 : i32 to vector<16xi32>
      %eq3A_1480 = arith.cmpi eq, %iota3A, %eq3A_1479 : vector<16xi32>
      %reduce_max3A_1481 = arith.constant true
      %reduce_max3A_1482 = vector.broadcast %reduce_max3A_1481 : i1 to vector<16xi1>
      %reduce_max3A_1483 = tpu.scan <max>, %get3A_1477 masked %reduce_max3A_1482 : vector<16xf32>, vector<16xi1> -> vector<16xf32>
      %reduce_max3A_1484 = vector.extract %reduce_max3A_1483[15] : f32 from vector<16xf32>
      %broadcast_in_dim3A_1485 = vector.broadcast %reduce_max3A_1484 : f32 to vector<16xf32>
      %select_n3A_1486 = arith.select %eq3A_1480, %broadcast_in_dim3A_1485, %select_n3A_1475 : vector<16xi1>, vector<16xf32>
      %swap3A_1487 = arith.constant 0 : index
      %swap3A_1488 = tpu.vector_load %arg17[%swap3A_1487] {strides = array<i32>} : memref<32xf32, #tpu.memory_space<vmem>>, vector<16xf32>,
      tpu.vector_store %arg17[%swap3A_1487], %select_n3A_1486 {strides = array<i32>} : memref<32xf32, #tpu.memory_space<vmem>>, vector<16xf32>,
      %broadcast_in_dim3A_1489 = arith.constant 0.000000e+00 : f32
      %broadcast_in_dim3A_1490 = vector.broadcast %broadcast_in_dim3A_1489 : f32 to vector<16xf32>
      %get3A_1491 = arith.constant 256 : index
      %get3A_1492 = tpu.vector_load %arg16[%get3A_1491] {strides = array<i32>} : memref<512xf32, #tpu.memory_space<vmem>>, vector<16xf32>,
      %eq3A_1493 = arith.constant 0 : i32
      %eq3A_1494 = vector.broadcast %eq3A_1493 : i32 to vector<16xi32>
      %eq3A_1495 = arith.cmpi eq, %iota3A, %eq3A_1494 : vector<16xi32>
      %reduce_max3A_1496 = arith.constant true
      %reduce_max3A_1497 = vector.broadcast %reduce_max3A_1496 : i1 to vector<16xi1>
      %reduce_max3A_1498 = tpu.scan <max>, %get3A_1492 masked %reduce_max3A_1497 : vector<16xf32>, vector<16xi1> -> vector<16xf32>
      %reduce_max3A_1499 = vector.extract %reduce_max3A_1498[15] : f32 from vector<16xf32>
      %broadcast_in_dim3A_1500 = vector.broadcast %reduce_max3A_1499 : f32 to vector<16xf32>
      %select_n3A_1501 = arith.select %eq3A_1495, %broadcast_in_dim3A_1500, %broadcast_in_dim3A_1490 : vector<16xi1>, vector<16xf32>
      %get3A_1502 = arith.constant 272 : index
      %get3A_1503 = tpu.vector_load %arg16[%get3A_1502] {strides = array<i32>} : memref<512xf32, #tpu.memory_space<vmem>>, vector<16xf32>,
      %eq3A_1504 = arith.constant 1 : i32
      %eq3A_1505 = vector.broadcast %eq3A_1504 : i32 to vector<16xi32>
      %eq3A_1506 = arith.cmpi eq, %iota3A, %eq3A_1505 : vector<16xi32>
      %reduce_max3A_1507 = arith.constant true
      %reduce_max3A_1508 = vector.broadcast %reduce_max3A_1507 : i1 to vector<16xi1>
      %reduce_max3A_1509 = tpu.scan <max>, %get3A_1503 masked %reduce_max3A_1508 : vector<16xf32>, vector<16xi1> -> vector<16xf32>
      %reduce_max3A_1510 = vector.extract %reduce_max3A_1509[15] : f32 from vector<16xf32>
      %broadcast_in_dim3A_1511 = vector.broadcast %reduce_max3A_1510 : f32 to vector<16xf32>
      %select_n3A_1512 = arith.select %eq3A_1506, %broadcast_in_dim3A_1511, %select_n3A_1501 : vector<16xi1>, vector<16xf32>
      %get3A_1513 = arith.constant 288 : index
      %get3A_1514 = tpu.vector_load %arg16[%get3A_1513] {strides = array<i32>} : memref<512xf32, #tpu.memory_space<vmem>>, vector<16xf32>,
      %eq3A_1515 = arith.constant 2 : i32
      %eq3A_1516 = vector.broadcast %eq3A_1515 : i32 to vector<16xi32>
      %eq3A_1517 = arith.cmpi eq, %iota3A, %eq3A_1516 : vector<16xi32>
      %reduce_max3A_1518 = arith.constant true
      %reduce_max3A_1519 = vector.broadcast %reduce_max3A_1518 : i1 to vector<16xi1>
      %reduce_max3A_1520 = tpu.scan <max>, %get3A_1514 masked %reduce_max3A_1519 : vector<16xf32>, vector<16xi1> -> vector<16xf32>
      %reduce_max3A_1521 = vector.extract %reduce_max3A_1520[15] : f32 from vector<16xf32>
      %broadcast_in_dim3A_1522 = vector.broadcast %reduce_max3A_1521 : f32 to vector<16xf32>
      %select_n3A_1523 = arith.select %eq3A_1517, %broadcast_in_dim3A_1522, %select_n3A_1512 : vector<16xi1>, vector<16xf32>
      %get3A_1524 = arith.constant 304 : index
      %get3A_1525 = tpu.vector_load %arg16[%get3A_1524] {strides = array<i32>} : memref<512xf32, #tpu.memory_space<vmem>>, vector<16xf32>,
      %eq3A_1526 = arith.constant 3 : i32
      %eq3A_1527 = vector.broadcast %eq3A_1526 : i32 to vector<16xi32>
      %eq3A_1528 = arith.cmpi eq, %iota3A, %eq3A_1527 : vector<16xi32>
      %reduce_max3A_1529 = arith.constant true
      %reduce_max3A_1530 = vector.broadcast %reduce_max3A_1529 : i1 to vector<16xi1>
      %reduce_max3A_1531 = tpu.scan <max>, %get3A_1525 masked %reduce_max3A_1530 : vector<16xf32>, vector<16xi1> -> vector<16xf32>
      %reduce_max3A_1532 = vector.extract %reduce_max3A_1531[15] : f32 from vector<16xf32>
      %broadcast_in_dim3A_1533 = vector.broadcast %reduce_max3A_1532 : f32 to vector<16xf32>
      %select_n3A_1534 = arith.select %eq3A_1528, %broadcast_in_dim3A_1533, %select_n3A_1523 : vector<16xi1>, vector<16xf32>
      %get3A_1535 = arith.constant 320 : index
      %get3A_1536 = tpu.vector_load %arg16[%get3A_1535] {strides = array<i32>} : memref<512xf32, #tpu.memory_space<vmem>>, vector<16xf32>,
      %eq3A_1537 = arith.constant 4 : i32
      %eq3A_1538 = vector.broadcast %eq3A_1537 : i32 to vector<16xi32>
      %eq3A_1539 = arith.cmpi eq, %iota3A, %eq3A_1538 : vector<16xi32>
      %reduce_max3A_1540 = arith.constant true
      %reduce_max3A_1541 = vector.broadcast %reduce_max3A_1540 : i1 to vector<16xi1>
      %reduce_max3A_1542 = tpu.scan <max>, %get3A_1536 masked %reduce_max3A_1541 : vector<16xf32>, vector<16xi1> -> vector<16xf32>
      %reduce_max3A_1543 = vector.extract %reduce_max3A_1542[15] : f32 from vector<16xf32>
      %broadcast_in_dim3A_1544 = vector.broadcast %reduce_max3A_1543 : f32 to vector<16xf32>
      %select_n3A_1545 = arith.select %eq3A_1539, %broadcast_in_dim3A_1544, %select_n3A_1534 : vector<16xi1>, vector<16xf32>
      %get3A_1546 = arith.constant 336 : index
      %get3A_1547 = tpu.vector_load %arg16[%get3A_1546] {strides = array<i32>} : memref<512xf32, #tpu.memory_space<vmem>>, vector<16xf32>,
      %eq3A_1548 = arith.constant 5 : i32
      %eq3A_1549 = vector.broadcast %eq3A_1548 : i32 to vector<16xi32>
      %eq3A_1550 = arith.cmpi eq, %iota3A, %eq3A_1549 : vector<16xi32>
      %reduce_max3A_1551 = arith.constant true
      %reduce_max3A_1552 = vector.broadcast %reduce_max3A_1551 : i1 to vector<16xi1>
      %reduce_max3A_1553 = tpu.scan <max>, %get3A_1547 masked %reduce_max3A_1552 : vector<16xf32>, vector<16xi1> -> vector<16xf32>
      %reduce_max3A_1554 = vector.extract %reduce_max3A_1553[15] : f32 from vector<16xf32>
      %broadcast_in_dim3A_1555 = vector.broadcast %reduce_max3A_1554 : f32 to vector<16xf32>
      %select_n3A_1556 = arith.select %eq3A_1550, %broadcast_in_dim3A_1555, %select_n3A_1545 : vector<16xi1>, vector<16xf32>
      %get3A_1557 = arith.constant 352 : index
      %get3A_1558 = tpu.vector_load %arg16[%get3A_1557] {strides = array<i32>} : memref<512xf32, #tpu.memory_space<vmem>>, vector<16xf32>,
      %eq3A_1559 = arith.constant 6 : i32
      %eq3A_1560 = vector.broadcast %eq3A_1559 : i32 to vector<16xi32>
      %eq3A_1561 = arith.cmpi eq, %iota3A, %eq3A_1560 : vector<16xi32>
      %reduce_max3A_1562 = arith.constant true
      %reduce_max3A_1563 = vector.broadcast %reduce_max3A_1562 : i1 to vector<16xi1>
      %reduce_max3A_1564 = tpu.scan <max>, %get3A_1558 masked %reduce_max3A_1563 : vector<16xf32>, vector<16xi1> -> vector<16xf32>
      %reduce_max3A_1565 = vector.extract %reduce_max3A_1564[15] : f32 from vector<16xf32>
      %broadcast_in_dim3A_1566 = vector.broadcast %reduce_max3A_1565 : f32 to vector<16xf32>
      %select_n3A_1567 = arith.select %eq3A_1561, %broadcast_in_dim3A_1566, %select_n3A_1556 : vector<16xi1>, vector<16xf32>
      %get3A_1568 = arith.constant 368 : index
      %get3A_1569 = tpu.vector_load %arg16[%get3A_1568] {strides = array<i32>} : memref<512xf32, #tpu.memory_space<vmem>>, vector<16xf32>,
      %eq3A_1570 = arith.constant 7 : i32
      %eq3A_1571 = vector.broadcast %eq3A_1570 : i32 to vector<16xi32>
      %eq3A_1572 = arith.cmpi eq, %iota3A, %eq3A_1571 : vector<16xi32>
      %reduce_max3A_1573 = arith.constant true
      %reduce_max3A_1574 = vector.broadcast %reduce_max3A_1573 : i1 to vector<16xi1>
      %reduce_max3A_1575 = tpu.scan <max>, %get3A_1569 masked %reduce_max3A_1574 : vector<16xf32>, vector<16xi1> -> vector<16xf32>
      %reduce_max3A_1576 = vector.extract %reduce_max3A_1575[15] : f32 from vector<16xf32>
      %broadcast_in_dim3A_1577 = vector.broadcast %reduce_max3A_1576 : f32 to vector<16xf32>
      %select_n3A_1578 = arith.select %eq3A_1572, %broadcast_in_dim3A_1577, %select_n3A_1567 : vector<16xi1>, vector<16xf32>
      %get3A_1579 = arith.constant 384 : index
      %get3A_1580 = tpu.vector_load %arg16[%get3A_1579] {strides = array<i32>} : memref<512xf32, #tpu.memory_space<vmem>>, vector<16xf32>,
      %eq3A_1581 = arith.constant 8 : i32
      %eq3A_1582 = vector.broadcast %eq3A_1581 : i32 to vector<16xi32>
      %eq3A_1583 = arith.cmpi eq, %iota3A, %eq3A_1582 : vector<16xi32>
      %reduce_max3A_1584 = arith.constant true
      %reduce_max3A_1585 = vector.broadcast %reduce_max3A_1584 : i1 to vector<16xi1>
      %reduce_max3A_1586 = tpu.scan <max>, %get3A_1580 masked %reduce_max3A_1585 : vector<16xf32>, vector<16xi1> -> vector<16xf32>
      %reduce_max3A_1587 = vector.extract %reduce_max3A_1586[15] : f32 from vector<16xf32>
      %broadcast_in_dim3A_1588 = vector.broadcast %reduce_max3A_1587 : f32 to vector<16xf32>
      %select_n3A_1589 = arith.select %eq3A_1583, %broadcast_in_dim3A_1588, %select_n3A_1578 : vector<16xi1>, vector<16xf32>
      %get3A_1590 = arith.constant 400 : index
      %get3A_1591 = tpu.vector_load %arg16[%get3A_1590] {strides = array<i32>} : memref<512xf32, #tpu.memory_space<vmem>>, vector<16xf32>,
      %eq3A_1592 = arith.constant 9 : i32
      %eq3A_1593 = vector.broadcast %eq3A_1592 : i32 to vector<16xi32>
      %eq3A_1594 = arith.cmpi eq, %iota3A, %eq3A_1593 : vector<16xi32>
      %reduce_max3A_1595 = arith.constant true
      %reduce_max3A_1596 = vector.broadcast %reduce_max3A_1595 : i1 to vector<16xi1>
      %reduce_max3A_1597 = tpu.scan <max>, %get3A_1591 masked %reduce_max3A_1596 : vector<16xf32>, vector<16xi1> -> vector<16xf32>
      %reduce_max3A_1598 = vector.extract %reduce_max3A_1597[15] : f32 from vector<16xf32>
      %broadcast_in_dim3A_1599 = vector.broadcast %reduce_max3A_1598 : f32 to vector<16xf32>
      %select_n3A_1600 = arith.select %eq3A_1594, %broadcast_in_dim3A_1599, %select_n3A_1589 : vector<16xi1>, vector<16xf32>
      %get3A_1601 = arith.constant 416 : index
      %get3A_1602 = tpu.vector_load %arg16[%get3A_1601] {strides = array<i32>} : memref<512xf32, #tpu.memory_space<vmem>>, vector<16xf32>,
      %eq3A_1603 = arith.constant 10 : i32
      %eq3A_1604 = vector.broadcast %eq3A_1603 : i32 to vector<16xi32>
      %eq3A_1605 = arith.cmpi eq, %iota3A, %eq3A_1604 : vector<16xi32>
      %reduce_max3A_1606 = arith.constant true
      %reduce_max3A_1607 = vector.broadcast %reduce_max3A_1606 : i1 to vector<16xi1>
      %reduce_max3A_1608 = tpu.scan <max>, %get3A_1602 masked %reduce_max3A_1607 : vector<16xf32>, vector<16xi1> -> vector<16xf32>
      %reduce_max3A_1609 = vector.extract %reduce_max3A_1608[15] : f32 from vector<16xf32>
      %broadcast_in_dim3A_1610 = vector.broadcast %reduce_max3A_1609 : f32 to vector<16xf32>
      %select_n3A_1611 = arith.select %eq3A_1605, %broadcast_in_dim3A_1610, %select_n3A_1600 : vector<16xi1>, vector<16xf32>
      %get3A_1612 = arith.constant 432 : index
      %get3A_1613 = tpu.vector_load %arg16[%get3A_1612] {strides = array<i32>} : memref<512xf32, #tpu.memory_space<vmem>>, vector<16xf32>,
      %eq3A_1614 = arith.constant 11 : i32
      %eq3A_1615 = vector.broadcast %eq3A_1614 : i32 to vector<16xi32>
      %eq3A_1616 = arith.cmpi eq, %iota3A, %eq3A_1615 : vector<16xi32>
      %reduce_max3A_1617 = arith.constant true
      %reduce_max3A_1618 = vector.broadcast %reduce_max3A_1617 : i1 to vector<16xi1>
      %reduce_max3A_1619 = tpu.scan <max>, %get3A_1613 masked %reduce_max3A_1618 : vector<16xf32>, vector<16xi1> -> vector<16xf32>
      %reduce_max3A_1620 = vector.extract %reduce_max3A_1619[15] : f32 from vector<16xf32>
      %broadcast_in_dim3A_1621 = vector.broadcast %reduce_max3A_1620 : f32 to vector<16xf32>
      %select_n3A_1622 = arith.select %eq3A_1616, %broadcast_in_dim3A_1621, %select_n3A_1611 : vector<16xi1>, vector<16xf32>
      %get3A_1623 = arith.constant 448 : index
      %get3A_1624 = tpu.vector_load %arg16[%get3A_1623] {strides = array<i32>} : memref<512xf32, #tpu.memory_space<vmem>>, vector<16xf32>,
      %eq3A_1625 = arith.constant 12 : i32
      %eq3A_1626 = vector.broadcast %eq3A_1625 : i32 to vector<16xi32>
      %eq3A_1627 = arith.cmpi eq, %iota3A, %eq3A_1626 : vector<16xi32>
      %reduce_max3A_1628 = arith.constant true
      %reduce_max3A_1629 = vector.broadcast %reduce_max3A_1628 : i1 to vector<16xi1>
      %reduce_max3A_1630 = tpu.scan <max>, %get3A_1624 masked %reduce_max3A_1629 : vector<16xf32>, vector<16xi1> -> vector<16xf32>
      %reduce_max3A_1631 = vector.extract %reduce_max3A_1630[15] : f32 from vector<16xf32>
      %broadcast_in_dim3A_1632 = vector.broadcast %reduce_max3A_1631 : f32 to vector<16xf32>
      %select_n3A_1633 = arith.select %eq3A_1627, %broadcast_in_dim3A_1632, %select_n3A_1622 : vector<16xi1>, vector<16xf32>
      %get3A_1634 = arith.constant 464 : index
      %get3A_1635 = tpu.vector_load %arg16[%get3A_1634] {strides = array<i32>} : memref<512xf32, #tpu.memory_space<vmem>>, vector<16xf32>,
      %eq3A_1636 = arith.constant 13 : i32
      %eq3A_1637 = vector.broadcast %eq3A_1636 : i32 to vector<16xi32>
      %eq3A_1638 = arith.cmpi eq, %iota3A, %eq3A_1637 : vector<16xi32>
      %reduce_max3A_1639 = arith.constant true
      %reduce_max3A_1640 = vector.broadcast %reduce_max3A_1639 : i1 to vector<16xi1>
      %reduce_max3A_1641 = tpu.scan <max>, %get3A_1635 masked %reduce_max3A_1640 : vector<16xf32>, vector<16xi1> -> vector<16xf32>
      %reduce_max3A_1642 = vector.extract %reduce_max3A_1641[15] : f32 from vector<16xf32>
      %broadcast_in_dim3A_1643 = vector.broadcast %reduce_max3A_1642 : f32 to vector<16xf32>
      %select_n3A_1644 = arith.select %eq3A_1638, %broadcast_in_dim3A_1643, %select_n3A_1633 : vector<16xi1>, vector<16xf32>
      %get3A_1645 = arith.constant 480 : index
      %get3A_1646 = tpu.vector_load %arg16[%get3A_1645] {strides = array<i32>} : memref<512xf32, #tpu.memory_space<vmem>>, vector<16xf32>,
      %eq3A_1647 = arith.constant 14 : i32
      %eq3A_1648 = vector.broadcast %eq3A_1647 : i32 to vector<16xi32>
      %eq3A_1649 = arith.cmpi eq, %iota3A, %eq3A_1648 : vector<16xi32>
      %reduce_max3A_1650 = arith.constant true
      %reduce_max3A_1651 = vector.broadcast %reduce_max3A_1650 : i1 to vector<16xi1>
      %reduce_max3A_1652 = tpu.scan <max>, %get3A_1646 masked %reduce_max3A_1651 : vector<16xf32>, vector<16xi1> -> vector<16xf32>
      %reduce_max3A_1653 = vector.extract %reduce_max3A_1652[15] : f32 from vector<16xf32>
      %broadcast_in_dim3A_1654 = vector.broadcast %reduce_max3A_1653 : f32 to vector<16xf32>
      %select_n3A_1655 = arith.select %eq3A_1649, %broadcast_in_dim3A_1654, %select_n3A_1644 : vector<16xi1>, vector<16xf32>
      %get3A_1656 = arith.constant 496 : index
      %get3A_1657 = tpu.vector_load %arg16[%get3A_1656] {strides = array<i32>} : memref<512xf32, #tpu.memory_space<vmem>>, vector<16xf32>,
      %eq3A_1658 = arith.constant 15 : i32
      %eq3A_1659 = vector.broadcast %eq3A_1658 : i32 to vector<16xi32>
      %eq3A_1660 = arith.cmpi eq, %iota3A, %eq3A_1659 : vector<16xi32>
      %reduce_max3A_1661 = arith.constant true
      %reduce_max3A_1662 = vector.broadcast %reduce_max3A_1661 : i1 to vector<16xi1>
      %reduce_max3A_1663 = tpu.scan <max>, %get3A_1657 masked %reduce_max3A_1662 : vector<16xf32>, vector<16xi1> -> vector<16xf32>
      %reduce_max3A_1664 = vector.extract %reduce_max3A_1663[15] : f32 from vector<16xf32>
      %broadcast_in_dim3A_1665 = vector.broadcast %reduce_max3A_1664 : f32 to vector<16xf32>
      %select_n3A_1666 = arith.select %eq3A_1660, %broadcast_in_dim3A_1665, %select_n3A_1655 : vector<16xi1>, vector<16xf32>
      %swap3A_1667 = arith.constant 16 : index
      %swap3A_1668 = tpu.vector_load %arg17[%swap3A_1667] {strides = array<i32>} : memref<32xf32, #tpu.memory_space<vmem>>, vector<16xf32>,
      tpu.vector_store %arg17[%swap3A_1667], %select_n3A_1666 {strides = array<i32>} : memref<32xf32, #tpu.memory_space<vmem>>, vector<16xf32>,
      %scan3A_1669 = arith.constant 0 : i32
      %scan3A_1670 = arith.constant 1073741824 : i32
      %scan3A_1671 = arith.constant -1.000000e+30 : f32
      %scan3A_1672 = arith.constant 0 : i32
      %scan3A_1673 = arith.constant 100 : i32
      %scan3A_1674 = arith.addi %scan3A_1672, %scan3A_1673 : i32
      %scan3A_1675 = arith.constant 1 : i32
      scf.for %scan3A_1683 = %scan3A_1672 to %scan3A_1674 step %scan3A_1675  : i32 {
        %get3A_1684 = arith.constant 0 : index
        %get3A_1685 = tpu.vector_load %arg17[%get3A_1684] {strides = array<i32>} : memref<32xf32, #tpu.memory_space<vmem>>, vector<16xf32>,
        %get3A_1686 = arith.constant 16 : index
        %get3A_1687 = tpu.vector_load %arg17[%get3A_1686] {strides = array<i32>} : memref<32xf32, #tpu.memory_space<vmem>>, vector<16xf32>,
        %max3A = arith.maximumf %get3A_1685, %get3A_1687 : vector<16xf32>
        %reduce_max3A_1688 = arith.constant true
        %reduce_max3A_1689 = vector.broadcast %reduce_max3A_1688 : i1 to vector<16xi1>
        %reduce_max3A_1690 = tpu.scan <max>, %max3A masked %reduce_max3A_1689 : vector<16xf32>, vector<16xi1> -> vector<16xf32>
        %reduce_max3A_1691 = vector.extract %reduce_max3A_1690[15] : f32 from vector<16xf32>
        %broadcast_in_dim3A_1692 = vector.broadcast %scan3A_1670 : i32 to vector<16xi32>
        %get3A_1693 = arith.constant 0 : index
        %get3A_1694 = tpu.vector_load %arg17[%get3A_1693] {strides = array<i32>} : memref<32xf32, #tpu.memory_space<vmem>>, vector<16xf32>,
        %eq3A_1695 = vector.broadcast %reduce_max3A_1691 : f32 to vector<16xf32>
        %eq3A_1696 = arith.cmpf oeq, %get3A_1694, %eq3A_1695 : vector<16xf32>
        %add3A_1697 = arith.constant 0 : i32
        %add3A_1698 = vector.broadcast %add3A_1697 : i32 to vector<16xi32>
        %add3A_1699 = arith.addi %add3A_1698, %iota3A : vector<16xi32>
        %broadcast_in_dim3A_1700 = vector.broadcast %scan3A_1670 : i32 to vector<16xi32>
        %select_n3A_1701 = arith.select %eq3A_1696, %add3A_1699, %broadcast_in_dim3A_1700 : vector<16xi1>, vector<16xi32>
        %min3A = arith.minsi %broadcast_in_dim3A_1692, %select_n3A_1701 : vector<16xi32>
        %get3A_1702 = arith.constant 16 : index
        %get3A_1703 = tpu.vector_load %arg17[%get3A_1702] {strides = array<i32>} : memref<32xf32, #tpu.memory_space<vmem>>, vector<16xf32>,
        %eq3A_1704 = vector.broadcast %reduce_max3A_1691 : f32 to vector<16xf32>
        %eq3A_1705 = arith.cmpf oeq, %get3A_1703, %eq3A_1704 : vector<16xf32>
        %add3A_1706 = arith.constant 16 : i32
        %add3A_1707 = vector.broadcast %add3A_1706 : i32 to vector<16xi32>
        %add3A_1708 = arith.addi %add3A_1707, %iota3A : vector<16xi32>
        %broadcast_in_dim3A_1709 = vector.broadcast %scan3A_1670 : i32 to vector<16xi32>
        %select_n3A_1710 = arith.select %eq3A_1705, %add3A_1708, %broadcast_in_dim3A_1709 : vector<16xi1>, vector<16xi32>
        %min3A_1711 = arith.minsi %min3A, %select_n3A_1710 : vector<16xi32>
        %reduce_min3A = arith.constant true
        %reduce_min3A_1712 = vector.broadcast %reduce_min3A : i1 to vector<16xi1>
        %reduce_min3A_1713 = arith.constant -2147483648 : i32
        %reduce_min3A_1714 = vector.broadcast %reduce_min3A_1713 : i32 to vector<16xi32>
        %reduce_min3A_1715 = arith.xori %min3A_1711, %reduce_min3A_1714 : vector<16xi32>
        %reduce_min3A_1716 = tpu.scan <min>, %reduce_min3A_1715 masked %reduce_min3A_1712 : vector<16xi32>, vector<16xi1> -> vector<16xi32>
        %reduce_min3A_1717 = arith.xori %reduce_min3A_1716, %reduce_min3A_1714 : vector<16xi32>
        %reduce_min3A_1718 = vector.extract %reduce_min3A_1717[15] : i32 from vector<16xi32>
        %mul3A_1719 = arith.constant 16 : i32
        %mul3A_1720 = arith.muli %reduce_min3A_1718, %mul3A_1719 : i32
        %get3A_1721 = arith.index_cast %mul3A_1720 : i32 to index
        %get3A_1722 = tpu.vector_load %arg16[%get3A_1721] {strides = array<i32>} : memref<512xf32, #tpu.memory_space<vmem>>, vector<16xf32>,
        %eq3A_1723 = vector.broadcast %reduce_max3A_1691 : f32 to vector<16xf32>
        %eq3A_1724 = arith.cmpf oeq, %get3A_1722, %eq3A_1723 : vector<16xf32>
        %broadcast_in_dim3A_1725 = vector.broadcast %scan3A_1670 : i32 to vector<16xi32>
        %select_n3A_1726 = arith.select %eq3A_1724, %iota3A, %broadcast_in_dim3A_1725 : vector<16xi1>, vector<16xi32>
        %reduce_min3A_1727 = arith.constant true
        %reduce_min3A_1728 = vector.broadcast %reduce_min3A_1727 : i1 to vector<16xi1>
        %reduce_min3A_1729 = arith.constant -2147483648 : i32
        %reduce_min3A_1730 = vector.broadcast %reduce_min3A_1729 : i32 to vector<16xi32>
        %reduce_min3A_1731 = arith.xori %select_n3A_1726, %reduce_min3A_1730 : vector<16xi32>
        %reduce_min3A_1732 = tpu.scan <min>, %reduce_min3A_1731 masked %reduce_min3A_1728 : vector<16xi32>, vector<16xi1> -> vector<16xi32>
        %reduce_min3A_1733 = arith.xori %reduce_min3A_1732, %reduce_min3A_1730 : vector<16xi32>
        %reduce_min3A_1734 = vector.extract %reduce_min3A_1733[15] : i32 from vector<16xi32>
        %mul3A_1735 = arith.constant 16 : i32
        %mul3A_1736 = arith.muli %reduce_min3A_1718, %mul3A_1735 : i32
        %add3A_1737 = arith.addi %mul3A_1736, %reduce_min3A_1734 : i32
        %mul3A_1738 = arith.constant 16 : i32
        %mul3A_1739 = arith.muli %add3A_1737, %mul3A_1738 : i32
        %get3A_1740 = arith.index_cast %mul3A_1739 : i32 to index
        %get3A_1741 = tpu.vector_load %arg15[%get3A_1740] {strides = array<i32>} : memref<8192xf32, #tpu.memory_space<vmem>>, vector<16xf32>,
        %eq3A_1742 = vector.broadcast %reduce_max3A_1691 : f32 to vector<16xf32>
        %eq3A_1743 = arith.cmpf oeq, %get3A_1741, %eq3A_1742 : vector<16xf32>
        %broadcast_in_dim3A_1744 = vector.broadcast %scan3A_1670 : i32 to vector<16xi32>
        %select_n3A_1745 = arith.select %eq3A_1743, %iota3A, %broadcast_in_dim3A_1744 : vector<16xi1>, vector<16xi32>
        %reduce_min3A_1746 = arith.constant true
        %reduce_min3A_1747 = vector.broadcast %reduce_min3A_1746 : i1 to vector<16xi1>
        %reduce_min3A_1748 = arith.constant -2147483648 : i32
        %reduce_min3A_1749 = vector.broadcast %reduce_min3A_1748 : i32 to vector<16xi32>
        %reduce_min3A_1750 = arith.xori %select_n3A_1745, %reduce_min3A_1749 : vector<16xi32>
        %reduce_min3A_1751 = tpu.scan <min>, %reduce_min3A_1750 masked %reduce_min3A_1747 : vector<16xi32>, vector<16xi1> -> vector<16xi32>
        %reduce_min3A_1752 = arith.xori %reduce_min3A_1751, %reduce_min3A_1749 : vector<16xi32>
        %reduce_min3A_1753 = vector.extract %reduce_min3A_1752[15] : i32 from vector<16xi32>
        %mul3A_1754 = arith.constant 16 : i32
        %mul3A_1755 = arith.muli %add3A_1737, %mul3A_1754 : i32
        %add3A_1756 = arith.addi %mul3A_1755, %reduce_min3A_1753 : i32
        %jit3A = arith.constant 80 : i32
        %div3A = arith.divsi %add3A_1756, %jit3A : i32
        %sign3A = arith.constant 0 : i32
        %sign3A_1757 = arith.cmpi sgt, %add3A_1756, %sign3A : i32
        %sign3A_1758 = arith.extui %sign3A_1757 : i1 to i32
        %sign3A_1759 = arith.constant 0 : i32
        %sign3A_1760 = arith.cmpi slt, %add3A_1756, %sign3A_1759 : i32
        %sign3A_1761 = arith.extui %sign3A_1760 : i1 to i32
        %sign3A_1762 = arith.subi %sign3A_1758, %sign3A_1761 : i32
        %sign3A_1763 = arith.constant 0 : i32
        %sign3A_1764 = arith.cmpi sgt, %jit3A, %sign3A_1763 : i32
        %sign3A_1765 = arith.extui %sign3A_1764 : i1 to i32
        %sign3A_1766 = arith.constant 0 : i32
        %sign3A_1767 = arith.cmpi slt, %jit3A, %sign3A_1766 : i32
        %sign3A_1768 = arith.extui %sign3A_1767 : i1 to i32
        %sign3A_1769 = arith.subi %sign3A_1765, %sign3A_1768 : i32
        %ne3A = arith.cmpi ne, %sign3A_1762, %sign3A_1769 : i32
        %rem3A = arith.remsi %add3A_1756, %jit3A : i32
        %ne3A_1770 = arith.constant 0 : i32
        %ne3A_1771 = arith.cmpi ne, %rem3A, %ne3A_1770 : i32
        %and3A = arith.andi %ne3A, %ne3A_1771 : i1
        %sub3A = arith.constant 1 : i32
        %sub3A_1772 = arith.subi %div3A, %sub3A : i32
        %select_n3A_1773 = arith.select %and3A, %sub3A_1772, %div3A : i32
        %jit3A_1774 = arith.constant 80 : i32
        %eq3A_1775 = arith.constant 0 : i32
        %eq3A_1776 = arith.cmpi eq, %jit3A_1774, %eq3A_1775 : i32
        %jit3A_1777 = arith.constant 1 : i32
        %select_n3A_1778 = arith.select %eq3A_1776, %jit3A_1777, %jit3A_1774 : i32
        %rem3A_1779 = arith.remsi %add3A_1756, %select_n3A_1778 : i32
        %ne3A_1780 = arith.constant 0 : i32
        %ne3A_1781 = arith.cmpi ne, %rem3A_1779, %ne3A_1780 : i32
        %lt3A_1782 = arith.constant 0 : i32
        %lt3A_1783 = arith.cmpi slt, %rem3A_1779, %lt3A_1782 : i32
        %lt3A_1784 = arith.constant 0 : i32
        %lt3A_1785 = arith.cmpi slt, %select_n3A_1778, %lt3A_1784 : i32
        %ne3A_1786 = arith.xori %lt3A_1783, %lt3A_1785 : i1
        %and3A_1787 = arith.andi %ne3A_1786, %ne3A_1781 : i1
        %add3A_1788 = arith.addi %rem3A_1779, %select_n3A_1778 : i32
        %select_n3A_1789 = arith.select %and3A_1787, %add3A_1788, %rem3A_1779 : i32
        %jit3A_1790 = arith.constant 16 : i32
        %div3A_1791 = arith.divsi %select_n3A_1773, %jit3A_1790 : i32
        %sign3A_1792 = arith.constant 0 : i32
        %sign3A_1793 = arith.cmpi sgt, %select_n3A_1773, %sign3A_1792 : i32
        %sign3A_1794 = arith.extui %sign3A_1793 : i1 to i32
        %sign3A_1795 = arith.constant 0 : i32
        %sign3A_1796 = arith.cmpi slt, %select_n3A_1773, %sign3A_1795 : i32
        %sign3A_1797 = arith.extui %sign3A_1796 : i1 to i32
        %sign3A_1798 = arith.subi %sign3A_1794, %sign3A_1797 : i32
        %sign3A_1799 = arith.constant 0 : i32
        %sign3A_1800 = arith.cmpi sgt, %jit3A_1790, %sign3A_1799 : i32
        %sign3A_1801 = arith.extui %sign3A_1800 : i1 to i32
        %sign3A_1802 = arith.constant 0 : i32
        %sign3A_1803 = arith.cmpi slt, %jit3A_1790, %sign3A_1802 : i32
        %sign3A_1804 = arith.extui %sign3A_1803 : i1 to i32
        %sign3A_1805 = arith.subi %sign3A_1801, %sign3A_1804 : i32
        %ne3A_1806 = arith.cmpi ne, %sign3A_1798, %sign3A_1805 : i32
        %rem3A_1807 = arith.remsi %select_n3A_1773, %jit3A_1790 : i32
        %ne3A_1808 = arith.constant 0 : i32
        %ne3A_1809 = arith.cmpi ne, %rem3A_1807, %ne3A_1808 : i32
        %and3A_1810 = arith.andi %ne3A_1806, %ne3A_1809 : i1
        %sub3A_1811 = arith.constant 1 : i32
        %sub3A_1812 = arith.subi %div3A_1791, %sub3A_1811 : i32
        %select_n3A_1813 = arith.select %and3A_1810, %sub3A_1812, %div3A_1791 : i32
        %mul3A_1814 = arith.constant 16 : i32
        %mul3A_1815 = arith.muli %select_n3A_1813, %mul3A_1814 : i32
        %get3A_1816 = arith.index_cast %mul3A_1815 : i32 to index
        %get3A_1817 = tpu.vector_load %arg12[%get3A_1816] {strides = array<i32>} : memref<112xi32, #tpu.memory_space<vmem>>, vector<16xi32>,
        %sub3A_1818 = arith.subi %select_n3A_1773, %mul3A_1815 : i32
        %eq3A_1819 = vector.broadcast %sub3A_1818 : i32 to vector<16xi32>
        %eq3A_1820 = arith.cmpi eq, %iota3A, %eq3A_1819 : vector<16xi32>
        %jit3A_1821 = arith.constant 0 : i32
        %broadcast_in_dim3A_1822 = vector.broadcast %jit3A_1821 : i32 to vector<16xi32>
        %select_n3A_1823 = arith.select %eq3A_1820, %get3A_1817, %broadcast_in_dim3A_1822 : vector<16xi1>, vector<16xi32>
        %reduce_sum3A = arith.constant true
        %reduce_sum3A_1824 = vector.broadcast %reduce_sum3A : i1 to vector<16xi1>
        %reduce_sum3A_1825 = tpu.scan <sum>, %select_n3A_1823 masked %reduce_sum3A_1824 : vector<16xi32>, vector<16xi1> -> vector<16xi32>
        %reduce_sum3A_1826 = vector.extract %reduce_sum3A_1825[15] : i32 from vector<16xi32>
        %jit3A_1827 = arith.constant 160 : i32
        %div3A_1828 = arith.divsi %reduce_sum3A_1826, %jit3A_1827 : i32
        %sign3A_1829 = arith.constant 0 : i32
        %sign3A_1830 = arith.cmpi sgt, %reduce_sum3A_1826, %sign3A_1829 : i32
        %sign3A_1831 = arith.extui %sign3A_1830 : i1 to i32
        %sign3A_1832 = arith.constant 0 : i32
        %sign3A_1833 = arith.cmpi slt, %reduce_sum3A_1826, %sign3A_1832 : i32
        %sign3A_1834 = arith.extui %sign3A_1833 : i1 to i32
        %sign3A_1835 = arith.subi %sign3A_1831, %sign3A_1834 : i32
        %sign3A_1836 = arith.constant 0 : i32
        %sign3A_1837 = arith.cmpi sgt, %jit3A_1827, %sign3A_1836 : i32
        %sign3A_1838 = arith.extui %sign3A_1837 : i1 to i32
        %sign3A_1839 = arith.constant 0 : i32
        %sign3A_1840 = arith.cmpi slt, %jit3A_1827, %sign3A_1839 : i32
        %sign3A_1841 = arith.extui %sign3A_1840 : i1 to i32
        %sign3A_1842 = arith.subi %sign3A_1838, %sign3A_1841 : i32
        %ne3A_1843 = arith.cmpi ne, %sign3A_1835, %sign3A_1842 : i32
        %rem3A_1844 = arith.remsi %reduce_sum3A_1826, %jit3A_1827 : i32
        %ne3A_1845 = arith.constant 0 : i32
        %ne3A_1846 = arith.cmpi ne, %rem3A_1844, %ne3A_1845 : i32
        %and3A_1847 = arith.andi %ne3A_1843, %ne3A_1846 : i1
        %sub3A_1848 = arith.constant 1 : i32
        %sub3A_1849 = arith.subi %div3A_1828, %sub3A_1848 : i32
        %select_n3A_1850 = arith.select %and3A_1847, %sub3A_1849, %div3A_1828 : i32
        %convert_element_type3A_1851 = arith.sitofp %select_n3A_1850 : i32 to f32
        %jit3A_1852 = arith.constant 160 : i32
        %eq3A_1853 = arith.constant 0 : i32
        %eq3A_1854 = arith.cmpi eq, %jit3A_1852, %eq3A_1853 : i32
        %jit3A_1855 = arith.constant 1 : i32
        %select_n3A_1856 = arith.select %eq3A_1854, %jit3A_1855, %jit3A_1852 : i32
        %rem3A_1857 = arith.remsi %reduce_sum3A_1826, %select_n3A_1856 : i32
        %ne3A_1858 = arith.constant 0 : i32
        %ne3A_1859 = arith.cmpi ne, %rem3A_1857, %ne3A_1858 : i32
        %lt3A_1860 = arith.constant 0 : i32
        %lt3A_1861 = arith.cmpi slt, %rem3A_1857, %lt3A_1860 : i32
        %lt3A_1862 = arith.constant 0 : i32
        %lt3A_1863 = arith.cmpi slt, %select_n3A_1856, %lt3A_1862 : i32
        %ne3A_1864 = arith.xori %lt3A_1861, %lt3A_1863 : i1
        %and3A_1865 = arith.andi %ne3A_1864, %ne3A_1859 : i1
        %add3A_1866 = arith.addi %rem3A_1857, %select_n3A_1856 : i32
        %select_n3A_1867 = arith.select %and3A_1865, %add3A_1866, %rem3A_1857 : i32
        %convert_element_type3A_1868 = arith.sitofp %select_n3A_1867 : i32 to f32
        %get3A_1869 = arith.index_cast %select_n3A_1773 : i32 to index
        %get3A_1870 = arith.constant 80 : index
        %get3A_1871 = tpu.vector_load %arg14[%get3A_1869, %get3A_1870] {strides = array<i32>} : memref<112x128xf32, #tpu.memory_space<vmem>>, vector<16xf32>,
        %jit3A_1872 = arith.constant 16 : i32
        %div3A_1873 = arith.divsi %scan3A_1683, %jit3A_1872 : i32
        %sign3A_1874 = arith.constant 0 : i32
        %sign3A_1875 = arith.cmpi sgt, %scan3A_1683, %sign3A_1874 : i32
        %sign3A_1876 = arith.extui %sign3A_1875 : i1 to i32
        %sign3A_1877 = arith.constant 0 : i32
        %sign3A_1878 = arith.cmpi slt, %scan3A_1683, %sign3A_1877 : i32
        %sign3A_1879 = arith.extui %sign3A_1878 : i1 to i32
        %sign3A_1880 = arith.subi %sign3A_1876, %sign3A_1879 : i32
        %sign3A_1881 = arith.constant 0 : i32
        %sign3A_1882 = arith.cmpi sgt, %jit3A_1872, %sign3A_1881 : i32
        %sign3A_1883 = arith.extui %sign3A_1882 : i1 to i32
        %sign3A_1884 = arith.constant 0 : i32
        %sign3A_1885 = arith.cmpi slt, %jit3A_1872, %sign3A_1884 : i32
        %sign3A_1886 = arith.extui %sign3A_1885 : i1 to i32
        %sign3A_1887 = arith.subi %sign3A_1883, %sign3A_1886 : i32
        %ne3A_1888 = arith.cmpi ne, %sign3A_1880, %sign3A_1887 : i32
        %rem3A_1889 = arith.remsi %scan3A_1683, %jit3A_1872 : i32
        %ne3A_1890 = arith.constant 0 : i32
        %ne3A_1891 = arith.cmpi ne, %rem3A_1889, %ne3A_1890 : i32
        %and3A_1892 = arith.andi %ne3A_1888, %ne3A_1891 : i1
        %sub3A_1893 = arith.constant 1 : i32
        %sub3A_1894 = arith.subi %div3A_1873, %sub3A_1893 : i32
        %select_n3A_1895 = arith.select %and3A_1892, %sub3A_1894, %div3A_1873 : i32
        %mul3A_1896 = arith.constant 16 : i32
        %mul3A_1897 = arith.muli %select_n3A_1895, %mul3A_1896 : i32
        %get3A_1898 = arith.index_cast %mul3A_1897 : i32 to index
        %get3A_1899 = tpu.vector_load %arg18[%get3A_1898] {strides = array<i32>} : memref<128xf32, #tpu.memory_space<vmem>>, vector<16xf32>,
        %sub3A_1900 = arith.subi %scan3A_1683, %mul3A_1897 : i32
        %eq3A_1901 = vector.broadcast %sub3A_1900 : i32 to vector<16xi32>
        %eq3A_1902 = arith.cmpi eq, %iota3A, %eq3A_1901 : vector<16xi32>
        %broadcast_in_dim3A_1903 = vector.broadcast %reduce_max3A_1691 : f32 to vector<16xf32>
        %select_n3A_1904 = arith.select %eq3A_1902, %broadcast_in_dim3A_1903, %get3A_1899 : vector<16xi1>, vector<16xf32>
        %swap3A_1905 = arith.index_cast %mul3A_1897 : i32 to index
        %swap3A_1906 = tpu.vector_load %arg18[%swap3A_1905] {strides = array<i32>} : memref<128xf32, #tpu.memory_space<vmem>>, vector<16xf32>,
        tpu.vector_store %arg18[%swap3A_1905], %select_n3A_1904 {strides = array<i32>} : memref<128xf32, #tpu.memory_space<vmem>>, vector<16xf32>,
        %jit3A_1907 = arith.constant 16 : i32
        %div3A_1908 = arith.divsi %scan3A_1683, %jit3A_1907 : i32
        %sign3A_1909 = arith.constant 0 : i32
        %sign3A_1910 = arith.cmpi sgt, %scan3A_1683, %sign3A_1909 : i32
        %sign3A_1911 = arith.extui %sign3A_1910 : i1 to i32
        %sign3A_1912 = arith.constant 0 : i32
        %sign3A_1913 = arith.cmpi slt, %scan3A_1683, %sign3A_1912 : i32
        %sign3A_1914 = arith.extui %sign3A_1913 : i1 to i32
        %sign3A_1915 = arith.subi %sign3A_1911, %sign3A_1914 : i32
        %sign3A_1916 = arith.constant 0 : i32
        %sign3A_1917 = arith.cmpi sgt, %jit3A_1907, %sign3A_1916 : i32
        %sign3A_1918 = arith.extui %sign3A_1917 : i1 to i32
        %sign3A_1919 = arith.constant 0 : i32
        %sign3A_1920 = arith.cmpi slt, %jit3A_1907, %sign3A_1919 : i32
        %sign3A_1921 = arith.extui %sign3A_1920 : i1 to i32
        %sign3A_1922 = arith.subi %sign3A_1918, %sign3A_1921 : i32
        %ne3A_1923 = arith.cmpi ne, %sign3A_1915, %sign3A_1922 : i32
        %rem3A_1924 = arith.remsi %scan3A_1683, %jit3A_1907 : i32
        %ne3A_1925 = arith.constant 0 : i32
        %ne3A_1926 = arith.cmpi ne, %rem3A_1924, %ne3A_1925 : i32
        %and3A_1927 = arith.andi %ne3A_1923, %ne3A_1926 : i1
        %sub3A_1928 = arith.constant 1 : i32
        %sub3A_1929 = arith.subi %div3A_1908, %sub3A_1928 : i32
        %select_n3A_1930 = arith.select %and3A_1927, %sub3A_1929, %div3A_1908 : i32
        %mul3A_1931 = arith.constant 16 : i32
        %mul3A_1932 = arith.muli %select_n3A_1930, %mul3A_1931 : i32
        %get3A_1933 = arith.index_cast %mul3A_1932 : i32 to index
        %get3A_1934 = tpu.vector_load %arg19[%get3A_1933] {strides = array<i32>} : memref<128xi32, #tpu.memory_space<vmem>>, vector<16xi32>,
        %sub3A_1935 = arith.subi %scan3A_1683, %mul3A_1932 : i32
        %eq3A_1936 = vector.broadcast %sub3A_1935 : i32 to vector<16xi32>
        %eq3A_1937 = arith.cmpi eq, %iota3A, %eq3A_1936 : vector<16xi32>
        %broadcast_in_dim3A_1938 = vector.broadcast %select_n3A_1789 : i32 to vector<16xi32>
        %select_n3A_1939 = arith.select %eq3A_1937, %broadcast_in_dim3A_1938, %get3A_1934 : vector<16xi1>, vector<16xi32>
        %swap3A_1940 = arith.index_cast %mul3A_1932 : i32 to index
        %swap3A_1941 = tpu.vector_load %arg19[%swap3A_1940] {strides = array<i32>} : memref<128xi32, #tpu.memory_space<vmem>>, vector<16xi32>,
        tpu.vector_store %arg19[%swap3A_1940], %select_n3A_1939 {strides = array<i32>} : memref<128xi32, #tpu.memory_space<vmem>>, vector<16xi32>,
        %mul3A_1942 = arith.constant 2 : i32
        %mul3A_1943 = arith.muli %mul3A_1942, %scan3A_1683 : i32
        %mul3A_1944 = arith.constant 4.000000e+00 : f32
        %mul3A_1945 = arith.mulf %mul3A_1944, %convert_element_type3A_1868 : f32
        %eq3A_1946 = arith.constant 2 : i32
        %eq3A_1947 = vector.broadcast %eq3A_1946 : i32 to vector<16xi32>
        %eq3A_1948 = arith.cmpi eq, %iota3A, %eq3A_1947 : vector<16xi32>
        %jit3A_1949 = arith.constant 0.000000e+00 : f32
        %broadcast_in_dim3A_1950 = vector.broadcast %jit3A_1949 : f32 to vector<16xf32>
        %select_n3A_1951 = arith.select %eq3A_1948, %get3A_1871, %broadcast_in_dim3A_1950 : vector<16xi1>, vector<16xf32>
        %reduce_sum3A_1952 = arith.constant true
        %reduce_sum3A_1953 = vector.broadcast %reduce_sum3A_1952 : i1 to vector<16xi1>
        %reduce_sum3A_1954 = tpu.scan <sum>, %select_n3A_1951 masked %reduce_sum3A_1953 : vector<16xf32>, vector<16xi1> -> vector<16xf32>
        %reduce_sum3A_1955 = vector.extract %reduce_sum3A_1954[15] : f32 from vector<16xf32>
        %add3A_1956 = arith.addf %mul3A_1945, %reduce_sum3A_1955 : f32
        %jit3A_1957 = arith.constant 16 : i32
        %div3A_1958 = arith.divsi %mul3A_1943, %jit3A_1957 : i32
        %sign3A_1959 = arith.constant 0 : i32
        %sign3A_1960 = arith.cmpi sgt, %mul3A_1943, %sign3A_1959 : i32
        %sign3A_1961 = arith.extui %sign3A_1960 : i1 to i32
        %sign3A_1962 = arith.constant 0 : i32
        %sign3A_1963 = arith.cmpi slt, %mul3A_1943, %sign3A_1962 : i32
        %sign3A_1964 = arith.extui %sign3A_1963 : i1 to i32
        %sign3A_1965 = arith.subi %sign3A_1961, %sign3A_1964 : i32
        %sign3A_1966 = arith.constant 0 : i32
        %sign3A_1967 = arith.cmpi sgt, %jit3A_1957, %sign3A_1966 : i32
        %sign3A_1968 = arith.extui %sign3A_1967 : i1 to i32
        %sign3A_1969 = arith.constant 0 : i32
        %sign3A_1970 = arith.cmpi slt, %jit3A_1957, %sign3A_1969 : i32
        %sign3A_1971 = arith.extui %sign3A_1970 : i1 to i32
        %sign3A_1972 = arith.subi %sign3A_1968, %sign3A_1971 : i32
        %ne3A_1973 = arith.cmpi ne, %sign3A_1965, %sign3A_1972 : i32
        %rem3A_1974 = arith.remsi %mul3A_1943, %jit3A_1957 : i32
        %ne3A_1975 = arith.constant 0 : i32
        %ne3A_1976 = arith.cmpi ne, %rem3A_1974, %ne3A_1975 : i32
        %and3A_1977 = arith.andi %ne3A_1973, %ne3A_1976 : i1
        %sub3A_1978 = arith.constant 1 : i32
        %sub3A_1979 = arith.subi %div3A_1958, %sub3A_1978 : i32
        %select_n3A_1980 = arith.select %and3A_1977, %sub3A_1979, %div3A_1958 : i32
        %mul3A_1981 = arith.constant 16 : i32
        %mul3A_1982 = arith.muli %select_n3A_1980, %mul3A_1981 : i32
        %get3A_1983 = arith.index_cast %mul3A_1982 : i32 to index
        %get3A_1984 = tpu.vector_load %arg20[%get3A_1983] {strides = array<i32>} : memref<256xf32, #tpu.memory_space<vmem>>, vector<16xf32>,
        %sub3A_1985 = arith.subi %mul3A_1943, %mul3A_1982 : i32
        %eq3A_1986 = vector.broadcast %sub3A_1985 : i32 to vector<16xi32>
        %eq3A_1987 = arith.cmpi eq, %iota3A, %eq3A_1986 : vector<16xi32>
        %broadcast_in_dim3A_1988 = vector.broadcast %add3A_1956 : f32 to vector<16xf32>
        %select_n3A_1989 = arith.select %eq3A_1987, %broadcast_in_dim3A_1988, %get3A_1984 : vector<16xi1>, vector<16xf32>
        %swap3A_1990 = arith.index_cast %mul3A_1982 : i32 to index
        %swap3A_1991 = tpu.vector_load %arg20[%swap3A_1990] {strides = array<i32>} : memref<256xf32, #tpu.memory_space<vmem>>, vector<16xf32>,
        tpu.vector_store %arg20[%swap3A_1990], %select_n3A_1989 {strides = array<i32>} : memref<256xf32, #tpu.memory_space<vmem>>, vector<16xf32>,
        %mul3A_1992 = arith.constant 2 : i32
        %mul3A_1993 = arith.muli %mul3A_1992, %scan3A_1683 : i32
        %add3A_1994 = arith.constant 1 : i32
        %add3A_1995 = arith.addi %mul3A_1993, %add3A_1994 : i32
        %mul3A_1996 = arith.constant 4.000000e+00 : f32
        %mul3A_1997 = arith.mulf %mul3A_1996, %convert_element_type3A_1851 : f32
        %eq3A_1998 = arith.constant 3 : i32
        %eq3A_1999 = vector.broadcast %eq3A_1998 : i32 to vector<16xi32>
        %eq3A_2000 = arith.cmpi eq, %iota3A, %eq3A_1999 : vector<16xi32>
        %jit3A_2001 = arith.constant 0.000000e+00 : f32
        %broadcast_in_dim3A_2002 = vector.broadcast %jit3A_2001 : f32 to vector<16xf32>
        %select_n3A_2003 = arith.select %eq3A_2000, %get3A_1871, %broadcast_in_dim3A_2002 : vector<16xi1>, vector<16xf32>
        %reduce_sum3A_2004 = arith.constant true
        %reduce_sum3A_2005 = vector.broadcast %reduce_sum3A_2004 : i1 to vector<16xi1>
        %reduce_sum3A_2006 = tpu.scan <sum>, %select_n3A_2003 masked %reduce_sum3A_2005 : vector<16xf32>, vector<16xi1> -> vector<16xf32>
        %reduce_sum3A_2007 = vector.extract %reduce_sum3A_2006[15] : f32 from vector<16xf32>
        %add3A_2008 = arith.addf %mul3A_1997, %reduce_sum3A_2007 : f32
        %jit3A_2009 = arith.constant 16 : i32
        %div3A_2010 = arith.divsi %add3A_1995, %jit3A_2009 : i32
        %sign3A_2011 = arith.constant 0 : i32
        %sign3A_2012 = arith.cmpi sgt, %add3A_1995, %sign3A_2011 : i32
        %sign3A_2013 = arith.extui %sign3A_2012 : i1 to i32
        %sign3A_2014 = arith.constant 0 : i32
        %sign3A_2015 = arith.cmpi slt, %add3A_1995, %sign3A_2014 : i32
        %sign3A_2016 = arith.extui %sign3A_2015 : i1 to i32
        %sign3A_2017 = arith.subi %sign3A_2013, %sign3A_2016 : i32
        %sign3A_2018 = arith.constant 0 : i32
        %sign3A_2019 = arith.cmpi sgt, %jit3A_2009, %sign3A_2018 : i32
        %sign3A_2020 = arith.extui %sign3A_2019 : i1 to i32
        %sign3A_2021 = arith.constant 0 : i32
        %sign3A_2022 = arith.cmpi slt, %jit3A_2009, %sign3A_2021 : i32
        %sign3A_2023 = arith.extui %sign3A_2022 : i1 to i32
        %sign3A_2024 = arith.subi %sign3A_2020, %sign3A_2023 : i32
        %ne3A_2025 = arith.cmpi ne, %sign3A_2017, %sign3A_2024 : i32
        %rem3A_2026 = arith.remsi %add3A_1995, %jit3A_2009 : i32
        %ne3A_2027 = arith.constant 0 : i32
        %ne3A_2028 = arith.cmpi ne, %rem3A_2026, %ne3A_2027 : i32
        %and3A_2029 = arith.andi %ne3A_2025, %ne3A_2028 : i1
        %sub3A_2030 = arith.constant 1 : i32
        %sub3A_2031 = arith.subi %div3A_2010, %sub3A_2030 : i32
        %select_n3A_2032 = arith.select %and3A_2029, %sub3A_2031, %div3A_2010 : i32
        %mul3A_2033 = arith.constant 16 : i32
        %mul3A_2034 = arith.muli %select_n3A_2032, %mul3A_2033 : i32
        %get3A_2035 = arith.index_cast %mul3A_2034 : i32 to index
        %get3A_2036 = tpu.vector_load %arg20[%get3A_2035] {strides = array<i32>} : memref<256xf32, #tpu.memory_space<vmem>>, vector<16xf32>,
        %sub3A_2037 = arith.subi %add3A_1995, %mul3A_2034 : i32
        %eq3A_2038 = vector.broadcast %sub3A_2037 : i32 to vector<16xi32>
        %eq3A_2039 = arith.cmpi eq, %iota3A, %eq3A_2038 : vector<16xi32>
        %broadcast_in_dim3A_2040 = vector.broadcast %add3A_2008 : f32 to vector<16xf32>
        %select_n3A_2041 = arith.select %eq3A_2039, %broadcast_in_dim3A_2040, %get3A_2036 : vector<16xi1>, vector<16xf32>
        %swap3A_2042 = arith.index_cast %mul3A_2034 : i32 to index
        %swap3A_2043 = tpu.vector_load %arg20[%swap3A_2042] {strides = array<i32>} : memref<256xf32, #tpu.memory_space<vmem>>, vector<16xf32>,
        tpu.vector_store %arg20[%swap3A_2042], %select_n3A_2041 {strides = array<i32>} : memref<256xf32, #tpu.memory_space<vmem>>, vector<16xf32>,
        %mul3A_2044 = arith.constant 2 : i32
        %mul3A_2045 = arith.muli %mul3A_2044, %scan3A_1683 : i32
        %eq3A_2046 = arith.constant 0 : i32
        %eq3A_2047 = vector.broadcast %eq3A_2046 : i32 to vector<16xi32>
        %eq3A_2048 = arith.cmpi eq, %iota3A, %eq3A_2047 : vector<16xi32>
        %jit3A_2049 = arith.constant 0.000000e+00 : f32
        %broadcast_in_dim3A_2050 = vector.broadcast %jit3A_2049 : f32 to vector<16xf32>
        %select_n3A_2051 = arith.select %eq3A_2048, %get3A_1871, %broadcast_in_dim3A_2050 : vector<16xi1>, vector<16xf32>
        %reduce_sum3A_2052 = arith.constant true
        %reduce_sum3A_2053 = vector.broadcast %reduce_sum3A_2052 : i1 to vector<16xi1>
        %reduce_sum3A_2054 = tpu.scan <sum>, %select_n3A_2051 masked %reduce_sum3A_2053 : vector<16xf32>, vector<16xi1> -> vector<16xf32>
        %reduce_sum3A_2055 = vector.extract %reduce_sum3A_2054[15] : f32 from vector<16xf32>
        %jit3A_2056 = arith.constant 16 : i32
        %div3A_2057 = arith.divsi %mul3A_2045, %jit3A_2056 : i32
        %sign3A_2058 = arith.constant 0 : i32
        %sign3A_2059 = arith.cmpi sgt, %mul3A_2045, %sign3A_2058 : i32
        %sign3A_2060 = arith.extui %sign3A_2059 : i1 to i32
        %sign3A_2061 = arith.constant 0 : i32
        %sign3A_2062 = arith.cmpi slt, %mul3A_2045, %sign3A_2061 : i32
        %sign3A_2063 = arith.extui %sign3A_2062 : i1 to i32
        %sign3A_2064 = arith.subi %sign3A_2060, %sign3A_2063 : i32
        %sign3A_2065 = arith.constant 0 : i32
        %sign3A_2066 = arith.cmpi sgt, %jit3A_2056, %sign3A_2065 : i32
        %sign3A_2067 = arith.extui %sign3A_2066 : i1 to i32
        %sign3A_2068 = arith.constant 0 : i32
        %sign3A_2069 = arith.cmpi slt, %jit3A_2056, %sign3A_2068 : i32
        %sign3A_2070 = arith.extui %sign3A_2069 : i1 to i32
        %sign3A_2071 = arith.subi %sign3A_2067, %sign3A_2070 : i32
        %ne3A_2072 = arith.cmpi ne, %sign3A_2064, %sign3A_2071 : i32
        %rem3A_2073 = arith.remsi %mul3A_2045, %jit3A_2056 : i32
        %ne3A_2074 = arith.constant 0 : i32
        %ne3A_2075 = arith.cmpi ne, %rem3A_2073, %ne3A_2074 : i32
        %and3A_2076 = arith.andi %ne3A_2072, %ne3A_2075 : i1
        %sub3A_2077 = arith.constant 1 : i32
        %sub3A_2078 = arith.subi %div3A_2057, %sub3A_2077 : i32
        %select_n3A_2079 = arith.select %and3A_2076, %sub3A_2078, %div3A_2057 : i32
        %mul3A_2080 = arith.constant 16 : i32
        %mul3A_2081 = arith.muli %select_n3A_2079, %mul3A_2080 : i32
        %get3A_2082 = arith.index_cast %mul3A_2081 : i32 to index
        %get3A_2083 = tpu.vector_load %arg21[%get3A_2082] {strides = array<i32>} : memref<256xf32, #tpu.memory_space<vmem>>, vector<16xf32>,
        %sub3A_2084 = arith.subi %mul3A_2045, %mul3A_2081 : i32
        %eq3A_2085 = vector.broadcast %sub3A_2084 : i32 to vector<16xi32>
        %eq3A_2086 = arith.cmpi eq, %iota3A, %eq3A_2085 : vector<16xi32>
        %broadcast_in_dim3A_2087 = vector.broadcast %reduce_sum3A_2055 : f32 to vector<16xf32>
        %select_n3A_2088 = arith.select %eq3A_2086, %broadcast_in_dim3A_2087, %get3A_2083 : vector<16xi1>, vector<16xf32>
        %swap3A_2089 = arith.index_cast %mul3A_2081 : i32 to index
        %swap3A_2090 = tpu.vector_load %arg21[%swap3A_2089] {strides = array<i32>} : memref<256xf32, #tpu.memory_space<vmem>>, vector<16xf32>,
        tpu.vector_store %arg21[%swap3A_2089], %select_n3A_2088 {strides = array<i32>} : memref<256xf32, #tpu.memory_space<vmem>>, vector<16xf32>,
        %mul3A_2091 = arith.constant 2 : i32
        %mul3A_2092 = arith.muli %mul3A_2091, %scan3A_1683 : i32
        %add3A_2093 = arith.constant 1 : i32
        %add3A_2094 = arith.addi %mul3A_2092, %add3A_2093 : i32
        %eq3A_2095 = arith.constant 1 : i32
        %eq3A_2096 = vector.broadcast %eq3A_2095 : i32 to vector<16xi32>
        %eq3A_2097 = arith.cmpi eq, %iota3A, %eq3A_2096 : vector<16xi32>
        %jit3A_2098 = arith.constant 0.000000e+00 : f32
        %broadcast_in_dim3A_2099 = vector.broadcast %jit3A_2098 : f32 to vector<16xf32>
        %select_n3A_2100 = arith.select %eq3A_2097, %get3A_1871, %broadcast_in_dim3A_2099 : vector<16xi1>, vector<16xf32>
        %reduce_sum3A_2101 = arith.constant true
        %reduce_sum3A_2102 = vector.broadcast %reduce_sum3A_2101 : i1 to vector<16xi1>
        %reduce_sum3A_2103 = tpu.scan <sum>, %select_n3A_2100 masked %reduce_sum3A_2102 : vector<16xf32>, vector<16xi1> -> vector<16xf32>
        %reduce_sum3A_2104 = vector.extract %reduce_sum3A_2103[15] : f32 from vector<16xf32>
        %jit3A_2105 = arith.constant 16 : i32
        %div3A_2106 = arith.divsi %add3A_2094, %jit3A_2105 : i32
        %sign3A_2107 = arith.constant 0 : i32
        %sign3A_2108 = arith.cmpi sgt, %add3A_2094, %sign3A_2107 : i32
        %sign3A_2109 = arith.extui %sign3A_2108 : i1 to i32
        %sign3A_2110 = arith.constant 0 : i32
        %sign3A_2111 = arith.cmpi slt, %add3A_2094, %sign3A_2110 : i32
        %sign3A_2112 = arith.extui %sign3A_2111 : i1 to i32
        %sign3A_2113 = arith.subi %sign3A_2109, %sign3A_2112 : i32
        %sign3A_2114 = arith.constant 0 : i32
        %sign3A_2115 = arith.cmpi sgt, %jit3A_2105, %sign3A_2114 : i32
        %sign3A_2116 = arith.extui %sign3A_2115 : i1 to i32
        %sign3A_2117 = arith.constant 0 : i32
        %sign3A_2118 = arith.cmpi slt, %jit3A_2105, %sign3A_2117 : i32
        %sign3A_2119 = arith.extui %sign3A_2118 : i1 to i32
        %sign3A_2120 = arith.subi %sign3A_2116, %sign3A_2119 : i32
        %ne3A_2121 = arith.cmpi ne, %sign3A_2113, %sign3A_2120 : i32
        %rem3A_2122 = arith.remsi %add3A_2094, %jit3A_2105 : i32
        %ne3A_2123 = arith.constant 0 : i32
        %ne3A_2124 = arith.cmpi ne, %rem3A_2122, %ne3A_2123 : i32
        %and3A_2125 = arith.andi %ne3A_2121, %ne3A_2124 : i1
        %sub3A_2126 = arith.constant 1 : i32
        %sub3A_2127 = arith.subi %div3A_2106, %sub3A_2126 : i32
        %select_n3A_2128 = arith.select %and3A_2125, %sub3A_2127, %div3A_2106 : i32
        %mul3A_2129 = arith.constant 16 : i32
        %mul3A_2130 = arith.muli %select_n3A_2128, %mul3A_2129 : i32
        %get3A_2131 = arith.index_cast %mul3A_2130 : i32 to index
        %get3A_2132 = tpu.vector_load %arg21[%get3A_2131] {strides = array<i32>} : memref<256xf32, #tpu.memory_space<vmem>>, vector<16xf32>,
        %sub3A_2133 = arith.subi %add3A_2094, %mul3A_2130 : i32
        %eq3A_2134 = vector.broadcast %sub3A_2133 : i32 to vector<16xi32>
        %eq3A_2135 = arith.cmpi eq, %iota3A, %eq3A_2134 : vector<16xi32>
        %broadcast_in_dim3A_2136 = vector.broadcast %reduce_sum3A_2104 : f32 to vector<16xf32>
        %select_n3A_2137 = arith.select %eq3A_2135, %broadcast_in_dim3A_2136, %get3A_2132 : vector<16xi1>, vector<16xf32>
        %swap3A_2138 = arith.index_cast %mul3A_2130 : i32 to index
        %swap3A_2139 = tpu.vector_load %arg21[%swap3A_2138] {strides = array<i32>} : memref<256xf32, #tpu.memory_space<vmem>>, vector<16xf32>,
        tpu.vector_store %arg21[%swap3A_2138], %select_n3A_2137 {strides = array<i32>} : memref<256xf32, #tpu.memory_space<vmem>>, vector<16xf32>,
        %eq3A_2140 = vector.broadcast %reduce_min3A_1753 : i32 to vector<16xi32>
        %eq3A_2141 = arith.cmpi eq, %iota3A, %eq3A_2140 : vector<16xi32>
        %broadcast_in_dim3A_2142 = vector.broadcast %scan3A_1671 : f32 to vector<16xf32>
        %select_n3A_2143 = arith.select %eq3A_2141, %broadcast_in_dim3A_2142, %get3A_1741 : vector<16xi1>, vector<16xf32>
        %mul3A_2144 = arith.constant 16 : i32
        %mul3A_2145 = arith.muli %add3A_1737, %mul3A_2144 : i32
        %swap3A_2146 = arith.index_cast %mul3A_2145 : i32 to index
        %swap3A_2147 = tpu.vector_load %arg15[%swap3A_2146] {strides = array<i32>} : memref<8192xf32, #tpu.memory_space<vmem>>, vector<16xf32>,
        tpu.vector_store %arg15[%swap3A_2146], %select_n3A_2143 {strides = array<i32>} : memref<8192xf32, #tpu.memory_space<vmem>>, vector<16xf32>,
        %reduce_max3A_2148 = arith.constant true
        %reduce_max3A_2149 = vector.broadcast %reduce_max3A_2148 : i1 to vector<16xi1>
        %reduce_max3A_2150 = tpu.scan <max>, %select_n3A_2143 masked %reduce_max3A_2149 : vector<16xf32>, vector<16xi1> -> vector<16xf32>
        %reduce_max3A_2151 = vector.extract %reduce_max3A_2150[15] : f32 from vector<16xf32>
        %eq3A_2152 = vector.broadcast %reduce_min3A_1734 : i32 to vector<16xi32>
        %eq3A_2153 = arith.cmpi eq, %iota3A, %eq3A_2152 : vector<16xi32>
        %broadcast_in_dim3A_2154 = vector.broadcast %reduce_max3A_2151 : f32 to vector<16xf32>
        %select_n3A_2155 = arith.select %eq3A_2153, %broadcast_in_dim3A_2154, %get3A_1722 : vector<16xi1>, vector<16xf32>
        %mul3A_2156 = arith.constant 16 : i32
        %mul3A_2157 = arith.muli %reduce_min3A_1718, %mul3A_2156 : i32
        %swap3A_2158 = arith.index_cast %mul3A_2157 : i32 to index
        %swap3A_2159 = tpu.vector_load %arg16[%swap3A_2158] {strides = array<i32>} : memref<512xf32, #tpu.memory_space<vmem>>, vector<16xf32>,
        tpu.vector_store %arg16[%swap3A_2158], %select_n3A_2155 {strides = array<i32>} : memref<512xf32, #tpu.memory_space<vmem>>, vector<16xf32>,
        %reduce_max3A_2160 = arith.constant true
        %reduce_max3A_2161 = vector.broadcast %reduce_max3A_2160 : i1 to vector<16xi1>
        %reduce_max3A_2162 = tpu.scan <max>, %select_n3A_2155 masked %reduce_max3A_2161 : vector<16xf32>, vector<16xi1> -> vector<16xf32>
        %reduce_max3A_2163 = vector.extract %reduce_max3A_2162[15] : f32 from vector<16xf32>
        %jit3A_2164 = arith.constant 16 : i32
        %div3A_2165 = arith.divsi %reduce_min3A_1718, %jit3A_2164 : i32
        %sign3A_2166 = arith.constant 0 : i32
        %sign3A_2167 = arith.cmpi sgt, %reduce_min3A_1718, %sign3A_2166 : i32
        %sign3A_2168 = arith.extui %sign3A_2167 : i1 to i32
        %sign3A_2169 = arith.constant 0 : i32
        %sign3A_2170 = arith.cmpi slt, %reduce_min3A_1718, %sign3A_2169 : i32
        %sign3A_2171 = arith.extui %sign3A_2170 : i1 to i32
        %sign3A_2172 = arith.subi %sign3A_2168, %sign3A_2171 : i32
        %sign3A_2173 = arith.constant 0 : i32
        %sign3A_2174 = arith.cmpi sgt, %jit3A_2164, %sign3A_2173 : i32
        %sign3A_2175 = arith.extui %sign3A_2174 : i1 to i32
        %sign3A_2176 = arith.constant 0 : i32
        %sign3A_2177 = arith.cmpi slt, %jit3A_2164, %sign3A_2176 : i32
        %sign3A_2178 = arith.extui %sign3A_2177 : i1 to i32
        %sign3A_2179 = arith.subi %sign3A_2175, %sign3A_2178 : i32
        %ne3A_2180 = arith.cmpi ne, %sign3A_2172, %sign3A_2179 : i32
        %rem3A_2181 = arith.remsi %reduce_min3A_1718, %jit3A_2164 : i32
        %ne3A_2182 = arith.constant 0 : i32
        %ne3A_2183 = arith.cmpi ne, %rem3A_2181, %ne3A_2182 : i32
        %and3A_2184 = arith.andi %ne3A_2180, %ne3A_2183 : i1
        %sub3A_2185 = arith.constant 1 : i32
        %sub3A_2186 = arith.subi %div3A_2165, %sub3A_2185 : i32
        %select_n3A_2187 = arith.select %and3A_2184, %sub3A_2186, %div3A_2165 : i32
        %mul3A_2188 = arith.constant 16 : i32
        %mul3A_2189 = arith.muli %select_n3A_2187, %mul3A_2188 : i32
        %get3A_2190 = arith.index_cast %mul3A_2189 : i32 to index
        %get3A_2191 = tpu.vector_load %arg17[%get3A_2190] {strides = array<i32>} : memref<32xf32, #tpu.memory_space<vmem>>, vector<16xf32>,
        %sub3A_2192 = arith.subi %reduce_min3A_1718, %mul3A_2189 : i32
        %eq3A_2193 = vector.broadcast %sub3A_2192 : i32 to vector<16xi32>
        %eq3A_2194 = arith.cmpi eq, %iota3A, %eq3A_2193 : vector<16xi32>
        %broadcast_in_dim3A_2195 = vector.broadcast %reduce_max3A_2163 : f32 to vector<16xf32>
        %select_n3A_2196 = arith.select %eq3A_2194, %broadcast_in_dim3A_2195, %get3A_2191 : vector<16xi1>, vector<16xf32>
        %swap3A_2197 = arith.index_cast %mul3A_2189 : i32 to index
        %swap3A_2198 = tpu.vector_load %arg17[%swap3A_2197] {strides = array<i32>} : memref<32xf32, #tpu.memory_space<vmem>>, vector<16xf32>,
        tpu.vector_store %arg17[%swap3A_2197], %select_n3A_2196 {strides = array<i32>} : memref<32xf32, #tpu.memory_space<vmem>>, vector<16xf32>,
      }
      %scan3A_1676 = arith.constant 100 : i32
      %scan3A_1677 = arith.constant 0 : i32
      %scan3A_1678 = arith.constant 0 : i32
      %scan3A_1679 = arith.constant 16 : i32
      %scan3A_1680 = arith.addi %scan3A_1678, %scan3A_1679 : i32
      %scan3A_1681 = arith.constant 1 : i32
      scf.for %scan3A_1683 = %scan3A_1678 to %scan3A_1680 step %scan3A_1681  : i32 {
        %mul3A_1684 = arith.constant 16 : i32
        %mul3A_1685 = arith.muli %scan3A_1683, %mul3A_1684 : i32
        %get3A_1686 = arith.index_cast %mul3A_1685 : i32 to index
        %get3A_1687 = tpu.vector_load %arg21[%get3A_1686] {strides = array<i32>} : memref<256xf32, #tpu.memory_space<vmem>>, vector<16xf32>,
        %exp3A = math.exp %get3A_1687 : vector<16xf32>
        %sub3A = arith.constant 1.000000e+00 : f32
        %sub3A_1688 = vector.broadcast %sub3A : f32 to vector<16xf32>
        %sub3A_1689 = arith.subf %exp3A, %sub3A_1688 : vector<16xf32>
        %mul3A_1690 = arith.constant 4.000000e+00 : f32
        %mul3A_1691 = vector.broadcast %mul3A_1690 : f32 to vector<16xf32>
        %mul3A_1692 = arith.mulf %mul3A_1691, %sub3A_1689 : vector<16xf32>
        %mul3A_1693 = arith.constant 16 : i32
        %mul3A_1694 = arith.muli %scan3A_1683, %mul3A_1693 : i32
        %swap3A_1695 = arith.index_cast %mul3A_1694 : i32 to index
        %swap3A_1696 = tpu.vector_load %arg21[%swap3A_1695] {strides = array<i32>} : memref<256xf32, #tpu.memory_space<vmem>>, vector<16xf32>,
        tpu.vector_store %arg21[%swap3A_1695], %mul3A_1692 {strides = array<i32>} : memref<256xf32, #tpu.memory_space<vmem>>, vector<16xf32>,
      }
      %scan3A_1682 = arith.constant 16 : i32
      "tpu.region"() ({
        %run_scoped3A = tpu.sem_alloc : memref<!tpu.dma_semaphore, #tpu.memory_space<semaphore_mem>>
        %dma_start3A_1683 = arith.constant 0 : i32
        %dma_start3A_1684 = tpu.memref_slice %arg4[%add3A, %dma_start3A_1683] : memref<16x128xf32, #tpu.memory_space<hbm>> -> memref<1x128xf32, #tpu.memory_space<hbm>>
        %dma_start3A_1685 = tpu.memref_squeeze %dma_start3A_1684 : memref<1x128xf32, #tpu.memory_space<hbm>> -> memref<128xf32, #tpu.memory_space<hbm>>
        %dma_start3A_1686 = arith.constant 0 : i32
        %dma_start3A_1687 = tpu.memref_slice %arg4[%add3A, %dma_start3A_1686] : memref<16x128xf32, #tpu.memory_space<hbm>> -> memref<1x128xf32, #tpu.memory_space<hbm>>
        %dma_start3A_1688 = tpu.memref_squeeze %dma_start3A_1687 : memref<1x128xf32, #tpu.memory_space<hbm>> -> memref<128xf32, #tpu.memory_space<hbm>>
        tpu.enqueue_dma source(%arg18 : memref<128xf32, #tpu.memory_space<vmem>>) target(%dma_start3A_1688 : memref<128xf32, #tpu.memory_space<hbm>>) target_semaphore(%run_scoped3A : memref<!tpu.dma_semaphore, #tpu.memory_space<semaphore_mem>>)
        %dma_wait3A_1689 = arith.constant 0 : i32
        %dma_wait3A_1690 = tpu.memref_slice %arg4[%add3A, %dma_wait3A_1689] : memref<16x128xf32, #tpu.memory_space<hbm>> -> memref<1x128xf32, #tpu.memory_space<hbm>>
        %dma_wait3A_1691 = tpu.memref_squeeze %dma_wait3A_1690 : memref<1x128xf32, #tpu.memory_space<hbm>> -> memref<128xf32, #tpu.memory_space<hbm>>
        %dma_wait3A_1692 = arith.constant 0 : i32
        %dma_wait3A_1693 = tpu.memref_slice %arg4[%add3A, %dma_wait3A_1692] : memref<16x128xf32, #tpu.memory_space<hbm>> -> memref<1x128xf32, #tpu.memory_space<hbm>>
        %dma_wait3A_1694 = tpu.memref_squeeze %dma_wait3A_1693 : memref<1x128xf32, #tpu.memory_space<hbm>> -> memref<128xf32, #tpu.memory_space<hbm>>
        tpu.wait_dma2 semaphore(%run_scoped3A : memref<!tpu.dma_semaphore, #tpu.memory_space<semaphore_mem>>) src(%arg18 : memref<128xf32, #tpu.memory_space<vmem>>) dst(%dma_wait3A_1694 : memref<128xf32, #tpu.memory_space<hbm>>)
        tpu.yield
      }) : () -> ()
      "tpu.region"() ({
        %run_scoped3A = tpu.sem_alloc : memref<!tpu.dma_semaphore, #tpu.memory_space<semaphore_mem>>
        %dma_start3A_1683 = arith.constant 0 : i32
        %dma_start3A_1684 = tpu.memref_slice %arg5[%add3A, %dma_start3A_1683] : memref<16x128xi32, #tpu.memory_space<hbm>> -> memref<1x128xi32, #tpu.memory_space<hbm>>
        %dma_start3A_1685 = tpu.memref_squeeze %dma_start3A_1684 : memref<1x128xi32, #tpu.memory_space<hbm>> -> memref<128xi32, #tpu.memory_space<hbm>>
        %dma_start3A_1686 = arith.constant 0 : i32
        %dma_start3A_1687 = tpu.memref_slice %arg5[%add3A, %dma_start3A_1686] : memref<16x128xi32, #tpu.memory_space<hbm>> -> memref<1x128xi32, #tpu.memory_space<hbm>>
        %dma_start3A_1688 = tpu.memref_squeeze %dma_start3A_1687 : memref<1x128xi32, #tpu.memory_space<hbm>> -> memref<128xi32, #tpu.memory_space<hbm>>
        tpu.enqueue_dma source(%arg19 : memref<128xi32, #tpu.memory_space<vmem>>) target(%dma_start3A_1688 : memref<128xi32, #tpu.memory_space<hbm>>) target_semaphore(%run_scoped3A : memref<!tpu.dma_semaphore, #tpu.memory_space<semaphore_mem>>)
        %dma_wait3A_1689 = arith.constant 0 : i32
        %dma_wait3A_1690 = tpu.memref_slice %arg5[%add3A, %dma_wait3A_1689] : memref<16x128xi32, #tpu.memory_space<hbm>> -> memref<1x128xi32, #tpu.memory_space<hbm>>
        %dma_wait3A_1691 = tpu.memref_squeeze %dma_wait3A_1690 : memref<1x128xi32, #tpu.memory_space<hbm>> -> memref<128xi32, #tpu.memory_space<hbm>>
        %dma_wait3A_1692 = arith.constant 0 : i32
        %dma_wait3A_1693 = tpu.memref_slice %arg5[%add3A, %dma_wait3A_1692] : memref<16x128xi32, #tpu.memory_space<hbm>> -> memref<1x128xi32, #tpu.memory_space<hbm>>
        %dma_wait3A_1694 = tpu.memref_squeeze %dma_wait3A_1693 : memref<1x128xi32, #tpu.memory_space<hbm>> -> memref<128xi32, #tpu.memory_space<hbm>>
        tpu.wait_dma2 semaphore(%run_scoped3A : memref<!tpu.dma_semaphore, #tpu.memory_space<semaphore_mem>>) src(%arg19 : memref<128xi32, #tpu.memory_space<vmem>>) dst(%dma_wait3A_1694 : memref<128xi32, #tpu.memory_space<hbm>>)
        tpu.yield
      }) : () -> ()
      "tpu.region"() ({
        %run_scoped3A = tpu.sem_alloc : memref<!tpu.dma_semaphore, #tpu.memory_space<semaphore_mem>>
        %dma_start3A_1683 = arith.constant 0 : i32
        %dma_start3A_1684 = tpu.memref_slice %arg6[%add3A, %dma_start3A_1683] : memref<16x256xf32, #tpu.memory_space<hbm>> -> memref<1x256xf32, #tpu.memory_space<hbm>>
        %dma_start3A_1685 = tpu.memref_squeeze %dma_start3A_1684 : memref<1x256xf32, #tpu.memory_space<hbm>> -> memref<256xf32, #tpu.memory_space<hbm>>
        %dma_start3A_1686 = arith.constant 0 : i32
        %dma_start3A_1687 = tpu.memref_slice %arg6[%add3A, %dma_start3A_1686] : memref<16x256xf32, #tpu.memory_space<hbm>> -> memref<1x256xf32, #tpu.memory_space<hbm>>
        %dma_start3A_1688 = tpu.memref_squeeze %dma_start3A_1687 : memref<1x256xf32, #tpu.memory_space<hbm>> -> memref<256xf32, #tpu.memory_space<hbm>>
        tpu.enqueue_dma source(%arg20 : memref<256xf32, #tpu.memory_space<vmem>>) target(%dma_start3A_1688 : memref<256xf32, #tpu.memory_space<hbm>>) target_semaphore(%run_scoped3A : memref<!tpu.dma_semaphore, #tpu.memory_space<semaphore_mem>>)
        %dma_wait3A_1689 = arith.constant 0 : i32
        %dma_wait3A_1690 = tpu.memref_slice %arg6[%add3A, %dma_wait3A_1689] : memref<16x256xf32, #tpu.memory_space<hbm>> -> memref<1x256xf32, #tpu.memory_space<hbm>>
        %dma_wait3A_1691 = tpu.memref_squeeze %dma_wait3A_1690 : memref<1x256xf32, #tpu.memory_space<hbm>> -> memref<256xf32, #tpu.memory_space<hbm>>
        %dma_wait3A_1692 = arith.constant 0 : i32
        %dma_wait3A_1693 = tpu.memref_slice %arg6[%add3A, %dma_wait3A_1692] : memref<16x256xf32, #tpu.memory_space<hbm>> -> memref<1x256xf32, #tpu.memory_space<hbm>>
        %dma_wait3A_1694 = tpu.memref_squeeze %dma_wait3A_1693 : memref<1x256xf32, #tpu.memory_space<hbm>> -> memref<256xf32, #tpu.memory_space<hbm>>
        tpu.wait_dma2 semaphore(%run_scoped3A : memref<!tpu.dma_semaphore, #tpu.memory_space<semaphore_mem>>) src(%arg20 : memref<256xf32, #tpu.memory_space<vmem>>) dst(%dma_wait3A_1694 : memref<256xf32, #tpu.memory_space<hbm>>)
        tpu.yield
      }) : () -> ()
      "tpu.region"() ({
        %run_scoped3A = tpu.sem_alloc : memref<!tpu.dma_semaphore, #tpu.memory_space<semaphore_mem>>
        %dma_start3A_1683 = arith.constant 0 : i32
        %dma_start3A_1684 = tpu.memref_slice %arg7[%add3A, %dma_start3A_1683] : memref<16x256xf32, #tpu.memory_space<hbm>> -> memref<1x256xf32, #tpu.memory_space<hbm>>
        %dma_start3A_1685 = tpu.memref_squeeze %dma_start3A_1684 : memref<1x256xf32, #tpu.memory_space<hbm>> -> memref<256xf32, #tpu.memory_space<hbm>>
        %dma_start3A_1686 = arith.constant 0 : i32
        %dma_start3A_1687 = tpu.memref_slice %arg7[%add3A, %dma_start3A_1686] : memref<16x256xf32, #tpu.memory_space<hbm>> -> memref<1x256xf32, #tpu.memory_space<hbm>>
        %dma_start3A_1688 = tpu.memref_squeeze %dma_start3A_1687 : memref<1x256xf32, #tpu.memory_space<hbm>> -> memref<256xf32, #tpu.memory_space<hbm>>
        tpu.enqueue_dma source(%arg21 : memref<256xf32, #tpu.memory_space<vmem>>) target(%dma_start3A_1688 : memref<256xf32, #tpu.memory_space<hbm>>) target_semaphore(%run_scoped3A : memref<!tpu.dma_semaphore, #tpu.memory_space<semaphore_mem>>)
        %dma_wait3A_1689 = arith.constant 0 : i32
        %dma_wait3A_1690 = tpu.memref_slice %arg7[%add3A, %dma_wait3A_1689] : memref<16x256xf32, #tpu.memory_space<hbm>> -> memref<1x256xf32, #tpu.memory_space<hbm>>
        %dma_wait3A_1691 = tpu.memref_squeeze %dma_wait3A_1690 : memref<1x256xf32, #tpu.memory_space<hbm>> -> memref<256xf32, #tpu.memory_space<hbm>>
        %dma_wait3A_1692 = arith.constant 0 : i32
        %dma_wait3A_1693 = tpu.memref_slice %arg7[%add3A, %dma_wait3A_1692] : memref<16x256xf32, #tpu.memory_space<hbm>> -> memref<1x256xf32, #tpu.memory_space<hbm>>
        %dma_wait3A_1694 = tpu.memref_squeeze %dma_wait3A_1693 : memref<1x256xf32, #tpu.memory_space<hbm>> -> memref<256xf32, #tpu.memory_space<hbm>>
        tpu.wait_dma2 semaphore(%run_scoped3A : memref<!tpu.dma_semaphore, #tpu.memory_space<semaphore_mem>>) src(%arg21 : memref<256xf32, #tpu.memory_space<vmem>>) dst(%dma_wait3A_1694 : memref<256xf32, #tpu.memory_space<hbm>>)
        tpu.yield
      }) : () -> ()
    } else {
    }
    return
  }
}

module attributes {stable_mosaic.version = 14 : i64} {
  func.func @_nms_body(%arg0: i32, %arg1: memref<1x160x160x84xf32, #tpu.memory_space<vmem>>, %arg2: memref<25600x128xf32, #tpu.memory_space<vmem>>, %arg3: memref<1x160x160xf32, #tpu.memory_space<vmem>>) attributes {dimension_semantics = [#tpu.dimension_semantics<arbitrary>], iteration_bounds = array<i64: 16>, scalar_prefetch = 0 : i64, scratch_operands = 0 : i64, tpu.core_type = #tpu.core_type<tc>, window_params = [{transform_indices = @transform_0, window_bounds = array<i64: 1, 160, 160, 84>}, {transform_indices = @transform_1, window_bounds = array<i64: 25600, 128>}, {transform_indices = @transform_2, window_bounds = array<i64: 1, 160, 160>}]} {
    %get3A = arith.constant 0 : index
    %get3A_0 = arith.constant 0 : index
    %get3A_1 = arith.constant 0 : index
    %get3A_2 = arith.constant 0 : index
    %get3A_3 = vector.load %arg1[%get3A, %get3A_0, %get3A_1, %get3A_2] : memref<1x160x160x84xf32, #tpu.memory_space<vmem>>, vector<1x41x160x80xf32>
    %get3A_4 = vector.shape_cast %get3A_3 : vector<1x41x160x80xf32> to vector<41x160x80xf32>
    %broadcast_in_dim3A = arith.constant 0xFF800000 : f32
    %broadcast_in_dim3A_5 = vector.broadcast %broadcast_in_dim3A : f32 to vector<1x160x80xf32>
    %concatenate3A = tpu.concatenate %broadcast_in_dim3A_5, %get3A_4 in 0 : vector<1x160x80xf32>, vector<41x160x80xf32> -> vector<42x160x80xf32>
    %broadcast_in_dim3A_6 = arith.constant 0xFF800000 : f32
    %broadcast_in_dim3A_7 = vector.broadcast %broadcast_in_dim3A_6 : f32 to vector<42x1x80xf32>
    %slice3A = vector.extract_strided_slice %concatenate3A {offsets = [0, 0, 0], sizes = [42, 159, 80], strides = [1, 1, 1]} : vector<42x160x80xf32> to vector<42x159x80xf32>
    %concatenate3A_8 = tpu.concatenate %broadcast_in_dim3A_7, %slice3A in 1 : vector<42x1x80xf32>, vector<42x159x80xf32> -> vector<42x160x80xf32>
    %slice3A_9 = vector.extract_strided_slice %concatenate3A {offsets = [0, 1, 0], sizes = [42, 159, 80], strides = [1, 1, 1]} : vector<42x160x80xf32> to vector<42x159x80xf32>
    %concatenate3A_10 = tpu.concatenate %slice3A_9, %broadcast_in_dim3A_7 in 1 : vector<42x159x80xf32>, vector<42x1x80xf32> -> vector<42x160x80xf32>
    %max3A = arith.maximumf %concatenate3A, %concatenate3A_8 : vector<42x160x80xf32>
    %max3A_11 = arith.maximumf %max3A, %concatenate3A_10 : vector<42x160x80xf32>
    %slice3A_12 = vector.extract_strided_slice %max3A_11 {offsets = [0, 0, 0], sizes = [40, 160, 80], strides = [1, 1, 1]} : vector<42x160x80xf32> to vector<40x160x80xf32>
    %slice3A_13 = vector.extract_strided_slice %max3A_11 {offsets = [1, 0, 0], sizes = [40, 160, 80], strides = [1, 1, 1]} : vector<42x160x80xf32> to vector<40x160x80xf32>
    %max3A_14 = arith.maximumf %slice3A_12, %slice3A_13 : vector<40x160x80xf32>
    %slice3A_15 = vector.extract_strided_slice %max3A_11 {offsets = [2, 0, 0], sizes = [40, 160, 80], strides = [1, 1, 1]} : vector<42x160x80xf32> to vector<40x160x80xf32>
    %max3A_16 = arith.maximumf %max3A_14, %slice3A_15 : vector<40x160x80xf32>
    %slice3A_17 = vector.extract_strided_slice %concatenate3A {offsets = [1, 0, 0], sizes = [40, 160, 80], strides = [1, 1, 1]} : vector<42x160x80xf32> to vector<40x160x80xf32>
    %eq3A = arith.cmpf oeq, %slice3A_17, %max3A_16 : vector<40x160x80xf32>
    %jit3A = arith.constant 0.000000e+00 : f32
    %broadcast_in_dim3A_18 = vector.broadcast %jit3A : f32 to vector<40x160x80xf32>
    %select_n3A = arith.select %eq3A, %slice3A_17, %broadcast_in_dim3A_18 : vector<40x160x80xi1>, vector<40x160x80xf32>
    %reshape3A = vector.shape_cast %select_n3A : vector<40x160x80xf32> to vector<6400x80xf32>
    %swap3A = arith.constant 0 : index
    %swap3A_19 = arith.constant 0 : index
    %swap3A_20 = vector.load %arg2[%swap3A, %swap3A_19] : memref<25600x128xf32, #tpu.memory_space<vmem>>, vector<6400x80xf32>
    tpu.vector_store %arg2[%swap3A, %swap3A_19], %reshape3A {strides = array<i32>} : memref<25600x128xf32, #tpu.memory_space<vmem>>, vector<6400x80xf32>,
    %get3A_21 = arith.constant 0 : index
    %get3A_22 = arith.constant 0 : index
    %get3A_23 = arith.constant 0 : index
    %get3A_24 = arith.constant 80 : index
    %get3A_25 = vector.load %arg1[%get3A_21, %get3A_22, %get3A_23, %get3A_24] : memref<1x160x160x84xf32, #tpu.memory_space<vmem>>, vector<1x40x160x4xf32>
    %get3A_26 = vector.shape_cast %get3A_25 : vector<1x40x160x4xf32> to vector<40x160x4xf32>
    %reshape3A_27 = vector.shape_cast %get3A_26 : vector<40x160x4xf32> to vector<6400x4xf32>
    %swap3A_28 = arith.constant 0 : index
    %swap3A_29 = arith.constant 80 : index
    %swap3A_30 = vector.load %arg2[%swap3A_28, %swap3A_29] : memref<25600x128xf32, #tpu.memory_space<vmem>>, vector<6400x4xf32>
    tpu.vector_store %arg2[%swap3A_28, %swap3A_29], %reshape3A_27 {strides = array<i32>} : memref<25600x128xf32, #tpu.memory_space<vmem>>, vector<6400x4xf32>,
    %broadcast_in_dim3A_31 = arith.constant 0.000000e+00 : f32
    %broadcast_in_dim3A_32 = vector.broadcast %broadcast_in_dim3A_31 : f32 to vector<6400x44xf32>
    %swap3A_33 = arith.constant 0 : index
    %swap3A_34 = arith.constant 84 : index
    %swap3A_35 = vector.load %arg2[%swap3A_33, %swap3A_34] : memref<25600x128xf32, #tpu.memory_space<vmem>>, vector<6400x44xf32>
    tpu.vector_store %arg2[%swap3A_33, %swap3A_34], %broadcast_in_dim3A_32 {strides = array<i32>} : memref<25600x128xf32, #tpu.memory_space<vmem>>, vector<6400x44xf32>,
    %reduce_max3A = arith.constant dense<0xFF800000> : vector<40x160xf32>
    %reduce_max3A_36 = vector.multi_reduction <maximumf>, %select_n3A, %reduce_max3A [2] : vector<40x160x80xf32> to vector<40x160xf32>
    %swap3A_37 = arith.constant 0 : index
    %swap3A_38 = arith.constant 0 : index
    %swap3A_39 = arith.constant 0 : index
    %swap3A_40 = vector.load %arg3[%swap3A_37, %swap3A_38, %swap3A_39] : memref<1x160x160xf32, #tpu.memory_space<vmem>>, vector<1x40x160xf32>
    %swap3A_41 = vector.shape_cast %swap3A_40 : vector<1x40x160xf32> to vector<40x160xf32>
    %swap3A_42 = vector.shape_cast %reduce_max3A_36 : vector<40x160xf32> to vector<1x40x160xf32>
    tpu.vector_store %arg3[%swap3A_37, %swap3A_38, %swap3A_39], %swap3A_42 {strides = array<i32>} : memref<1x160x160xf32, #tpu.memory_space<vmem>>, vector<1x40x160xf32>,
    %get3A_43 = arith.constant 0 : index
    %get3A_44 = arith.constant 39 : index
    %get3A_45 = arith.constant 0 : index
    %get3A_46 = arith.constant 0 : index
    %get3A_47 = vector.load %arg1[%get3A_43, %get3A_44, %get3A_45, %get3A_46] : memref<1x160x160x84xf32, #tpu.memory_space<vmem>>, vector<1x42x160x80xf32>
    %get3A_48 = vector.shape_cast %get3A_47 : vector<1x42x160x80xf32> to vector<42x160x80xf32>
    %broadcast_in_dim3A_49 = arith.constant 0xFF800000 : f32
    %broadcast_in_dim3A_50 = vector.broadcast %broadcast_in_dim3A_49 : f32 to vector<42x1x80xf32>
    %slice3A_51 = vector.extract_strided_slice %get3A_48 {offsets = [0, 0, 0], sizes = [42, 159, 80], strides = [1, 1, 1]} : vector<42x160x80xf32> to vector<42x159x80xf32>
    %concatenate3A_52 = tpu.concatenate %broadcast_in_dim3A_50, %slice3A_51 in 1 : vector<42x1x80xf32>, vector<42x159x80xf32> -> vector<42x160x80xf32>
    %slice3A_53 = vector.extract_strided_slice %get3A_48 {offsets = [0, 1, 0], sizes = [42, 159, 80], strides = [1, 1, 1]} : vector<42x160x80xf32> to vector<42x159x80xf32>
    %concatenate3A_54 = tpu.concatenate %slice3A_53, %broadcast_in_dim3A_50 in 1 : vector<42x159x80xf32>, vector<42x1x80xf32> -> vector<42x160x80xf32>
    %max3A_55 = arith.maximumf %get3A_48, %concatenate3A_52 : vector<42x160x80xf32>
    %max3A_56 = arith.maximumf %max3A_55, %concatenate3A_54 : vector<42x160x80xf32>
    %slice3A_57 = vector.extract_strided_slice %max3A_56 {offsets = [0, 0, 0], sizes = [40, 160, 80], strides = [1, 1, 1]} : vector<42x160x80xf32> to vector<40x160x80xf32>
    %slice3A_58 = vector.extract_strided_slice %max3A_56 {offsets = [1, 0, 0], sizes = [40, 160, 80], strides = [1, 1, 1]} : vector<42x160x80xf32> to vector<40x160x80xf32>
    %max3A_59 = arith.maximumf %slice3A_57, %slice3A_58 : vector<40x160x80xf32>
    %slice3A_60 = vector.extract_strided_slice %max3A_56 {offsets = [2, 0, 0], sizes = [40, 160, 80], strides = [1, 1, 1]} : vector<42x160x80xf32> to vector<40x160x80xf32>
    %max3A_61 = arith.maximumf %max3A_59, %slice3A_60 : vector<40x160x80xf32>
    %slice3A_62 = vector.extract_strided_slice %get3A_48 {offsets = [1, 0, 0], sizes = [40, 160, 80], strides = [1, 1, 1]} : vector<42x160x80xf32> to vector<40x160x80xf32>
    %eq3A_63 = arith.cmpf oeq, %slice3A_62, %max3A_61 : vector<40x160x80xf32>
    %jit3A_64 = arith.constant 0.000000e+00 : f32
    %broadcast_in_dim3A_65 = vector.broadcast %jit3A_64 : f32 to vector<40x160x80xf32>
    %select_n3A_66 = arith.select %eq3A_63, %slice3A_62, %broadcast_in_dim3A_65 : vector<40x160x80xi1>, vector<40x160x80xf32>
    %reshape3A_67 = vector.shape_cast %select_n3A_66 : vector<40x160x80xf32> to vector<6400x80xf32>
    %swap3A_68 = arith.constant 6400 : index
    %swap3A_69 = arith.constant 0 : index
    %swap3A_70 = vector.load %arg2[%swap3A_68, %swap3A_69] : memref<25600x128xf32, #tpu.memory_space<vmem>>, vector<6400x80xf32>
    tpu.vector_store %arg2[%swap3A_68, %swap3A_69], %reshape3A_67 {strides = array<i32>} : memref<25600x128xf32, #tpu.memory_space<vmem>>, vector<6400x80xf32>,
    %get3A_71 = arith.constant 0 : index
    %get3A_72 = arith.constant 40 : index
    %get3A_73 = arith.constant 0 : index
    %get3A_74 = arith.constant 80 : index
    %get3A_75 = vector.load %arg1[%get3A_71, %get3A_72, %get3A_73, %get3A_74] : memref<1x160x160x84xf32, #tpu.memory_space<vmem>>, vector<1x40x160x4xf32>
    %get3A_76 = vector.shape_cast %get3A_75 : vector<1x40x160x4xf32> to vector<40x160x4xf32>
    %reshape3A_77 = vector.shape_cast %get3A_76 : vector<40x160x4xf32> to vector<6400x4xf32>
    %swap3A_78 = arith.constant 6400 : index
    %swap3A_79 = arith.constant 80 : index
    %swap3A_80 = vector.load %arg2[%swap3A_78, %swap3A_79] : memref<25600x128xf32, #tpu.memory_space<vmem>>, vector<6400x4xf32>
    tpu.vector_store %arg2[%swap3A_78, %swap3A_79], %reshape3A_77 {strides = array<i32>} : memref<25600x128xf32, #tpu.memory_space<vmem>>, vector<6400x4xf32>,
    %broadcast_in_dim3A_81 = arith.constant 0.000000e+00 : f32
    %broadcast_in_dim3A_82 = vector.broadcast %broadcast_in_dim3A_81 : f32 to vector<6400x44xf32>
    %swap3A_83 = arith.constant 6400 : index
    %swap3A_84 = arith.constant 84 : index
    %swap3A_85 = vector.load %arg2[%swap3A_83, %swap3A_84] : memref<25600x128xf32, #tpu.memory_space<vmem>>, vector<6400x44xf32>
    tpu.vector_store %arg2[%swap3A_83, %swap3A_84], %broadcast_in_dim3A_82 {strides = array<i32>} : memref<25600x128xf32, #tpu.memory_space<vmem>>, vector<6400x44xf32>,
    %reduce_max3A_86 = arith.constant dense<0xFF800000> : vector<40x160xf32>
    %reduce_max3A_87 = vector.multi_reduction <maximumf>, %select_n3A_66, %reduce_max3A_86 [2] : vector<40x160x80xf32> to vector<40x160xf32>
    %swap3A_88 = arith.constant 0 : index
    %swap3A_89 = arith.constant 40 : index
    %swap3A_90 = arith.constant 0 : index
    %swap3A_91 = vector.load %arg3[%swap3A_88, %swap3A_89, %swap3A_90] : memref<1x160x160xf32, #tpu.memory_space<vmem>>, vector<1x40x160xf32>
    %swap3A_92 = vector.shape_cast %swap3A_91 : vector<1x40x160xf32> to vector<40x160xf32>
    %swap3A_93 = vector.shape_cast %reduce_max3A_87 : vector<40x160xf32> to vector<1x40x160xf32>
    tpu.vector_store %arg3[%swap3A_88, %swap3A_89, %swap3A_90], %swap3A_93 {strides = array<i32>} : memref<1x160x160xf32, #tpu.memory_space<vmem>>, vector<1x40x160xf32>,
    %get3A_94 = arith.constant 0 : index
    %get3A_95 = arith.constant 79 : index
    %get3A_96 = arith.constant 0 : index
    %get3A_97 = arith.constant 0 : index
    %get3A_98 = vector.load %arg1[%get3A_94, %get3A_95, %get3A_96, %get3A_97] : memref<1x160x160x84xf32, #tpu.memory_space<vmem>>, vector<1x42x160x80xf32>
    %get3A_99 = vector.shape_cast %get3A_98 : vector<1x42x160x80xf32> to vector<42x160x80xf32>
    %broadcast_in_dim3A_100 = arith.constant 0xFF800000 : f32
    %broadcast_in_dim3A_101 = vector.broadcast %broadcast_in_dim3A_100 : f32 to vector<42x1x80xf32>
    %slice3A_102 = vector.extract_strided_slice %get3A_99 {offsets = [0, 0, 0], sizes = [42, 159, 80], strides = [1, 1, 1]} : vector<42x160x80xf32> to vector<42x159x80xf32>
    %concatenate3A_103 = tpu.concatenate %broadcast_in_dim3A_101, %slice3A_102 in 1 : vector<42x1x80xf32>, vector<42x159x80xf32> -> vector<42x160x80xf32>
    %slice3A_104 = vector.extract_strided_slice %get3A_99 {offsets = [0, 1, 0], sizes = [42, 159, 80], strides = [1, 1, 1]} : vector<42x160x80xf32> to vector<42x159x80xf32>
    %concatenate3A_105 = tpu.concatenate %slice3A_104, %broadcast_in_dim3A_101 in 1 : vector<42x159x80xf32>, vector<42x1x80xf32> -> vector<42x160x80xf32>
    %max3A_106 = arith.maximumf %get3A_99, %concatenate3A_103 : vector<42x160x80xf32>
    %max3A_107 = arith.maximumf %max3A_106, %concatenate3A_105 : vector<42x160x80xf32>
    %slice3A_108 = vector.extract_strided_slice %max3A_107 {offsets = [0, 0, 0], sizes = [40, 160, 80], strides = [1, 1, 1]} : vector<42x160x80xf32> to vector<40x160x80xf32>
    %slice3A_109 = vector.extract_strided_slice %max3A_107 {offsets = [1, 0, 0], sizes = [40, 160, 80], strides = [1, 1, 1]} : vector<42x160x80xf32> to vector<40x160x80xf32>
    %max3A_110 = arith.maximumf %slice3A_108, %slice3A_109 : vector<40x160x80xf32>
    %slice3A_111 = vector.extract_strided_slice %max3A_107 {offsets = [2, 0, 0], sizes = [40, 160, 80], strides = [1, 1, 1]} : vector<42x160x80xf32> to vector<40x160x80xf32>
    %max3A_112 = arith.maximumf %max3A_110, %slice3A_111 : vector<40x160x80xf32>
    %slice3A_113 = vector.extract_strided_slice %get3A_99 {offsets = [1, 0, 0], sizes = [40, 160, 80], strides = [1, 1, 1]} : vector<42x160x80xf32> to vector<40x160x80xf32>
    %eq3A_114 = arith.cmpf oeq, %slice3A_113, %max3A_112 : vector<40x160x80xf32>
    %jit3A_115 = arith.constant 0.000000e+00 : f32
    %broadcast_in_dim3A_116 = vector.broadcast %jit3A_115 : f32 to vector<40x160x80xf32>
    %select_n3A_117 = arith.select %eq3A_114, %slice3A_113, %broadcast_in_dim3A_116 : vector<40x160x80xi1>, vector<40x160x80xf32>
    %reshape3A_118 = vector.shape_cast %select_n3A_117 : vector<40x160x80xf32> to vector<6400x80xf32>
    %swap3A_119 = arith.constant 12800 : index
    %swap3A_120 = arith.constant 0 : index
    %swap3A_121 = vector.load %arg2[%swap3A_119, %swap3A_120] : memref<25600x128xf32, #tpu.memory_space<vmem>>, vector<6400x80xf32>
    tpu.vector_store %arg2[%swap3A_119, %swap3A_120], %reshape3A_118 {strides = array<i32>} : memref<25600x128xf32, #tpu.memory_space<vmem>>, vector<6400x80xf32>,
    %get3A_122 = arith.constant 0 : index
    %get3A_123 = arith.constant 80 : index
    %get3A_124 = arith.constant 0 : index
    %get3A_125 = arith.constant 80 : index
    %get3A_126 = vector.load %arg1[%get3A_122, %get3A_123, %get3A_124, %get3A_125] : memref<1x160x160x84xf32, #tpu.memory_space<vmem>>, vector<1x40x160x4xf32>
    %get3A_127 = vector.shape_cast %get3A_126 : vector<1x40x160x4xf32> to vector<40x160x4xf32>
    %reshape3A_128 = vector.shape_cast %get3A_127 : vector<40x160x4xf32> to vector<6400x4xf32>
    %swap3A_129 = arith.constant 12800 : index
    %swap3A_130 = arith.constant 80 : index
    %swap3A_131 = vector.load %arg2[%swap3A_129, %swap3A_130] : memref<25600x128xf32, #tpu.memory_space<vmem>>, vector<6400x4xf32>
    tpu.vector_store %arg2[%swap3A_129, %swap3A_130], %reshape3A_128 {strides = array<i32>} : memref<25600x128xf32, #tpu.memory_space<vmem>>, vector<6400x4xf32>,
    %broadcast_in_dim3A_132 = arith.constant 0.000000e+00 : f32
    %broadcast_in_dim3A_133 = vector.broadcast %broadcast_in_dim3A_132 : f32 to vector<6400x44xf32>
    %swap3A_134 = arith.constant 12800 : index
    %swap3A_135 = arith.constant 84 : index
    %swap3A_136 = vector.load %arg2[%swap3A_134, %swap3A_135] : memref<25600x128xf32, #tpu.memory_space<vmem>>, vector<6400x44xf32>
    tpu.vector_store %arg2[%swap3A_134, %swap3A_135], %broadcast_in_dim3A_133 {strides = array<i32>} : memref<25600x128xf32, #tpu.memory_space<vmem>>, vector<6400x44xf32>,
    %reduce_max3A_137 = arith.constant dense<0xFF800000> : vector<40x160xf32>
    %reduce_max3A_138 = vector.multi_reduction <maximumf>, %select_n3A_117, %reduce_max3A_137 [2] : vector<40x160x80xf32> to vector<40x160xf32>
    %swap3A_139 = arith.constant 0 : index
    %swap3A_140 = arith.constant 80 : index
    %swap3A_141 = arith.constant 0 : index
    %swap3A_142 = vector.load %arg3[%swap3A_139, %swap3A_140, %swap3A_141] : memref<1x160x160xf32, #tpu.memory_space<vmem>>, vector<1x40x160xf32>
    %swap3A_143 = vector.shape_cast %swap3A_142 : vector<1x40x160xf32> to vector<40x160xf32>
    %swap3A_144 = vector.shape_cast %reduce_max3A_138 : vector<40x160xf32> to vector<1x40x160xf32>
    tpu.vector_store %arg3[%swap3A_139, %swap3A_140, %swap3A_141], %swap3A_144 {strides = array<i32>} : memref<1x160x160xf32, #tpu.memory_space<vmem>>, vector<1x40x160xf32>,
    %get3A_145 = arith.constant 0 : index
    %get3A_146 = arith.constant 119 : index
    %get3A_147 = arith.constant 0 : index
    %get3A_148 = arith.constant 0 : index
    %get3A_149 = vector.load %arg1[%get3A_145, %get3A_146, %get3A_147, %get3A_148] : memref<1x160x160x84xf32, #tpu.memory_space<vmem>>, vector<1x41x160x80xf32>
    %get3A_150 = vector.shape_cast %get3A_149 : vector<1x41x160x80xf32> to vector<41x160x80xf32>
    %broadcast_in_dim3A_151 = arith.constant 0xFF800000 : f32
    %broadcast_in_dim3A_152 = vector.broadcast %broadcast_in_dim3A_151 : f32 to vector<1x160x80xf32>
    %concatenate3A_153 = tpu.concatenate %get3A_150, %broadcast_in_dim3A_152 in 0 : vector<41x160x80xf32>, vector<1x160x80xf32> -> vector<42x160x80xf32>
    %broadcast_in_dim3A_154 = arith.constant 0xFF800000 : f32
    %broadcast_in_dim3A_155 = vector.broadcast %broadcast_in_dim3A_154 : f32 to vector<42x1x80xf32>
    %slice3A_156 = vector.extract_strided_slice %concatenate3A_153 {offsets = [0, 0, 0], sizes = [42, 159, 80], strides = [1, 1, 1]} : vector<42x160x80xf32> to vector<42x159x80xf32>
    %concatenate3A_157 = tpu.concatenate %broadcast_in_dim3A_155, %slice3A_156 in 1 : vector<42x1x80xf32>, vector<42x159x80xf32> -> vector<42x160x80xf32>
    %slice3A_158 = vector.extract_strided_slice %concatenate3A_153 {offsets = [0, 1, 0], sizes = [42, 159, 80], strides = [1, 1, 1]} : vector<42x160x80xf32> to vector<42x159x80xf32>
    %concatenate3A_159 = tpu.concatenate %slice3A_158, %broadcast_in_dim3A_155 in 1 : vector<42x159x80xf32>, vector<42x1x80xf32> -> vector<42x160x80xf32>
    %max3A_160 = arith.maximumf %concatenate3A_153, %concatenate3A_157 : vector<42x160x80xf32>
    %max3A_161 = arith.maximumf %max3A_160, %concatenate3A_159 : vector<42x160x80xf32>
    %slice3A_162 = vector.extract_strided_slice %max3A_161 {offsets = [0, 0, 0], sizes = [40, 160, 80], strides = [1, 1, 1]} : vector<42x160x80xf32> to vector<40x160x80xf32>
    %slice3A_163 = vector.extract_strided_slice %max3A_161 {offsets = [1, 0, 0], sizes = [40, 160, 80], strides = [1, 1, 1]} : vector<42x160x80xf32> to vector<40x160x80xf32>
    %max3A_164 = arith.maximumf %slice3A_162, %slice3A_163 : vector<40x160x80xf32>
    %slice3A_165 = vector.extract_strided_slice %max3A_161 {offsets = [2, 0, 0], sizes = [40, 160, 80], strides = [1, 1, 1]} : vector<42x160x80xf32> to vector<40x160x80xf32>
    %max3A_166 = arith.maximumf %max3A_164, %slice3A_165 : vector<40x160x80xf32>
    %slice3A_167 = vector.extract_strided_slice %concatenate3A_153 {offsets = [1, 0, 0], sizes = [40, 160, 80], strides = [1, 1, 1]} : vector<42x160x80xf32> to vector<40x160x80xf32>
    %eq3A_168 = arith.cmpf oeq, %slice3A_167, %max3A_166 : vector<40x160x80xf32>
    %jit3A_169 = arith.constant 0.000000e+00 : f32
    %broadcast_in_dim3A_170 = vector.broadcast %jit3A_169 : f32 to vector<40x160x80xf32>
    %select_n3A_171 = arith.select %eq3A_168, %slice3A_167, %broadcast_in_dim3A_170 : vector<40x160x80xi1>, vector<40x160x80xf32>
    %reshape3A_172 = vector.shape_cast %select_n3A_171 : vector<40x160x80xf32> to vector<6400x80xf32>
    %swap3A_173 = arith.constant 19200 : index
    %swap3A_174 = arith.constant 0 : index
    %swap3A_175 = vector.load %arg2[%swap3A_173, %swap3A_174] : memref<25600x128xf32, #tpu.memory_space<vmem>>, vector<6400x80xf32>
    tpu.vector_store %arg2[%swap3A_173, %swap3A_174], %reshape3A_172 {strides = array<i32>} : memref<25600x128xf32, #tpu.memory_space<vmem>>, vector<6400x80xf32>,
    %get3A_176 = arith.constant 0 : index
    %get3A_177 = arith.constant 120 : index
    %get3A_178 = arith.constant 0 : index
    %get3A_179 = arith.constant 80 : index
    %get3A_180 = vector.load %arg1[%get3A_176, %get3A_177, %get3A_178, %get3A_179] : memref<1x160x160x84xf32, #tpu.memory_space<vmem>>, vector<1x40x160x4xf32>
    %get3A_181 = vector.shape_cast %get3A_180 : vector<1x40x160x4xf32> to vector<40x160x4xf32>
    %reshape3A_182 = vector.shape_cast %get3A_181 : vector<40x160x4xf32> to vector<6400x4xf32>
    %swap3A_183 = arith.constant 19200 : index
    %swap3A_184 = arith.constant 80 : index
    %swap3A_185 = vector.load %arg2[%swap3A_183, %swap3A_184] : memref<25600x128xf32, #tpu.memory_space<vmem>>, vector<6400x4xf32>
    tpu.vector_store %arg2[%swap3A_183, %swap3A_184], %reshape3A_182 {strides = array<i32>} : memref<25600x128xf32, #tpu.memory_space<vmem>>, vector<6400x4xf32>,
    %broadcast_in_dim3A_186 = arith.constant 0.000000e+00 : f32
    %broadcast_in_dim3A_187 = vector.broadcast %broadcast_in_dim3A_186 : f32 to vector<6400x44xf32>
    %swap3A_188 = arith.constant 19200 : index
    %swap3A_189 = arith.constant 84 : index
    %swap3A_190 = vector.load %arg2[%swap3A_188, %swap3A_189] : memref<25600x128xf32, #tpu.memory_space<vmem>>, vector<6400x44xf32>
    tpu.vector_store %arg2[%swap3A_188, %swap3A_189], %broadcast_in_dim3A_187 {strides = array<i32>} : memref<25600x128xf32, #tpu.memory_space<vmem>>, vector<6400x44xf32>,
    %reduce_max3A_191 = arith.constant dense<0xFF800000> : vector<40x160xf32>
    %reduce_max3A_192 = vector.multi_reduction <maximumf>, %select_n3A_171, %reduce_max3A_191 [2] : vector<40x160x80xf32> to vector<40x160xf32>
    %swap3A_193 = arith.constant 0 : index
    %swap3A_194 = arith.constant 120 : index
    %swap3A_195 = arith.constant 0 : index
    %swap3A_196 = vector.load %arg3[%swap3A_193, %swap3A_194, %swap3A_195] : memref<1x160x160xf32, #tpu.memory_space<vmem>>, vector<1x40x160xf32>
    %swap3A_197 = vector.shape_cast %swap3A_196 : vector<1x40x160xf32> to vector<40x160xf32>
    %swap3A_198 = vector.shape_cast %reduce_max3A_192 : vector<40x160xf32> to vector<1x40x160xf32>
    tpu.vector_store %arg3[%swap3A_193, %swap3A_194, %swap3A_195], %swap3A_198 {strides = array<i32>} : memref<1x160x160xf32, #tpu.memory_space<vmem>>, vector<1x40x160xf32>,
    return
  }
  func.func @transform_0(%arg0: i32) -> (i32, i32, i32, i32) {
    %c0_i32 = arith.constant 0 : i32
    %c0_i32_0 = arith.constant 0 : i32
    %c0_i32_1 = arith.constant 0 : i32
    %c0_i32_2 = arith.constant 0 : i32
    return %arg0, %c0_i32, %c0_i32_0, %c0_i32_1 : i32, i32, i32, i32
  }
  func.func @transform_1(%arg0: i32) -> (i32, i32) {
    %c0_i32 = arith.constant 0 : i32
    %c0_i32_0 = arith.constant 0 : i32
    return %arg0, %c0_i32 : i32, i32
  }
  func.func @transform_2(%arg0: i32) -> (i32, i32, i32) {
    %c0_i32 = arith.constant 0 : i32
    %c0_i32_0 = arith.constant 0 : i32
    %c0_i32_1 = arith.constant 0 : i32
    return %arg0, %c0_i32, %c0_i32_0 : i32, i32, i32
  }
}

</mosaic_0001>

<sc_bundles>
// kernel: kernel.4.cloned.1.call-start
scs
__scs_entry_jumppad:
0x0: {  	(pc) =	sbr.rel $0x88, $3  }
0x1: {  	(tag) =	ssettag $0x0;
	lr =	simm.s32 $0x1  }
0x2: {  	[smem:$0x3FA0] =	sst lr;
	_ =	strace $0xD0000000  }
0x3: {  	_ = 	snop  }
0x4: {  	_ = 	snop  }
0x5: {  	_ = 	snop  }
0x6: {  	_ = 	snop  }
0x7: {  	_ = 	snop  }
__scs_overlays_trampoline_lowered:
0x8: {  	[smem:$0x3FAF] =	sst s0  }
0x9: {  	[smem:$0x3FB0] =	sst s1  }
0xa: {  	[smem:$0x3FB1] =	sst s2  }
0xb: {  	[smem:$0x3FB2] =	sst s3  }
0xc: {  	[smem:$0x3FB3] =	sst s4  }
0xd: {  	[smem:$0x3FB4] =	sst s5  }
0xe: {  	[smem:$0x3FB5] =	sst s6  }
0xf: {  	[smem:$0x3FB6] =	sst s7  }
0x10: {  	[smem:$0x3FB7] =	sst s8  }
0x11: {  	[smem:$0x3FB8] =	sst s9;
	s0 =	simm.s32 @!p0 $0x0  }
0x12: {  	s1 =	sld [smem:$0x3F9E];
	s0 =	simm.s32 @p0 $0x1  }
0x13: {  	[smem:$0x3FB9] =	sst s0;
	s0 =	simm.s32 @!p1 $0x0  }
0x14: {  	s2 =	sld [smem:$0x3F9D];
	s0 =	simm.s32 @p1 $0x1  }
0x15: {  	[smem:$0x3FBA] =	sst s0;
	s0 =	simm.s32 @!p2 $0x0  }
0x16: {  	s3 =	sld [smem:$0x3FDB];
	s0 =	simm.s32 @p2 $0x1  }
0x17: {  	s4 =	simm.s32 $0x1BF5;
	[smem:$0x3FBC] =	sst s0  }
0x18: {  	s0 =	sld [smem:$0x3F9F];
	_ =	swait.ge [sflag:s4], $0x0  }
0x19: {  	s7 =	sld [smem:$0x3FA0]  }
0x1a: {  	s8 =	sadd.s32 $0xFFFFE003, lr  }
0x1b: {  	s9 =	sadd.s32 $0xFFFFFEF7, lr;
	s5 =	simm.s32 $0xFFFFFFFF;
	p2 =	slt.u32 s8, $0xFFFFF086  }
0x1c: {  	p1 =	slt.u32 s9, $0xF7A;
	s5 =	simm.s32 @!p2 $0x0  }
0x1d: {  	s5 =	simm.s32 @p1 $0x1;
	p0 =	seq.s32 s7, s2  }
0x1e: {  	s7 =	smul.u32 @!p0 $0xF7A, s2;
	p2 =	seq.s32 @!p0 s5, $0x0  }
0x1f: {  	s9 =	smul.u32 $0xF7A, s1;
	s8 =	simm.s32 @!p0 $0x1BF5;
	p2 =	por !p2, p0  }
0x20: {  	[sflag:s8] =	ssyncset.s32 @!p0 $0xFFFFF086;
	s6 =	sadd.s32 @!p0 s3, s7;
	s7 =	simm.s32 @!p0 $0x108  }
0x21: {  	s3 =	sadd.s32 s3, s9;
	s6 =	sadd.s32 @!p0 $0x88, s6;
	s7 =	simm.s32 @p2 $0x1082  }
0x22: {  	[simem:s7], [sflag:s8] =	dma.local @!p0 [hbm:s6], $0xF7A  }
0x23: {  	s9 =	sor.u32 $0xD0000000, s2;
	s6 =	simm.s32 $0x108;
	_ =	swait.ge @!p0 [sflag:s8], $0x0  }
0x24: {  	s3 =	sadd.s32 $0x88, s3;
	s6 =	simm.s32 @!p1 $0x1082;
	[sflag:s4] =	ssyncset.s32 $0xFFFFF086  }
0x25: {  	[simem:s6], [sflag:s4] =	dma.local [hbm:s3], $0xF7A  }
0x26: {  	[smem:$0x3FA0] =	sst s1;
	(tag) =	ssettag s2;
	_ =	strace s9  }
0x27: {  	s1 =	sld [smem:$0x3FB0]  }
0x28: {  	s2 =	sld [smem:$0x3FB1]  }
0x29: {  	s4 =	sld [smem:$0x3FB3]  }
0x2a: {  	p0 =	seq.s32 s5, $0x0;
	s5 =	sld [smem:$0x3FB4]  }
0x2b: {  	s6 =	sld [smem:$0x3FB5]  }
0x2c: {  	s7 =	sld [smem:$0x3FB6]  }
0x2d: {  	s3 =	simm.s32 $0x108;
	s8 =	sld [smem:$0x3FB7]  }
0x2e: {  	s3 =	simm.s32 @!p0 $0x1082;
	s9 =	sld [smem:$0x3FB8]  }
0x2f: {  	lr =	sadd.s32 s0, s3;
	s0 =	sld [smem:$0x3FAF]  }
0x30: {  	s3 =	sld [smem:$0x3FB2]  }
0x31: {  	[smem:$0x3FBB] =	sst s10  }
0x32: {  	s10 =	sld [smem:$0x3FB9];
	_ =	sdelay $0x3  }
0x33: {  	p0 =	seq.s32 s10, $0x1;
	s10 =	sld [smem:$0x3FBB];
	_ =	sdelay $0x3  }
0x34: {  	[smem:$0x3FBB] =	sst s10  }
0x35: {  	s10 =	sld [smem:$0x3FBA];
	_ =	sdelay $0x3  }
0x36: {  	p1 =	seq.s32 s10, $0x1;
	s10 =	sld [smem:$0x3FBB];
	_ =	sdelay $0x3  }
0x37: {  	[smem:$0x3FBB] =	sst s10  }
0x38: {  	s10 =	sld [smem:$0x3FBC]  }
0x39: {  	_ = 	snop;
	(pc) =	sbr.ind lr, $3  }
0x3a: {  	_ = 	snop  }
0x3b: {  	_ = 	snop  }
0x3c: {  	p2 =	seq.s32 s10, $0x1;
	s10 =	sld [smem:$0x3FBB]  }
0x3d: {  	_ =	shalt  }
0x3e: {  	_ =	shalt  }
0x3f: {  	_ =	shalt  }
0x40: {  	_ =	shalt  }
0x41: {  	_ =	shalt  }
0x42: {  	_ =	shalt  }
0x43: {  	_ =	shalt  }
0x44: {  	_ =	shalt  }
0x45: {  	_ =	shalt  }
0x46: {  	_ =	shalt  }
0x47: {  	_ =	shalt  }
0x48: {  	_ =	shalt  }
0x49: {  	_ =	shalt  }
0x4a: {  	_ =	shalt  }
0x4b: {  	_ =	shalt  }
0x4c: {  	_ =	shalt  }
0x4d: {  	_ =	shalt  }
0x4e: {  	_ =	shalt  }
0x4f: {  	_ =	shalt  }
0x50: {  	_ =	shalt  }
0x51: {  	_ =	shalt  }
0x52: {  	_ =	shalt  }
0x53: {  	_ =	shalt  }
0x54: {  	_ =	shalt  }
0x55: {  	_ =	shalt  }
0x56: {  	_ =	shalt  }
0x57: {  	_ =	shalt  }
0x58: {  	_ =	shalt  }
0x59: {  	_ =	shalt  }
0x5a: {  	_ =	shalt  }
0x5b: {  	_ =	shalt  }
0x5c: {  	_ =	shalt  }
0x5d: {  	_ =	shalt  }
0x5e: {  	_ =	shalt  }
0x5f: {  	_ =	shalt  }
0x60: {  	_ =	shalt  }
0x61: {  	_ =	shalt  }
0x62: {  	_ =	shalt  }
0x63: {  	_ =	shalt  }
0x64: {  	_ =	shalt  }
0x65: {  	_ =	shalt  }
0x66: {  	_ =	shalt  }
0x67: {  	_ =	shalt  }
0x68: {  	_ =	shalt  }
0x69: {  	_ =	shalt  }
0x6a: {  	_ =	shalt  }
0x6b: {  	_ =	shalt  }
0x6c: {  	_ =	shalt  }
0x6d: {  	_ =	shalt  }
0x6e: {  	_ =	shalt  }
0x6f: {  	_ =	shalt  }
0x70: {  	_ =	shalt  }
0x71: {  	_ =	shalt  }
0x72: {  	_ =	shalt  }
0x73: {  	_ =	shalt  }
0x74: {  	_ =	shalt  }
0x75: {  	_ =	shalt  }
0x76: {  	_ =	shalt  }
0x77: {  	_ =	shalt  }
0x78: {  	_ =	shalt  }
0x79: {  	_ =	shalt  }
0x7a: {  	_ =	shalt  }
0x7b: {  	_ =	shalt  }
0x7c: {  	_ =	shalt  }
0x7d: {  	_ =	shalt  }
0x7e: {  	_ =	shalt  }
0x7f: {  	_ =	shalt  }
0x80: {  	_ =	shalt  }
0x81: {  	_ =	shalt  }
0x82: {  	_ =	shalt  }
0x83: {  	_ =	shalt  }
0x84: {  	_ =	shalt  }
0x85: {  	_ =	shalt  }
0x86: {  	_ =	shalt  }
0x87: {  	_ =	shalt  }
.Lfunc_end0:
.L_simem_size_0:
called_computation_lowered:
.L_overlay_start_0:
0x88: {  	s2 =	sld [smem:$0x3FD9]  }
0x89: {  	s3 =	sld [smem:$0x3FFE];
	_ =	sdelay $0x1  }
0x8a: {  	s1 =	srdreg.scid  }
0x8b: {  	s0 =	sand.u32 $0x1, s1  }
0x8c: {  	s14 =	sshll.u32 s0, $0xA;
	s2 =	sadd.s32 s3, s2  }
0x8d: {  	s2 =	sadd.s32 s2, s14  }
0x8e: {  	[smem:$0x3FC7] =	sst s2  }
0x8f: {  	_ = 	snop  }
0x90: {  	s2 =	sld [smem:$0x3FD0];
	_ =	sdelay $0x2  }
0x91: {  	s15 =	simm.s32 $0xA;
	s4 =	simm.s32 $0x10  }
0x92: {  	[smem:s4], [sflag:s15] =	dma.local [hbm:s2], $0x1  }
0x93: {  	_ =	swait.eq [sflag:s15], $0x1  }
0x94: {  	s16 =	sld [smem:$0x10];
	[sflag:s15] =	ssyncset.done $0x0  }
0x95: {  	s17 =	sld [smem:$0x11];
	[sflag:s15] =	ssyncadd.s32 $0xFFFFFFFF  }
0x96: {  	s18 =	sld [smem:$0x13];
	(tm) =	ssettm $0x1  }
0x97: {  	s5 =	sld [smem:$0x3FFB];
	_ =	sdelay $0x3  }
0x98: {  	_ =	strace s5  }
0x99: {  	s5 =	sld [smem:$0x3FFC];
	_ =	sdelay $0x3  }
0x9a: {  	_ =	strace s5  }
0x9b: {  	s5 =	sld [smem:$0x3FFD];
	_ =	sdelay $0x3  }
0x9c: {  	_ =	strace s5  }
0x9d: {  	_ =	strace $0x8FFFFFFF  }
0x9e: {  	s19 =	sld [smem:$0x3FDB];
	_ =	sdelay $0x1  }
0x9f: {  	s6 =	simm.s32 $_scs_section_size  }
0xa0: {  	s7 =	simm.s32 $_size__tile_overlayer_lowered;
	s8 =	simm.s32 $_tile_overlayer_lowered  }
0xa1: {  	s22 =	simm.s32 $0x1BFF;
	s21 =	sshll.u32 s8, $0x1;
	s5 =	sadd.s32 s6, s19  }
0xa2: {  	s9 =	simm.s32 $0x0;
	s20 =	sshll.u32 s7, $0x1;
	s7 =	sadd.s32 s21, s5  }
0xa3: {  	[timem:s9], [sflag:s22] =	dma.local [hbm:s7], s20  }
0xa4: {  	_ =	swait.ge [sflag:s22], s20  }
0xa5: {  	s6 =	ssub.s32 $0x0, s20;
	[sflag:s22] =	ssyncset.done $0x0  }
0xa6: {  	[sflag:s22] =	ssyncadd.s32 s6;
	_ =	sdelay $0x1  }
0xa7: {  	s23 =	simm.s32 $0x1B8B  }
0xa8: {  	_ =	swait.ge [sflag:s23], $0x1  }
0xa9: {  	[sflag:s23] =	ssyncset.done $0x0  }
0xaa: {  	s25 =	simm.s32 $0x1B8E;
	s24 =	sld [smem:$0x3FFE];
	[sflag:s23] =	ssyncadd.s32 $0xFFFFFFFF  }
0xab: {  	s26 =	simm.s32 $execute0_lowered;
	[smem:$0x3FD2] =	sst s25  }
0xac: {  	s7 =	sshll.u32 s26, $0x1;
	_ =	strace $0x80000046;
	[dreg:$0x1] =	wrdreg $0xFFFFFFFF  }
0xad: {  	s28 =	simm.s32 $_size_execute0_lowered;
	s5 =	sadd.s32 s5, s7;
	[dreg:$0x0] =	wrdreg $0x0  }
0xae: {  	s7 =	sshll.u32 s28, $0x1;
	[dreg:$0x2] =	wrdreg s5  }
0xaf: {  	[dreg:$0x3] =	wrdreg s7  }
0xb0: {  	[dreg:$0x4] =	wrdreg $0xC0  }
0xb1: {  	_ =	task [dreg:s9], $0x5FFFF  }
0xb2: {  	[dreg:$0x1] =	wrdreg $0xFFFFFFFF  }
0xb3: {  	[dreg:$0x0] =	wrdreg $0x60  }
0xb4: {  	[dreg:$0x2] =	wrdreg s24  }
0xb5: {  	[dreg:$0x3] =	wrdreg s16  }
0xb6: {  	[dreg:$0x4] =	wrdreg s17  }
0xb7: {  	[dreg:$0x5] =	wrdreg s18  }
0xb8: {  	[dreg:$0x6] =	wrdreg $0x9  }
0xb9: {  	_ =	task.clear_ibuf [dreg:s9], $0x7FFFF;
	_ =	strace $0x90000046  }
0xba: {  	s29 =	simm.s32 $0x9;
	_ =	strace $0x80000048  }
0xbb: {  	_ =	swait.ge [sflag:s29], $0x1  }
0xbc: {  	[sflag:s29] =	ssyncadd.s32 $0xFFFFFFFF  }
0xbd: {  	_ =	strace $0x90000048  }
0xbe: {  	_ =	sfence  }
0xbf: {  	s30 =	sld [smem:$0x0];
	_ =	sdelay $0x2  }
0xc0: {  	s31 =	sshll.u32 s1, $0xD;
	s1 =	sshrl.u32 s1, $0x2  }
0xc1: {  	s3 =	sand.u32 $0x4000, s31;
	s1 =	sadd.s32 s1, s30  }
0xc2: {  	s0 =	sor.u32 s3, s0;
	s1 =	sshll.u32 s1, $0x11  }
0xc3: {  	s0 =	sor.u32 s1, s0  }
0xc4: {  	s0 =	sadd.s32 $0x8F2B, s0  }
0xc5: {  	[sflag:s0] =	ssyncadd.remote.s32 $0x1  }
0xc6: {  	_ =	sfence.sel $0xFFFF  }
0xc7: {  	[dreg:$0x0] =	wrdreg $0xFFFFFFFF;
	(pc) =	sbr.abs _section_cstart, $3  }
0xc8: {  	[dreg:$0x1] =	wrdreg $0xFFFFFFFF  }
0xc9: {  	_ =	task.clear_ibuf [dreg:s9], $0x2FFFF;
	_ =	strace $0x9FFFFFFF  }
0xca: {  	(tm) =	ssettm $0x7FFFFFFF  }
0xcb: {  	_ =	shalt  }
tec
execute0_lowered:
.L_overlay_start_1:
0x0: {  	(tag) =	ssettag $0x1  }
0x1: {  	s3 =	stileid.u32  }
0x2: {  	p0 =	sgt.u32 s3, $0x7  }
.Ltmp0:
0x3: {  	s4 =	rddreg [dreg:$0x0];
	(pc) =	sbr.rel @p0 .LBB2_15-.Ltmp0, $4  }
0x4: {  	s5 =	rddreg [dreg:$0x1]  }
0x5: {  	s1 =	rddreg [dreg:$0x2];
	s2 =	simm.s32 $0x0  }
0x6: {  	[smem:$0x7FF] =	sst s2  }
0x7: {  	s0 =	rddreg [dreg:$0x3];
	_ =	strace $0x80000047  }
0x8: {  	vm3 =	vmmov $0x3;
	v5 =	vimm.s32 $0x0  }
0x9: {  	v5 =	vsel vm3, $0xFFFFFFFF, v5  }
0xa: {  	vm4 =	vmmov $0x7;
	[tilespmem:$0x1FF80] =	vst v5;
	v5 =	vimm.s32 $0x0  }
0xb: {  	v5 =	vsel vm4, $0xFFFFFFFF, v5  }
0xc: {  	s3 =	srdreg.scid;
	s9 =	stileid.u32;
	vm5 =	vmmov $0xf;
	[tilespmem:$0x1FF90] =	vst v5;
	v5 =	vimm.s32 $0x0  }
0xd: {  	s8 =	sadd.s32 $0x654A00, s4;
	s17 =	simm.s32 $0xC780;
	s18 =	simm.s32 $0x80;
	v5 =	vsel vm5, $0xFFFFFFFF, v5  }
0xe: {  	vm1 =	vmmov $0x1f;
	s19 =	simm.s32 $0xC800;
	s20 =	simm.s32 $0xC900;
	s21 =	simm.s32 $0x0;
	[tilespmem:$0x1FFA0] =	vst v5;
	v5 =	vimm.s32 $0x0  }
0xf: {  	s6 =	sand.u32 $0x1, s3;
	s25 =	sshll.u32 s9, $0x1;
	s9 =	sshrl.u32 s9, $0x2;
	v5 =	vsel vm1, $0xFFFFFFFF, v5  }
0x10: {  	vm2 =	vmmov $0x3f;
	s3 =	sor.u32 s6, s25;
	s10 =	sshll.u32 s9, $0xB;
	s12 =	sshll.u32 s9, $0xA;
	[tilespmem:$0x1FFB0] =	vst v5;
	v5 =	vimm.s32 $0x0  }
0x11: {  	vm0 =	vmmov $0x1;
	s9 =	smul.u32 $0x32000, s9;
	s13 =	ssub.s32 $0x2, s6;
	s7 =	sshll.u32 s3, $0x7;
	v5 =	vsel vm2, $0xFFFFFFFF, v5  }
0x12: {  	vm6 =	vmmov $0x7f;
	vm7 =	vmmov $0xff;
	s11 =	smul.u32 $0x6400, s3;
	s29 =	sshrl.u32 s13, $0x1;
	s7 =	sand.u32 $0x380, s7;
	[tilespmem:$0x1FFC0] =	vst v5;
	v5 =	vimm.s32 $0x0  }
0x13: {  	vm8 =	vmmov $0x1ff;
	vm9 =	vmmov $0x3ff;
	s3 =	sadd.s32 $0x14A00, s4;
	s30 =	ssub.s32 s13, s29;
	s10 =	sor.u32 s10, s7;
	v5 =	vsel vm6, $0xFFFFFFFF, v5  }
0x14: {  	vm10 =	vmmov $0x7ff;
	vm11 =	vmmov $0xfff;
	s12 =	sor.u32 s12, s7;
	s7 =	sor.u32 s9, s7;
	s9 =	smax.u32 s30, $0x1;
	[tilespmem:$0x1FFD0] =	vst v5;
	v5 =	vimm.s32 $0x0  }
0x15: {  	vm12 =	vmmov $0x1fff;
	v0 =	vmov s11;
	s11 =	simm.s32 $0x2;
	s10 =	sshrl.u32 s10, $0x3;
	s26 =	sshrl.u32 s12, $0x3;
	v5 =	vsel vm7, $0xFFFFFFFF, v5  }
0x16: {  	vm13 =	vmmov $0x3fff;
	vm14 =	vmmov $0x7fff;
	s31 =	sshrl.u32 s7, $0x3;
	s12 =	simm.s32 $0x1;
	s28 =	sadd.s32 s10, s4;
	[tilespmem:$0x1FFE0] =	vst v5;
	v5 =	vimm.s32 $0x0  }
0x17: {  	v1 =	vimm.s32 $0x0;
	v2 =	vimm.s32 $0x40000000;
	s4 =	sadd.s32 s5, s26;
	s5 =	sadd.s32 s1, s26;
	s6 =	sadd.s32 s0, s10;
	v5 =	vsel vm8, $0xFFFFFFFF, v5  }
0x18: {  	v3 =	vlaneseq.u32;
	v4 =	vimm.f32 $-1.000000020e+30;
	vm15 =	vcmask $0xB10;
	s8 =	sadd.s32 s8, s31;
	s10 =	simm.s32 $0x400;
	s7 =	sadd.s32 $0xA00, s28;
	[tilespmem:$0x1FFF0] =	vst v5  }
.LBB2_2:
0x19: {  	s0 =	simm.s32 $0x0  }
0x1a: {  	[tilespmem:s0], [sflag:$0x2] =	stream.strided.gather [hbm4b:s8+s18], $0x6400, s10, s18, $0x38;
	[tilespmem:$0xCA00] =	vst v63  }
0x1b: {  	_ =	swait.ge [sflag:s11], $0x6400  }
0x1c: {  	[sflag:s11] =	ssyncset.done $0x0  }
0x1d: {  	[sflag:s11] =	ssyncadd.s32 $0xFFFF9C00  }
0x1e: {  	v6 =	vld [tilespmem:s18+$0xFFFFFF80]  }
0x1f: {  	s1 =	simm.s32 $0x40;
	s22 =	simm.s32 $0x80;
	v5 =	vld [tilespmem:s18+$0xFFFFFF90]  }
.LBB2_3:
0x20: {  	p0 =	sne.s32 s1, $0x18C0;
	v7 =	vld [tilespmem:s22+$0xFFFFFFA0]  }
0x21: {  	v8 =	vld [tilespmem:s22+$0xFFFFFFB0]  }
0x22: {  	v9 =	vld [tilespmem:s22+$0xFFFFFFC0]  }
0x23: {  	v10 =	vld [tilespmem:s22+$0xFFFFFFD0];
	(xrf0) =	vmax.scan.msk.f32 $0xffff, v6  }
0x24: {  	v6 =	vld [tilespmem:s22+$0xFFFFFFE0];
	(xrf0) =	vmax.scan.msk.f32 $0xffff, v5  }
0x25: {  	v5 =	vld [tilespmem:s22+$0xFFFFFFF0];
	(xrf0) =	vmax.scan.msk.f32 $0xffff, v7  }
0x26: {  	v7 =	vld [tilespmem:s22+$0x0];
	(xrf0) =	vmax.scan.msk.f32 $0xffff, v8  }
0x27: {  	v8 =	vld [tilespmem:s22+$0x10];
	(xrf0) =	vmax.scan.msk.f32 $0xffff, v9  }
0x28: {  	v9 =	vld [tilespmem:s22+$0x20];
	(xrf0) =	vmax.scan.msk.f32 $0xffff, v10  }
0x29: {  	v10 =	vld [tilespmem:s22+$0x30];
	v11, _, _ =	vpop (xrf0);
	(xrf0) =	vmax.scan.msk.f32 $0xffff, v6  }
0x2a: {  	v6 =	vld [tilespmem:s22+$0x40];
	v12, _, _ =	vpop (xrf0);
	(xrf0) =	vmax.scan.msk.f32 $0xffff, v5  }
0x2b: {  	v5 =	vbroadcast v11, $0xF;
	v15 =	vbroadcast v12, $0xF;
	v12 =	vld [tilespmem:s22+$0x50];
	v13, _, _ =	vpop (xrf0);
	(xrf0) =	vmax.scan.msk.f32 $0xffff, v7  }
0x2c: {  	v7 =	vbroadcast v13, $0xF;
	v13 =	vld [tilespmem:s22+$0x60];
	v14, _, _ =	vpop (xrf0);
	(xrf0) =	vmax.scan.msk.f32 $0xffff, v8  }
0x2d: {  	v5 =	vsel vm0, v5, v15;
	v8 =	vbroadcast v14, $0xF;
	v11, _, _ =	vpop (xrf0);
	(xrf0) =	vmax.scan.msk.f32 $0xffff, v9  }
0x2e: {  	v5 =	vsel vm3, v5, v7;
	v11 =	vbroadcast v11, $0xF;
	v9, _, _ =	vpop (xrf0);
	(xrf0) =	vmax.scan.msk.f32 $0xffff, v10  }
0x2f: {  	v5 =	vsel vm4, v5, v8;
	v14 =	vbroadcast v9, $0xF;
	v9 =	vld [tilespmem:s22+$0x70];
	v10, _, _ =	vpop (xrf0);
	(xrf0) =	vmax.scan.msk.f32 $0xffff, v6  }
0x30: {  	v5 =	vsel vm5, v5, v11;
	v6 =	vbroadcast v10, $0xF;
	v7, _, _ =	vpop (xrf0);
	(xrf0) =	vmax.scan.msk.f32 $0xffff, v12  }
0x31: {  	v5 =	vsel vm1, v5, v14;
	v7 =	vbroadcast v7, $0xF;
	v8, _, _ =	vpop (xrf0);
	(xrf0) =	vmax.scan.msk.f32 $0xffff, v13  }
0x32: {  	v5 =	vsel vm2, v5, v6;
	v6 =	vbroadcast v8, $0xF;
	v8, _, _ =	vpop (xrf0)  }
0x33: {  	v5 =	vsel vm6, v5, v7;
	v7 =	vbroadcast v8, $0xF;
	v8, _, _ =	vpop (xrf0)  }
0x34: {  	v5 =	vsel vm7, v5, v6;
	v6 =	vbroadcast v8, $0xF;
	v8, _, _ =	vpop (xrf0);
	(xrf0) =	vmax.scan.msk.f32 $0xffff, v9  }
0x35: {  	v5 =	vsel vm8, v5, v7;
	v7 =	vbroadcast v8, $0xF;
	v8, _, _ =	vpop (xrf0)  }
0x36: {  	v5 =	vsel vm9, v5, v6;
	v6 =	vbroadcast v8, $0xF;
	v8, _, _ =	vpop (xrf0)  }
0x37: {  	v5 =	vsel vm10, v5, v7;
	v7 =	vbroadcast v8, $0xF;
	v8, _, _ =	vpop (xrf0)  }
0x38: {  	v5 =	vsel vm11, v5, v6;
	v8 =	vbroadcast v8, $0xF  }
0x39: {  	v5 =	vsel vm12, v5, v7  }
.Ltmp1:
0x3a: {  	v5 =	vsel vm13, v5, v8;
	v6, _, _ =	vpop (xrf0);
	(pc) =	sbr.rel @p0 .LBB2_3-.Ltmp1, $4  }
0x3b: {  	s13 =	sshra.s32 s0, $0x2;
	s0 =	smov.u32 s1;
	v5 =	vsel vm14, v5, v6  }
0x3c: {  	s22 =	sadd.s32 $0x100, s22;
	[tilespmem:s13+$0x6400] =	vst v5  }
0x3d: {  	v6 =	vld [tilespmem:s22+$0xFFFFFF80]  }
0x3e: {  	s1 =	sadd.s32 $0x40, s1;
	v5 =	vld [tilespmem:s22+$0xFFFFFF90]  }
0x3f: {  	_ = 	snop  }
0x40: {  	v7 =	vld [tilespmem:s22+$0xFFFFFFA0]  }
0x41: {  	v8 =	vld [tilespmem:s22+$0xFFFFFFB0]  }
0x42: {  	v9 =	vld [tilespmem:s22+$0xFFFFFFC0];
	(xrf0) =	vmax.scan.msk.f32 $0xffff, v6  }
0x43: {  	v10 =	vld [tilespmem:s22+$0xFFFFFFD0];
	(xrf0) =	vmax.scan.msk.f32 $0xffff, v5  }
0x44: {  	v6 =	vld [tilespmem:s22+$0xFFFFFFE0]  }
0x45: {  	v5 =	vld [tilespmem:s22+$0xFFFFFFF0];
	(xrf0) =	vmax.scan.msk.f32 $0xffff, v7  }
0x46: {  	(xrf0) =	vmax.scan.msk.f32 $0xffff, v8  }
0x47: {  	(xrf0) =	vmax.scan.msk.f32 $0xffff, v9  }
0x48: {  	v7 =	vld [tilespmem:s22+$0x0];
	(xrf0) =	vmax.scan.msk.f32 $0xffff, v10;
	v11, _, _ =	vpop (xrf0)  }
0x49: {  	v8 =	vld [tilespmem:s22+$0x10];
	(xrf0) =	vmax.scan.msk.f32 $0xffff, v6;
	v12, _, _ =	vpop (xrf0)  }
0x4a: {  	v9 =	vld [tilespmem:s22+$0x20];
	(xrf0) =	vmax.scan.msk.f32 $0xffff, v5;
	v5 =	vbroadcast v11, $0xF;
	v11 =	vbroadcast v12, $0xF;
	_ =	sdelay $0x1  }
0x4b: {  	v10 =	vld [tilespmem:s22+$0x30];
	v13, _, _ =	vpop (xrf0)  }
0x4c: {  	v6 =	vld [tilespmem:s22+$0x40];
	(xrf0) =	vmax.scan.msk.f32 $0xffff, v7;
	v7 =	vbroadcast v13, $0xF;
	v14, _, _ =	vpop (xrf0)  }
0x4d: {  	v12 =	vld [tilespmem:s22+$0x50];
	(xrf0) =	vmax.scan.msk.f32 $0xffff, v8;
	v5 =	vsel vm0, v5, v11;
	v8 =	vbroadcast v14, $0xF;
	v11, _, _ =	vpop (xrf0)  }
0x4e: {  	v13 =	vld [tilespmem:s22+$0x60];
	v5 =	vsel vm3, v5, v7;
	(xrf0) =	vmax.scan.msk.f32 $0xffff, v9;
	v7 =	vbroadcast v11, $0xF;
	v9, _, _ =	vpop (xrf0)  }
0x4f: {  	v5 =	vsel vm4, v5, v8;
	v8 =	vbroadcast v9, $0xF  }
0x50: {  	(xrf0) =	vmax.scan.msk.f32 $0xffff, v10  }
0x51: {  	v10, _, _ =	vpop (xrf0);
	(xrf0) =	vmax.scan.msk.f32 $0xffff, v6  }
0x52: {  	v5 =	vsel vm5, v5, v7;
	v6 =	vbroadcast v10, $0xF;
	v7, _, _ =	vpop (xrf0);
	(xrf0) =	vmax.scan.msk.f32 $0xffff, v12  }
0x53: {  	v9 =	vld [tilespmem:s22+$0x70];
	v5 =	vsel vm1, v5, v8;
	v7 =	vbroadcast v7, $0xF;
	v8, _, _ =	vpop (xrf0);
	(xrf0) =	vmax.scan.msk.f32 $0xffff, v13  }
0x54: {  	v5 =	vsel vm2, v5, v6;
	v6 =	vbroadcast v8, $0xF;
	v8, _, _ =	vpop (xrf0)  }
0x55: {  	v5 =	vsel vm6, v5, v7;
	v7 =	vbroadcast v8, $0xF;
	v8, _, _ =	vpop (xrf0)  }
0x56: {  	v5 =	vsel vm7, v5, v6;
	v6 =	vbroadcast v8, $0xF;
	v8, _, _ =	vpop (xrf0)  }
0x57: {  	v5 =	vsel vm8, v5, v7;
	v7 =	vbroadcast v8, $0xF;
	v8, _, _ =	vpop (xrf0)  }
0x58: {  	(xrf0) =	vmax.scan.msk.f32 $0xffff, v9;
	v5 =	vsel vm9, v5, v6;
	v6 =	vbroadcast v8, $0xF;
	v8, _, _ =	vpop (xrf0)  }
0x59: {  	v5 =	vsel vm10, v5, v7;
	v7 =	vbroadcast v8, $0xF;
	v8, _, _ =	vpop (xrf0)  }
0x5a: {  	v5 =	vsel vm11, v5, v6;
	v6 =	vbroadcast v8, $0xF;
	_ =	sdelay $0x2  }
0x5b: {  	v5 =	vsel vm12, v5, v7  }
0x5c: {  	v5 =	vsel vm13, v5, v6;
	v6, _, _ =	vpop (xrf0)  }
0x5d: {  	s0 =	sshra.s32 s0, $0x2;
	v5 =	vsel vm14, v5, v6  }
0x5e: {  	[tilespmem:s0+$0x6400] =	vst v5  }
0x5f: {  	v5 =	vld [tilespmem:$0x6400]  }
0x60: {  	v6 =	vld [tilespmem:$0x6410]  }
0x61: {  	v7 =	vld [tilespmem:$0x6420]  }
0x62: {  	v8 =	vld [tilespmem:$0x6430]  }
0x63: {  	v9 =	vld [tilespmem:$0x6440]  }
0x64: {  	(xrf0) =	vmax.scan.msk.f32 $0xffff, v5;
	v5 =	vld [tilespmem:$0x6450]  }
0x65: {  	(xrf0) =	vmax.scan.msk.f32 $0xffff, v6;
	v6 =	vld [tilespmem:$0x6460]  }
0x66: {  	(xrf0) =	vmax.scan.msk.f32 $0xffff, v7;
	v7 =	vld [tilespmem:$0x6470]  }
0x67: {  	(xrf0) =	vmax.scan.msk.f32 $0xffff, v8;
	v8 =	vld [tilespmem:$0x6480]  }
0x68: {  	(xrf0) =	vmax.scan.msk.f32 $0xffff, v9;
	v9 =	vld [tilespmem:$0x6490]  }
0x69: {  	(xrf0) =	vmax.scan.msk.f32 $0xffff, v5;
	v5 =	vld [tilespmem:$0x64A0]  }
0x6a: {  	v10, _, _ =	vpop (xrf0);
	(xrf0) =	vmax.scan.msk.f32 $0xffff, v6;
	v6 =	vld [tilespmem:$0x64B0]  }
0x6b: {  	v11, _, _ =	vpop (xrf0);
	(xrf0) =	vmax.scan.msk.f32 $0xffff, v7;
	v7 =	vld [tilespmem:$0x64C0]  }
0x6c: {  	v15, _, _ =	vpop (xrf0);
	(xrf0) =	vmax.scan.msk.f32 $0xffff, v8;
	v8 =	vld [tilespmem:$0x64D0]  }
0x6d: {  	v17, _, _ =	vpop (xrf0);
	(xrf0) =	vmax.scan.msk.f32 $0xffff, v9;
	v9 =	vld [tilespmem:$0x64E0]  }
0x6e: {  	v18, _, _ =	vpop (xrf0);
	(xrf0) =	vmax.scan.msk.f32 $0xffff, v5;
	v5 =	vld [tilespmem:$0x64F0]  }
0x6f: {  	v21, _, _ =	vpop (xrf0);
	(xrf0) =	vmax.scan.msk.f32 $0xffff, v6;
	v6 =	vld [tilespmem:$0x6500]  }
0x70: {  	v26, _, _ =	vpop (xrf0);
	(xrf0) =	vmax.scan.msk.f32 $0xffff, v7;
	v7 =	vld [tilespmem:$0x6510]  }
0x71: {  	v27, _, _ =	vpop (xrf0);
	(xrf0) =	vmax.scan.msk.f32 $0xffff, v8;
	v8 =	vld [tilespmem:$0x6520]  }
0x72: {  	v28, _, _ =	vpop (xrf0);
	(xrf0) =	vmax.scan.msk.f32 $0xffff, v9;
	v9 =	vld [tilespmem:$0x6530]  }
0x73: {  	v29, _, _ =	vpop (xrf0);
	(xrf0) =	vmax.scan.msk.f32 $0xffff, v5;
	v5 =	vld [tilespmem:$0x6540]  }
0x74: {  	v30, _, _ =	vpop (xrf0);
	(xrf0) =	vmax.scan.msk.f32 $0xffff, v6;
	v6 =	vld [tilespmem:$0x6550]  }
0x75: {  	v14 =	vld [tilespmem:$0x6560];
	v31, _, _ =	vpop (xrf0);
	(xrf0) =	vmax.scan.msk.f32 $0xffff, v7  }
0x76: {  	v7, _, _ =	vpop (xrf0);
	(xrf0) =	vmax.scan.msk.f32 $0xffff, v8;
	v8 =	vld [tilespmem:$0x6570]  }
0x77: {  	v13, _, _ =	vpop (xrf0);
	(xrf0) =	vmax.scan.msk.f32 $0xffff, v9;
	v9 =	vld [tilespmem:$0x6580]  }
0x78: {  	v16 =	vld [tilespmem:$0x6590];
	v12, _, _ =	vpop (xrf0);
	(xrf0) =	vmax.scan.msk.f32 $0xffff, v5  }
0x79: {  	v5, _, _ =	vpop (xrf0);
	(xrf0) =	vmax.scan.msk.f32 $0xffff, v6;
	v6 =	vld [tilespmem:$0x65A0]  }
0x7a: {  	v32, _, _ =	vpop (xrf0);
	(xrf0) =	vmax.scan.msk.f32 $0xffff, v14;
	v14 =	vld [tilespmem:$0x65B0]  }
0x7b: {  	v33, _, _ =	vpop (xrf0);
	(xrf0) =	vmax.scan.msk.f32 $0xffff, v8;
	v8 =	vld [tilespmem:$0x65C0]  }
0x7c: {  	v34, _, _ =	vpop (xrf0);
	(xrf0) =	vmax.scan.msk.f32 $0xffff, v9;
	v9 =	vld [tilespmem:$0x65D0]  }
0x7d: {  	v52 =	vld [tilespmem:$0x65E0];
	v35, _, _ =	vpop (xrf0);
	(xrf0) =	vmax.scan.msk.f32 $0xffff, v16  }
0x7e: {  	v36, _, _ =	vpop (xrf0);
	(xrf0) =	vmax.scan.msk.f32 $0xffff, v6;
	v6 =	vld [tilespmem:$0x65F0]  }
0x7f: {  	v37, _, _ =	vpop (xrf0);
	(xrf0) =	vmax.scan.msk.f32 $0xffff, v14;
	v14 =	vld [tilespmem:$0x6600]  }
0x80: {  	v38, _, _ =	vpop (xrf0);
	(xrf0) =	vmax.scan.msk.f32 $0xffff, v8;
	v8 =	vld [tilespmem:$0x6610]  }
0x81: {  	v39, _, _ =	vpop (xrf0);
	(xrf0) =	vmax.scan.msk.f32 $0xffff, v9;
	v9 =	vld [tilespmem:$0x6620]  }
0x82: {  	v22 =	vld [tilespmem:$0x6630];
	v24, _, _ =	vpop (xrf0);
	(xrf0) =	vmax.scan.msk.f32 $0xffff, v52  }
0x83: {  	v19, _, _ =	vpop (xrf0);
	(xrf0) =	vmax.scan.msk.f32 $0xffff, v6;
	v6 =	vld [tilespmem:$0x6640]  }
0x84: {  	v23 =	vld [tilespmem:$0x6650];
	v16, _, _ =	vpop (xrf0);
	(xrf0) =	vmax.scan.msk.f32 $0xffff, v14  }
0x85: {  	v25 =	vld [tilespmem:$0x6660];
	v20, _, _ =	vpop (xrf0);
	(xrf0) =	vmax.scan.msk.f32 $0xffff, v8  }
0x86: {  	v40 =	vld [tilespmem:$0x6670];
	v14, _, _ =	vpop (xrf0);
	(xrf0) =	vmax.scan.msk.f32 $0xffff, v9  }
0x87: {  	v53 =	vld [tilespmem:$0x6680];
	v9, _, _ =	vpop (xrf0);
	(xrf0) =	vmax.scan.msk.f32 $0xffff, v22  }
0x88: {  	v41 =	vld [tilespmem:$0x6690];
	v8, _, _ =	vpop (xrf0);
	(xrf0) =	vmax.scan.msk.f32 $0xffff, v6  }
0x89: {  	v54 =	vld [tilespmem:$0x66A0];
	v6, _, _ =	vpop (xrf0);
	(xrf0) =	vmax.scan.msk.f32 $0xffff, v23  }
0x8a: {  	v43 =	vld [tilespmem:$0x66B0];
	v42, _, _ =	vpop (xrf0);
	(xrf0) =	vmax.scan.msk.f32 $0xffff, v25  }
0x8b: {  	v55 =	vld [tilespmem:$0x66C0];
	v10 =	vbroadcast v10, $0xF;
	v11 =	vbroadcast v11, $0xF;
	v44, _, _ =	vpop (xrf0);
	(xrf0) =	vmax.scan.msk.f32 $0xffff, v40  }
0x8c: {  	v46 =	vld [tilespmem:$0x66D0];
	v15 =	vbroadcast v15, $0xF;
	v45, _, _ =	vpop (xrf0);
	(xrf0) =	vmax.scan.msk.f32 $0xffff, v53  }
0x8d: {  	v56 =	vld [tilespmem:$0x66E0];
	v10 =	vsel vm0, v10, v11;
	v11 =	vbroadcast v17, $0xF;
	v47, _, _ =	vpop (xrf0);
	(xrf0) =	vmax.scan.msk.f32 $0xffff, v41  }
0x8e: {  	v49 =	vld [tilespmem:$0x66F0];
	v10 =	vsel vm3, v10, v15;
	v15 =	vbroadcast v18, $0xF;
	v48, _, _ =	vpop (xrf0);
	(xrf0) =	vmax.scan.msk.f32 $0xffff, v54  }
0x8f: {  	v57 =	vld [tilespmem:$0x6700];
	v10 =	vsel vm4, v10, v11;
	v11 =	vbroadcast v21, $0xF;
	v25, _, _ =	vpop (xrf0);
	(xrf0) =	vmax.scan.msk.f32 $0xffff, v43  }
0x90: {  	v58 =	vld [tilespmem:$0x6710];
	v10 =	vsel vm5, v10, v15;
	v15 =	vbroadcast v26, $0xF;
	v23, _, _ =	vpop (xrf0);
	(xrf0) =	vmax.scan.msk.f32 $0xffff, v55  }
0x91: {  	v59 =	vld [tilespmem:$0x6720];
	v10 =	vsel vm1, v10, v11;
	v11 =	vbroadcast v27, $0xF;
	v22, _, _ =	vpop (xrf0);
	(xrf0) =	vmax.scan.msk.f32 $0xffff, v46  }
0x92: {  	v60 =	vld [tilespmem:$0x6730];
	v10 =	vsel vm2, v10, v15;
	v28 =	vbroadcast v28, $0xF;
	v21, _, _ =	vpop (xrf0);
	(xrf0) =	vmax.scan.msk.f32 $0xffff, v56  }
0x93: {  	v61 =	vld [tilespmem:$0x6740];
	v10 =	vsel vm6, v10, v11;
	v11 =	vbroadcast v29, $0xF;
	v17, _, _ =	vpop (xrf0);
	(xrf0) =	vmax.scan.msk.f32 $0xffff, v49  }
0x94: {  	v62 =	vld [tilespmem:$0x6750];
	v28 =	vsel vm7, v10, v28;
	v30 =	vbroadcast v30, $0xF;
	v18, _, _ =	vpop (xrf0);
	(xrf0) =	vmax.scan.msk.f32 $0xffff, v57  }
0x95: {  	v63 =	vld [tilespmem:$0x6760];
	v31 =	vbroadcast v31, $0xF;
	v28 =	vsel vm8, v28, v11;
	v26, _, _ =	vpop (xrf0);
	(xrf0) =	vmax.scan.msk.f32 $0xffff, v58  }
0x96: {  	v28 =	vsel vm9, v28, v30;
	v32 =	vbroadcast v32, $0xF;
	v33 =	vbroadcast v33, $0xF;
	v46 =	vld [tilespmem:$0x6770];
	v15, _, _ =	vpop (xrf0);
	(xrf0) =	vmax.scan.msk.f32 $0xffff, v59  }
0x97: {  	v50 =	vld [tilespmem:$0x6780];
	v28 =	vsel vm10, v28, v31;
	v34 =	vbroadcast v34, $0xF;
	v10, _, _ =	vpop (xrf0);
	(xrf0) =	vmax.scan.msk.f32 $0xffff, v60  }
0x98: {  	v51 =	vld [tilespmem:$0x6790];
	v13 =	vbroadcast v13, $0xF;
	v54 =	vsel vm0, v32, v33;
	v55 =	vbroadcast v35, $0xF;
	v11, _, _ =	vpop (xrf0);
	(xrf0) =	vmax.scan.msk.f32 $0xffff, v61  }
0x99: {  	v52 =	vbroadcast v7, $0xF;
	v53 =	vld [tilespmem:$0x67A0];
	v57 =	vsel vm3, v54, v34;
	v58 =	vbroadcast v36, $0xF;
	v7, _, _ =	vpop (xrf0);
	(xrf0) =	vmax.scan.msk.f32 $0xffff, v62  }
0x9a: {  	v12 =	vbroadcast v12, $0xF;
	v56 =	vld [tilespmem:$0x67B0];
	v30 =	vsel vm4, v57, v55;
	v60 =	vbroadcast v37, $0xF;
	v33, _, _ =	vpop (xrf0);
	(xrf0) =	vmax.scan.msk.f32 $0xffff, v63  }
0x9b: {  	v28 =	vsel vm11, v28, v52;
	v59 =	vld [tilespmem:$0x67C0];
	v30 =	vsel vm5, v30, v58;
	v62 =	vbroadcast v38, $0xF;
	v34, _, _ =	vpop (xrf0);
	(xrf0) =	vmax.scan.msk.f32 $0xffff, v46  }
0x9c: {  	v13 =	vsel vm12, v28, v13;
	v43 =	vbroadcast v39, $0xF;
	v61 =	vld [tilespmem:$0x67D0];
	v41 =	vsel vm1, v30, v60;
	v36, _, _ =	vpop (xrf0);
	(xrf0) =	vmax.scan.msk.f32 $0xffff, v50  }
0x9d: {  	v24 =	vbroadcast v24, $0xF;
	v12 =	vsel vm13, v13, v12;
	v63 =	vld [tilespmem:$0x67E0];
	v13 =	vsel vm2, v41, v62;
	v38, _, _ =	vpop (xrf0);
	(xrf0) =	vmax.scan.msk.f32 $0xffff, v51  }
0x9e: {  	v5 =	vsel vm14, v12, v5;
	v46 =	vld [tilespmem:$0x67F0];
	v12 =	vsel vm6, v13, v43;
	v13 =	vbroadcast v19, $0xF;
	v32, _, _ =	vpop (xrf0);
	(xrf0) =	vmax.scan.msk.f32 $0xffff, v53  }
0x9f: {  	v16 =	vbroadcast v16, $0xF;
	v20 =	vbroadcast v20, $0xF;
	v49 =	vld [tilespmem:$0x6800];
	v12 =	vsel vm7, v12, v24;
	v28, _, _ =	vpop (xrf0);
	(xrf0) =	vmax.scan.msk.f32 $0xffff, v56  }
0xa0: {  	v52 =	vbroadcast v44, $0xF;
	v50 =	vld [tilespmem:$0x6810];
	v12 =	vsel vm8, v12, v13;
	v13 =	vbroadcast v42, $0xF;
	v19, _, _ =	vpop (xrf0);
	(xrf0) =	vmax.scan.msk.f32 $0xffff, v59  }
0xa1: {  	v14 =	vbroadcast v14, $0xF;
	v54 =	vbroadcast v45, $0xF;
	v51 =	vld [tilespmem:$0x6820];
	v12 =	vsel vm9, v12, v16;
	v24, _, _ =	vpop (xrf0);
	(xrf0) =	vmax.scan.msk.f32 $0xffff, v61  }
0xa2: {  	v53 =	vld [tilespmem:$0x6830];
	v56 =	vbroadcast v47, $0xF;
	v12 =	vsel vm10, v12, v20;
	v13 =	vsel vm0, v13, v52;
	v37, _, _ =	vpop (xrf0);
	(xrf0) =	vmax.scan.msk.f32 $0xffff, v63  }
0xa3: {  	v55 =	vld [tilespmem:$0x6840];
	v12 =	vsel vm11, v12, v14;
	v13 =	vsel vm3, v13, v54;
	v14 =	vbroadcast v48, $0xF;
	v40, _, _ =	vpop (xrf0);
	(xrf0) =	vmax.scan.msk.f32 $0xffff, v46  }
0xa4: {  	v9 =	vbroadcast v9, $0xF;
	v57 =	vld [tilespmem:$0x6850];
	v59 =	vbroadcast v25, $0xF;
	v13 =	vsel vm4, v13, v56;
	v35, _, _ =	vpop (xrf0);
	(xrf0) =	vmax.scan.msk.f32 $0xffff, v49  }
0xa5: {  	v8 =	vbroadcast v8, $0xF;
	v58 =	vld [tilespmem:$0x6860];
	v13 =	vsel vm5, v13, v14;
	v14 =	vbroadcast v23, $0xF;
	v16, _, _ =	vpop (xrf0);
	(xrf0) =	vmax.scan.msk.f32 $0xffff, v50  }
0xa6: {  	v60 =	vld [tilespmem:$0x6870];
	v9 =	vsel vm12, v12, v9;
	v12 =	vsel vm1, v13, v59;
	v13 =	vbroadcast v22, $0xF;
	v25, _, _ =	vpop (xrf0);
	(xrf0) =	vmax.scan.msk.f32 $0xffff, v51  }
0xa7: {  	v61 =	vld [tilespmem:$0x6880];
	v9 =	vsel vm13, v9, v8;
	v12 =	vsel vm2, v12, v14;
	v14 =	vbroadcast v21, $0xF;
	v23, _, _ =	vpop (xrf0);
	(xrf0) =	vmax.scan.msk.f32 $0xffff, v53  }
0xa8: {  	v62 =	vld [tilespmem:$0x6890];
	v6 =	vsel vm14, v9, v6;
	v9 =	vsel vm6, v12, v13;
	v12 =	vbroadcast v17, $0xF;
	v20, _, _ =	vpop (xrf0);
	(xrf0) =	vmax.scan.msk.f32 $0xffff, v55  }
0xa9: {  	v45 =	vbroadcast v34, $0xF;
	v63 =	vld [tilespmem:$0x68A0];
	v9 =	vsel vm7, v9, v14;
	v14 =	vbroadcast v18, $0xF;
	v8, _, _ =	vpop (xrf0);
	(xrf0) =	vmax.scan.msk.f32 $0xffff, v57  }
0xaa: {  	v41 =	vld [tilespmem:$0x68B0];
	v42 =	vbroadcast v26, $0xF;
	v9 =	vsel vm8, v9, v12;
	v12 =	vbroadcast v33, $0xF;
	v13, _, _ =	vpop (xrf0);
	(xrf0) =	vmax.scan.msk.f32 $0xffff, v58  }
0xab: {  	v44 =	vld [tilespmem:$0x68C0];
	v9 =	vsel vm9, v9, v14;
	v14 =	vbroadcast v15, $0xF;
	v15 =	vbroadcast v36, $0xF;
	v43, _, _ =	vpop (xrf0);
	(xrf0) =	vmax.scan.msk.f32 $0xffff, v60  }
0xac: {  	v47 =	vld [tilespmem:$0x68D0];
	v50 =	vbroadcast v38, $0xF;
	v9 =	vsel vm10, v9, v42;
	v12 =	vsel vm0, v12, v45;
	v46, _, _ =	vpop (xrf0);
	(xrf0) =	vmax.scan.msk.f32 $0xffff, v61  }
0xad: {  	v49 =	vld [tilespmem:$0x68E0];
	v9 =	vsel vm11, v9, v14;
	v12 =	vsel vm3, v12, v15;
	v14 =	vbroadcast v32, $0xF;
	v48, _, _ =	vpop (xrf0);
	(xrf0) =	vmax.scan.msk.f32 $0xffff, v62  }
0xae: {  	v10 =	vbroadcast v10, $0xF;
	v52 =	vld [tilespmem:$0x68F0];
	v54 =	vbroadcast v28, $0xF;
	v12 =	vsel vm4, v12, v50;
	v51, _, _ =	vpop (xrf0);
	(xrf0) =	vmax.scan.msk.f32 $0xffff, v63  }
0xaf: {  	v11 =	vbroadcast v11, $0xF;
	v53 =	vld [tilespmem:$0x6900];
	v12 =	vsel vm5, v12, v14;
	v14 =	vbroadcast v19, $0xF;
	v15, _, _ =	vpop (xrf0);
	(xrf0) =	vmax.scan.msk.f32 $0xffff, v41  }
0xb0: {  	v56 =	vld [tilespmem:$0x6910];
	v9 =	vsel vm12, v9, v10;
	v10 =	vsel vm1, v12, v54;
	v12 =	vbroadcast v24, $0xF;
	v55, _, _ =	vpop (xrf0);
	(xrf0) =	vmax.scan.msk.f32 $0xffff, v44  }
0xb1: {  	v58 =	vld [tilespmem:$0x6920];
	v9 =	vsel vm13, v9, v11;
	v11 =	vbroadcast v37, $0xF;
	v10 =	vsel vm2, v10, v14;
	v57, _, _ =	vpop (xrf0);
	(xrf0) =	vmax.scan.msk.f32 $0xffff, v47  }
0xb2: {  	v60 =	vld [tilespmem:$0x6930];
	v7 =	vsel vm14, v9, v7;
	v9 =	vsel vm6, v10, v12;
	v10 =	vbroadcast v40, $0xF;
	v59, _, _ =	vpop (xrf0);
	(xrf0) =	vmax.scan.msk.f32 $0xffff, v49  }
0xb3: {  	v16 =	vbroadcast v16, $0xF;
	v61 =	vld [tilespmem:$0x6940];
	v9 =	vsel vm7, v9, v11;
	v11 =	vbroadcast v35, $0xF;
	v14, _, _ =	vpop (xrf0);
	(xrf0) =	vmax.scan.msk.f32 $0xffff, v52  }
0xb4: {  	v62 =	vld [tilespmem:$0x6950];
	v9 =	vsel vm8, v9, v10;
	v10 =	vbroadcast v13, $0xF;
	v13 =	vbroadcast v43, $0xF;
	v12, _, _ =	vpop (xrf0);
	(xrf0) =	vmax.scan.msk.f32 $0xffff, v53  }
0xb5: {  	v34 =	vld [tilespmem:$0x6960];
	v37 =	vbroadcast v46, $0xF;
	v9 =	vsel vm9, v9, v11;
	v11 =	vbroadcast v25, $0xF;
	v63, _, _ =	vpop (xrf0);
	(xrf0) =	vmax.scan.msk.f32 $0xffff, v56  }
0xb6: {  	v36 =	vld [tilespmem:$0x6970];
	v9 =	vsel vm10, v9, v16;
	v10 =	vsel vm0, v10, v13;
	v13 =	vbroadcast v48, $0xF;
	v35, _, _ =	vpop (xrf0);
	(xrf0) =	vmax.scan.msk.f32 $0xffff, v58  }
0xb7: {  	v39 =	vld [tilespmem:$0x6980];
	v9 =	vsel vm11, v9, v11;
	v10 =	vsel vm3, v10, v37;
	v11 =	vbroadcast v51, $0xF;
	v38, _, _ =	vpop (xrf0);
	(xrf0) =	vmax.scan.msk.f32 $0xffff, v60  }
0xb8: {  	v23 =	vbroadcast v23, $0xF;
	v41 =	vld [tilespmem:$0x6990];
	v10 =	vsel vm4, v10, v13;
	v13 =	vbroadcast v15, $0xF;
	v40, _, _ =	vpop (xrf0);
	(xrf0) =	vmax.scan.msk.f32 $0xffff, v61  }
0xb9: {  	v20 =	vbroadcast v20, $0xF;
	v43 =	vld [tilespmem:$0x69A0];
	v10 =	vsel vm5, v10, v11;
	v11 =	vbroadcast v55, $0xF;
	v42, _, _ =	vpop (xrf0);
	(xrf0) =	vmax.scan.msk.f32 $0xffff, v62  }
0xba: {  	v44 =	vld [tilespmem:$0x69B0];
	v12 =	vbroadcast v12, $0xF;
	v10 =	vsel vm1, v10, v13;
	v13 =	vbroadcast v57, $0xF;
	v15, _, _ =	vpop (xrf0);
	(xrf0) =	vmax.scan.msk.f32 $0xffff, v34  }
0xbb: {  	v46 =	vld [tilespmem:$0x69C0];
	v9 =	vsel vm12, v9, v23;
	v10 =	vsel vm2, v10, v11;
	v11 =	vbroadcast v59, $0xF;
	v45, _, _ =	vpop (xrf0);
	(xrf0) =	vmax.scan.msk.f32 $0xffff, v36  }
0xbc: {  	v48 =	vld [tilespmem:$0x69D0];
	v9 =	vsel vm13, v9, v20;
	v10 =	vsel vm6, v10, v13;
	v13 =	vbroadcast v14, $0xF;
	v47, _, _ =	vpop (xrf0);
	(xrf0) =	vmax.scan.msk.f32 $0xffff, v39  }
0xbd: {  	v50 =	vld [tilespmem:$0x69E0];
	v10 =	vsel vm7, v10, v11;
	v11 =	vbroadcast v15, $0xF;
	v15 =	vbroadcast v45, $0xF;
	v49, _, _ =	vpop (xrf0);
	(xrf0) =	vmax.scan.msk.f32 $0xffff, v41  }
0xbe: {  	v51 =	vld [tilespmem:$0x69F0];
	v8 =	vsel vm14, v9, v8;
	v9 =	vsel vm8, v10, v13;
	v10 =	vbroadcast v47, $0xF;
	v14, _, _ =	vpop (xrf0);
	(xrf0) =	vmax.scan.msk.f32 $0xffff, v43  }
0xbf: {  	v53 =	vld [tilespmem:$0x6A00];
	v9 =	vsel vm9, v9, v12;
	v11 =	vsel vm0, v11, v15;
	v12 =	vbroadcast v49, $0xF;
	v52, _, _ =	vpop (xrf0);
	(xrf0) =	vmax.scan.msk.f32 $0xffff, v44  }
0xc0: {  	v10 =	vsel vm3, v11, v10;
	v11 =	vbroadcast v14, $0xF;
	v13, _, _ =	vpop (xrf0);
	(xrf0) =	vmax.scan.msk.f32 $0xffff, v46  }
0xc1: {  	v15, _, _ =	vpop (xrf0);
	(xrf0) =	vmax.scan.msk.f32 $0xffff, v48  }
0xc2: {  	v54 =	vld [tilespmem:$0x6A10];
	v13 =	vbroadcast v13, $0xF;
	v14, _, _ =	vpop (xrf0);
	(xrf0) =	vmax.scan.msk.f32 $0xffff, v50  }
0xc3: {  	v55 =	vld [tilespmem:$0x6A20];
	v10 =	vsel vm4, v10, v12;
	v21 =	vbroadcast v52, $0xF;
	v15 =	vbroadcast v15, $0xF;
	v12, _, _ =	vpop (xrf0);
	(xrf0) =	vmax.scan.msk.f32 $0xffff, v51  }
0xc4: {  	v57 =	vld [tilespmem:$0x6A30];
	v10 =	vsel vm5, v10, v11;
	v14 =	vbroadcast v14, $0xF;
	v11, _, _ =	vpop (xrf0);
	(xrf0) =	vmax.scan.msk.f32 $0xffff, v53  }
0xc5: {  	v10 =	vsel vm1, v10, v21;
	v59, _, _ =	vpop (xrf0)  }
0xc6: {  	v56 =	vbroadcast v63, $0xF;
	v58 =	vbroadcast v35, $0xF;
	v10 =	vsel vm2, v10, v13;
	v13, _, _ =	vpop (xrf0)  }
0xc7: {  	v60 =	vbroadcast v38, $0xF;
	v10 =	vsel vm6, v10, v15;
	v12 =	vbroadcast v12, $0xF;
	(xrf0) =	vmax.scan.msk.f32 $0xffff, v54;
	v15, _, _ =	vpop (xrf0)  }
0xc8: {  	v16 =	vbroadcast v40, $0xF;
	v10 =	vsel vm7, v10, v14;
	v11 =	vbroadcast v11, $0xF;
	(xrf0) =	vmax.scan.msk.f32 $0xffff, v55;
	v14, _, _ =	vpop (xrf0)  }
0xc9: {  	v9 =	vsel vm10, v9, v56;
	v10 =	vsel vm8, v10, v12;
	v12 =	vbroadcast v59, $0xF;
	(xrf0) =	vmax.scan.msk.f32 $0xffff, v57;
	v61, _, _ =	vpop (xrf0)  }
0xca: {  	v9 =	vsel vm11, v9, v58;
	v10 =	vsel vm9, v10, v11;
	v11 =	vbroadcast v13, $0xF;
	v13, _, _ =	vpop (xrf0)  }
0xcb: {  	[tilespmem:$0x6A80] =	vst v5;
	v9 =	vsel vm12, v9, v60;
	v5 =	vsel vm10, v10, v12;
	v12 =	vbroadcast v13, $0xF  }
0xcc: {  	v9 =	vsel vm13, v9, v16;
	v10 =	vbroadcast v15, $0xF  }
0xcd: {  	[tilespmem:$0x6A90] =	vst v6;
	v9 =	vsel vm14, v9, v42;
	v5 =	vsel vm11, v5, v11;
	v6 =	vbroadcast v14, $0xF;
	v13, _, _ =	vpop (xrf0)  }
0xce: {  	vm1 =	vcmask $0x310;
	v14 =	vld [tilespmem:$0x6A80];
	v5 =	vsel vm12, v5, v10;
	v11 =	vbroadcast v13, $0xF;
	v13, _, _ =	vpop (xrf0)  }
0xcf: {  	[tilespmem:$0x6AA0] =	vst v7;
	v5 =	vsel vm13, v5, v6;
	v7 =	vnsel vm0, $0xF149F2CA, v12;
	v10 =	vbroadcast v13, $0xF;
	v13 =	vld [tilespmem:$0x6A90];
	v12, _, _ =	vpop (xrf0)  }
0xd0: {  	[tilespmem:$0x6AB0] =	vst v8;
	v6 =	vsel vm1, v7, v11;
	v11 =	vld [tilespmem:$0x6AA0];
	vm1 =	vcmask $0x710;
	v7 =	vbroadcast v12, $0xF  }
0xd1: {  	[tilespmem:$0x6AC0] =	vst v9;
	v5 =	vsel vm14, v5, v61;
	v6 =	vsel vm1, v6, v10;
	v10 =	vld [tilespmem:$0x6AB0]  }
0xd2: {  	[tilespmem:$0x6AD0] =	vst v5;
	v5 =	vsel vm15, v6, v7;
	v6 =	vld [tilespmem:$0x6AC0]  }
0xd3: {  	[tilespmem:$0x6AE0] =	vst v5;
	v5 =	vld [tilespmem:$0x6AD0]  }
0xd4: {  	v7 =	vmax.f32 v14, v13;
	v8 =	vld [tilespmem:$0x6AE0]  }
0xd5: {  	v7 =	vmax.f32 v7, v11  }
0xd6: {  	v7 =	vmax.f32 v7, v10  }
0xd7: {  	v7 =	vmax.f32 v7, v6  }
0xd8: {  	v7 =	vmax.f32 v7, v5  }
0xd9: {  	v7 =	vmax.f32 v7, v8  }
0xda: {  	(xrf0) =	vmax.scan.msk.f32 $0xffff, v7;
	_ =	sdelay $0x5  }
0xdb: {  	v7, _, _ =	vpop (xrf0)  }
0xdc: {  	v12 =	vbroadcast v7, $0xF;
	_ =	sdelay $0x1  }
0xdd: {  	v7 =	vor.u32 $0x80000060, v3;
	vm15 =	veq.f32 v8, v12  }
0xde: {  	v8 =	vor.u32 $0x80000050, v3;
	vm1 =	veq.f32 v5, v12;
	v5 =	vnsel vm15, $0xC0000000, v7  }
0xdf: {  	v9 =	vor.u32 $0x80000040, v3;
	vm15 =	veq.f32 v6, v12;
	v5 =	vsel vm1, v8, v5  }
0xe0: {  	vm1 =	veq.f32 v10, v12;
	v10 =	vor.u32 $0x80000030, v3;
	v5 =	vsel vm15, v9, v5  }
0xe1: {  	vm15 =	veq.f32 v11, v12;
	v11 =	vor.u32 $0x80000020, v3;
	v5 =	vsel vm1, v10, v5  }
0xe2: {  	vm1 =	veq.f32 v13, v12;
	v6 =	vsel vm15, v11, v5;
	v5 =	vor.u32 $0x80000010, v3  }
0xe3: {  	vm15 =	veq.f32 v14, v12;
	v13 =	vsel vm1, v5, v6;
	v6 =	vor.u32 $0x80000000, v3  }
0xe4: {  	v13 =	vsel vm15, v6, v13  }
0xe5: {  	(xrf0) =	vmin.scan.msk.u32 $0xffff, v13;
	_ =	sdelay $0x5  }
0xe6: {  	v13, _, _ =	vpop (xrf0)  }
0xe7: {  	(v2sf) =	vpush v13, $0xF;
	_ =	sdelay $0x2  }
0xe8: {  	[tilespmem:$0x6B80] =	vst v1  }
0xe9: {  	[tilespmem:$0x6B00] =	vst v2  }
0xea: {  	[tilespmem:$0x6B90] =	vst v1  }
0xeb: {  	[tilespmem:$0x6B10] =	vst v2  }
0xec: {  	[tilespmem:$0x6BA0] =	vst v1  }
0xed: {  	[tilespmem:$0x6B20] =	vst v2  }
0xee: {  	[tilespmem:$0x6BB0] =	vst v1  }
0xef: {  	[tilespmem:$0x6B30] =	vst v2  }
0xf0: {  	[tilespmem:$0x6BC0] =	vst v1  }
0xf1: {  	[tilespmem:$0x6B40] =	vst v2  }
0xf2: {  	[tilespmem:$0x6BD0] =	vst v1  }
0xf3: {  	[tilespmem:$0x6B50] =	vst v2  }
0xf4: {  	[tilespmem:$0x6BE0] =	vst v1;
	s16 =	spop (v2sf)  }
0xf5: {  	[tilespmem:$0x6B60] =	vst v2;
	s1 =	sshll.u32 s16, $0x4  }
0xf6: {  	v13 =	vld [tilespmem:s1+$0x6400];
	_ =	sdelay $0x4  }
0xf7: {  	vm15 =	veq.f32 v13, v12  }
0xf8: {  	v14 =	vnsel vm15, $0xC0000000, v6  }
0xf9: {  	(xrf0) =	vmin.scan.msk.u32 $0xffff, v14;
	_ =	sdelay $0x5  }
0xfa: {  	v14, _, _ =	vpop (xrf0)  }
0xfb: {  	(v2sf) =	vpush v14, $0xF;
	_ =	sdelay $0xe  }
0xfc: {  	s13 =	spop (v2sf)  }
0xfd: {  	s14 =	sadd.s32 s13, s1  }
0xfe: {  	s14 =	sshll.u32 s14, $0x4  }
0xff: {  	v14 =	vld [tilespmem:s14+$0x0];
	_ =	sdelay $0x4  }
0x100: {  	vm15 =	veq.f32 v14, v12  }
0x101: {  	v12 =	vnsel vm15, $0xC0000000, v6  }
0x102: {  	(xrf0) =	vmin.scan.msk.u32 $0xffff, v12;
	_ =	sdelay $0x5  }
0x103: {  	v12, _, _ =	vpop (xrf0)  }
0x104: {  	(v2sf) =	vpush v12, $0xF;
	_ =	sdelay $0xe  }
0x105: {  	s26 =	spop (v2sf)  }
0x106: {  	s23 =	sxor.u32 $0x80000000, s26  }
0x107: {  	v12 =	vmov s23  }
0x108: {  	vm15 =	veq.s32 v12, v3  }
0x109: {  	v12 =	vsel vm15, $0xF149F2CA, v14  }
0x10a: {  	(xrf0) =	vmax.scan.msk.f32 $0xffff, v12;
	_ =	sdelay $0x2  }
0x10b: {  	s24 =	simm.s32 $0x0  }
0x10c: {  	s22 =	sand.u32 $0x70, s24  }
0x10d: {  	v14 =	vld [tilespmem:s22+$0x6B00]  }
0x10e: {  	s28 =	sand.u32 $0xF, s24;
	s25 =	sxor.u32 $0x80000000, s16;
	s13 =	sxor.u32 $0x80000000, s13;
	v15, _, _ =	vpop (xrf0)  }
0x10f: {  	p0 =	sgt.s32 s16, $0xFFFFFFFF;
	s0 =	sand.u32 $0xF, s16;
	p1 =	slt.s32 s25, $0x1;
	v62 =	vmov s13;
	v15 =	vbroadcast v15, $0xF  }
0x110: {  	v63 =	vmov s28;
	s29 =	sshra.s32 s25, $0x1F;
	p6 =	sne.s32 s0, $0x0;
	p0 =	por p0, p1;
	vm15 =	veq.s32 v62, v3  }
0x111: {  	vm1 =	veq.s32 v63, v3;
	s30 =	sshrl.u32 s29, $0x1C;
	p0 =	por !p6, !p0;
	s31 =	sadd.s32 s23, s14;
	v13 =	vsel vm15, v15, v13  }
0x112: {  	s0 =	sadd.s32 s30, s25;
	p0 =	por !p0, !p0;
	s23 =	simm.s32 $0x1;
	v14 =	vsel vm1, s31, v14;
	(xrf0) =	vmax.scan.msk.f32 $0xffff, v13  }
0x113: {  	s0 =	sshrl.u32 s0, $0x4;
	s23 =	simm.s32 @!p0 $0x0;
	[tilespmem:s22+$0x6B00] =	vst v14  }
0x114: {  	s0 =	ssub.s32 s0, s23;
	[tilespmem:s14+$0x0] =	vst v12  }
0x115: {  	[tilespmem:s1+$0x6400] =	vst v13;
	s1 =	sshll.u32 s0, $0x4  }
0x116: {  	v12 =	vld [tilespmem:s1+$0x6A80];
	_ =	sdelay $0x1  }
0x117: {  	s0 =	ssub.s32 s25, s1;
	v13, _, _ =	vpop (xrf0)  }
0x118: {  	v15 =	vimm.s32 $0x0;
	v14 =	vmov s0;
	v13 =	vbroadcast v13, $0xF  }
0x119: {  	v15 =	vsel vm1, $0xFFFFFFFF, v15;
	vm15 =	veq.s32 v14, v3  }
0x11a: {  	[tilespmem:$0x1FF70] =	vst v15;
	s0 =	simm.s32 $0x1;
	v12 =	vsel vm15, v13, v12  }
.LBB2_5:
0x11b: {  	p0 =	sne.s32 s0, $0x63;
	[tilespmem:s1+$0x6A80] =	vst v12;
	s23 =	smov.u32 s0;
	s0 =	sadd.s32 $0x1, s0  }
0x11c: {  	v12 =	vld [tilespmem:$0x6A80]  }
0x11d: {  	v13 =	vld [tilespmem:$0x6A90]  }
0x11e: {  	v14 =	vld [tilespmem:$0x6AA0]  }
0x11f: {  	v15 =	vld [tilespmem:$0x6AB0]  }
0x120: {  	v16 =	vld [tilespmem:$0x6AC0]  }
0x121: {  	v17 =	vld [tilespmem:$0x6AD0]  }
0x122: {  	v18 =	vmax.f32 v12, v13;
	v19 =	vld [tilespmem:$0x6AE0]  }
0x123: {  	v18 =	vmax.f32 v18, v14  }
0x124: {  	v18 =	vmax.f32 v18, v15  }
0x125: {  	v18 =	vmax.f32 v18, v16  }
0x126: {  	v18 =	vmax.f32 v18, v17  }
0x127: {  	v18 =	vmax.f32 v18, v19  }
0x128: {  	(xrf0) =	vmax.scan.msk.f32 $0xffff, v18;
	_ =	sdelay $0x5  }
0x129: {  	v18, _, _ =	vpop (xrf0)  }
0x12a: {  	v18 =	vbroadcast v18, $0xF;
	_ =	sdelay $0x1  }
0x12b: {  	vm15 =	veq.f32 v14, v18;
	vm1 =	veq.f32 v15, v18;
	vm2 =	veq.f32 v19, v18  }
0x12c: {  	vm3 =	veq.f32 v13, v18;
	vm4 =	veq.f32 v17, v18;
	v13 =	vnsel vm2, $0xC0000000, v7  }
0x12d: {  	vm5 =	veq.f32 v16, v18;
	vm2 =	veq.f32 v12, v18;
	v12 =	vsel vm4, v8, v13  }
0x12e: {  	v12 =	vsel vm5, v9, v12  }
0x12f: {  	v12 =	vsel vm1, v10, v12  }
0x130: {  	v12 =	vsel vm15, v11, v12  }
0x131: {  	v12 =	vsel vm3, v5, v12  }
0x132: {  	v12 =	vsel vm2, v6, v12  }
0x133: {  	(xrf0) =	vmin.scan.msk.u32 $0xffff, v12;
	_ =	sdelay $0x5  }
0x134: {  	v12, _, _ =	vpop (xrf0)  }
0x135: {  	(v2sf) =	vpush v12, $0xF;
	_ =	sdelay $0xe  }
0x136: {  	s13 =	spop (v2sf)  }
0x137: {  	s24 =	sxor.u32 $0x80000000, s13;
	s1 =	sshll.u32 s13, $0x4;
	s14 =	sand.u32 $0xF, s13  }
0x138: {  	p2 =	sgt.s32 s13, $0xFFFFFFFF;
	v12 =	vld [tilespmem:s1+$0x6400];
	s25 =	sshra.s32 s24, $0x1F;
	p1 =	slt.s32 s24, $0x1  }
0x139: {  	s13 =	sshrl.u32 s25, $0x1C;
	p1 =	por p2, p1;
	p2 =	sne.s32 s14, $0x0  }
0x13a: {  	s13 =	sadd.s32 s13, s24;
	p1 =	por !p2, !p1  }
0x13b: {  	s14 =	simm.s32 $0x1;
	p1 =	por !p1, !p1  }
0x13c: {  	s13 =	sshrl.u32 s13, $0x4;
	s14 =	simm.s32 @!p1 $0x0  }
0x13d: {  	vm1 =	veq.f32 v12, v18;
	s25 =	ssub.s32 s13, s14  }
0x13e: {  	v13 =	vnsel vm1, $0xC0000000, v6  }
0x13f: {  	(xrf0) =	vmin.scan.msk.u32 $0xffff, v13;
	_ =	sdelay $0x5  }
0x140: {  	v13, _, _ =	vpop (xrf0)  }
0x141: {  	(v2sf) =	vpush v13, $0xF;
	_ =	sdelay $0xe  }
0x142: {  	s13 =	spop (v2sf)  }
0x143: {  	s14 =	sxor.u32 $0x80000000, s13;
	s13 =	sadd.s32 s13, s1  }
0x144: {  	s13 =	sshll.u32 s13, $0x4;
	v13 =	vmov s14  }
0x145: {  	v14 =	vld [tilespmem:s13+$0x0];
	_ =	sdelay $0x4  }
0x146: {  	vm1 =	veq.f32 v14, v18  }
0x147: {  	v15 =	vnsel vm1, $0xC0000000, v6  }
0x148: {  	(xrf0) =	vmin.scan.msk.u32 $0xffff, v15;
	_ =	sdelay $0x5  }
0x149: {  	v15, _, _ =	vpop (xrf0)  }
0x14a: {  	(v2sf) =	vpush v15, $0xF;
	_ =	sdelay $0xb  }
0x14b: {  	s14 =	sand.u32 $0x70, s23  }
0x14c: {  	v15 =	vld [tilespmem:s14+$0x6B00];
	_ =	sdelay $0x1  }
0x14d: {  	s23 =	sand.u32 $0xF, s23;
	s26 =	spop (v2sf)  }
0x14e: {  	v16 =	vmov s23;
	s26 =	sxor.u32 $0x80000000, s26  }
0x14f: {  	vm1 =	veq.s32 v16, v3;
	s23 =	sadd.s32 s26, s13;
	v16 =	vmov s26  }
0x150: {  	v15 =	vsel vm1, s23, v15;
	vm1 =	veq.s32 v16, v3  }
0x151: {  	[tilespmem:s14+$0x6B00] =	vst v15;
	v14 =	vsel vm1, $0xF149F2CA, v14  }
0x152: {  	[tilespmem:s13+$0x0] =	vst v14;
	(xrf0) =	vmax.scan.msk.f32 $0xffff, v14;
	_ =	sdelay $0x5  }
0x153: {  	v14, _, _ =	vpop (xrf0)  }
0x154: {  	v14 =	vbroadcast v14, $0xF  }
0x155: {  	vm1 =	veq.s32 v13, v3  }
0x156: {  	v12 =	vsel vm1, v14, v12  }
0x157: {  	[tilespmem:s1+$0x6400] =	vst v12;
	(xrf0) =	vmax.scan.msk.f32 $0xffff, v12;
	_ =	sdelay $0x2  }
0x158: {  	s1 =	sshll.u32 s25, $0x4  }
0x159: {  	s13 =	ssub.s32 s24, s1;
	v12 =	vld [tilespmem:s1+$0x6A80]  }
.Ltmp2:
0x15a: {  	v13 =	vmov s13;
	(pc) =	sbr.rel @p0 .LBB2_5-.Ltmp2, $4  }
0x15b: {  	v14, _, _ =	vpop (xrf0)  }
0x15c: {  	v14 =	vbroadcast v14, $0xF  }
0x15d: {  	vm1 =	veq.s32 v13, v3  }
0x15e: {  	v12 =	vsel vm1, v14, v12  }
0x15f: {  	[tilespmem:s1+$0x6A80] =	vst v12  }
0x160: {  	v12 =	vld [tilespmem:$0x6B00]  }
0x161: {  	v13 =	vld [tilespmem:$0x6B10];
	_ =	sdelay $0x1  }
0x162: {  	v14 =	vld [tilespmem:$0x6B20];
	_ =	sdelay $0x1  }
0x163: {  	v15 =	vld [tilespmem:$0x6B30]  }
0x164: {  	vm1 =	vlt.s32 v12, v13  }
0x165: {  	v17 =	vld [tilespmem:$0x6B40];
	v16 =	vsel vm1, v12, v13  }
0x166: {  	vm1 =	vlt.s32 v16, v14  }
0x167: {  	v18 =	vld [tilespmem:$0x6B50];
	v16 =	vsel vm1, v16, v14  }
0x168: {  	vm1 =	vlt.s32 v16, v15  }
0x169: {  	v19 =	vld [tilespmem:$0x6B60];
	v16 =	vsel vm1, v16, v15  }
0x16a: {  	vm1 =	vlt.s32 v16, v17  }
0x16b: {  	v16 =	vsel vm1, v16, v17  }
0x16c: {  	vm1 =	vlt.s32 v16, v18  }
0x16d: {  	v16 =	vsel vm1, v16, v18  }
0x16e: {  	vm1 =	vlt.s32 v16, v19  }
0x16f: {  	v16 =	vsel vm1, v16, v19  }
0x170: {  	v16 =	vxor.u32 $0x80000000, v16  }
0x171: {  	(xrf0) =	vmin.scan.msk.u32 $0xffff, v16;
	_ =	sdelay $0x5  }
0x172: {  	v16, _, _ =	vpop (xrf0)  }
0x173: {  	(v2sf) =	vpush v16, $0xF;
	_ =	sdelay $0xe  }
0x174: {  	s0 =	spop (v2sf)  }
0x175: {  	s0 =	sxor.u32 $0x80000000, s0  }
0x176: {  	vm1 =	veq.s32 v19, s0  }
0x177: {  	vm2 =	veq.s32 v18, s0;
	v63 =	vnsel vm1, $0xC0000000, v7  }
0x178: {  	vm1 =	veq.s32 v17, s0;
	v16 =	vsel vm2, v8, v63  }
0x179: {  	vm2 =	veq.s32 v15, s0;
	v15 =	vsel vm1, v9, v16  }
0x17a: {  	vm1 =	veq.s32 v14, s0;
	v14 =	vsel vm2, v10, v15  }
0x17b: {  	vm2 =	veq.s32 v13, s0;
	v13 =	vsel vm1, v11, v14  }
0x17c: {  	vm1 =	veq.s32 v12, s0;
	v12 =	vsel vm2, v5, v13  }
0x17d: {  	v12 =	vsel vm1, v6, v12  }
0x17e: {  	(xrf0) =	vmin.scan.msk.u32 $0xffff, v12;
	_ =	sdelay $0x5  }
0x17f: {  	v12, _, _ =	vpop (xrf0)  }
0x180: {  	(v2sf) =	vpush v12, $0xF;
	_ =	sdelay $0xe  }
0x181: {  	s29 =	spop (v2sf)  }
0x182: {  	v13 =	vld [tilespmem:$0x1FF70];
	s13 =	sxor.u32 $0x80000000, s29  }
0x183: {  	v12 =	vld [tilespmem:s22+$0x6B80];
	s14 =	sand.u32 $0xF, s29;
	p1 =	sgt.s32 s29, $0xFFFFFFFF;
	p0 =	slt.s32 s13, $0x1  }
0x184: {  	s30 =	sshra.s32 s13, $0x1F;
	p6 =	sne.s32 s14, $0x0;
	p0 =	por p1, p0  }
0x185: {  	s1 =	sshrl.u32 s30, $0x1C;
	p0 =	por !p6, !p0  }
0x186: {  	s14 =	simm.s32 $0x1;
	s1 =	sadd.s32 s1, s13;
	p0 =	por !p0, !p0  }
0x187: {  	vm1 =	vnez.u8 v13;
	s1 =	sshrl.u32 s1, $0x4;
	s14 =	simm.s32 @!p0 $0x0  }
0x188: {  	v12 =	vsel vm1, s0, v12;
	s31 =	ssub.s32 s1, s14  }
0x189: {  	[tilespmem:s22+$0x6B80] =	vst v12;
	s1 =	sshll.u32 s31, $0x4  }
0x18a: {  	v12 =	vld [tilespmem:s1+$0x6B00];
	_ =	sdelay $0x1  }
0x18b: {  	s0 =	ssub.s32 s13, s1  }
0x18c: {  	v13 =	vmov s0  }
0x18d: {  	vm1 =	veq.s32 v13, v3  }
0x18e: {  	s0 =	simm.s32 $0x1;
	v12 =	vsel vm1, $0x40000000, v12  }
.LBB2_7:
0x18f: {  	p0 =	sne.s32 s0, $0x63;
	[tilespmem:s1+$0x6B00] =	vst v12;
	s1 =	smov.u32 s0;
	s0 =	sadd.s32 $0x1, s0  }
0x190: {  	v12 =	vld [tilespmem:$0x6B00]  }
0x191: {  	v13 =	vld [tilespmem:$0x6B10];
	_ =	sdelay $0x1  }
0x192: {  	v14 =	vld [tilespmem:$0x6B20];
	_ =	sdelay $0x1  }
0x193: {  	v15 =	vld [tilespmem:$0x6B30]  }
0x194: {  	vm1 =	vlt.s32 v12, v13  }
0x195: {  	v16 =	vsel vm1, v12, v13;
	v17 =	vld [tilespmem:$0x6B40]  }
0x196: {  	vm1 =	vlt.s32 v16, v14  }
0x197: {  	v16 =	vsel vm1, v16, v14;
	v18 =	vld [tilespmem:$0x6B50]  }
0x198: {  	vm1 =	vlt.s32 v16, v15  }
0x199: {  	v16 =	vsel vm1, v16, v15;
	v19 =	vld [tilespmem:$0x6B60]  }
0x19a: {  	vm1 =	vlt.s32 v16, v17  }
0x19b: {  	v16 =	vsel vm1, v16, v17  }
0x19c: {  	vm1 =	vlt.s32 v16, v18  }
0x19d: {  	v16 =	vsel vm1, v16, v18  }
0x19e: {  	vm1 =	vlt.s32 v16, v19  }
0x19f: {  	v16 =	vsel vm1, v16, v19  }
0x1a0: {  	v16 =	vxor.u32 $0x80000000, v16  }
0x1a1: {  	(xrf0) =	vmin.scan.msk.u32 $0xffff, v16;
	_ =	sdelay $0x5  }
0x1a2: {  	v16, _, _ =	vpop (xrf0)  }
0x1a3: {  	(v2sf) =	vpush v16, $0xF;
	_ =	sdelay $0xc  }
0x1a4: {  	s13 =	sand.u32 $0x70, s1  }
0x1a5: {  	v16 =	vld [tilespmem:s13+$0x6B80]  }
0x1a6: {  	s14 =	spop (v2sf)  }
0x1a7: {  	s1 =	sand.u32 $0xF, s1;
	s14 =	sxor.u32 $0x80000000, s14  }
0x1a8: {  	vm1 =	veq.s32 v14, s14;
	vm2 =	veq.s32 v19, s14;
	v14 =	vmov s1  }
0x1a9: {  	vm3 =	veq.s32 v18, s14;
	v18 =	vnsel vm2, $0xC0000000, v7;
	vm2 =	veq.s32 v14, v3  }
0x1aa: {  	vm4 =	veq.s32 v17, s14;
	v14 =	vsel vm3, v8, v18;
	v16 =	vsel vm2, s14, v16  }
0x1ab: {  	vm2 =	veq.s32 v13, s14;
	vm3 =	veq.s32 v15, s14;
	v13 =	vsel vm4, v9, v14;
	[tilespmem:s13+$0x6B80] =	vst v16  }
0x1ac: {  	vm4 =	veq.s32 v12, s14;
	v12 =	vsel vm3, v10, v13  }
0x1ad: {  	v12 =	vsel vm1, v11, v12  }
0x1ae: {  	v12 =	vsel vm2, v5, v12  }
0x1af: {  	v12 =	vsel vm4, v6, v12  }
0x1b0: {  	(xrf0) =	vmin.scan.msk.u32 $0xffff, v12;
	_ =	sdelay $0x5  }
0x1b1: {  	v12, _, _ =	vpop (xrf0)  }
0x1b2: {  	(v2sf) =	vpush v12, $0xF;
	_ =	sdelay $0xe  }
0x1b3: {  	s1 =	spop (v2sf)  }
0x1b4: {  	s13 =	sxor.u32 $0x80000000, s1;
	s14 =	sand.u32 $0xF, s1  }
0x1b5: {  	p2 =	sgt.s32 s1, $0xFFFFFFFF;
	s22 =	sshra.s32 s13, $0x1F;
	p1 =	slt.s32 s13, $0x1  }
0x1b6: {  	s1 =	sshrl.u32 s22, $0x1C;
	p1 =	por p2, p1;
	p2 =	sne.s32 s14, $0x0  }
0x1b7: {  	s1 =	sadd.s32 s1, s13;
	p1 =	por !p2, !p1  }
0x1b8: {  	s14 =	simm.s32 $0x1;
	p1 =	por !p1, !p1  }
0x1b9: {  	s1 =	sshrl.u32 s1, $0x4;
	s14 =	simm.s32 @!p1 $0x0  }
0x1ba: {  	s1 =	ssub.s32 s1, s14  }
0x1bb: {  	s1 =	sshll.u32 s1, $0x4  }
0x1bc: {  	v12 =	vld [tilespmem:s1+$0x6B00];
	s13 =	ssub.s32 s13, s1  }
.Ltmp3:
0x1bd: {  	v13 =	vmov s13;
	(pc) =	sbr.rel @p0 .LBB2_7-.Ltmp3, $3  }
0x1be: {  	_ =	sdelay $0x1  }
0x1bf: {  	vm1 =	veq.s32 v13, v3  }
0x1c0: {  	v12 =	vsel vm1, $0x40000000, v12  }
0x1c1: {  	[tilespmem:s1+$0x6B00] =	vst v12  }
0x1c2: {  	v7 =	vld [tilespmem:$0x6B80]  }
0x1c3: {  	v8 =	vld [tilespmem:$0x6B90]  }
0x1c4: {  	v9 =	vld [tilespmem:$0x6BA0]  }
0x1c5: {  	v10 =	vld [tilespmem:$0x6BB0]  }
0x1c6: {  	v11 =	vld [tilespmem:$0x6BC0]  }
0x1c7: {  	v12 =	vld [tilespmem:$0x6BD0];
	v7 =	vadd.s32 v0, v7  }
0x1c8: {  	[tilespmem:$0x6C00] =	vst v7;
	v7 =	vadd.s32 v0, v8;
	v8 =	vld [tilespmem:$0x6BE0]  }
0x1c9: {  	[tilespmem:$0x6C10] =	vst v7;
	v7 =	vadd.s32 v0, v9  }
0x1ca: {  	[tilespmem:$0x6C20] =	vst v7;
	v7 =	vadd.s32 v0, v10  }
0x1cb: {  	[tilespmem:$0x6C30] =	vst v7;
	v7 =	vadd.s32 v0, v11  }
0x1cc: {  	[tilespmem:$0x6C40] =	vst v7;
	v7 =	vadd.s32 v0, v12  }
0x1cd: {  	[tilespmem:$0x6C50] =	vst v7;
	v7 =	vadd.s32 v0, v8  }
0x1ce: {  	s0 =	simm.s32 $0x70;
	s30 =	simm.s32 $0x6C00;
	s13 =	simm.s32 $0x6C80;
	[tilespmem:$0x6C60] =	vst v7  }
0x1cf: {  	[tilespmem:s13], [sflag:$0x1] =	stream.indirect.gather [hbm4b:s3+s0], $0x80, s30, s0, $0xb8;
	[tilespmem:$0xCA00] =	vst v63  }
0x1d0: {  	_ =	swait.ge [sflag:s12], $0x3800  }
0x1d1: {  	[sflag:s12] =	ssyncset.done $0x0  }
0x1d2: {  	[sflag:s12] =	ssyncadd.s32 $0xFFFFC800  }
0x1d3: {  	[tilespmem:$0xC3C0] =	vst v4  }
0x1d4: {  	[tilespmem:$0xC3D0] =	vst v4  }
0x1d5: {  	[tilespmem:$0xC3E0] =	vst v4  }
0x1d6: {  	[tilespmem:$0xC3F0] =	vst v4  }
0x1d7: {  	[tilespmem:$0xC400] =	vst v4  }
0x1d8: {  	[tilespmem:$0xC410] =	vst v4  }
0x1d9: {  	[tilespmem:$0xC420] =	vst v4  }
0x1da: {  	[tilespmem:$0xC430] =	vst v4  }
0x1db: {  	[tilespmem:$0xC440] =	vst v4  }
0x1dc: {  	[tilespmem:$0xC450] =	vst v4  }
0x1dd: {  	[tilespmem:$0xC460] =	vst v4  }
0x1de: {  	s31 =	simm.s32 $0x0;
	[tilespmem:$0xC470] =	vst v4  }
0x1df: {  	v7 =	vld [tilespmem:s31+$0x6C80];
	_ =	sdelay $0x3  }
0x1e0: {  	s1 =	simm.s32 $0xA4A0  }
0x1e1: {  	[tilespmem:s1+$0xFFFFFFE0] =	vst v7  }
0x1e2: {  	v7 =	vld [tilespmem:s31+$0x6C90];
	_ =	sdelay $0x4  }
0x1e3: {  	[tilespmem:s1+$0xFFFFFFF0] =	vst v7  }
0x1e4: {  	v7 =	vld [tilespmem:s31+$0x6CA0];
	_ =	sdelay $0x4  }
0x1e5: {  	[tilespmem:s1+$0x0] =	vst v7  }
0x1e6: {  	v7 =	vld [tilespmem:s31+$0x6CB0];
	_ =	sdelay $0x4  }
0x1e7: {  	[tilespmem:s1+$0x10] =	vst v7  }
0x1e8: {  	v7 =	vld [tilespmem:s31+$0x6CC0];
	_ =	sdelay $0x4  }
0x1e9: {  	s22 =	simm.s32 $0x400;
	vm6 =	vcmask $0xB10;
	s0 =	simm.s32 $0x0;
	s13 =	simm.s32 $0x80;
	[tilespmem:s1+$0x20] =	vst v7  }
.LBB2_9:
0x1ea: {  	p0 =	sne.s32 s22, $0xC600;
	v7 =	vld [tilespmem:s13+$0x6C80];
	_ =	sdelay $0x3  }
0x1eb: {  	s1 =	sadd.s32 $0x50, s1  }
0x1ec: {  	[tilespmem:s1+$0xFFFFFFE0] =	vst v7  }
0x1ed: {  	v7 =	vld [tilespmem:s13+$0x6C90];
	_ =	sdelay $0x4  }
0x1ee: {  	[tilespmem:s1+$0xFFFFFFF0] =	vst v7  }
0x1ef: {  	v7 =	vld [tilespmem:s13+$0x6CA0];
	_ =	sdelay $0x4  }
0x1f0: {  	[tilespmem:s1+$0x0] =	vst v7  }
0x1f1: {  	v7 =	vld [tilespmem:s13+$0x6CB0];
	_ =	sdelay $0x4  }
0x1f2: {  	[tilespmem:s1+$0x10] =	vst v7  }
0x1f3: {  	v7 =	vld [tilespmem:s13+$0x6CC0]  }
.Ltmp4:
0x1f4: {  	(pc) =	sbr.rel @p0 .LBB2_9-.Ltmp4, $2  }
0x1f5: {  	_ =	sdelay $0x2  }
0x1f6: {  	s13 =	sshra.s32 s22, $0x2;
	s22 =	sadd.s32 $0x200, s22;
	[tilespmem:s1+$0x20] =	vst v7  }
0x1f7: {  	v7 =	vld [tilespmem:s13+$0x6C80]  }
0x1f8: {  	v9 =	vld [tilespmem:$0x1FF80];
	_ =	sdelay $0x3  }
0x1f9: {  	s1 =	sadd.s32 $0x50, s1  }
0x1fa: {  	[tilespmem:s1+$0xFFFFFFE0] =	vst v7;
	vm3 =	vnez.u8 v9;
	v9 =	vld [tilespmem:$0x1FF90]  }
0x1fb: {  	v7 =	vld [tilespmem:s13+$0x6C90];
	_ =	sdelay $0x4  }
0x1fc: {  	vm4 =	vnez.u8 v9;
	v9 =	vld [tilespmem:$0x1FFA0];
	[tilespmem:s1+$0xFFFFFFF0] =	vst v7  }
0x1fd: {  	v7 =	vld [tilespmem:s13+$0x6CA0];
	_ =	sdelay $0x3  }
0x1fe: {  	vm5 =	vnez.u8 v9;
	v9 =	vld [tilespmem:$0x1FFB0]  }
0x1ff: {  	[tilespmem:s1+$0x0] =	vst v7  }
0x200: {  	v7 =	vld [tilespmem:s13+$0x6CB0];
	_ =	sdelay $0x2  }
0x201: {  	vm1 =	vnez.u8 v9;
	v9 =	vld [tilespmem:$0x1FFC0];
	_ =	sdelay $0x1  }
0x202: {  	[tilespmem:s1+$0x10] =	vst v7  }
0x203: {  	v7 =	vld [tilespmem:s13+$0x6CC0];
	_ =	sdelay $0x1  }
0x204: {  	vm2 =	vnez.u8 v9;
	v9 =	vld [tilespmem:$0x1FFD0];
	_ =	sdelay $0x2  }
0x205: {  	s22 =	simm.s32 $0xA500;
	[tilespmem:s1+$0x20] =	vst v7  }
0x206: {  	v8 =	vld [tilespmem:s22+$0xFFFFFF80]  }
0x207: {  	s1 =	simm.s32 $0x40;
	v7 =	vld [tilespmem:s22+$0xFFFFFF90];
	vm15 =	vnez.u8 v9  }
.LBB2_11:
0x208: {  	p0 =	sne.s32 s1, $0x7C0;
	v9 =	vld [tilespmem:s22+$0xFFFFFFA0]  }
0x209: {  	v10 =	vld [tilespmem:s22+$0xFFFFFFB0]  }
0x20a: {  	v11 =	vld [tilespmem:s22+$0xFFFFFFC0]  }
0x20b: {  	v12 =	vld [tilespmem:s22+$0xFFFFFFD0];
	(xrf0) =	vmax.scan.msk.f32 $0xffff, v8  }
0x20c: {  	v8 =	vld [tilespmem:s22+$0xFFFFFFE0];
	(xrf0) =	vmax.scan.msk.f32 $0xffff, v7  }
0x20d: {  	v7 =	vld [tilespmem:s22+$0xFFFFFFF0];
	(xrf0) =	vmax.scan.msk.f32 $0xffff, v9  }
0x20e: {  	v9 =	vld [tilespmem:s22+$0x0];
	(xrf0) =	vmax.scan.msk.f32 $0xffff, v10  }
0x20f: {  	v10 =	vld [tilespmem:s22+$0x10];
	(xrf0) =	vmax.scan.msk.f32 $0xffff, v11  }
0x210: {  	v11 =	vld [tilespmem:s22+$0x20];
	(xrf0) =	vmax.scan.msk.f32 $0xffff, v12  }
0x211: {  	v12 =	vld [tilespmem:s22+$0x30];
	v13, _, _ =	vpop (xrf0);
	(xrf0) =	vmax.scan.msk.f32 $0xffff, v8  }
0x212: {  	v8 =	vld [tilespmem:s22+$0x40];
	v14, _, _ =	vpop (xrf0);
	(xrf0) =	vmax.scan.msk.f32 $0xffff, v7  }
0x213: {  	v7 =	vbroadcast v13, $0xF;
	v17 =	vbroadcast v14, $0xF;
	v14 =	vld [tilespmem:s22+$0x50];
	v15, _, _ =	vpop (xrf0);
	(xrf0) =	vmax.scan.msk.f32 $0xffff, v9  }
0x214: {  	v9 =	vbroadcast v15, $0xF;
	v15 =	vld [tilespmem:s22+$0x60];
	v16, _, _ =	vpop (xrf0);
	(xrf0) =	vmax.scan.msk.f32 $0xffff, v10  }
0x215: {  	v7 =	vsel vm0, v7, v17;
	v10 =	vbroadcast v16, $0xF;
	v13, _, _ =	vpop (xrf0);
	(xrf0) =	vmax.scan.msk.f32 $0xffff, v11  }
0x216: {  	v7 =	vsel vm3, v7, v9;
	v13 =	vbroadcast v13, $0xF;
	v11, _, _ =	vpop (xrf0);
	(xrf0) =	vmax.scan.msk.f32 $0xffff, v12  }
0x217: {  	v7 =	vsel vm4, v7, v10;
	v16 =	vbroadcast v11, $0xF;
	v11 =	vld [tilespmem:s22+$0x70];
	v12, _, _ =	vpop (xrf0);
	(xrf0) =	vmax.scan.msk.f32 $0xffff, v8  }
0x218: {  	v7 =	vsel vm5, v7, v13;
	v8 =	vbroadcast v12, $0xF;
	v9, _, _ =	vpop (xrf0);
	(xrf0) =	vmax.scan.msk.f32 $0xffff, v14  }
0x219: {  	v7 =	vsel vm1, v7, v16;
	v9 =	vbroadcast v9, $0xF;
	v10, _, _ =	vpop (xrf0);
	(xrf0) =	vmax.scan.msk.f32 $0xffff, v15  }
0x21a: {  	v7 =	vsel vm2, v7, v8;
	v8 =	vbroadcast v10, $0xF;
	v10, _, _ =	vpop (xrf0)  }
0x21b: {  	v7 =	vsel vm15, v7, v9;
	v9 =	vbroadcast v10, $0xF;
	v10, _, _ =	vpop (xrf0)  }
0x21c: {  	v7 =	vsel vm7, v7, v8;
	v8 =	vbroadcast v10, $0xF;
	v10, _, _ =	vpop (xrf0);
	(xrf0) =	vmax.scan.msk.f32 $0xffff, v11  }
0x21d: {  	v7 =	vsel vm8, v7, v9;
	v9 =	vbroadcast v10, $0xF;
	v10, _, _ =	vpop (xrf0)  }
0x21e: {  	v7 =	vsel vm9, v7, v8;
	v8 =	vbroadcast v10, $0xF;
	v10, _, _ =	vpop (xrf0)  }
0x21f: {  	v7 =	vsel vm10, v7, v9;
	v9 =	vbroadcast v10, $0xF;
	v10, _, _ =	vpop (xrf0)  }
0x220: {  	v7 =	vsel vm11, v7, v8;
	v10 =	vbroadcast v10, $0xF  }
0x221: {  	v7 =	vsel vm12, v7, v9  }
.Ltmp5:
0x222: {  	v7 =	vsel vm13, v7, v10;
	v8, _, _ =	vpop (xrf0);
	(pc) =	sbr.rel @p0 .LBB2_11-.Ltmp5, $4  }
0x223: {  	s13 =	sshra.s32 s0, $0x2;
	s0 =	smov.u32 s1;
	v7 =	vsel vm14, v7, v8  }
0x224: {  	s22 =	sadd.s32 $0x100, s22;
	[tilespmem:s13+$0xC480] =	vst v7  }
0x225: {  	v8 =	vld [tilespmem:s22+$0xFFFFFF80]  }
0x226: {  	s1 =	sadd.s32 $0x40, s1;
	v7 =	vld [tilespmem:s22+$0xFFFFFF90]  }
0x227: {  	v9 =	vld [tilespmem:s22+$0xFFFFFFA0]  }
0x228: {  	v10 =	vld [tilespmem:s22+$0xFFFFFFB0]  }
0x229: {  	v11 =	vld [tilespmem:s22+$0xFFFFFFC0]  }
0x22a: {  	v12 =	vld [tilespmem:s22+$0xFFFFFFD0];
	(xrf0) =	vmax.scan.msk.f32 $0xffff, v8  }
0x22b: {  	(xrf0) =	vmax.scan.msk.f32 $0xffff, v7  }
0x22c: {  	v8 =	vld [tilespmem:s22+$0xFFFFFFE0];
	(xrf0) =	vmax.scan.msk.f32 $0xffff, v9  }
0x22d: {  	v7 =	vld [tilespmem:s22+$0xFFFFFFF0];
	(xrf0) =	vmax.scan.msk.f32 $0xffff, v10  }
0x22e: {  	v9 =	vld [tilespmem:s22+$0x0];
	(xrf0) =	vmax.scan.msk.f32 $0xffff, v11  }
0x22f: {  	v10 =	vld [tilespmem:s22+$0x10];
	(xrf0) =	vmax.scan.msk.f32 $0xffff, v12  }
0x230: {  	v11 =	vld [tilespmem:s22+$0x20];
	v13, _, _ =	vpop (xrf0)  }
0x231: {  	(xrf0) =	vmax.scan.msk.f32 $0xffff, v8;
	v14, _, _ =	vpop (xrf0)  }
0x232: {  	v51 =	vld [tilespmem:s22+$0x30];
	(xrf0) =	vmax.scan.msk.f32 $0xffff, v7;
	v7 =	vbroadcast v13, $0xF;
	v52 =	vbroadcast v14, $0xF;
	v15, _, _ =	vpop (xrf0)  }
0x233: {  	v8 =	vld [tilespmem:s22+$0x40];
	(xrf0) =	vmax.scan.msk.f32 $0xffff, v9;
	v9 =	vbroadcast v15, $0xF;
	v16, _, _ =	vpop (xrf0)  }
0x234: {  	v53 =	vld [tilespmem:s22+$0x50];
	(xrf0) =	vmax.scan.msk.f32 $0xffff, v10;
	v7 =	vsel vm0, v7, v52;
	v10 =	vbroadcast v16, $0xF;
	v55, _, _ =	vpop (xrf0)  }
0x235: {  	v54 =	vld [tilespmem:s22+$0x60];
	(xrf0) =	vmax.scan.msk.f32 $0xffff, v11;
	v7 =	vsel vm3, v7, v9;
	v9 =	vbroadcast v55, $0xF;
	v11, _, _ =	vpop (xrf0)  }
0x236: {  	v7 =	vsel vm4, v7, v10;
	v10 =	vbroadcast v11, $0xF  }
0x237: {  	(xrf0) =	vmax.scan.msk.f32 $0xffff, v51  }
0x238: {  	v56, _, _ =	vpop (xrf0);
	(xrf0) =	vmax.scan.msk.f32 $0xffff, v8  }
0x239: {  	v7 =	vsel vm5, v7, v9;
	v8 =	vbroadcast v56, $0xF;
	v9, _, _ =	vpop (xrf0);
	(xrf0) =	vmax.scan.msk.f32 $0xffff, v53  }
0x23a: {  	v11 =	vld [tilespmem:s22+$0x70];
	v7 =	vsel vm1, v7, v10;
	v9 =	vbroadcast v9, $0xF;
	v10, _, _ =	vpop (xrf0);
	(xrf0) =	vmax.scan.msk.f32 $0xffff, v54  }
0x23b: {  	v7 =	vsel vm2, v7, v8;
	v8 =	vbroadcast v10, $0xF;
	v10, _, _ =	vpop (xrf0)  }
0x23c: {  	v7 =	vsel vm15, v7, v9;
	v9 =	vbroadcast v10, $0xF;
	v10, _, _ =	vpop (xrf0)  }
0x23d: {  	v7 =	vsel vm7, v7, v8;
	v8 =	vbroadcast v10, $0xF;
	v10, _, _ =	vpop (xrf0)  }
0x23e: {  	v7 =	vsel vm8, v7, v9;
	v9 =	vbroadcast v10, $0xF;
	v10, _, _ =	vpop (xrf0)  }
0x23f: {  	(xrf0) =	vmax.scan.msk.f32 $0xffff, v11;
	v7 =	vsel vm9, v7, v8;
	v8 =	vbroadcast v10, $0xF;
	v10, _, _ =	vpop (xrf0)  }
0x240: {  	v7 =	vsel vm10, v7, v9;
	v9 =	vbroadcast v10, $0xF;
	v10, _, _ =	vpop (xrf0)  }
0x241: {  	v7 =	vsel vm11, v7, v8;
	v8 =	vbroadcast v10, $0xF;
	_ =	sdelay $0x2  }
0x242: {  	v7 =	vsel vm12, v7, v9  }
0x243: {  	v7 =	vsel vm13, v7, v8;
	v8, _, _ =	vpop (xrf0)  }
0x244: {  	s0 =	sshra.s32 s0, $0x2;
	v7 =	vsel vm14, v7, v8  }
0x245: {  	[tilespmem:s0+$0xC480] =	vst v7  }
0x246: {  	v7 =	vld [tilespmem:$0xC480]  }
0x247: {  	v8 =	vld [tilespmem:$0xC490]  }
0x248: {  	v9 =	vld [tilespmem:$0xC4A0]  }
0x249: {  	v10 =	vld [tilespmem:$0xC4B0]  }
0x24a: {  	v11 =	vld [tilespmem:$0xC4C0]  }
0x24b: {  	(xrf0) =	vmax.scan.msk.f32 $0xffff, v7;
	v7 =	vld [tilespmem:$0xC4D0]  }
0x24c: {  	(xrf0) =	vmax.scan.msk.f32 $0xffff, v8;
	v8 =	vld [tilespmem:$0xC4E0]  }
0x24d: {  	(xrf0) =	vmax.scan.msk.f32 $0xffff, v9;
	v9 =	vld [tilespmem:$0xC4F0]  }
0x24e: {  	(xrf0) =	vmax.scan.msk.f32 $0xffff, v10;
	v10 =	vld [tilespmem:$0xC500]  }
0x24f: {  	(xrf0) =	vmax.scan.msk.f32 $0xffff, v11;
	v11 =	vld [tilespmem:$0xC510]  }
0x250: {  	(xrf0) =	vmax.scan.msk.f32 $0xffff, v7;
	v7 =	vld [tilespmem:$0xC520]  }
0x251: {  	v57, _, _ =	vpop (xrf0);
	(xrf0) =	vmax.scan.msk.f32 $0xffff, v8;
	v8 =	vld [tilespmem:$0xC530]  }
0x252: {  	v58, _, _ =	vpop (xrf0);
	(xrf0) =	vmax.scan.msk.f32 $0xffff, v9;
	v9 =	vld [tilespmem:$0xC540]  }
0x253: {  	v59, _, _ =	vpop (xrf0);
	(xrf0) =	vmax.scan.msk.f32 $0xffff, v10;
	v10 =	vld [tilespmem:$0xC550]  }
0x254: {  	v60, _, _ =	vpop (xrf0);
	(xrf0) =	vmax.scan.msk.f32 $0xffff, v11;
	v11 =	vld [tilespmem:$0xC560]  }
0x255: {  	v61, _, _ =	vpop (xrf0);
	(xrf0) =	vmax.scan.msk.f32 $0xffff, v7;
	v7 =	vld [tilespmem:$0xC570]  }
0x256: {  	v17, _, _ =	vpop (xrf0);
	(xrf0) =	vmax.scan.msk.f32 $0xffff, v8;
	v8 =	vld [tilespmem:$0xC580]  }
0x257: {  	v18, _, _ =	vpop (xrf0);
	(xrf0) =	vmax.scan.msk.f32 $0xffff, v9;
	v9 =	vld [tilespmem:$0xC590]  }
0x258: {  	v19, _, _ =	vpop (xrf0);
	(xrf0) =	vmax.scan.msk.f32 $0xffff, v10;
	v10 =	vld [tilespmem:$0xC5A0]  }
0x259: {  	v20, _, _ =	vpop (xrf0);
	(xrf0) =	vmax.scan.msk.f32 $0xffff, v11;
	v11 =	vld [tilespmem:$0xC5B0]  }
0x25a: {  	v21, _, _ =	vpop (xrf0);
	(xrf0) =	vmax.scan.msk.f32 $0xffff, v7;
	v7 =	vld [tilespmem:$0xC5C0]  }
0x25b: {  	v22, _, _ =	vpop (xrf0);
	(xrf0) =	vmax.scan.msk.f32 $0xffff, v8;
	v8 =	vld [tilespmem:$0xC5D0]  }
0x25c: {  	v23, _, _ =	vpop (xrf0);
	(xrf0) =	vmax.scan.msk.f32 $0xffff, v9;
	v9 =	vld [tilespmem:$0xC5E0]  }
0x25d: {  	v24, _, _ =	vpop (xrf0);
	(xrf0) =	vmax.scan.msk.f32 $0xffff, v10;
	v10 =	vld [tilespmem:$0xC5F0]  }
0x25e: {  	v12 =	vbroadcast v57, $0xF;
	v13 =	vbroadcast v58, $0xF;
	v63, _, _ =	vpop (xrf0);
	(xrf0) =	vmax.scan.msk.f32 $0xffff, v11;
	v11 =	vld [tilespmem:$0xC600]  }
0x25f: {  	v14 =	vbroadcast v59, $0xF;
	v26, _, _ =	vpop (xrf0);
	(xrf0) =	vmax.scan.msk.f32 $0xffff, v7;
	v7 =	vld [tilespmem:$0xC610]  }
0x260: {  	v12 =	vsel vm0, v12, v13;
	v62 =	vbroadcast v60, $0xF;
	v28, _, _ =	vpop (xrf0);
	(xrf0) =	vmax.scan.msk.f32 $0xffff, v8;
	v8 =	vld [tilespmem:$0xC620]  }
0x261: {  	v12 =	vsel vm3, v12, v14;
	v25 =	vbroadcast v61, $0xF;
	v30, _, _ =	vpop (xrf0);
	(xrf0) =	vmax.scan.msk.f32 $0xffff, v9;
	v9 =	vld [tilespmem:$0xC630]  }
0x262: {  	v12 =	vsel vm4, v12, v62;
	v27 =	vbroadcast v17, $0xF;
	v33, _, _ =	vpop (xrf0);
	(xrf0) =	vmax.scan.msk.f32 $0xffff, v10;
	v10 =	vld [tilespmem:$0xC640]  }
0x263: {  	v12 =	vsel vm5, v12, v25;
	v34 =	vbroadcast v30, $0xF;
	v35 =	vbroadcast v33, $0xF;
	v36, _, _ =	vpop (xrf0);
	(xrf0) =	vmax.scan.msk.f32 $0xffff, v11;
	v11 =	vld [tilespmem:$0xC650]  }
0x264: {  	v29 =	vbroadcast v18, $0xF;
	v12 =	vsel vm1, v12, v27;
	v37 =	vbroadcast v36, $0xF;
	v38, _, _ =	vpop (xrf0);
	(xrf0) =	vmax.scan.msk.f32 $0xffff, v7;
	v7 =	vld [tilespmem:$0xC660]  }
0x265: {  	v31 =	vbroadcast v19, $0xF;
	v14 =	vsel vm0, v34, v35;
	v39, _, _ =	vpop (xrf0);
	(xrf0) =	vmax.scan.msk.f32 $0xffff, v8;
	v8 =	vbroadcast v38, $0xF  }
0x266: {  	v32 =	vbroadcast v20, $0xF;
	v13 =	vsel vm3, v14, v37;
	v40, _, _ =	vpop (xrf0);
	(xrf0) =	vmax.scan.msk.f32 $0xffff, v9;
	v18 =	vbroadcast v39, $0xF  }
0x267: {  	v12 =	vsel vm2, v12, v29;
	v8 =	vsel vm4, v13, v8;
	v42 =	vbroadcast v40, $0xF;
	v43, _, _ =	vpop (xrf0);
	(xrf0) =	vmax.scan.msk.f32 $0xffff, v10  }
0x268: {  	v12 =	vsel vm15, v12, v31;
	v8 =	vsel vm5, v8, v18;
	v44, _, _ =	vpop (xrf0);
	(xrf0) =	vmax.scan.msk.f32 $0xffff, v11;
	v11 =	vbroadcast v43, $0xF  }
0x269: {  	v12 =	vsel vm7, v12, v32;
	v10 =	vld [tilespmem:$0xC670];
	v8 =	vsel vm1, v8, v42;
	v45, _, _ =	vpop (xrf0);
	(xrf0) =	vmax.scan.msk.f32 $0xffff, v7;
	v7 =	vbroadcast v44, $0xF  }
0x26a: {  	v9 =	vbroadcast v21, $0xF;
	v8 =	vsel vm2, v8, v11;
	v11 =	vbroadcast v45, $0xF;
	v47, _, _ =	vpop (xrf0)  }
0x26b: {  	v41 =	vbroadcast v22, $0xF;
	v46 =	vbroadcast v23, $0xF;
	v7 =	vsel vm15, v8, v7;
	v49, _, _ =	vpop (xrf0)  }
0x26c: {  	v9 =	vsel vm8, v12, v9;
	v7 =	vsel vm7, v7, v11;
	v11 =	vbroadcast v49, $0xF  }
0x26d: {  	v48 =	vbroadcast v24, $0xF;
	v9 =	vsel vm9, v9, v41;
	v8 =	vbroadcast v47, $0xF  }
0x26e: {  	v51 =	vbroadcast v63, $0xF;
	v52 =	vbroadcast v26, $0xF;
	v9 =	vsel vm10, v9, v46;
	v50, _, _ =	vpop (xrf0);
	(xrf0) =	vmax.scan.msk.f32 $0xffff, v10  }
0x26f: {  	v9 =	vsel vm11, v9, v48;
	v7 =	vsel vm8, v7, v8;
	v8 =	vbroadcast v50, $0xF;
	v10, _, _ =	vpop (xrf0)  }
0x270: {  	v9 =	vsel vm12, v9, v51;
	v7 =	vsel vm9, v7, v11;
	v10 =	vbroadcast v10, $0xF;
	v11, _, _ =	vpop (xrf0)  }
0x271: {  	v9 =	vsel vm13, v9, v52;
	v7 =	vsel vm10, v7, v8;
	v8 =	vbroadcast v11, $0xF;
	v11, _, _ =	vpop (xrf0)  }
0x272: {  	v7 =	vsel vm11, v7, v10;
	v10 =	vbroadcast v11, $0xF  }
0x273: {  	v7 =	vsel vm12, v7, v8  }
0x274: {  	v8 =	vsel vm14, v9, v28;
	v9, _, _ =	vpop (xrf0);
	v7 =	vsel vm13, v7, v10  }
0x275: {  	[tilespmem:$0xC680] =	vst v8;
	v7 =	vsel vm14, v7, v9  }
0x276: {  	[tilespmem:$0xC690] =	vst v7;
	v7 =	vld [tilespmem:$0xC680]  }
0x277: {  	v8 =	vld [tilespmem:$0xC690];
	_ =	sdelay $0x4  }
0x278: {  	v9 =	vmax.f32 v7, v8  }
0x279: {  	(xrf0) =	vmax.scan.msk.f32 $0xffff, v9;
	_ =	sdelay $0x5  }
0x27a: {  	v9, _, _ =	vpop (xrf0)  }
0x27b: {  	v10 =	vbroadcast v9, $0xF;
	_ =	sdelay $0x1  }
0x27c: {  	vm1 =	veq.f32 v8, v10  }
0x27d: {  	v8 =	vnsel vm1, $0xC0000000, v5;
	vm1 =	veq.f32 v7, v10  }
0x27e: {  	v7 =	vsel vm1, v6, v8  }
0x27f: {  	(xrf0) =	vmin.scan.msk.u32 $0xffff, v7;
	_ =	sdelay $0x5  }
0x280: {  	v7, _, _ =	vpop (xrf0)  }
0x281: {  	(v2sf) =	vpush v7, $0xF;
	_ =	sdelay $0xe  }
0x282: {  	s0 =	spop (v2sf)  }
0x283: {  	s22 =	sshll.u32 s0, $0x4  }
0x284: {  	v8 =	vld [tilespmem:s22+$0xC480];
	_ =	sdelay $0x4  }
0x285: {  	vm1 =	veq.f32 v8, v10  }
0x286: {  	v7 =	vnsel vm1, $0xC0000000, v6  }
0x287: {  	(xrf0) =	vmin.scan.msk.u32 $0xffff, v7;
	_ =	sdelay $0x5  }
0x288: {  	v7, _, _ =	vpop (xrf0)  }
0x289: {  	(v2sf) =	vpush v7, $0xF;
	_ =	sdelay $0xe  }
0x28a: {  	s13 =	spop (v2sf)  }
0x28b: {  	s1 =	sadd.s32 s13, s22  }
0x28c: {  	s25 =	sshll.u32 s1, $0x4  }
0x28d: {  	v7 =	vld [tilespmem:s25+$0xA480];
	_ =	sdelay $0x4  }
0x28e: {  	vm1 =	veq.f32 v7, v10  }
0x28f: {  	v9 =	vnsel vm1, $0xC0000000, v6  }
0x290: {  	(xrf0) =	vmin.scan.msk.u32 $0xffff, v9;
	_ =	sdelay $0x5  }
0x291: {  	v9, _, _ =	vpop (xrf0)  }
0x292: {  	(v2sf) =	vpush v9, $0xF;
	_ =	sdelay $0xe  }
0x293: {  	s14 =	spop (v2sf)  }
0x294: {  	s14 =	sxor.u32 $0x80000000, s14  }
0x295: {  	s23 =	sadd.s32 s14, s25  }
0x296: {  	s15 =	smulhi.u32 $0x66666667, s23;
	s24 =	sshra.s32 s23, $0x1F  }
0x297: {  	s24 =	smul.u32 $0x66666667, s24;
	_ =	sdelay $0x1  }
0x298: {  	s1 =	sadd.s32 s24, s15  }
0x299: {  	s24 =	sshrl.u32 s1, $0x1F;
	s1 =	sshra.s32 s1, $0x5  }
0x29a: {  	s24 =	sadd.s32 s24, s1  }
0x29b: {  	s1 =	smul.u32 $0xFFFFFFB0, s24;
	_ =	sdelay $0x1  }
0x29c: {  	s1 =	sadd.s32 s23, s1  }
0x29d: {  	p0 =	slt.s32 s23, $0x1;
	p1 =	sne.s32 s1, $0x0  }
0x29e: {  	p0 =	por !p0, !p1  }
0x29f: {  	s23 =	simm.s32 $0x1;
	p0 =	por !p0, !p0  }
0x2a0: {  	s23 =	simm.s32 @!p0 $0x0  }
0x2a1: {  	v9 =	vmov s14;
	s16 =	ssub.s32 s24, s23  }
0x2a2: {  	vm1 =	veq.s32 v9, v3;
	s23 =	sand.u32 $0xF, s16  }
0x2a3: {  	v7 =	vsel vm1, $0xF149F2CA, v7;
	p2 =	slt.s32 s16, $0x1;
	p3 =	sne.s32 s23, $0x0  }
0x2a4: {  	(xrf0) =	vmax.scan.msk.f32 $0xffff, v7;
	s24 =	sshrl.u32 s16, $0x1C;
	p0 =	por !p2, !p3  }
0x2a5: {  	s23 =	sadd.s32 s24, s16;
	s24 =	simm.s32 $0x1;
	p0 =	por !p0, !p0  }
0x2a6: {  	s23 =	sshrl.u32 s23, $0x4;
	s24 =	simm.s32 @!p0 $0x0  }
0x2a7: {  	s23 =	ssub.s32 s23, s24  }
0x2a8: {  	s23 =	sshll.u32 s23, $0x4  }
0x2a9: {  	v9 =	vld [tilespmem:s23+$0x6B80]  }
0x2aa: {  	s13 =	sxor.u32 $0x80000000, s13;
	v11, _, _ =	vpop (xrf0)  }
0x2ab: {  	v53 =	vmov s13;
	v11 =	vbroadcast v11, $0xF;
	s26 =	ssub.s32 s16, s23  }
0x2ac: {  	vm1 =	veq.s32 v53, v3;
	v54 =	vmov s26  }
0x2ad: {  	v8 =	vsel vm1, v11, v8;
	vm1 =	veq.s32 v54, v3  }
0x2ae: {  	(xrf0) =	vmax.scan.msk.f32 $0xffff, v8;
	v9 =	vnsel vm1, $0x0, v9  }
0x2af: {  	(xrf0) =	vadd.scan.msk.s32 $0xffff, v9;
	_ =	sdelay $0x4  }
0x2b0: {  	s14 =	sshll.u32 s16, $0x9;
	v9, _, _ =	vpop (xrf0)  }
0x2b1: {  	s13 =	sshra.s32 s14, $0x2;
	v11, _, _ =	vpop (xrf0)  }
0x2b2: {  	(v2sf) =	vpush v11, $0xF;
	v11 =	vld [tilespmem:s13+$0x6CD0];
	_ =	sdelay $0x3  }
0x2b3: {  	vm7 =	vcmask $0x70C  }
0x2b4: {  	v55 =	vsel vm7, $0x0, v11  }
0x2b5: {  	s23 =	simm.s32 $0x0;
	(xrf2) =	vadd.scan.msk.f32 $0xffff, v55  }
0x2b6: {  	s13 =	sand.u32 $0x70, s23  }
0x2b7: {  	v59 =	vld [tilespmem:s13+$0xC700];
	v56 =	vsel vm6, $0x0, v11  }
0x2b8: {  	(xrf2) =	vadd.scan.msk.f32 $0xffff, v56  }
0x2b9: {  	s15 =	sand.u32 $0xF, s23;
	v57 =	vnsel vm0, $0x0, v11  }
0x2ba: {  	v60 =	vmov s15;
	(xrf2) =	vadd.scan.msk.f32 $0xffff, v57  }
0x2bb: {  	vm8 =	vcmask $0x308;
	vm1 =	veq.s32 v60, v3;
	v58 =	vld [tilespmem:s13+$0xC780]  }
0x2bc: {  	s28 =	sxor.u32 $0x80000000, s0;
	v11 =	vsel vm8, $0x0, v11;
	v10 =	vsel vm1, v10, v59  }
0x2bd: {  	p5 =	sgt.s32 s0, $0xFFFFFFFF;
	p0 =	slt.s32 s1, $0x0;
	s24 =	sadd.s32 $0x50, s1;
	(xrf2) =	vadd.scan.msk.f32 $0xffff, v11  }
0x2be: {  	p4 =	slt.s32 s28, $0x1;
	s1 =	smov.u32 @p0 s24;
	s16 =	sand.u32 $0xF, s0  }
0x2bf: {  	s26 =	sshra.s32 s28, $0x1F;
	p6 =	sne.s32 s16, $0x0;
	[tilespmem:s13+$0xC700] =	vst v10;
	s31 =	spop (v2sf);
	v10, _, _ =	vpop (xrf2)  }
0x2c0: {  	s15 =	sshrl.u32 s26, $0x1C;
	v11 =	vsel vm1, s1, v58;
	s16 =	smulhi.u32 $0x66666667, s31;
	s26 =	sshra.s32 s31, $0x1F;
	(v2sf) =	vpush v10, $0xF  }
0x2c1: {  	s0 =	sadd.s32 s15, s28;
	s1 =	sand.u32 $0xF0, s23;
	[tilespmem:s13+$0xC780] =	vst v11;
	s15 =	smul.u32 $0x66666667, s26  }
0x2c2: {  	s29 =	simm.s32 $0x1;
	p0 =	por p5, p4;
	v11 =	vld [tilespmem:s1+$0xC900];
	v61, _, _ =	vpop (xrf2)  }
0x2c3: {  	s24 =	simm.s32 $0x1;
	p0 =	por !p6, !p0;
	(v2sf) =	vpush v61, $0xF;
	s13 =	sadd.s32 s15, s16  }
0x2c4: {  	v62, _, _ =	vpop (xrf2);
	s16 =	sand.u32 $0xE, s23;
	s30 =	sshrl.u32 s13, $0x1F;
	s13 =	sshra.s32 s13, $0x6  }
0x2c5: {  	p0 =	por !p0, !p0;
	s26 =	simm.s32 $0x1;
	v13 =	vbroadcast v62, $0xF;
	v63 =	vmov s16;
	s13 =	sadd.s32 s30, s13  }
0x2c6: {  	s0 =	sshrl.u32 s0, $0x4;
	s26 =	simm.s32 @!p0 $0x0;
	vm15 =	veq.s32 v63, v3;
	s14 =	smul.u32 $0xFFFFFF60, s13  }
0x2c7: {  	s0 =	ssub.s32 s0, s26;
	s26 =	simm.s32 $0x1;
	s30 =	simm.s32 $0x2;
	v10 =	vsel vm15, v13, v11;
	v11, _, _ =	vpop (xrf2)  }
.LBB2_13:
0x2c8: {  	p1 =	slt.s32 s31, $0x1;
	s14 =	sadd.s32 s31, s14  }
0x2c9: {  	s24 =	sadd.s32 $0x2, s24;
	s31 =	smov.u32 s29;
	p0 =	sne.s32 s29, $0x63  }
0x2ca: {  	p2 =	sne.s32 s14, $0x0;
	p3 =	slt.s32 s14, $0x0;
	s15 =	sadd.s32 $0xA0, s14  }
0x2cb: {  	s29 =	sadd.s32 $0x1, s29;
	p1 =	por !p1, !p2;
	s14 =	smov.u32 @p3 s15  }
0x2cc: {  	s15 =	simm.s32 $0x1;
	p1 =	por !p1, !p1;
	s14 =	scvt.s32.f32 s14  }
0x2cd: {  	s15 =	simm.s32 @!p1 $0x0  }
0x2ce: {  	s13 =	ssub.s32 s13, s15;
	s14 =	smul.f32 $4.000000000e+00, s14  }
0x2cf: {  	s13 =	scvt.s32.f32 s13;
	v12 =	vld [tilespmem:s1+$0xC800];
	s15 =	spop (v2sf)  }
0x2d0: {  	s14 =	sadd.f32 s14, s15  }
0x2d1: {  	s15 =	sand.u32 $0xFFFFFFF0, s23;
	s23 =	smov.u32 s30;
	s13 =	smul.f32 $4.000000000e+00, s13  }
0x2d2: {  	s15 =	ssub.s32 s26, s15;
	s26 =	smov.u32 s24;
	s16 =	spop (v2sf)  }
0x2d3: {  	v11 =	vbroadcast v11, $0xF;
	v13 =	vmov s15;
	s13 =	sadd.f32 s13, s16  }
0x2d4: {  	vm1 =	veq.s32 v13, v3;
	v12 =	vsel vm15, s14, v12  }
0x2d5: {  	v10 =	vsel vm1, v11, v10;
	v12 =	vsel vm1, s13, v12  }
0x2d6: {  	[tilespmem:s1+$0xC800] =	vst v12  }
0x2d7: {  	[tilespmem:s1+$0xC900] =	vst v10  }
0x2d8: {  	[tilespmem:s25+$0xA480] =	vst v7  }
0x2d9: {  	s0 =	sshll.u32 s0, $0x4;
	[tilespmem:s22+$0xC480] =	vst v8  }
0x2da: {  	s1 =	ssub.s32 s28, s0;
	v7 =	vld [tilespmem:s0+$0xC680]  }
0x2db: {  	v8 =	vmov s1;
	_ =	sdelay $0x1  }
0x2dc: {  	v9 =	vbroadcast v9, $0xF  }
0x2dd: {  	vm1 =	veq.s32 v8, v3  }
0x2de: {  	v7 =	vsel vm1, v9, v7  }
0x2df: {  	[tilespmem:s0+$0xC680] =	vst v7  }
0x2e0: {  	v7 =	vld [tilespmem:$0xC680]  }
0x2e1: {  	v8 =	vld [tilespmem:$0xC690];
	_ =	sdelay $0x4  }
0x2e2: {  	v9 =	vmax.f32 v7, v8  }
0x2e3: {  	(xrf0) =	vmax.scan.msk.f32 $0xffff, v9;
	_ =	sdelay $0x5  }
0x2e4: {  	v9, _, _ =	vpop (xrf0)  }
0x2e5: {  	v10 =	vbroadcast v9, $0xF;
	_ =	sdelay $0x1  }
0x2e6: {  	vm1 =	veq.f32 v7, v10;
	vm2 =	veq.f32 v8, v10  }
0x2e7: {  	v7 =	vnsel vm2, $0xC0000000, v5  }
0x2e8: {  	v7 =	vsel vm1, v6, v7  }
0x2e9: {  	(xrf0) =	vmin.scan.msk.u32 $0xffff, v7;
	_ =	sdelay $0x5  }
0x2ea: {  	v7, _, _ =	vpop (xrf0)  }
0x2eb: {  	(v2sf) =	vpush v7, $0xF;
	_ =	sdelay $0xe  }
0x2ec: {  	s0 =	spop (v2sf)  }
0x2ed: {  	s28 =	sxor.u32 $0x80000000, s0;
	s22 =	sshll.u32 s0, $0x4;
	s1 =	sand.u32 $0xF, s0  }
0x2ee: {  	p2 =	sgt.s32 s0, $0xFFFFFFFF;
	v8 =	vld [tilespmem:s22+$0xC480];
	s13 =	sshra.s32 s28, $0x1F;
	p1 =	slt.s32 s28, $0x1  }
0x2ef: {  	s0 =	sshrl.u32 s13, $0x1C;
	p1 =	por p2, p1;
	p2 =	sne.s32 s1, $0x0  }
0x2f0: {  	s0 =	sadd.s32 s0, s28;
	p1 =	por !p2, !p1  }
0x2f1: {  	s1 =	simm.s32 $0x1;
	p1 =	por !p1, !p1  }
0x2f2: {  	s0 =	sshrl.u32 s0, $0x4;
	s1 =	simm.s32 @!p1 $0x0  }
0x2f3: {  	vm1 =	veq.f32 v8, v10;
	s0 =	ssub.s32 s0, s1  }
0x2f4: {  	v7 =	vnsel vm1, $0xC0000000, v6  }
0x2f5: {  	(xrf0) =	vmin.scan.msk.u32 $0xffff, v7;
	_ =	sdelay $0x5  }
0x2f6: {  	v7, _, _ =	vpop (xrf0)  }
0x2f7: {  	(v2sf) =	vpush v7, $0xF;
	_ =	sdelay $0xe  }
0x2f8: {  	s1 =	spop (v2sf)  }
0x2f9: {  	s13 =	sxor.u32 $0x80000000, s1;
	s1 =	sadd.s32 s1, s22  }
0x2fa: {  	s25 =	sshll.u32 s1, $0x4;
	v9 =	vmov s13  }
0x2fb: {  	v7 =	vld [tilespmem:s25+$0xA480];
	_ =	sdelay $0x4  }
0x2fc: {  	vm1 =	veq.f32 v7, v10  }
0x2fd: {  	v11 =	vnsel vm1, $0xC0000000, v6  }
0x2fe: {  	(xrf0) =	vmin.scan.msk.u32 $0xffff, v11;
	_ =	sdelay $0x5  }
0x2ff: {  	v11, _, _ =	vpop (xrf0)  }
0x300: {  	(v2sf) =	vpush v11, $0xF;
	_ =	sdelay $0xe  }
0x301: {  	s1 =	spop (v2sf)  }
0x302: {  	s1 =	sxor.u32 $0x80000000, s1  }
0x303: {  	s13 =	sadd.s32 s1, s25;
	v11 =	vmov s1  }
0x304: {  	s1 =	smulhi.u32 $0x66666667, s13;
	s14 =	sshra.s32 s13, $0x1F;
	vm1 =	veq.s32 v11, v3  }
0x305: {  	s14 =	smul.u32 $0x66666667, s14;
	v7 =	vsel vm1, $0xF149F2CA, v7  }
0x306: {  	(xrf0) =	vmax.scan.msk.f32 $0xffff, v7  }
0x307: {  	s1 =	sadd.s32 s14, s1  }
0x308: {  	s14 =	sshrl.u32 s1, $0x1F;
	s1 =	sshra.s32 s1, $0x5  }
0x309: {  	s14 =	sadd.s32 s14, s1  }
0x30a: {  	s1 =	smul.u32 $0xFFFFFFB0, s14;
	_ =	sdelay $0x1  }
0x30b: {  	s1 =	sadd.s32 s13, s1;
	v11, _, _ =	vpop (xrf0)  }
0x30c: {  	p1 =	slt.s32 s13, $0x1;
	p2 =	sne.s32 s1, $0x0;
	p3 =	slt.s32 s1, $0x0;
	v11 =	vbroadcast v11, $0xF  }
0x30d: {  	vm1 =	veq.s32 v9, v3;
	s13 =	sadd.s32 $0x50, s1;
	p1 =	por !p1, !p2  }
0x30e: {  	s1 =	smov.u32 @p3 s13;
	s13 =	simm.s32 $0x1;
	p1 =	por !p1, !p1;
	v8 =	vsel vm1, v11, v8  }
0x30f: {  	s13 =	simm.s32 @!p1 $0x0;
	(xrf0) =	vmax.scan.msk.f32 $0xffff, v8  }
0x310: {  	s13 =	ssub.s32 s14, s13  }
0x311: {  	s14 =	sshrl.u32 s13, $0x1C;
	s15 =	sand.u32 $0xF, s13;
	s16 =	sshll.u32 s13, $0x9  }
0x312: {  	p1 =	slt.s32 s13, $0x1;
	s14 =	sadd.s32 s14, s13;
	p2 =	sne.s32 s15, $0x0  }
0x313: {  	s15 =	sshra.s32 s16, $0x2;
	p1 =	por !p1, !p2  }
0x314: {  	s16 =	simm.s32 $0x1;
	p1 =	por !p1, !p1  }
0x315: {  	s14 =	sshrl.u32 s14, $0x4;
	s16 =	simm.s32 @!p1 $0x0;
	v9, _, _ =	vpop (xrf0)  }
0x316: {  	s14 =	ssub.s32 s14, s16  }
0x317: {  	s14 =	sshll.u32 s14, $0x4  }
0x318: {  	v11 =	vld [tilespmem:s14+$0x6B80];
	s13 =	ssub.s32 s13, s14  }
0x319: {  	v12 =	vmov s13;
	_ =	sdelay $0x2  }
0x31a: {  	vm1 =	veq.s32 v12, v3  }
0x31b: {  	v11 =	vnsel vm1, $0x0, v11  }
0x31c: {  	(xrf0) =	vadd.scan.msk.s32 $0xffff, v11;
	_ =	sdelay $0x4  }
0x31d: {  	v11 =	vld [tilespmem:s15+$0x6CD0]  }
0x31e: {  	v12, _, _ =	vpop (xrf0)  }
0x31f: {  	(v2sf) =	vpush v12, $0xF;
	_ =	sdelay $0x2  }
0x320: {  	v12 =	vsel vm7, $0x0, v11;
	v13 =	vsel vm6, $0x0, v11;
	v14 =	vnsel vm0, $0x0, v11  }
0x321: {  	v11 =	vsel vm8, $0x0, v11;
	(xrf2) =	vadd.scan.msk.f32 $0xffff, v12;
	_ =	sdelay $0x2  }
0x322: {  	(xrf2) =	vadd.scan.msk.f32 $0xffff, v13;
	_ =	sdelay $0x1  }
0x323: {  	s13 =	sand.u32 $0x70, s31  }
0x324: {  	v12 =	vld [tilespmem:s13+$0xC780];
	(xrf2) =	vadd.scan.msk.f32 $0xffff, v14  }
0x325: {  	v13 =	vld [tilespmem:s13+$0xC700]  }
0x326: {  	s14 =	sand.u32 $0xF, s31  }
0x327: {  	v14 =	vmov s14;
	(xrf2) =	vadd.scan.msk.f32 $0xffff, v11  }
0x328: {  	vm1 =	veq.s32 v14, v3;
	v11, _, _ =	vpop (xrf2)  }
0x329: {  	v12 =	vsel vm1, s1, v12;
	s31 =	spop (v2sf);
	(v2sf) =	vpush v11, $0xF  }
0x32a: {  	s14 =	smulhi.u32 $0x66666667, s31;
	s1 =	sshra.s32 s31, $0x1F;
	v11 =	vsel vm1, v10, v13;
	[tilespmem:s13+$0xC780] =	vst v12  }
0x32b: {  	s15 =	smul.u32 $0x66666667, s1;
	[tilespmem:s13+$0xC700] =	vst v11;
	s1 =	sand.u32 $0xF0, s30;
	v10, _, _ =	vpop (xrf2)  }
0x32c: {  	v11 =	vld [tilespmem:s1+$0xC900];
	(v2sf) =	vpush v10, $0xF  }
.Ltmp6:
0x32d: {  	s13 =	sadd.s32 s15, s14;
	(pc) =	sbr.rel @p0 .LBB2_13-.Ltmp6, $4  }
0x32e: {  	s15 =	sand.u32 $0xE, s30;
	s14 =	sshrl.u32 s13, $0x1F;
	s13 =	sshra.s32 s13, $0x6;
	v10, _, _ =	vpop (xrf2)  }
0x32f: {  	v12 =	vmov s15;
	s13 =	sadd.s32 s14, s13;
	v10 =	vbroadcast v10, $0xF  }
0x330: {  	vm15 =	veq.s32 v12, v3;
	s14 =	smul.u32 $0xFFFFFF60, s13  }
0x331: {  	s30 =	sadd.s32 $0x2, s30;
	v10 =	vsel vm15, v10, v11;
	v11, _, _ =	vpop (xrf2)  }
0x332: {  	s14 =	sadd.s32 s31, s14  }
0x333: {  	p0 =	slt.s32 s31, $0x1;
	p1 =	sne.s32 s14, $0x0  }
0x334: {  	s16 =	simm.s32 $0x1;
	p0 =	por !p0, !p1  }
0x335: {  	p2 =	slt.s32 s14, $0x0;
	s15 =	sadd.s32 $0xA0, s14;
	p0 =	por !p0, !p0  }
0x336: {  	s14 =	smov.u32 @p2 s15;
	s16 =	simm.s32 @!p0 $0x0  }
0x337: {  	s14 =	scvt.s32.f32 s14;
	s13 =	ssub.s32 s13, s16  }
0x338: {  	v5 =	vld [tilespmem:s1+$0xC800];
	s13 =	scvt.s32.f32 s13  }
0x339: {  	s24 =	sand.u32 $0xFFFFFFF0, s23;
	s14 =	smul.f32 $4.000000000e+00, s14  }
0x33a: {  	s26 =	ssub.s32 s26, s24;
	s16 =	spop (v2sf);
	s13 =	smul.f32 $4.000000000e+00, s13  }
0x33b: {  	v11 =	vbroadcast v11, $0xF;
	v6 =	vmov s26;
	s14 =	sadd.f32 s14, s16;
	s29 =	spop (v2sf)  }
0x33c: {  	vm1 =	veq.s32 v6, v3;
	s13 =	sadd.f32 s13, s29  }
0x33d: {  	v6 =	vsel vm1, v11, v10;
	v5 =	vsel vm15, s14, v5  }
0x33e: {  	[tilespmem:s1+$0xC900] =	vst v6;
	v5 =	vsel vm1, s13, v5  }
0x33f: {  	[tilespmem:s1+$0xC800] =	vst v5  }
0x340: {  	[tilespmem:s25+$0xA480] =	vst v7  }
0x341: {  	s0 =	sshll.u32 s0, $0x4;
	[tilespmem:s22+$0xC480] =	vst v8  }
0x342: {  	v5 =	vld [tilespmem:s0+$0xC680];
	_ =	sdelay $0x1  }
0x343: {  	s30 =	ssub.s32 s28, s0  }
0x344: {  	v6 =	vmov s30;
	v7 =	vbroadcast v9, $0xF  }
0x345: {  	vm1 =	veq.s32 v6, v3  }
0x346: {  	v5 =	vsel vm1, v7, v5  }
0x347: {  	[tilespmem:s0+$0xC680] =	vst v5  }
0x348: {  	v5 =	vld [tilespmem:$0xC900]  }
0x349: {  	v6 =	vld [tilespmem:$0xC910]  }
0x34a: {  	v7 =	vld [tilespmem:$0xC920]  }
0x34b: {  	v8 =	vld [tilespmem:$0xC930]  }
0x34c: {  	v32 =	vld [tilespmem:$0xC940]  }
0x34d: {  	v33 =	vld [tilespmem:$0xC950];
	v5 =	vmul.f32 $1.442695020e+00, v5  }
0x34e: {  	v34 =	vld [tilespmem:$0xC960];
	v6 =	vmul.f32 $1.442695020e+00, v6  }
0x34f: {  	(erf) = vpow2.f32 v5;
	v5 =	vmul.f32 $1.442695020e+00, v7;
	v7 =	vld [tilespmem:$0xC970]  }
0x350: {  	v35 =	vld [tilespmem:$0xC980];
	(erf) = vpow2.f32 v6;
	v6 =	vmul.f32 $1.442695020e+00, v8  }
0x351: {  	v36 =	vld [tilespmem:$0xC990];
	(erf) = vpow2.f32 v5;
	v5 =	vmul.f32 $1.442695020e+00, v32  }
0x352: {  	v37 =	vld [tilespmem:$0xC9A0];
	(erf) = vpow2.f32 v6;
	v6 =	vmul.f32 $1.442695020e+00, v33  }
0x353: {  	v38 =	vld [tilespmem:$0xC9B0];
	(erf) = vpow2.f32 v5;
	v5 =	vmul.f32 $1.442695020e+00, v34  }
0x354: {  	(erf) = vpow2.f32 v6;
	v6 =	vmul.f32 $1.442695020e+00, v7;
	v7 =	vld [tilespmem:$0xC9C0]  }
0x355: {  	v39 =	vld [tilespmem:$0xC9D0];
	(erf) = vpow2.f32 v5;
	v5 =	vmul.f32 $1.442695020e+00, v35  }
0x356: {  	(erf) = vpow2.f32 v6;
	v6 =	vmul.f32 $1.442695020e+00, v36  }
0x357: {  	v40 =	vld [tilespmem:$0xC9E0];
	(erf) = vpow2.f32 v5;
	v5 =	vmul.f32 $1.442695020e+00, v37  }
0x358: {  	v42 =	vld [tilespmem:$0xC9F0];
	v41 =	vpop (erf);
	(erf) = vpow2.f32 v6;
	v6 =	vmul.f32 $1.442695020e+00, v38  }
0x359: {  	v10 =	vadd.f32 $-1.000000000e+00, v41;
	(erf) = vpow2.f32 v5;
	v5 =	vmul.f32 $1.442695020e+00, v7  }
0x35a: {  	v7 =	vpop (erf);
	(erf) = vpow2.f32 v6;
	v6 =	vmul.f32 $1.442695020e+00, v39  }
0x35b: {  	v7 =	vadd.f32 $-1.000000000e+00, v7;
	v44 =	vpop (erf);
	v43 =	vmul.f32 $4.000000000e+00, v10;
	(erf) = vpow2.f32 v5  }
0x35c: {  	v5 =	vadd.f32 $-1.000000000e+00, v44;
	v45 =	vpop (erf);
	(erf) = vpow2.f32 v6;
	v6 =	vmul.f32 $1.442695020e+00, v40  }
0x35d: {  	v11 =	vmul.f32 $1.442695020e+00, v42;
	v46 =	vpop (erf);
	v7 =	vmul.f32 $4.000000000e+00, v7;
	v10 =	vadd.f32 $-1.000000000e+00, v45  }
0x35e: {  	[tilespmem:$0xC900] =	vst v43;
	v5 =	vmul.f32 $4.000000000e+00, v5;
	v47 =	vadd.f32 $-1.000000000e+00, v46;
	v48 =	vpop (erf);
	(erf) = vpow2.f32 v6  }
0x35f: {  	[tilespmem:$0xC910] =	vst v7;
	v6 =	vmul.f32 $4.000000000e+00, v10;
	v7 =	vadd.f32 $-1.000000000e+00, v48;
	v49 =	vpop (erf);
	(erf) = vpow2.f32 v11  }
0x360: {  	v50 =	vpop (erf);
	[tilespmem:$0xC920] =	vst v5;
	v5 =	vmul.f32 $4.000000000e+00, v47;
	v51 =	vadd.f32 $-1.000000000e+00, v49  }
0x361: {  	v52 =	vpop (erf);
	[tilespmem:$0xC930] =	vst v6;
	v6 =	vmul.f32 $4.000000000e+00, v7;
	v7 =	vadd.f32 $-1.000000000e+00, v50  }
0x362: {  	v53 =	vpop (erf);
	[tilespmem:$0xC940] =	vst v5;
	v5 =	vmul.f32 $4.000000000e+00, v51;
	v54 =	vadd.f32 $-1.000000000e+00, v52  }
0x363: {  	v55 =	vpop (erf);
	[tilespmem:$0xC950] =	vst v6;
	v6 =	vmul.f32 $4.000000000e+00, v7;
	v7 =	vadd.f32 $-1.000000000e+00, v53  }
0x364: {  	v56 =	vpop (erf);
	[tilespmem:$0xC960] =	vst v5;
	v5 =	vmul.f32 $4.000000000e+00, v54;
	v57 =	vadd.f32 $-1.000000000e+00, v55  }
0x365: {  	v58 =	vpop (erf);
	[tilespmem:$0xC970] =	vst v6;
	v6 =	vmul.f32 $4.000000000e+00, v7;
	v7 =	vadd.f32 $-1.000000000e+00, v56  }
0x366: {  	v59 =	vpop (erf);
	[tilespmem:$0xC980] =	vst v5;
	v5 =	vmul.f32 $4.000000000e+00, v57;
	v60 =	vadd.f32 $-1.000000000e+00, v58  }
0x367: {  	[tilespmem:$0xC990] =	vst v6;
	v6 =	vmul.f32 $4.000000000e+00, v7;
	v7 =	vadd.f32 $-1.000000000e+00, v59;
	v61 =	vpop (erf)  }
0x368: {  	[tilespmem:$0xC9A0] =	vst v5;
	v5 =	vmul.f32 $4.000000000e+00, v60;
	v62 =	vadd.f32 $-1.000000000e+00, v61;
	v63 =	vpop (erf)  }
0x369: {  	[tilespmem:$0xC9B0] =	vst v6;
	v6 =	vmul.f32 $4.000000000e+00, v7;
	v7 =	vadd.f32 $-1.000000000e+00, v63  }
0x36a: {  	[tilespmem:$0xC9C0] =	vst v5;
	v5 =	vmul.f32 $4.000000000e+00, v62  }
0x36b: {  	[tilespmem:$0xC9D0] =	vst v6;
	v6 =	vmul.f32 $4.000000000e+00, v7  }
0x36c: {  	[tilespmem:$0xC9E0] =	vst v5  }
0x36d: {  	s31 =	simm.s32 $0xC700;
	[tilespmem:$0xC9F0] =	vst v6  }
0x36e: {  	[hbm4b:s4+s2] =	stream.linear.scatter [tilespmem:s31], [sflag:$0x2], $0x80, $0x38;
	[tilespmem:$0xCA00] =	vst v63  }
0x36f: {  	_ =	swait.ge [sflag:s11], $0x80  }
0x370: {  	[sflag:s11] =	ssyncset.done $0x0  }
0x371: {  	[sflag:s11] =	ssyncadd.s32 $0xFFFFFF80  }
0x372: {  	[hbm4b:s5+s2] =	stream.linear.scatter [tilespmem:s17], [sflag:$0x2], $0x80, $0x38;
	[tilespmem:$0xCA00] =	vst v63  }
0x373: {  	_ =	swait.ge [sflag:s11], $0x80  }
0x374: {  	[sflag:s11] =	ssyncset.done $0x0  }
0x375: {  	[sflag:s11] =	ssyncadd.s32 $0xFFFFFF80  }
0x376: {  	[hbm4b:s6+s18] =	stream.strided.scatter [tilespmem:s19], [sflag:$0x2], $0x100, s10, s18, $0x38;
	[tilespmem:$0xCA00] =	vst v63  }
0x377: {  	_ =	swait.ge [sflag:s11], $0x100  }
0x378: {  	[sflag:s11] =	ssyncset.done $0x0  }
0x379: {  	[sflag:s11] =	ssyncadd.s32 $0xFFFFFF00  }
0x37a: {  	[hbm4b:s7+s18] =	stream.strided.scatter [tilespmem:s20], [sflag:$0x2], $0x100, s10, s18, $0x38;
	[tilespmem:$0xCA00] =	vst v63  }
0x37b: {  	_ =	swait.ge [sflag:s11], $0x100  }
0x37c: {  	v5 =	vld [tilespmem:$0x1FFB0];
	_ =	sdelay $0x4  }
0x37d: {  	vm1 =	vnez.u8 v5;
	v5 =	vld [tilespmem:$0x1FFC0];
	_ =	sdelay $0x4  }
0x37e: {  	vm2 =	vnez.u8 v5;
	v5 =	vld [tilespmem:$0x1FFD0];
	_ =	sdelay $0x4  }
0x37f: {  	vm15 =	vmmov vm6;
	vm6 =	vnez.u8 v5;
	v5 =	vld [tilespmem:$0x1FFE0];
	_ =	sdelay $0x3  }
0x380: {  	s21 =	sadd.s32 $0x1, s21  }
0x381: {  	p0 =	sne.s32 s21, s9;
	vm7 =	vnez.u8 v5;
	v5 =	vld [tilespmem:$0x1FFF0]  }
.Ltmp7:
0x382: {  	_ = 	snop;
	(pc) =	sbr.rel @p0 .LBB2_2-.Ltmp7, $3  }
0x383: {  	_ =	sdelay $0x1  }
0x384: {  	[sflag:s11] =	ssyncset.done $0x0  }
0x385: {  	[sflag:s11] =	ssyncadd.s32 $0xFFFFFF00;
	vm8 =	vnez.u8 v5  }
.LBB2_15:
0x386: {  	_ =	sfence.sel $0x180000  }
0x387: {  	[bflag:$0x0] =	sbarrier.arrive $0xFFFF  }
0x388: {  	_ =	strace $0x90000047  }
0x389: {  	s0 =	stileid.u32;
	[bflag:$0x2] =	sbarrier.arrive $0xFFFF  }
0x38a: {  	p0 =	sne.s32 s0, $0x0;
	s0 =	rddreg [dreg:$0x4]  }
0x38b: {  	s0 =	sadd.s32 @!p0 $0x100000, s0  }
0x38c: {  	[sflag:s0] =	ssyncadd.tile.s32 @!p0 $0x1;
	_ =	shalt  }
.Lfunc_end2:
_tile_overlayer_lowered:
.L_overlay_start_2:
0x38d: {  	(tag) =	ssettag $0x2  }
0x38e: {  	s0 =	rddreg [dreg:$0x0];
	s2 =	stileid.u32  }
0x38f: {  	s1 =	rddreg [dreg:$0x1];
	p0 =	sne.s32 s2, $0x0  }
0x390: {  	s3 =	rddreg [dreg:$0x2];
	[bflag:$0x3] =	sbarrier.arrive $0xFFFF;
	s2 =	simm.s32 @!p0 $0x1C02  }
0x391: {  	[timem:s3], [sflag:s2] =	dma.local @!p0 [hbm:s0], s1  }
0x392: {  	s0 =	simm.s32 @!p0 $0x2  }
0x393: {  	_ =	swait.ge @!p0 [sflag:s0], s1  }
0x394: {  	s1 =	ssub.s32 @!p0 $0x0, s1;
	[sflag:s0] =	ssyncset.done @!p0 $0x0  }
0x395: {  	[sflag:s0] =	ssyncadd.s32 @!p0 s1  }
0x396: {  	[bflag:$0x3] =	sbarrier.arrive $0xFFFF  }
0x397: {  	_ =	shalt  }

</sc_bundles>
